<compile_context>
chip_gen: v7x
topology: tpu7x:2x2x1
jax: 0.10.2.dev20260603
libtpu: 0.0.44.dev20260713+nightly
codegen_flags: <defaults>
</compile_context>

<pallas_src>
import functools

import jax
import jax.numpy as jnp
from jax import lax
from jax.experimental import pallas as pl
from jax.experimental.pallas import tpu as pltpu
from jax.experimental.pallas import tpu_sc as plsc

D_MODEL = 768
B = 4
L_REMAIN = 2048
L_FULL = 4096

NC = 2
NS = 16
NW = NC * NS
ROWS_PER_W = (B * L_FULL) // NW
T_PER_W = L_FULL // NW
CHUNK = 16
NCHUNK = ROWS_PER_W // CHUNK
TCH = T_PER_W // CHUNK
VECS = D_MODEL // 16
NB = 4
RING_ROWS = NB * CHUNK


def _sc_revert(others2d, revert_idx, mask_token, pos_emb_table):
    mesh = plsc.VectorSubcoreMesh(core_axis_name="c", subcore_axis_name="s",
                                  num_cores=NC, num_subcores=NS)

    @functools.partial(
        pl.kernel,
        out_type=jax.ShapeDtypeStruct((B * L_FULL, D_MODEL), jnp.float32),
        mesh=mesh,
        compiler_params=pltpu.CompilerParams(needs_layout_passes=False),
        scratch_types=[
            pltpu.VMEM((B * (L_FULL - 1),), jnp.int32),
            pltpu.VMEM((ROWS_PER_W,), jnp.int32),
            pltpu.VMEM((ROWS_PER_W,), jnp.int32),
            pltpu.VMEM((ROWS_PER_W,), jnp.int32),
            pltpu.VMEM((NCHUNK,), jnp.int32),
            pltpu.VMEM((1, D_MODEL), jnp.float32),
            pltpu.VMEM((RING_ROWS, D_MODEL), jnp.float32),
            pltpu.VMEM((2, CHUNK, D_MODEL), jnp.float32),
            pltpu.VMEM((2, CHUNK, D_MODEL), jnp.float32),
            pltpu.SemaphoreType.DMA,
            pltpu.SemaphoreType.DMA((2,)),
            pltpu.SemaphoreType.DMA((2,)),
        ],
    )
    def k(others_hbm, ridx_hbm, mask_hbm, pos_hbm, out_hbm,
          ridx_v, g_v, cidx_v, slot_v, scons_v, mask_v, ring_v, rout_v, pos_v,
          gsem, psem, osem):
        wid = lax.axis_index("s") * NC + lax.axis_index("c")
        t0 = wid * T_PER_W

        pltpu.sync_copy(ridx_hbm, ridx_v)
        pltpu.sync_copy(mask_hbm, mask_v)

        lanes = lax.iota(jnp.int32, 16)
        zeros16 = jnp.zeros((16,), jnp.int32)
        for i in range(NCHUNK):
            cidx_v[pl.ds(i * 16, 16)] = zeros16

        off = jnp.int32(0)
        scons_acc = zeros16
        for i in range(NCHUNK):
            tc, bb = i // B, i % B
            t_vec = t0 + tc * 16 + lanes
            src = bb * (L_FULL - 1) + jnp.maximum(t_vec - 1, 0)
            rv = plsc.load_gather(ridx_v, [src])
            g = jnp.where(t_vec == 0, 0, rv + 1)
            keep = g < L_REMAIN
            keep_i = keep.astype(jnp.int32)
            incl = plsc.cumsum(keep_i)
            cpos = off + incl - keep_i
            phys = bb * L_REMAIN + jnp.where(keep, g, 0)
            plsc.store_scatter(cidx_v, [cpos], phys, mask=keep)
            slot = jnp.where(keep, cpos & (RING_ROWS - 1), 0)
            g_v[pl.ds(i * 16, 16)] = g
            slot_v[pl.ds(i * 16, 16)] = slot
            off = off + jnp.max(incl)
            scons_acc = jnp.where(lanes == (i % 16), off, scons_acc)
            if i % 16 == 15:
                scons_v[pl.ds((i // 16) * 16, 16)] = scons_acc
                scons_acc = zeros16

        k_total = off
        kc_total = (k_total + CHUNK - 1) // CHUNK

        m_regs = [mask_v[0, pl.ds(j * 16, 16)] for j in range(VECS)]

        def gather_start(q):
            pltpu.async_copy(
                others_hbm.at[cidx_v.at[pl.ds(q * CHUNK, CHUNK)]],
                ring_v.at[pl.ds(lax.rem(q, NB) * CHUNK, CHUNK)],
                gsem)

        def gather_drain(q):
            pltpu.make_async_copy(
                others_hbm.at[cidx_v.at[pl.ds(q * CHUNK, CHUNK)]],
                ring_v.at[pl.ds(lax.rem(q, NB) * CHUNK, CHUNK)],
                gsem).wait()

        def pos_start(tc, buf):
            pltpu.async_copy(pos_hbm.at[pl.ds(t0 + tc * CHUNK, CHUNK)],
                             pos_v.at[buf], psem.at[buf])

        def out_off_t(c):
            return lax.rem(c, B) * L_FULL + t0 + (c // B) * CHUNK

        def out_wait(c, buf):
            pltpu.make_async_copy(
                rout_v.at[buf],
                out_hbm.at[pl.ds(out_off_t(c), CHUNK)],
                osem.at[buf]).wait()

        pos_start(0, 0)

        def issue_body(q, _):
            gather_start(q)
            return _

        def drain_body(q, _):
            gather_drain(q)
            return _

        def chunk_body(c, carry):
            issued, drained, tgt_prev = carry
            par = lax.rem(c, 2)
            tc = c // B
            ppar = lax.rem(tc, 2)

            @pl.when(c >= 2)
            def _():
                out_wait(c - 2, par)

            @pl.when((lax.rem(c, B) == 0) & (tc + 1 < TCH))
            def _():
                pos_start(tc + 1, 1 - ppar)

            target = jnp.max(plsc.load_gather(
                scons_v, [jnp.full((16,), c, jnp.int32)]))
            tgt_chunks = (target + CHUNK - 1) // CHUNK
            window = jnp.minimum(tgt_prev // CHUNK + NB, kc_total)

            new_issued = jnp.maximum(issued, window)
            lax.fori_loop(issued, window, issue_body, 0)
            new_drained = jnp.maximum(drained, tgt_chunks)
            lax.fori_loop(drained, tgt_chunks, drain_body, 0)

            @pl.when(lax.rem(c, B) == 0)
            def _():
                pltpu.make_async_copy(
                    pos_hbm.at[pl.ds(t0 + tc * CHUNK, CHUNK)],
                    pos_v.at[ppar], psem.at[ppar]).wait()

            def row_body(r, cr):
                row = c * CHUNK + r
                rvec = jnp.full((16,), row, jnp.int32)
                g_r = plsc.load_gather(g_v, [rvec])
                kept_s = jnp.max((g_r < L_REMAIN).astype(jnp.int32))
                sl_s = jnp.max(plsc.load_gather(slot_v, [rvec]))

                @pl.when(kept_s == 1)
                def _():
                    for j in range(VECS):
                        rout_v[par, r, pl.ds(j * 16, 16)] = (
                            ring_v[sl_s, pl.ds(j * 16, 16)]
                            + pos_v[ppar, r, pl.ds(j * 16, 16)])

                @pl.when(kept_s == 0)
                def _():
                    for j in range(VECS):
                        rout_v[par, r, pl.ds(j * 16, 16)] = (
                            m_regs[j] + pos_v[ppar, r, pl.ds(j * 16, 16)])
                return cr

            lax.fori_loop(0, CHUNK, row_body, 0)

            pltpu.async_copy(rout_v.at[par],
                             out_hbm.at[pl.ds(out_off_t(c), CHUNK)],
                             osem.at[par])
            return (new_issued, new_drained, target)

        lax.fori_loop(0, NCHUNK, chunk_body,
                      (jnp.int32(0), jnp.int32(0), jnp.int32(0)))

        out_wait(NCHUNK - 2, (NCHUNK - 2) % 2)
        out_wait(NCHUNK - 1, (NCHUNK - 1) % 2)

    return k(others2d, revert_idx, mask_token, pos_emb_table)


def kernel(others_data, revert_idx, mask_token, pos_emb_table):
    others2d = others_data.reshape(B * L_REMAIN, D_MODEL)
    ridx1d = revert_idx.reshape(B * (L_FULL - 1))
    out2d = _sc_revert(others2d, ridx1d, mask_token, pos_emb_table)
    return out2d.reshape(B, L_FULL, D_MODEL)

# --- scband reference (transcript-rebuilt; emitter-appended) ---
"""Pipeline reference for scband-others-revert-4715874091544 (READ-ONLY COPY).

The authoritative reference and input builder live on the scoring server;
editing this copy changes nothing except your own understanding.
"""

import jax, jax.numpy as jnp
import numpy as np

D_MODEL = 768
B = 4
L_REMAIN = 2048
L_FULL = 4096


def setup_inputs(seed: int = 0) -> dict:
    key = jax.random.key(seed)
    k1, k2, k3, k4 = jax.random.split(key, 4)
    others_data = jax.random.normal(k1, (B, L_REMAIN, D_MODEL), dtype=jnp.float32)
    # revert_idx values in [0, L_FULL-2]; forward adds 1 then prepends a 0 column -> gather indices in [0, L_FULL-1]
    revert_idx = jax.random.randint(k2, (B, L_FULL - 1), 0, L_FULL - 1, dtype=jnp.int32)
    # learned parameters
    mask_token = jax.random.uniform(k3, (1, D_MODEL), dtype=jnp.float32)  # torch.rand init
    pos_emb_table = jax.random.normal(k4, (L_FULL, D_MODEL), dtype=jnp.float32) * 0.02  # nn.Embedding weight
    return {
        "others_data": others_data,
        "revert_idx": revert_idx,
        "mask_token": mask_token,
        "pos_emb_table": pos_emb_table,
    }


def reference(others_data, revert_idx, mask_token, pos_emb_table):
    Bn, Lr, d = others_data.shape
    # _apply_revert (remain_padding_mask=None path)
    ridx = revert_idx + 1
    global_token_idx = jnp.zeros((Bn, 1), dtype=ridx.dtype)
    ridx = jnp.concatenate([global_token_idx, ridx], axis=1)  # [B, L_full]
    Lf = ridx.shape[1]
    idx = jnp.broadcast_to(ridx[:, :, None], (Bn, Lf, d))
    mask_tokens = jnp.broadcast_to(mask_token[None, :, :], (Bn, Lf - Lr, d))
    full_embedding = jnp.concatenate([others_data, mask_tokens], axis=1)  # [B, L_full, d]
    reverted = jnp.take_along_axis(full_embedding, idx, axis=1)  # gather along dim 1
    # positional embedding lookup
    modality = jnp.arange(Lf)
    pos_emb = jnp.take(pos_emb_table, modality, axis=0)[None, :, :]  # [1, L_full, d]
    reverted = reverted + pos_emb
    return reverted

if __name__ == "__main__":
    import jax
    _d = setup_inputs()
    print(jax.jit(kernel)(*tuple(_d.values())))

</pallas_src>

<mosaic_0001>
#map = affine_map<(d0, d1) -> (0, 0)>
#map1 = affine_map<(d0, d1) -> (0)>
module attributes {stable_mosaic.version = 14 : i64} {
  func.func @k(%arg0: i32, %arg1: i32, %arg2: memref<8192x768xf32, #tpu.memory_space<hbm>>, %arg3: memref<16380xi32, #tpu.memory_space<hbm>>, %arg4: memref<1x768xf32, #tpu.memory_space<hbm>>, %arg5: memref<4096x768xf32, #tpu.memory_space<hbm>>, %arg6: memref<16384x768xf32, #tpu.memory_space<hbm>>, %arg7: memref<16380xi32, #tpu.memory_space<vmem>>, %arg8: memref<512xi32, #tpu.memory_space<vmem>>, %arg9: memref<512xi32, #tpu.memory_space<vmem>>, %arg10: memref<512xi32, #tpu.memory_space<vmem>>, %arg11: memref<32xi32, #tpu.memory_space<vmem>>, %arg12: memref<1x768xf32, #tpu.memory_space<vmem>>, %arg13: memref<64x768xf32, #tpu.memory_space<vmem>>, %arg14: memref<2x16x768xf32, #tpu.memory_space<vmem>>, %arg15: memref<2x16x768xf32, #tpu.memory_space<vmem>>, %arg16: memref<!tpu.dma_semaphore, #tpu.memory_space<semaphore_mem>>, %arg17: memref<2x!tpu.dma_semaphore, #tpu.memory_space<semaphore_mem>>, %arg18: memref<2x!tpu.dma_semaphore, #tpu.memory_space<semaphore_mem>>) attributes {dimension_semantics = [#tpu.dimension_semantics<core_parallel>, #tpu.dimension_semantics<subcore_parallel>], iteration_bounds = array<i64: 2, 16>, scalar_prefetch = 0 : i64, scratch_operands = 12 : i64, tpu.core_type = #tpu.core_type<sc_vector_subcore>, window_params = [{transform_indices = #map}, {transform_indices = #map1}, {transform_indices = #map}, {transform_indices = #map}, {transform_indices = #map}]} {
    %mul3A = arith.constant 2 : i32
    %mul3A_0 = arith.muli %arg1, %mul3A : i32
    %add3A = arith.addi %mul3A_0, %arg0 : i32
    %mul3A_1 = arith.constant 128 : i32
    %mul3A_2 = arith.muli %add3A, %mul3A_1 : i32
    "tpu.region"() ({
      %run_scoped3A = tpu.sem_alloc : memref<!tpu.dma_semaphore, #tpu.memory_space<semaphore_mem>>
      tpu.enqueue_dma source(%arg3 : memref<16380xi32, #tpu.memory_space<hbm>>) target(%arg7 : memref<16380xi32, #tpu.memory_space<vmem>>) target_semaphore(%run_scoped3A : memref<!tpu.dma_semaphore, #tpu.memory_space<semaphore_mem>>)
      tpu.wait_dma2 semaphore(%run_scoped3A : memref<!tpu.dma_semaphore, #tpu.memory_space<semaphore_mem>>) src(%arg3 : memref<16380xi32, #tpu.memory_space<hbm>>) dst(%arg7 : memref<16380xi32, #tpu.memory_space<vmem>>)
      tpu.yield
    }) : () -> ()
    "tpu.region"() ({
      %run_scoped3A = tpu.sem_alloc : memref<!tpu.dma_semaphore, #tpu.memory_space<semaphore_mem>>
      tpu.enqueue_dma source(%arg4 : memref<1x768xf32, #tpu.memory_space<hbm>>) target(%arg12 : memref<1x768xf32, #tpu.memory_space<vmem>>) target_semaphore(%run_scoped3A : memref<!tpu.dma_semaphore, #tpu.memory_space<semaphore_mem>>)
      tpu.wait_dma2 semaphore(%run_scoped3A : memref<!tpu.dma_semaphore, #tpu.memory_space<semaphore_mem>>) src(%arg4 : memref<1x768xf32, #tpu.memory_space<hbm>>) dst(%arg12 : memref<1x768xf32, #tpu.memory_space<vmem>>)
      tpu.yield
    }) : () -> ()
    %iota3A = tpu.iota {dimensions = array<i32: 0>} : vector<16xi32>
    %broadcast_in_dim3A = arith.constant 0 : i32
    %broadcast_in_dim3A_3 = vector.broadcast %broadcast_in_dim3A : i32 to vector<16xi32>
    %swap3A = arith.constant 0 : index
    %swap3A_4 = tpu.vector_load %arg9[%swap3A] {strides = array<i32>} : memref<512xi32, #tpu.memory_space<vmem>>, vector<16xi32>,
    tpu.vector_store %arg9[%swap3A], %broadcast_in_dim3A_3 {strides = array<i32>} : memref<512xi32, #tpu.memory_space<vmem>>, vector<16xi32>,
    %swap3A_5 = arith.constant 16 : index
    %swap3A_6 = tpu.vector_load %arg9[%swap3A_5] {strides = array<i32>} : memref<512xi32, #tpu.memory_space<vmem>>, vector<16xi32>,
    tpu.vector_store %arg9[%swap3A_5], %broadcast_in_dim3A_3 {strides = array<i32>} : memref<512xi32, #tpu.memory_space<vmem>>, vector<16xi32>,
    %swap3A_7 = arith.constant 32 : index
    %swap3A_8 = tpu.vector_load %arg9[%swap3A_7] {strides = array<i32>} : memref<512xi32, #tpu.memory_space<vmem>>, vector<16xi32>,
    tpu.vector_store %arg9[%swap3A_7], %broadcast_in_dim3A_3 {strides = array<i32>} : memref<512xi32, #tpu.memory_space<vmem>>, vector<16xi32>,
    %swap3A_9 = arith.constant 48 : index
    %swap3A_10 = tpu.vector_load %arg9[%swap3A_9] {strides = array<i32>} : memref<512xi32, #tpu.memory_space<vmem>>, vector<16xi32>,
    tpu.vector_store %arg9[%swap3A_9], %broadcast_in_dim3A_3 {strides = array<i32>} : memref<512xi32, #tpu.memory_space<vmem>>, vector<16xi32>,
    %swap3A_11 = arith.constant 64 : index
    %swap3A_12 = tpu.vector_load %arg9[%swap3A_11] {strides = array<i32>} : memref<512xi32, #tpu.memory_space<vmem>>, vector<16xi32>,
    tpu.vector_store %arg9[%swap3A_11], %broadcast_in_dim3A_3 {strides = array<i32>} : memref<512xi32, #tpu.memory_space<vmem>>, vector<16xi32>,
    %swap3A_13 = arith.constant 80 : index
    %swap3A_14 = tpu.vector_load %arg9[%swap3A_13] {strides = array<i32>} : memref<512xi32, #tpu.memory_space<vmem>>, vector<16xi32>,
    tpu.vector_store %arg9[%swap3A_13], %broadcast_in_dim3A_3 {strides = array<i32>} : memref<512xi32, #tpu.memory_space<vmem>>, vector<16xi32>,
    %swap3A_15 = arith.constant 96 : index
    %swap3A_16 = tpu.vector_load %arg9[%swap3A_15] {strides = array<i32>} : memref<512xi32, #tpu.memory_space<vmem>>, vector<16xi32>,
    tpu.vector_store %arg9[%swap3A_15], %broadcast_in_dim3A_3 {strides = array<i32>} : memref<512xi32, #tpu.memory_space<vmem>>, vector<16xi32>,
    %swap3A_17 = arith.constant 112 : index
    %swap3A_18 = tpu.vector_load %arg9[%swap3A_17] {strides = array<i32>} : memref<512xi32, #tpu.memory_space<vmem>>, vector<16xi32>,
    tpu.vector_store %arg9[%swap3A_17], %broadcast_in_dim3A_3 {strides = array<i32>} : memref<512xi32, #tpu.memory_space<vmem>>, vector<16xi32>,
    %swap3A_19 = arith.constant 128 : index
    %swap3A_20 = tpu.vector_load %arg9[%swap3A_19] {strides = array<i32>} : memref<512xi32, #tpu.memory_space<vmem>>, vector<16xi32>,
    tpu.vector_store %arg9[%swap3A_19], %broadcast_in_dim3A_3 {strides = array<i32>} : memref<512xi32, #tpu.memory_space<vmem>>, vector<16xi32>,
    %swap3A_21 = arith.constant 144 : index
    %swap3A_22 = tpu.vector_load %arg9[%swap3A_21] {strides = array<i32>} : memref<512xi32, #tpu.memory_space<vmem>>, vector<16xi32>,
    tpu.vector_store %arg9[%swap3A_21], %broadcast_in_dim3A_3 {strides = array<i32>} : memref<512xi32, #tpu.memory_space<vmem>>, vector<16xi32>,
    %swap3A_23 = arith.constant 160 : index
    %swap3A_24 = tpu.vector_load %arg9[%swap3A_23] {strides = array<i32>} : memref<512xi32, #tpu.memory_space<vmem>>, vector<16xi32>,
    tpu.vector_store %arg9[%swap3A_23], %broadcast_in_dim3A_3 {strides = array<i32>} : memref<512xi32, #tpu.memory_space<vmem>>, vector<16xi32>,
    %swap3A_25 = arith.constant 176 : index
    %swap3A_26 = tpu.vector_load %arg9[%swap3A_25] {strides = array<i32>} : memref<512xi32, #tpu.memory_space<vmem>>, vector<16xi32>,
    tpu.vector_store %arg9[%swap3A_25], %broadcast_in_dim3A_3 {strides = array<i32>} : memref<512xi32, #tpu.memory_space<vmem>>, vector<16xi32>,
    %swap3A_27 = arith.constant 192 : index
    %swap3A_28 = tpu.vector_load %arg9[%swap3A_27] {strides = array<i32>} : memref<512xi32, #tpu.memory_space<vmem>>, vector<16xi32>,
    tpu.vector_store %arg9[%swap3A_27], %broadcast_in_dim3A_3 {strides = array<i32>} : memref<512xi32, #tpu.memory_space<vmem>>, vector<16xi32>,
    %swap3A_29 = arith.constant 208 : index
    %swap3A_30 = tpu.vector_load %arg9[%swap3A_29] {strides = array<i32>} : memref<512xi32, #tpu.memory_space<vmem>>, vector<16xi32>,
    tpu.vector_store %arg9[%swap3A_29], %broadcast_in_dim3A_3 {strides = array<i32>} : memref<512xi32, #tpu.memory_space<vmem>>, vector<16xi32>,
    %swap3A_31 = arith.constant 224 : index
    %swap3A_32 = tpu.vector_load %arg9[%swap3A_31] {strides = array<i32>} : memref<512xi32, #tpu.memory_space<vmem>>, vector<16xi32>,
    tpu.vector_store %arg9[%swap3A_31], %broadcast_in_dim3A_3 {strides = array<i32>} : memref<512xi32, #tpu.memory_space<vmem>>, vector<16xi32>,
    %swap3A_33 = arith.constant 240 : index
    %swap3A_34 = tpu.vector_load %arg9[%swap3A_33] {strides = array<i32>} : memref<512xi32, #tpu.memory_space<vmem>>, vector<16xi32>,
    tpu.vector_store %arg9[%swap3A_33], %broadcast_in_dim3A_3 {strides = array<i32>} : memref<512xi32, #tpu.memory_space<vmem>>, vector<16xi32>,
    %swap3A_35 = arith.constant 256 : index
    %swap3A_36 = tpu.vector_load %arg9[%swap3A_35] {strides = array<i32>} : memref<512xi32, #tpu.memory_space<vmem>>, vector<16xi32>,
    tpu.vector_store %arg9[%swap3A_35], %broadcast_in_dim3A_3 {strides = array<i32>} : memref<512xi32, #tpu.memory_space<vmem>>, vector<16xi32>,
    %swap3A_37 = arith.constant 272 : index
    %swap3A_38 = tpu.vector_load %arg9[%swap3A_37] {strides = array<i32>} : memref<512xi32, #tpu.memory_space<vmem>>, vector<16xi32>,
    tpu.vector_store %arg9[%swap3A_37], %broadcast_in_dim3A_3 {strides = array<i32>} : memref<512xi32, #tpu.memory_space<vmem>>, vector<16xi32>,
    %swap3A_39 = arith.constant 288 : index
    %swap3A_40 = tpu.vector_load %arg9[%swap3A_39] {strides = array<i32>} : memref<512xi32, #tpu.memory_space<vmem>>, vector<16xi32>,
    tpu.vector_store %arg9[%swap3A_39], %broadcast_in_dim3A_3 {strides = array<i32>} : memref<512xi32, #tpu.memory_space<vmem>>, vector<16xi32>,
    %swap3A_41 = arith.constant 304 : index
    %swap3A_42 = tpu.vector_load %arg9[%swap3A_41] {strides = array<i32>} : memref<512xi32, #tpu.memory_space<vmem>>, vector<16xi32>,
    tpu.vector_store %arg9[%swap3A_41], %broadcast_in_dim3A_3 {strides = array<i32>} : memref<512xi32, #tpu.memory_space<vmem>>, vector<16xi32>,
    %swap3A_43 = arith.constant 320 : index
    %swap3A_44 = tpu.vector_load %arg9[%swap3A_43] {strides = array<i32>} : memref<512xi32, #tpu.memory_space<vmem>>, vector<16xi32>,
    tpu.vector_store %arg9[%swap3A_43], %broadcast_in_dim3A_3 {strides = array<i32>} : memref<512xi32, #tpu.memory_space<vmem>>, vector<16xi32>,
    %swap3A_45 = arith.constant 336 : index
    %swap3A_46 = tpu.vector_load %arg9[%swap3A_45] {strides = array<i32>} : memref<512xi32, #tpu.memory_space<vmem>>, vector<16xi32>,
    tpu.vector_store %arg9[%swap3A_45], %broadcast_in_dim3A_3 {strides = array<i32>} : memref<512xi32, #tpu.memory_space<vmem>>, vector<16xi32>,
    %swap3A_47 = arith.constant 352 : index
    %swap3A_48 = tpu.vector_load %arg9[%swap3A_47] {strides = array<i32>} : memref<512xi32, #tpu.memory_space<vmem>>, vector<16xi32>,
    tpu.vector_store %arg9[%swap3A_47], %broadcast_in_dim3A_3 {strides = array<i32>} : memref<512xi32, #tpu.memory_space<vmem>>, vector<16xi32>,
    %swap3A_49 = arith.constant 368 : index
    %swap3A_50 = tpu.vector_load %arg9[%swap3A_49] {strides = array<i32>} : memref<512xi32, #tpu.memory_space<vmem>>, vector<16xi32>,
    tpu.vector_store %arg9[%swap3A_49], %broadcast_in_dim3A_3 {strides = array<i32>} : memref<512xi32, #tpu.memory_space<vmem>>, vector<16xi32>,
    %swap3A_51 = arith.constant 384 : index
    %swap3A_52 = tpu.vector_load %arg9[%swap3A_51] {strides = array<i32>} : memref<512xi32, #tpu.memory_space<vmem>>, vector<16xi32>,
    tpu.vector_store %arg9[%swap3A_51], %broadcast_in_dim3A_3 {strides = array<i32>} : memref<512xi32, #tpu.memory_space<vmem>>, vector<16xi32>,
    %swap3A_53 = arith.constant 400 : index
    %swap3A_54 = tpu.vector_load %arg9[%swap3A_53] {strides = array<i32>} : memref<512xi32, #tpu.memory_space<vmem>>, vector<16xi32>,
    tpu.vector_store %arg9[%swap3A_53], %broadcast_in_dim3A_3 {strides = array<i32>} : memref<512xi32, #tpu.memory_space<vmem>>, vector<16xi32>,
    %swap3A_55 = arith.constant 416 : index
    %swap3A_56 = tpu.vector_load %arg9[%swap3A_55] {strides = array<i32>} : memref<512xi32, #tpu.memory_space<vmem>>, vector<16xi32>,
    tpu.vector_store %arg9[%swap3A_55], %broadcast_in_dim3A_3 {strides = array<i32>} : memref<512xi32, #tpu.memory_space<vmem>>, vector<16xi32>,
    %swap3A_57 = arith.constant 432 : index
    %swap3A_58 = tpu.vector_load %arg9[%swap3A_57] {strides = array<i32>} : memref<512xi32, #tpu.memory_space<vmem>>, vector<16xi32>,
    tpu.vector_store %arg9[%swap3A_57], %broadcast_in_dim3A_3 {strides = array<i32>} : memref<512xi32, #tpu.memory_space<vmem>>, vector<16xi32>,
    %swap3A_59 = arith.constant 448 : index
    %swap3A_60 = tpu.vector_load %arg9[%swap3A_59] {strides = array<i32>} : memref<512xi32, #tpu.memory_space<vmem>>, vector<16xi32>,
    tpu.vector_store %arg9[%swap3A_59], %broadcast_in_dim3A_3 {strides = array<i32>} : memref<512xi32, #tpu.memory_space<vmem>>, vector<16xi32>,
    %swap3A_61 = arith.constant 464 : index
    %swap3A_62 = tpu.vector_load %arg9[%swap3A_61] {strides = array<i32>} : memref<512xi32, #tpu.memory_space<vmem>>, vector<16xi32>,
    tpu.vector_store %arg9[%swap3A_61], %broadcast_in_dim3A_3 {strides = array<i32>} : memref<512xi32, #tpu.memory_space<vmem>>, vector<16xi32>,
    %swap3A_63 = arith.constant 480 : index
    %swap3A_64 = tpu.vector_load %arg9[%swap3A_63] {strides = array<i32>} : memref<512xi32, #tpu.memory_space<vmem>>, vector<16xi32>,
    tpu.vector_store %arg9[%swap3A_63], %broadcast_in_dim3A_3 {strides = array<i32>} : memref<512xi32, #tpu.memory_space<vmem>>, vector<16xi32>,
    %swap3A_65 = arith.constant 496 : index
    %swap3A_66 = tpu.vector_load %arg9[%swap3A_65] {strides = array<i32>} : memref<512xi32, #tpu.memory_space<vmem>>, vector<16xi32>,
    tpu.vector_store %arg9[%swap3A_65], %broadcast_in_dim3A_3 {strides = array<i32>} : memref<512xi32, #tpu.memory_space<vmem>>, vector<16xi32>,
    %add3A_67 = arith.constant 0 : i32
    %add3A_68 = arith.addi %mul3A_2, %add3A_67 : i32
    %add3A_69 = vector.broadcast %add3A_68 : i32 to vector<16xi32>
    %add3A_70 = arith.addi %add3A_69, %iota3A : vector<16xi32>
    %sub3A = arith.constant 1 : i32
    %sub3A_71 = vector.broadcast %sub3A : i32 to vector<16xi32>
    %sub3A_72 = arith.subi %add3A_70, %sub3A_71 : vector<16xi32>
    %max3A = arith.constant 0 : i32
    %max3A_73 = vector.broadcast %max3A : i32 to vector<16xi32>
    %max3A_74 = arith.maxsi %sub3A_72, %max3A_73 : vector<16xi32>
    %add3A_75 = arith.constant 0 : i32
    %add3A_76 = vector.broadcast %add3A_75 : i32 to vector<16xi32>
    %add3A_77 = arith.addi %add3A_76, %max3A_74 : vector<16xi32>
    %gather3A = tpu.vector_load_idx %arg7[%add3A_77] : memref<16380xi32, #tpu.memory_space<vmem>>[vector<16xi32>], vector<16xi32>,
    %eq3A = arith.constant 0 : i32
    %eq3A_78 = vector.broadcast %eq3A : i32 to vector<16xi32>
    %eq3A_79 = arith.cmpi eq, %add3A_70, %eq3A_78 : vector<16xi32>
    %add3A_80 = arith.constant 1 : i32
    %add3A_81 = vector.broadcast %add3A_80 : i32 to vector<16xi32>
    %add3A_82 = arith.addi %gather3A, %add3A_81 : vector<16xi32>
    %jit3A = arith.constant 0 : i32
    %broadcast_in_dim3A_83 = vector.broadcast %jit3A : i32 to vector<16xi32>
    %select_n3A = arith.select %eq3A_79, %broadcast_in_dim3A_83, %add3A_82 : vector<16xi1>, vector<16xi32>
    %lt3A = arith.constant 2048 : i32
    %lt3A_84 = vector.broadcast %lt3A : i32 to vector<16xi32>
    %lt3A_85 = arith.cmpi slt, %select_n3A, %lt3A_84 : vector<16xi32>
    %convert_element_type3A = arith.extui %lt3A_85 : vector<16xi1> to vector<16xi32>
    %broadcast_in_dim3A_86 = arith.constant true
    %broadcast_in_dim3A_87 = vector.broadcast %broadcast_in_dim3A_86 : i1 to vector<16xi1>
    %masked_cumsum3A = tpu.scan <sum>, %convert_element_type3A masked %broadcast_in_dim3A_87 : vector<16xi32>, vector<16xi1> -> vector<16xi32>
    %add3A_88 = arith.constant 0 : i32
    %add3A_89 = vector.broadcast %add3A_88 : i32 to vector<16xi32>
    %add3A_90 = arith.addi %add3A_89, %masked_cumsum3A : vector<16xi32>
    %sub3A_91 = arith.subi %add3A_90, %convert_element_type3A : vector<16xi32>
    %jit3A_92 = arith.constant 0 : i32
    %broadcast_in_dim3A_93 = vector.broadcast %jit3A_92 : i32 to vector<16xi32>
    %select_n3A_94 = arith.select %lt3A_85, %select_n3A, %broadcast_in_dim3A_93 : vector<16xi1>, vector<16xi32>
    %add3A_95 = arith.constant 0 : i32
    %add3A_96 = vector.broadcast %add3A_95 : i32 to vector<16xi32>
    %add3A_97 = arith.addi %add3A_96, %select_n3A_94 : vector<16xi32>
    tpu.vector_store_idx %arg9[%sub3A_91], %add3A_97 masked %lt3A_85 : memref<512xi32, #tpu.memory_space<vmem>>[vector<16xi32>], vector<16xi32>, vector<16xi1>
    %and3A = arith.constant 63 : i32
    %and3A_98 = vector.broadcast %and3A : i32 to vector<16xi32>
    %and3A_99 = arith.andi %sub3A_91, %and3A_98 : vector<16xi32>
    %jit3A_100 = arith.constant 0 : i32
    %broadcast_in_dim3A_101 = vector.broadcast %jit3A_100 : i32 to vector<16xi32>
    %select_n3A_102 = arith.select %lt3A_85, %and3A_99, %broadcast_in_dim3A_101 : vector<16xi1>, vector<16xi32>
    %swap3A_103 = arith.constant 0 : index
    %swap3A_104 = tpu.vector_load %arg8[%swap3A_103] {strides = array<i32>} : memref<512xi32, #tpu.memory_space<vmem>>, vector<16xi32>,
    tpu.vector_store %arg8[%swap3A_103], %select_n3A {strides = array<i32>} : memref<512xi32, #tpu.memory_space<vmem>>, vector<16xi32>,
    %swap3A_105 = arith.constant 0 : index
    %swap3A_106 = tpu.vector_load %arg10[%swap3A_105] {strides = array<i32>} : memref<512xi32, #tpu.memory_space<vmem>>, vector<16xi32>,
    tpu.vector_store %arg10[%swap3A_105], %select_n3A_102 {strides = array<i32>} : memref<512xi32, #tpu.memory_space<vmem>>, vector<16xi32>,
    %reduce_max3A = arith.constant true
    %reduce_max3A_107 = vector.broadcast %reduce_max3A : i1 to vector<16xi1>
    %reduce_max3A_108 = arith.constant -2147483648 : i32
    %reduce_max3A_109 = vector.broadcast %reduce_max3A_108 : i32 to vector<16xi32>
    %reduce_max3A_110 = arith.xori %masked_cumsum3A, %reduce_max3A_109 : vector<16xi32>
    %reduce_max3A_111 = tpu.scan <max>, %reduce_max3A_110 masked %reduce_max3A_107 : vector<16xi32>, vector<16xi1> -> vector<16xi32>
    %reduce_max3A_112 = arith.xori %reduce_max3A_111, %reduce_max3A_109 : vector<16xi32>
    %reduce_max3A_113 = vector.extract %reduce_max3A_112[15] : i32 from vector<16xi32>
    %add3A_114 = arith.constant 0 : i32
    %add3A_115 = arith.addi %add3A_114, %reduce_max3A_113 : i32
    %eq3A_116 = arith.constant 0 : i32
    %eq3A_117 = vector.broadcast %eq3A_116 : i32 to vector<16xi32>
    %eq3A_118 = arith.cmpi eq, %iota3A, %eq3A_117 : vector<16xi32>
    %broadcast_in_dim3A_119 = vector.broadcast %add3A_115 : i32 to vector<16xi32>
    %select_n3A_120 = arith.select %eq3A_118, %broadcast_in_dim3A_119, %broadcast_in_dim3A_3 : vector<16xi1>, vector<16xi32>
    %add3A_121 = arith.constant 0 : i32
    %add3A_122 = arith.addi %mul3A_2, %add3A_121 : i32
    %add3A_123 = vector.broadcast %add3A_122 : i32 to vector<16xi32>
    %add3A_124 = arith.addi %add3A_123, %iota3A : vector<16xi32>
    %sub3A_125 = arith.constant 1 : i32
    %sub3A_126 = vector.broadcast %sub3A_125 : i32 to vector<16xi32>
    %sub3A_127 = arith.subi %add3A_124, %sub3A_126 : vector<16xi32>
    %max3A_128 = arith.constant 0 : i32
    %max3A_129 = vector.broadcast %max3A_128 : i32 to vector<16xi32>
    %max3A_130 = arith.maxsi %sub3A_127, %max3A_129 : vector<16xi32>
    %add3A_131 = arith.constant 4095 : i32
    %add3A_132 = vector.broadcast %add3A_131 : i32 to vector<16xi32>
    %add3A_133 = arith.addi %add3A_132, %max3A_130 : vector<16xi32>
    %gather3A_134 = tpu.vector_load_idx %arg7[%add3A_133] : memref<16380xi32, #tpu.memory_space<vmem>>[vector<16xi32>], vector<16xi32>,
    %eq3A_135 = arith.constant 0 : i32
    %eq3A_136 = vector.broadcast %eq3A_135 : i32 to vector<16xi32>
    %eq3A_137 = arith.cmpi eq, %add3A_124, %eq3A_136 : vector<16xi32>
    %add3A_138 = arith.constant 1 : i32
    %add3A_139 = vector.broadcast %add3A_138 : i32 to vector<16xi32>
    %add3A_140 = arith.addi %gather3A_134, %add3A_139 : vector<16xi32>
    %jit3A_141 = arith.constant 0 : i32
    %broadcast_in_dim3A_142 = vector.broadcast %jit3A_141 : i32 to vector<16xi32>
    %select_n3A_143 = arith.select %eq3A_137, %broadcast_in_dim3A_142, %add3A_140 : vector<16xi1>, vector<16xi32>
    %lt3A_144 = arith.constant 2048 : i32
    %lt3A_145 = vector.broadcast %lt3A_144 : i32 to vector<16xi32>
    %lt3A_146 = arith.cmpi slt, %select_n3A_143, %lt3A_145 : vector<16xi32>
    %convert_element_type3A_147 = arith.extui %lt3A_146 : vector<16xi1> to vector<16xi32>
    %broadcast_in_dim3A_148 = arith.constant true
    %broadcast_in_dim3A_149 = vector.broadcast %broadcast_in_dim3A_148 : i1 to vector<16xi1>
    %masked_cumsum3A_150 = tpu.scan <sum>, %convert_element_type3A_147 masked %broadcast_in_dim3A_149 : vector<16xi32>, vector<16xi1> -> vector<16xi32>
    %add3A_151 = vector.broadcast %add3A_115 : i32 to vector<16xi32>
    %add3A_152 = arith.addi %add3A_151, %masked_cumsum3A_150 : vector<16xi32>
    %sub3A_153 = arith.subi %add3A_152, %convert_element_type3A_147 : vector<16xi32>
    %jit3A_154 = arith.constant 0 : i32
    %broadcast_in_dim3A_155 = vector.broadcast %jit3A_154 : i32 to vector<16xi32>
    %select_n3A_156 = arith.select %lt3A_146, %select_n3A_143, %broadcast_in_dim3A_155 : vector<16xi1>, vector<16xi32>
    %add3A_157 = arith.constant 2048 : i32
    %add3A_158 = vector.broadcast %add3A_157 : i32 to vector<16xi32>
    %add3A_159 = arith.addi %add3A_158, %select_n3A_156 : vector<16xi32>
    tpu.vector_store_idx %arg9[%sub3A_153], %add3A_159 masked %lt3A_146 : memref<512xi32, #tpu.memory_space<vmem>>[vector<16xi32>], vector<16xi32>, vector<16xi1>
    %and3A_160 = arith.constant 63 : i32
    %and3A_161 = vector.broadcast %and3A_160 : i32 to vector<16xi32>
    %and3A_162 = arith.andi %sub3A_153, %and3A_161 : vector<16xi32>
    %jit3A_163 = arith.constant 0 : i32
    %broadcast_in_dim3A_164 = vector.broadcast %jit3A_163 : i32 to vector<16xi32>
    %select_n3A_165 = arith.select %lt3A_146, %and3A_162, %broadcast_in_dim3A_164 : vector<16xi1>, vector<16xi32>
    %swap3A_166 = arith.constant 16 : index
    %swap3A_167 = tpu.vector_load %arg8[%swap3A_166] {strides = array<i32>} : memref<512xi32, #tpu.memory_space<vmem>>, vector<16xi32>,
    tpu.vector_store %arg8[%swap3A_166], %select_n3A_143 {strides = array<i32>} : memref<512xi32, #tpu.memory_space<vmem>>, vector<16xi32>,
    %swap3A_168 = arith.constant 16 : index
    %swap3A_169 = tpu.vector_load %arg10[%swap3A_168] {strides = array<i32>} : memref<512xi32, #tpu.memory_space<vmem>>, vector<16xi32>,
    tpu.vector_store %arg10[%swap3A_168], %select_n3A_165 {strides = array<i32>} : memref<512xi32, #tpu.memory_space<vmem>>, vector<16xi32>,
    %reduce_max3A_170 = arith.constant true
    %reduce_max3A_171 = vector.broadcast %reduce_max3A_170 : i1 to vector<16xi1>
    %reduce_max3A_172 = arith.constant -2147483648 : i32
    %reduce_max3A_173 = vector.broadcast %reduce_max3A_172 : i32 to vector<16xi32>
    %reduce_max3A_174 = arith.xori %masked_cumsum3A_150, %reduce_max3A_173 : vector<16xi32>
    %reduce_max3A_175 = tpu.scan <max>, %reduce_max3A_174 masked %reduce_max3A_171 : vector<16xi32>, vector<16xi1> -> vector<16xi32>
    %reduce_max3A_176 = arith.xori %reduce_max3A_175, %reduce_max3A_173 : vector<16xi32>
    %reduce_max3A_177 = vector.extract %reduce_max3A_176[15] : i32 from vector<16xi32>
    %add3A_178 = arith.addi %add3A_115, %reduce_max3A_177 : i32
    %eq3A_179 = arith.constant 1 : i32
    %eq3A_180 = vector.broadcast %eq3A_179 : i32 to vector<16xi32>
    %eq3A_181 = arith.cmpi eq, %iota3A, %eq3A_180 : vector<16xi32>
    %broadcast_in_dim3A_182 = vector.broadcast %add3A_178 : i32 to vector<16xi32>
    %select_n3A_183 = arith.select %eq3A_181, %broadcast_in_dim3A_182, %select_n3A_120 : vector<16xi1>, vector<16xi32>
    %add3A_184 = arith.constant 0 : i32
    %add3A_185 = arith.addi %mul3A_2, %add3A_184 : i32
    %add3A_186 = vector.broadcast %add3A_185 : i32 to vector<16xi32>
    %add3A_187 = arith.addi %add3A_186, %iota3A : vector<16xi32>
    %sub3A_188 = arith.constant 1 : i32
    %sub3A_189 = vector.broadcast %sub3A_188 : i32 to vector<16xi32>
    %sub3A_190 = arith.subi %add3A_187, %sub3A_189 : vector<16xi32>
    %max3A_191 = arith.constant 0 : i32
    %max3A_192 = vector.broadcast %max3A_191 : i32 to vector<16xi32>
    %max3A_193 = arith.maxsi %sub3A_190, %max3A_192 : vector<16xi32>
    %add3A_194 = arith.constant 8190 : i32
    %add3A_195 = vector.broadcast %add3A_194 : i32 to vector<16xi32>
    %add3A_196 = arith.addi %add3A_195, %max3A_193 : vector<16xi32>
    %gather3A_197 = tpu.vector_load_idx %arg7[%add3A_196] : memref<16380xi32, #tpu.memory_space<vmem>>[vector<16xi32>], vector<16xi32>,
    %eq3A_198 = arith.constant 0 : i32
    %eq3A_199 = vector.broadcast %eq3A_198 : i32 to vector<16xi32>
    %eq3A_200 = arith.cmpi eq, %add3A_187, %eq3A_199 : vector<16xi32>
    %add3A_201 = arith.constant 1 : i32
    %add3A_202 = vector.broadcast %add3A_201 : i32 to vector<16xi32>
    %add3A_203 = arith.addi %gather3A_197, %add3A_202 : vector<16xi32>
    %jit3A_204 = arith.constant 0 : i32
    %broadcast_in_dim3A_205 = vector.broadcast %jit3A_204 : i32 to vector<16xi32>
    %select_n3A_206 = arith.select %eq3A_200, %broadcast_in_dim3A_205, %add3A_203 : vector<16xi1>, vector<16xi32>
    %lt3A_207 = arith.constant 2048 : i32
    %lt3A_208 = vector.broadcast %lt3A_207 : i32 to vector<16xi32>
    %lt3A_209 = arith.cmpi slt, %select_n3A_206, %lt3A_208 : vector<16xi32>
    %convert_element_type3A_210 = arith.extui %lt3A_209 : vector<16xi1> to vector<16xi32>
    %broadcast_in_dim3A_211 = arith.constant true
    %broadcast_in_dim3A_212 = vector.broadcast %broadcast_in_dim3A_211 : i1 to vector<16xi1>
    %masked_cumsum3A_213 = tpu.scan <sum>, %convert_element_type3A_210 masked %broadcast_in_dim3A_212 : vector<16xi32>, vector<16xi1> -> vector<16xi32>
    %add3A_214 = vector.broadcast %add3A_178 : i32 to vector<16xi32>
    %add3A_215 = arith.addi %add3A_214, %masked_cumsum3A_213 : vector<16xi32>
    %sub3A_216 = arith.subi %add3A_215, %convert_element_type3A_210 : vector<16xi32>
    %jit3A_217 = arith.constant 0 : i32
    %broadcast_in_dim3A_218 = vector.broadcast %jit3A_217 : i32 to vector<16xi32>
    %select_n3A_219 = arith.select %lt3A_209, %select_n3A_206, %broadcast_in_dim3A_218 : vector<16xi1>, vector<16xi32>
    %add3A_220 = arith.constant 4096 : i32
    %add3A_221 = vector.broadcast %add3A_220 : i32 to vector<16xi32>
    %add3A_222 = arith.addi %add3A_221, %select_n3A_219 : vector<16xi32>
    tpu.vector_store_idx %arg9[%sub3A_216], %add3A_222 masked %lt3A_209 : memref<512xi32, #tpu.memory_space<vmem>>[vector<16xi32>], vector<16xi32>, vector<16xi1>
    %and3A_223 = arith.constant 63 : i32
    %and3A_224 = vector.broadcast %and3A_223 : i32 to vector<16xi32>
    %and3A_225 = arith.andi %sub3A_216, %and3A_224 : vector<16xi32>
    %jit3A_226 = arith.constant 0 : i32
    %broadcast_in_dim3A_227 = vector.broadcast %jit3A_226 : i32 to vector<16xi32>
    %select_n3A_228 = arith.select %lt3A_209, %and3A_225, %broadcast_in_dim3A_227 : vector<16xi1>, vector<16xi32>
    %swap3A_229 = arith.constant 32 : index
    %swap3A_230 = tpu.vector_load %arg8[%swap3A_229] {strides = array<i32>} : memref<512xi32, #tpu.memory_space<vmem>>, vector<16xi32>,
    tpu.vector_store %arg8[%swap3A_229], %select_n3A_206 {strides = array<i32>} : memref<512xi32, #tpu.memory_space<vmem>>, vector<16xi32>,
    %swap3A_231 = arith.constant 32 : index
    %swap3A_232 = tpu.vector_load %arg10[%swap3A_231] {strides = array<i32>} : memref<512xi32, #tpu.memory_space<vmem>>, vector<16xi32>,
    tpu.vector_store %arg10[%swap3A_231], %select_n3A_228 {strides = array<i32>} : memref<512xi32, #tpu.memory_space<vmem>>, vector<16xi32>,
    %reduce_max3A_233 = arith.constant true
    %reduce_max3A_234 = vector.broadcast %reduce_max3A_233 : i1 to vector<16xi1>
    %reduce_max3A_235 = arith.constant -2147483648 : i32
    %reduce_max3A_236 = vector.broadcast %reduce_max3A_235 : i32 to vector<16xi32>
    %reduce_max3A_237 = arith.xori %masked_cumsum3A_213, %reduce_max3A_236 : vector<16xi32>
    %reduce_max3A_238 = tpu.scan <max>, %reduce_max3A_237 masked %reduce_max3A_234 : vector<16xi32>, vector<16xi1> -> vector<16xi32>
    %reduce_max3A_239 = arith.xori %reduce_max3A_238, %reduce_max3A_236 : vector<16xi32>
    %reduce_max3A_240 = vector.extract %reduce_max3A_239[15] : i32 from vector<16xi32>
    %add3A_241 = arith.addi %add3A_178, %reduce_max3A_240 : i32
    %eq3A_242 = arith.constant 2 : i32
    %eq3A_243 = vector.broadcast %eq3A_242 : i32 to vector<16xi32>
    %eq3A_244 = arith.cmpi eq, %iota3A, %eq3A_243 : vector<16xi32>
    %broadcast_in_dim3A_245 = vector.broadcast %add3A_241 : i32 to vector<16xi32>
    %select_n3A_246 = arith.select %eq3A_244, %broadcast_in_dim3A_245, %select_n3A_183 : vector<16xi1>, vector<16xi32>
    %add3A_247 = arith.constant 0 : i32
    %add3A_248 = arith.addi %mul3A_2, %add3A_247 : i32
    %add3A_249 = vector.broadcast %add3A_248 : i32 to vector<16xi32>
    %add3A_250 = arith.addi %add3A_249, %iota3A : vector<16xi32>
    %sub3A_251 = arith.constant 1 : i32
    %sub3A_252 = vector.broadcast %sub3A_251 : i32 to vector<16xi32>
    %sub3A_253 = arith.subi %add3A_250, %sub3A_252 : vector<16xi32>
    %max3A_254 = arith.constant 0 : i32
    %max3A_255 = vector.broadcast %max3A_254 : i32 to vector<16xi32>
    %max3A_256 = arith.maxsi %sub3A_253, %max3A_255 : vector<16xi32>
    %add3A_257 = arith.constant 12285 : i32
    %add3A_258 = vector.broadcast %add3A_257 : i32 to vector<16xi32>
    %add3A_259 = arith.addi %add3A_258, %max3A_256 : vector<16xi32>
    %gather3A_260 = tpu.vector_load_idx %arg7[%add3A_259] : memref<16380xi32, #tpu.memory_space<vmem>>[vector<16xi32>], vector<16xi32>,
    %eq3A_261 = arith.constant 0 : i32
    %eq3A_262 = vector.broadcast %eq3A_261 : i32 to vector<16xi32>
    %eq3A_263 = arith.cmpi eq, %add3A_250, %eq3A_262 : vector<16xi32>
    %add3A_264 = arith.constant 1 : i32
    %add3A_265 = vector.broadcast %add3A_264 : i32 to vector<16xi32>
    %add3A_266 = arith.addi %gather3A_260, %add3A_265 : vector<16xi32>
    %jit3A_267 = arith.constant 0 : i32
    %broadcast_in_dim3A_268 = vector.broadcast %jit3A_267 : i32 to vector<16xi32>
    %select_n3A_269 = arith.select %eq3A_263, %broadcast_in_dim3A_268, %add3A_266 : vector<16xi1>, vector<16xi32>
    %lt3A_270 = arith.constant 2048 : i32
    %lt3A_271 = vector.broadcast %lt3A_270 : i32 to vector<16xi32>
    %lt3A_272 = arith.cmpi slt, %select_n3A_269, %lt3A_271 : vector<16xi32>
    %convert_element_type3A_273 = arith.extui %lt3A_272 : vector<16xi1> to vector<16xi32>
    %broadcast_in_dim3A_274 = arith.constant true
    %broadcast_in_dim3A_275 = vector.broadcast %broadcast_in_dim3A_274 : i1 to vector<16xi1>
    %masked_cumsum3A_276 = tpu.scan <sum>, %convert_element_type3A_273 masked %broadcast_in_dim3A_275 : vector<16xi32>, vector<16xi1> -> vector<16xi32>
    %add3A_277 = vector.broadcast %add3A_241 : i32 to vector<16xi32>
    %add3A_278 = arith.addi %add3A_277, %masked_cumsum3A_276 : vector<16xi32>
    %sub3A_279 = arith.subi %add3A_278, %convert_element_type3A_273 : vector<16xi32>
    %jit3A_280 = arith.constant 0 : i32
    %broadcast_in_dim3A_281 = vector.broadcast %jit3A_280 : i32 to vector<16xi32>
    %select_n3A_282 = arith.select %lt3A_272, %select_n3A_269, %broadcast_in_dim3A_281 : vector<16xi1>, vector<16xi32>
    %add3A_283 = arith.constant 6144 : i32
    %add3A_284 = vector.broadcast %add3A_283 : i32 to vector<16xi32>
    %add3A_285 = arith.addi %add3A_284, %select_n3A_282 : vector<16xi32>
    tpu.vector_store_idx %arg9[%sub3A_279], %add3A_285 masked %lt3A_272 : memref<512xi32, #tpu.memory_space<vmem>>[vector<16xi32>], vector<16xi32>, vector<16xi1>
    %and3A_286 = arith.constant 63 : i32
    %and3A_287 = vector.broadcast %and3A_286 : i32 to vector<16xi32>
    %and3A_288 = arith.andi %sub3A_279, %and3A_287 : vector<16xi32>
    %jit3A_289 = arith.constant 0 : i32
    %broadcast_in_dim3A_290 = vector.broadcast %jit3A_289 : i32 to vector<16xi32>
    %select_n3A_291 = arith.select %lt3A_272, %and3A_288, %broadcast_in_dim3A_290 : vector<16xi1>, vector<16xi32>
    %swap3A_292 = arith.constant 48 : index
    %swap3A_293 = tpu.vector_load %arg8[%swap3A_292] {strides = array<i32>} : memref<512xi32, #tpu.memory_space<vmem>>, vector<16xi32>,
    tpu.vector_store %arg8[%swap3A_292], %select_n3A_269 {strides = array<i32>} : memref<512xi32, #tpu.memory_space<vmem>>, vector<16xi32>,
    %swap3A_294 = arith.constant 48 : index
    %swap3A_295 = tpu.vector_load %arg10[%swap3A_294] {strides = array<i32>} : memref<512xi32, #tpu.memory_space<vmem>>, vector<16xi32>,
    tpu.vector_store %arg10[%swap3A_294], %select_n3A_291 {strides = array<i32>} : memref<512xi32, #tpu.memory_space<vmem>>, vector<16xi32>,
    %reduce_max3A_296 = arith.constant true
    %reduce_max3A_297 = vector.broadcast %reduce_max3A_296 : i1 to vector<16xi1>
    %reduce_max3A_298 = arith.constant -2147483648 : i32
    %reduce_max3A_299 = vector.broadcast %reduce_max3A_298 : i32 to vector<16xi32>
    %reduce_max3A_300 = arith.xori %masked_cumsum3A_276, %reduce_max3A_299 : vector<16xi32>
    %reduce_max3A_301 = tpu.scan <max>, %reduce_max3A_300 masked %reduce_max3A_297 : vector<16xi32>, vector<16xi1> -> vector<16xi32>
    %reduce_max3A_302 = arith.xori %reduce_max3A_301, %reduce_max3A_299 : vector<16xi32>
    %reduce_max3A_303 = vector.extract %reduce_max3A_302[15] : i32 from vector<16xi32>
    %add3A_304 = arith.addi %add3A_241, %reduce_max3A_303 : i32
    %eq3A_305 = arith.constant 3 : i32
    %eq3A_306 = vector.broadcast %eq3A_305 : i32 to vector<16xi32>
    %eq3A_307 = arith.cmpi eq, %iota3A, %eq3A_306 : vector<16xi32>
    %broadcast_in_dim3A_308 = vector.broadcast %add3A_304 : i32 to vector<16xi32>
    %select_n3A_309 = arith.select %eq3A_307, %broadcast_in_dim3A_308, %select_n3A_246 : vector<16xi1>, vector<16xi32>
    %add3A_310 = arith.constant 16 : i32
    %add3A_311 = arith.addi %mul3A_2, %add3A_310 : i32
    %add3A_312 = vector.broadcast %add3A_311 : i32 to vector<16xi32>
    %add3A_313 = arith.addi %add3A_312, %iota3A : vector<16xi32>
    %sub3A_314 = arith.constant 1 : i32
    %sub3A_315 = vector.broadcast %sub3A_314 : i32 to vector<16xi32>
    %sub3A_316 = arith.subi %add3A_313, %sub3A_315 : vector<16xi32>
    %max3A_317 = arith.constant 0 : i32
    %max3A_318 = vector.broadcast %max3A_317 : i32 to vector<16xi32>
    %max3A_319 = arith.maxsi %sub3A_316, %max3A_318 : vector<16xi32>
    %add3A_320 = arith.constant 0 : i32
    %add3A_321 = vector.broadcast %add3A_320 : i32 to vector<16xi32>
    %add3A_322 = arith.addi %add3A_321, %max3A_319 : vector<16xi32>
    %gather3A_323 = tpu.vector_load_idx %arg7[%add3A_322] : memref<16380xi32, #tpu.memory_space<vmem>>[vector<16xi32>], vector<16xi32>,
    %eq3A_324 = arith.constant 0 : i32
    %eq3A_325 = vector.broadcast %eq3A_324 : i32 to vector<16xi32>
    %eq3A_326 = arith.cmpi eq, %add3A_313, %eq3A_325 : vector<16xi32>
    %add3A_327 = arith.constant 1 : i32
    %add3A_328 = vector.broadcast %add3A_327 : i32 to vector<16xi32>
    %add3A_329 = arith.addi %gather3A_323, %add3A_328 : vector<16xi32>
    %jit3A_330 = arith.constant 0 : i32
    %broadcast_in_dim3A_331 = vector.broadcast %jit3A_330 : i32 to vector<16xi32>
    %select_n3A_332 = arith.select %eq3A_326, %broadcast_in_dim3A_331, %add3A_329 : vector<16xi1>, vector<16xi32>
    %lt3A_333 = arith.constant 2048 : i32
    %lt3A_334 = vector.broadcast %lt3A_333 : i32 to vector<16xi32>
    %lt3A_335 = arith.cmpi slt, %select_n3A_332, %lt3A_334 : vector<16xi32>
    %convert_element_type3A_336 = arith.extui %lt3A_335 : vector<16xi1> to vector<16xi32>
    %broadcast_in_dim3A_337 = arith.constant true
    %broadcast_in_dim3A_338 = vector.broadcast %broadcast_in_dim3A_337 : i1 to vector<16xi1>
    %masked_cumsum3A_339 = tpu.scan <sum>, %convert_element_type3A_336 masked %broadcast_in_dim3A_338 : vector<16xi32>, vector<16xi1> -> vector<16xi32>
    %add3A_340 = vector.broadcast %add3A_304 : i32 to vector<16xi32>
    %add3A_341 = arith.addi %add3A_340, %masked_cumsum3A_339 : vector<16xi32>
    %sub3A_342 = arith.subi %add3A_341, %convert_element_type3A_336 : vector<16xi32>
    %jit3A_343 = arith.constant 0 : i32
    %broadcast_in_dim3A_344 = vector.broadcast %jit3A_343 : i32 to vector<16xi32>
    %select_n3A_345 = arith.select %lt3A_335, %select_n3A_332, %broadcast_in_dim3A_344 : vector<16xi1>, vector<16xi32>
    %add3A_346 = arith.constant 0 : i32
    %add3A_347 = vector.broadcast %add3A_346 : i32 to vector<16xi32>
    %add3A_348 = arith.addi %add3A_347, %select_n3A_345 : vector<16xi32>
    tpu.vector_store_idx %arg9[%sub3A_342], %add3A_348 masked %lt3A_335 : memref<512xi32, #tpu.memory_space<vmem>>[vector<16xi32>], vector<16xi32>, vector<16xi1>
    %and3A_349 = arith.constant 63 : i32
    %and3A_350 = vector.broadcast %and3A_349 : i32 to vector<16xi32>
    %and3A_351 = arith.andi %sub3A_342, %and3A_350 : vector<16xi32>
    %jit3A_352 = arith.constant 0 : i32
    %broadcast_in_dim3A_353 = vector.broadcast %jit3A_352 : i32 to vector<16xi32>
    %select_n3A_354 = arith.select %lt3A_335, %and3A_351, %broadcast_in_dim3A_353 : vector<16xi1>, vector<16xi32>
    %swap3A_355 = arith.constant 64 : index
    %swap3A_356 = tpu.vector_load %arg8[%swap3A_355] {strides = array<i32>} : memref<512xi32, #tpu.memory_space<vmem>>, vector<16xi32>,
    tpu.vector_store %arg8[%swap3A_355], %select_n3A_332 {strides = array<i32>} : memref<512xi32, #tpu.memory_space<vmem>>, vector<16xi32>,
    %swap3A_357 = arith.constant 64 : index
    %swap3A_358 = tpu.vector_load %arg10[%swap3A_357] {strides = array<i32>} : memref<512xi32, #tpu.memory_space<vmem>>, vector<16xi32>,
    tpu.vector_store %arg10[%swap3A_357], %select_n3A_354 {strides = array<i32>} : memref<512xi32, #tpu.memory_space<vmem>>, vector<16xi32>,
    %reduce_max3A_359 = arith.constant true
    %reduce_max3A_360 = vector.broadcast %reduce_max3A_359 : i1 to vector<16xi1>
    %reduce_max3A_361 = arith.constant -2147483648 : i32
    %reduce_max3A_362 = vector.broadcast %reduce_max3A_361 : i32 to vector<16xi32>
    %reduce_max3A_363 = arith.xori %masked_cumsum3A_339, %reduce_max3A_362 : vector<16xi32>
    %reduce_max3A_364 = tpu.scan <max>, %reduce_max3A_363 masked %reduce_max3A_360 : vector<16xi32>, vector<16xi1> -> vector<16xi32>
    %reduce_max3A_365 = arith.xori %reduce_max3A_364, %reduce_max3A_362 : vector<16xi32>
    %reduce_max3A_366 = vector.extract %reduce_max3A_365[15] : i32 from vector<16xi32>
    %add3A_367 = arith.addi %add3A_304, %reduce_max3A_366 : i32
    %eq3A_368 = arith.constant 4 : i32
    %eq3A_369 = vector.broadcast %eq3A_368 : i32 to vector<16xi32>
    %eq3A_370 = arith.cmpi eq, %iota3A, %eq3A_369 : vector<16xi32>
    %broadcast_in_dim3A_371 = vector.broadcast %add3A_367 : i32 to vector<16xi32>
    %select_n3A_372 = arith.select %eq3A_370, %broadcast_in_dim3A_371, %select_n3A_309 : vector<16xi1>, vector<16xi32>
    %add3A_373 = arith.constant 16 : i32
    %add3A_374 = arith.addi %mul3A_2, %add3A_373 : i32
    %add3A_375 = vector.broadcast %add3A_374 : i32 to vector<16xi32>
    %add3A_376 = arith.addi %add3A_375, %iota3A : vector<16xi32>
    %sub3A_377 = arith.constant 1 : i32
    %sub3A_378 = vector.broadcast %sub3A_377 : i32 to vector<16xi32>
    %sub3A_379 = arith.subi %add3A_376, %sub3A_378 : vector<16xi32>
    %max3A_380 = arith.constant 0 : i32
    %max3A_381 = vector.broadcast %max3A_380 : i32 to vector<16xi32>
    %max3A_382 = arith.maxsi %sub3A_379, %max3A_381 : vector<16xi32>
    %add3A_383 = arith.constant 4095 : i32
    %add3A_384 = vector.broadcast %add3A_383 : i32 to vector<16xi32>
    %add3A_385 = arith.addi %add3A_384, %max3A_382 : vector<16xi32>
    %gather3A_386 = tpu.vector_load_idx %arg7[%add3A_385] : memref<16380xi32, #tpu.memory_space<vmem>>[vector<16xi32>], vector<16xi32>,
    %eq3A_387 = arith.constant 0 : i32
    %eq3A_388 = vector.broadcast %eq3A_387 : i32 to vector<16xi32>
    %eq3A_389 = arith.cmpi eq, %add3A_376, %eq3A_388 : vector<16xi32>
    %add3A_390 = arith.constant 1 : i32
    %add3A_391 = vector.broadcast %add3A_390 : i32 to vector<16xi32>
    %add3A_392 = arith.addi %gather3A_386, %add3A_391 : vector<16xi32>
    %jit3A_393 = arith.constant 0 : i32
    %broadcast_in_dim3A_394 = vector.broadcast %jit3A_393 : i32 to vector<16xi32>
    %select_n3A_395 = arith.select %eq3A_389, %broadcast_in_dim3A_394, %add3A_392 : vector<16xi1>, vector<16xi32>
    %lt3A_396 = arith.constant 2048 : i32
    %lt3A_397 = vector.broadcast %lt3A_396 : i32 to vector<16xi32>
    %lt3A_398 = arith.cmpi slt, %select_n3A_395, %lt3A_397 : vector<16xi32>
    %convert_element_type3A_399 = arith.extui %lt3A_398 : vector<16xi1> to vector<16xi32>
    %broadcast_in_dim3A_400 = arith.constant true
    %broadcast_in_dim3A_401 = vector.broadcast %broadcast_in_dim3A_400 : i1 to vector<16xi1>
    %masked_cumsum3A_402 = tpu.scan <sum>, %convert_element_type3A_399 masked %broadcast_in_dim3A_401 : vector<16xi32>, vector<16xi1> -> vector<16xi32>
    %add3A_403 = vector.broadcast %add3A_367 : i32 to vector<16xi32>
    %add3A_404 = arith.addi %add3A_403, %masked_cumsum3A_402 : vector<16xi32>
    %sub3A_405 = arith.subi %add3A_404, %convert_element_type3A_399 : vector<16xi32>
    %jit3A_406 = arith.constant 0 : i32
    %broadcast_in_dim3A_407 = vector.broadcast %jit3A_406 : i32 to vector<16xi32>
    %select_n3A_408 = arith.select %lt3A_398, %select_n3A_395, %broadcast_in_dim3A_407 : vector<16xi1>, vector<16xi32>
    %add3A_409 = arith.constant 2048 : i32
    %add3A_410 = vector.broadcast %add3A_409 : i32 to vector<16xi32>
    %add3A_411 = arith.addi %add3A_410, %select_n3A_408 : vector<16xi32>
    tpu.vector_store_idx %arg9[%sub3A_405], %add3A_411 masked %lt3A_398 : memref<512xi32, #tpu.memory_space<vmem>>[vector<16xi32>], vector<16xi32>, vector<16xi1>
    %and3A_412 = arith.constant 63 : i32
    %and3A_413 = vector.broadcast %and3A_412 : i32 to vector<16xi32>
    %and3A_414 = arith.andi %sub3A_405, %and3A_413 : vector<16xi32>
    %jit3A_415 = arith.constant 0 : i32
    %broadcast_in_dim3A_416 = vector.broadcast %jit3A_415 : i32 to vector<16xi32>
    %select_n3A_417 = arith.select %lt3A_398, %and3A_414, %broadcast_in_dim3A_416 : vector<16xi1>, vector<16xi32>
    %swap3A_418 = arith.constant 80 : index
    %swap3A_419 = tpu.vector_load %arg8[%swap3A_418] {strides = array<i32>} : memref<512xi32, #tpu.memory_space<vmem>>, vector<16xi32>,
    tpu.vector_store %arg8[%swap3A_418], %select_n3A_395 {strides = array<i32>} : memref<512xi32, #tpu.memory_space<vmem>>, vector<16xi32>,
    %swap3A_420 = arith.constant 80 : index
    %swap3A_421 = tpu.vector_load %arg10[%swap3A_420] {strides = array<i32>} : memref<512xi32, #tpu.memory_space<vmem>>, vector<16xi32>,
    tpu.vector_store %arg10[%swap3A_420], %select_n3A_417 {strides = array<i32>} : memref<512xi32, #tpu.memory_space<vmem>>, vector<16xi32>,
    %reduce_max3A_422 = arith.constant true
    %reduce_max3A_423 = vector.broadcast %reduce_max3A_422 : i1 to vector<16xi1>
    %reduce_max3A_424 = arith.constant -2147483648 : i32
    %reduce_max3A_425 = vector.broadcast %reduce_max3A_424 : i32 to vector<16xi32>
    %reduce_max3A_426 = arith.xori %masked_cumsum3A_402, %reduce_max3A_425 : vector<16xi32>
    %reduce_max3A_427 = tpu.scan <max>, %reduce_max3A_426 masked %reduce_max3A_423 : vector<16xi32>, vector<16xi1> -> vector<16xi32>
    %reduce_max3A_428 = arith.xori %reduce_max3A_427, %reduce_max3A_425 : vector<16xi32>
    %reduce_max3A_429 = vector.extract %reduce_max3A_428[15] : i32 from vector<16xi32>
    %add3A_430 = arith.addi %add3A_367, %reduce_max3A_429 : i32
    %eq3A_431 = arith.constant 5 : i32
    %eq3A_432 = vector.broadcast %eq3A_431 : i32 to vector<16xi32>
    %eq3A_433 = arith.cmpi eq, %iota3A, %eq3A_432 : vector<16xi32>
    %broadcast_in_dim3A_434 = vector.broadcast %add3A_430 : i32 to vector<16xi32>
    %select_n3A_435 = arith.select %eq3A_433, %broadcast_in_dim3A_434, %select_n3A_372 : vector<16xi1>, vector<16xi32>
    %add3A_436 = arith.constant 16 : i32
    %add3A_437 = arith.addi %mul3A_2, %add3A_436 : i32
    %add3A_438 = vector.broadcast %add3A_437 : i32 to vector<16xi32>
    %add3A_439 = arith.addi %add3A_438, %iota3A : vector<16xi32>
    %sub3A_440 = arith.constant 1 : i32
    %sub3A_441 = vector.broadcast %sub3A_440 : i32 to vector<16xi32>
    %sub3A_442 = arith.subi %add3A_439, %sub3A_441 : vector<16xi32>
    %max3A_443 = arith.constant 0 : i32
    %max3A_444 = vector.broadcast %max3A_443 : i32 to vector<16xi32>
    %max3A_445 = arith.maxsi %sub3A_442, %max3A_444 : vector<16xi32>
    %add3A_446 = arith.constant 8190 : i32
    %add3A_447 = vector.broadcast %add3A_446 : i32 to vector<16xi32>
    %add3A_448 = arith.addi %add3A_447, %max3A_445 : vector<16xi32>
    %gather3A_449 = tpu.vector_load_idx %arg7[%add3A_448] : memref<16380xi32, #tpu.memory_space<vmem>>[vector<16xi32>], vector<16xi32>,
    %eq3A_450 = arith.constant 0 : i32
    %eq3A_451 = vector.broadcast %eq3A_450 : i32 to vector<16xi32>
    %eq3A_452 = arith.cmpi eq, %add3A_439, %eq3A_451 : vector<16xi32>
    %add3A_453 = arith.constant 1 : i32
    %add3A_454 = vector.broadcast %add3A_453 : i32 to vector<16xi32>
    %add3A_455 = arith.addi %gather3A_449, %add3A_454 : vector<16xi32>
    %jit3A_456 = arith.constant 0 : i32
    %broadcast_in_dim3A_457 = vector.broadcast %jit3A_456 : i32 to vector<16xi32>
    %select_n3A_458 = arith.select %eq3A_452, %broadcast_in_dim3A_457, %add3A_455 : vector<16xi1>, vector<16xi32>
    %lt3A_459 = arith.constant 2048 : i32
    %lt3A_460 = vector.broadcast %lt3A_459 : i32 to vector<16xi32>
    %lt3A_461 = arith.cmpi slt, %select_n3A_458, %lt3A_460 : vector<16xi32>
    %convert_element_type3A_462 = arith.extui %lt3A_461 : vector<16xi1> to vector<16xi32>
    %broadcast_in_dim3A_463 = arith.constant true
    %broadcast_in_dim3A_464 = vector.broadcast %broadcast_in_dim3A_463 : i1 to vector<16xi1>
    %masked_cumsum3A_465 = tpu.scan <sum>, %convert_element_type3A_462 masked %broadcast_in_dim3A_464 : vector<16xi32>, vector<16xi1> -> vector<16xi32>
    %add3A_466 = vector.broadcast %add3A_430 : i32 to vector<16xi32>
    %add3A_467 = arith.addi %add3A_466, %masked_cumsum3A_465 : vector<16xi32>
    %sub3A_468 = arith.subi %add3A_467, %convert_element_type3A_462 : vector<16xi32>
    %jit3A_469 = arith.constant 0 : i32
    %broadcast_in_dim3A_470 = vector.broadcast %jit3A_469 : i32 to vector<16xi32>
    %select_n3A_471 = arith.select %lt3A_461, %select_n3A_458, %broadcast_in_dim3A_470 : vector<16xi1>, vector<16xi32>
    %add3A_472 = arith.constant 4096 : i32
    %add3A_473 = vector.broadcast %add3A_472 : i32 to vector<16xi32>
    %add3A_474 = arith.addi %add3A_473, %select_n3A_471 : vector<16xi32>
    tpu.vector_store_idx %arg9[%sub3A_468], %add3A_474 masked %lt3A_461 : memref<512xi32, #tpu.memory_space<vmem>>[vector<16xi32>], vector<16xi32>, vector<16xi1>
    %and3A_475 = arith.constant 63 : i32
    %and3A_476 = vector.broadcast %and3A_475 : i32 to vector<16xi32>
    %and3A_477 = arith.andi %sub3A_468, %and3A_476 : vector<16xi32>
    %jit3A_478 = arith.constant 0 : i32
    %broadcast_in_dim3A_479 = vector.broadcast %jit3A_478 : i32 to vector<16xi32>
    %select_n3A_480 = arith.select %lt3A_461, %and3A_477, %broadcast_in_dim3A_479 : vector<16xi1>, vector<16xi32>
    %swap3A_481 = arith.constant 96 : index
    %swap3A_482 = tpu.vector_load %arg8[%swap3A_481] {strides = array<i32>} : memref<512xi32, #tpu.memory_space<vmem>>, vector<16xi32>,
    tpu.vector_store %arg8[%swap3A_481], %select_n3A_458 {strides = array<i32>} : memref<512xi32, #tpu.memory_space<vmem>>, vector<16xi32>,
    %swap3A_483 = arith.constant 96 : index
    %swap3A_484 = tpu.vector_load %arg10[%swap3A_483] {strides = array<i32>} : memref<512xi32, #tpu.memory_space<vmem>>, vector<16xi32>,
    tpu.vector_store %arg10[%swap3A_483], %select_n3A_480 {strides = array<i32>} : memref<512xi32, #tpu.memory_space<vmem>>, vector<16xi32>,
    %reduce_max3A_485 = arith.constant true
    %reduce_max3A_486 = vector.broadcast %reduce_max3A_485 : i1 to vector<16xi1>
    %reduce_max3A_487 = arith.constant -2147483648 : i32
    %reduce_max3A_488 = vector.broadcast %reduce_max3A_487 : i32 to vector<16xi32>
    %reduce_max3A_489 = arith.xori %masked_cumsum3A_465, %reduce_max3A_488 : vector<16xi32>
    %reduce_max3A_490 = tpu.scan <max>, %reduce_max3A_489 masked %reduce_max3A_486 : vector<16xi32>, vector<16xi1> -> vector<16xi32>
    %reduce_max3A_491 = arith.xori %reduce_max3A_490, %reduce_max3A_488 : vector<16xi32>
    %reduce_max3A_492 = vector.extract %reduce_max3A_491[15] : i32 from vector<16xi32>
    %add3A_493 = arith.addi %add3A_430, %reduce_max3A_492 : i32
    %eq3A_494 = arith.constant 6 : i32
    %eq3A_495 = vector.broadcast %eq3A_494 : i32 to vector<16xi32>
    %eq3A_496 = arith.cmpi eq, %iota3A, %eq3A_495 : vector<16xi32>
    %broadcast_in_dim3A_497 = vector.broadcast %add3A_493 : i32 to vector<16xi32>
    %select_n3A_498 = arith.select %eq3A_496, %broadcast_in_dim3A_497, %select_n3A_435 : vector<16xi1>, vector<16xi32>
    %add3A_499 = arith.constant 16 : i32
    %add3A_500 = arith.addi %mul3A_2, %add3A_499 : i32
    %add3A_501 = vector.broadcast %add3A_500 : i32 to vector<16xi32>
    %add3A_502 = arith.addi %add3A_501, %iota3A : vector<16xi32>
    %sub3A_503 = arith.constant 1 : i32
    %sub3A_504 = vector.broadcast %sub3A_503 : i32 to vector<16xi32>
    %sub3A_505 = arith.subi %add3A_502, %sub3A_504 : vector<16xi32>
    %max3A_506 = arith.constant 0 : i32
    %max3A_507 = vector.broadcast %max3A_506 : i32 to vector<16xi32>
    %max3A_508 = arith.maxsi %sub3A_505, %max3A_507 : vector<16xi32>
    %add3A_509 = arith.constant 12285 : i32
    %add3A_510 = vector.broadcast %add3A_509 : i32 to vector<16xi32>
    %add3A_511 = arith.addi %add3A_510, %max3A_508 : vector<16xi32>
    %gather3A_512 = tpu.vector_load_idx %arg7[%add3A_511] : memref<16380xi32, #tpu.memory_space<vmem>>[vector<16xi32>], vector<16xi32>,
    %eq3A_513 = arith.constant 0 : i32
    %eq3A_514 = vector.broadcast %eq3A_513 : i32 to vector<16xi32>
    %eq3A_515 = arith.cmpi eq, %add3A_502, %eq3A_514 : vector<16xi32>
    %add3A_516 = arith.constant 1 : i32
    %add3A_517 = vector.broadcast %add3A_516 : i32 to vector<16xi32>
    %add3A_518 = arith.addi %gather3A_512, %add3A_517 : vector<16xi32>
    %jit3A_519 = arith.constant 0 : i32
    %broadcast_in_dim3A_520 = vector.broadcast %jit3A_519 : i32 to vector<16xi32>
    %select_n3A_521 = arith.select %eq3A_515, %broadcast_in_dim3A_520, %add3A_518 : vector<16xi1>, vector<16xi32>
    %lt3A_522 = arith.constant 2048 : i32
    %lt3A_523 = vector.broadcast %lt3A_522 : i32 to vector<16xi32>
    %lt3A_524 = arith.cmpi slt, %select_n3A_521, %lt3A_523 : vector<16xi32>
    %convert_element_type3A_525 = arith.extui %lt3A_524 : vector<16xi1> to vector<16xi32>
    %broadcast_in_dim3A_526 = arith.constant true
    %broadcast_in_dim3A_527 = vector.broadcast %broadcast_in_dim3A_526 : i1 to vector<16xi1>
    %masked_cumsum3A_528 = tpu.scan <sum>, %convert_element_type3A_525 masked %broadcast_in_dim3A_527 : vector<16xi32>, vector<16xi1> -> vector<16xi32>
    %add3A_529 = vector.broadcast %add3A_493 : i32 to vector<16xi32>
    %add3A_530 = arith.addi %add3A_529, %masked_cumsum3A_528 : vector<16xi32>
    %sub3A_531 = arith.subi %add3A_530, %convert_element_type3A_525 : vector<16xi32>
    %jit3A_532 = arith.constant 0 : i32
    %broadcast_in_dim3A_533 = vector.broadcast %jit3A_532 : i32 to vector<16xi32>
    %select_n3A_534 = arith.select %lt3A_524, %select_n3A_521, %broadcast_in_dim3A_533 : vector<16xi1>, vector<16xi32>
    %add3A_535 = arith.constant 6144 : i32
    %add3A_536 = vector.broadcast %add3A_535 : i32 to vector<16xi32>
    %add3A_537 = arith.addi %add3A_536, %select_n3A_534 : vector<16xi32>
    tpu.vector_store_idx %arg9[%sub3A_531], %add3A_537 masked %lt3A_524 : memref<512xi32, #tpu.memory_space<vmem>>[vector<16xi32>], vector<16xi32>, vector<16xi1>
    %and3A_538 = arith.constant 63 : i32
    %and3A_539 = vector.broadcast %and3A_538 : i32 to vector<16xi32>
    %and3A_540 = arith.andi %sub3A_531, %and3A_539 : vector<16xi32>
    %jit3A_541 = arith.constant 0 : i32
    %broadcast_in_dim3A_542 = vector.broadcast %jit3A_541 : i32 to vector<16xi32>
    %select_n3A_543 = arith.select %lt3A_524, %and3A_540, %broadcast_in_dim3A_542 : vector<16xi1>, vector<16xi32>
    %swap3A_544 = arith.constant 112 : index
    %swap3A_545 = tpu.vector_load %arg8[%swap3A_544] {strides = array<i32>} : memref<512xi32, #tpu.memory_space<vmem>>, vector<16xi32>,
    tpu.vector_store %arg8[%swap3A_544], %select_n3A_521 {strides = array<i32>} : memref<512xi32, #tpu.memory_space<vmem>>, vector<16xi32>,
    %swap3A_546 = arith.constant 112 : index
    %swap3A_547 = tpu.vector_load %arg10[%swap3A_546] {strides = array<i32>} : memref<512xi32, #tpu.memory_space<vmem>>, vector<16xi32>,
    tpu.vector_store %arg10[%swap3A_546], %select_n3A_543 {strides = array<i32>} : memref<512xi32, #tpu.memory_space<vmem>>, vector<16xi32>,
    %reduce_max3A_548 = arith.constant true
    %reduce_max3A_549 = vector.broadcast %reduce_max3A_548 : i1 to vector<16xi1>
    %reduce_max3A_550 = arith.constant -2147483648 : i32
    %reduce_max3A_551 = vector.broadcast %reduce_max3A_550 : i32 to vector<16xi32>
    %reduce_max3A_552 = arith.xori %masked_cumsum3A_528, %reduce_max3A_551 : vector<16xi32>
    %reduce_max3A_553 = tpu.scan <max>, %reduce_max3A_552 masked %reduce_max3A_549 : vector<16xi32>, vector<16xi1> -> vector<16xi32>
    %reduce_max3A_554 = arith.xori %reduce_max3A_553, %reduce_max3A_551 : vector<16xi32>
    %reduce_max3A_555 = vector.extract %reduce_max3A_554[15] : i32 from vector<16xi32>
    %add3A_556 = arith.addi %add3A_493, %reduce_max3A_555 : i32
    %eq3A_557 = arith.constant 7 : i32
    %eq3A_558 = vector.broadcast %eq3A_557 : i32 to vector<16xi32>
    %eq3A_559 = arith.cmpi eq, %iota3A, %eq3A_558 : vector<16xi32>
    %broadcast_in_dim3A_560 = vector.broadcast %add3A_556 : i32 to vector<16xi32>
    %select_n3A_561 = arith.select %eq3A_559, %broadcast_in_dim3A_560, %select_n3A_498 : vector<16xi1>, vector<16xi32>
    %add3A_562 = arith.constant 32 : i32
    %add3A_563 = arith.addi %mul3A_2, %add3A_562 : i32
    %add3A_564 = vector.broadcast %add3A_563 : i32 to vector<16xi32>
    %add3A_565 = arith.addi %add3A_564, %iota3A : vector<16xi32>
    %sub3A_566 = arith.constant 1 : i32
    %sub3A_567 = vector.broadcast %sub3A_566 : i32 to vector<16xi32>
    %sub3A_568 = arith.subi %add3A_565, %sub3A_567 : vector<16xi32>
    %max3A_569 = arith.constant 0 : i32
    %max3A_570 = vector.broadcast %max3A_569 : i32 to vector<16xi32>
    %max3A_571 = arith.maxsi %sub3A_568, %max3A_570 : vector<16xi32>
    %add3A_572 = arith.constant 0 : i32
    %add3A_573 = vector.broadcast %add3A_572 : i32 to vector<16xi32>
    %add3A_574 = arith.addi %add3A_573, %max3A_571 : vector<16xi32>
    %gather3A_575 = tpu.vector_load_idx %arg7[%add3A_574] : memref<16380xi32, #tpu.memory_space<vmem>>[vector<16xi32>], vector<16xi32>,
    %eq3A_576 = arith.constant 0 : i32
    %eq3A_577 = vector.broadcast %eq3A_576 : i32 to vector<16xi32>
    %eq3A_578 = arith.cmpi eq, %add3A_565, %eq3A_577 : vector<16xi32>
    %add3A_579 = arith.constant 1 : i32
    %add3A_580 = vector.broadcast %add3A_579 : i32 to vector<16xi32>
    %add3A_581 = arith.addi %gather3A_575, %add3A_580 : vector<16xi32>
    %jit3A_582 = arith.constant 0 : i32
    %broadcast_in_dim3A_583 = vector.broadcast %jit3A_582 : i32 to vector<16xi32>
    %select_n3A_584 = arith.select %eq3A_578, %broadcast_in_dim3A_583, %add3A_581 : vector<16xi1>, vector<16xi32>
    %lt3A_585 = arith.constant 2048 : i32
    %lt3A_586 = vector.broadcast %lt3A_585 : i32 to vector<16xi32>
    %lt3A_587 = arith.cmpi slt, %select_n3A_584, %lt3A_586 : vector<16xi32>
    %convert_element_type3A_588 = arith.extui %lt3A_587 : vector<16xi1> to vector<16xi32>
    %broadcast_in_dim3A_589 = arith.constant true
    %broadcast_in_dim3A_590 = vector.broadcast %broadcast_in_dim3A_589 : i1 to vector<16xi1>
    %masked_cumsum3A_591 = tpu.scan <sum>, %convert_element_type3A_588 masked %broadcast_in_dim3A_590 : vector<16xi32>, vector<16xi1> -> vector<16xi32>
    %add3A_592 = vector.broadcast %add3A_556 : i32 to vector<16xi32>
    %add3A_593 = arith.addi %add3A_592, %masked_cumsum3A_591 : vector<16xi32>
    %sub3A_594 = arith.subi %add3A_593, %convert_element_type3A_588 : vector<16xi32>
    %jit3A_595 = arith.constant 0 : i32
    %broadcast_in_dim3A_596 = vector.broadcast %jit3A_595 : i32 to vector<16xi32>
    %select_n3A_597 = arith.select %lt3A_587, %select_n3A_584, %broadcast_in_dim3A_596 : vector<16xi1>, vector<16xi32>
    %add3A_598 = arith.constant 0 : i32
    %add3A_599 = vector.broadcast %add3A_598 : i32 to vector<16xi32>
    %add3A_600 = arith.addi %add3A_599, %select_n3A_597 : vector<16xi32>
    tpu.vector_store_idx %arg9[%sub3A_594], %add3A_600 masked %lt3A_587 : memref<512xi32, #tpu.memory_space<vmem>>[vector<16xi32>], vector<16xi32>, vector<16xi1>
    %and3A_601 = arith.constant 63 : i32
    %and3A_602 = vector.broadcast %and3A_601 : i32 to vector<16xi32>
    %and3A_603 = arith.andi %sub3A_594, %and3A_602 : vector<16xi32>
    %jit3A_604 = arith.constant 0 : i32
    %broadcast_in_dim3A_605 = vector.broadcast %jit3A_604 : i32 to vector<16xi32>
    %select_n3A_606 = arith.select %lt3A_587, %and3A_603, %broadcast_in_dim3A_605 : vector<16xi1>, vector<16xi32>
    %swap3A_607 = arith.constant 128 : index
    %swap3A_608 = tpu.vector_load %arg8[%swap3A_607] {strides = array<i32>} : memref<512xi32, #tpu.memory_space<vmem>>, vector<16xi32>,
    tpu.vector_store %arg8[%swap3A_607], %select_n3A_584 {strides = array<i32>} : memref<512xi32, #tpu.memory_space<vmem>>, vector<16xi32>,
    %swap3A_609 = arith.constant 128 : index
    %swap3A_610 = tpu.vector_load %arg10[%swap3A_609] {strides = array<i32>} : memref<512xi32, #tpu.memory_space<vmem>>, vector<16xi32>,
    tpu.vector_store %arg10[%swap3A_609], %select_n3A_606 {strides = array<i32>} : memref<512xi32, #tpu.memory_space<vmem>>, vector<16xi32>,
    %reduce_max3A_611 = arith.constant true
    %reduce_max3A_612 = vector.broadcast %reduce_max3A_611 : i1 to vector<16xi1>
    %reduce_max3A_613 = arith.constant -2147483648 : i32
    %reduce_max3A_614 = vector.broadcast %reduce_max3A_613 : i32 to vector<16xi32>
    %reduce_max3A_615 = arith.xori %masked_cumsum3A_591, %reduce_max3A_614 : vector<16xi32>
    %reduce_max3A_616 = tpu.scan <max>, %reduce_max3A_615 masked %reduce_max3A_612 : vector<16xi32>, vector<16xi1> -> vector<16xi32>
    %reduce_max3A_617 = arith.xori %reduce_max3A_616, %reduce_max3A_614 : vector<16xi32>
    %reduce_max3A_618 = vector.extract %reduce_max3A_617[15] : i32 from vector<16xi32>
    %add3A_619 = arith.addi %add3A_556, %reduce_max3A_618 : i32
    %eq3A_620 = arith.constant 8 : i32
    %eq3A_621 = vector.broadcast %eq3A_620 : i32 to vector<16xi32>
    %eq3A_622 = arith.cmpi eq, %iota3A, %eq3A_621 : vector<16xi32>
    %broadcast_in_dim3A_623 = vector.broadcast %add3A_619 : i32 to vector<16xi32>
    %select_n3A_624 = arith.select %eq3A_622, %broadcast_in_dim3A_623, %select_n3A_561 : vector<16xi1>, vector<16xi32>
    %add3A_625 = arith.constant 32 : i32
    %add3A_626 = arith.addi %mul3A_2, %add3A_625 : i32
    %add3A_627 = vector.broadcast %add3A_626 : i32 to vector<16xi32>
    %add3A_628 = arith.addi %add3A_627, %iota3A : vector<16xi32>
    %sub3A_629 = arith.constant 1 : i32
    %sub3A_630 = vector.broadcast %sub3A_629 : i32 to vector<16xi32>
    %sub3A_631 = arith.subi %add3A_628, %sub3A_630 : vector<16xi32>
    %max3A_632 = arith.constant 0 : i32
    %max3A_633 = vector.broadcast %max3A_632 : i32 to vector<16xi32>
    %max3A_634 = arith.maxsi %sub3A_631, %max3A_633 : vector<16xi32>
    %add3A_635 = arith.constant 4095 : i32
    %add3A_636 = vector.broadcast %add3A_635 : i32 to vector<16xi32>
    %add3A_637 = arith.addi %add3A_636, %max3A_634 : vector<16xi32>
    %gather3A_638 = tpu.vector_load_idx %arg7[%add3A_637] : memref<16380xi32, #tpu.memory_space<vmem>>[vector<16xi32>], vector<16xi32>,
    %eq3A_639 = arith.constant 0 : i32
    %eq3A_640 = vector.broadcast %eq3A_639 : i32 to vector<16xi32>
    %eq3A_641 = arith.cmpi eq, %add3A_628, %eq3A_640 : vector<16xi32>
    %add3A_642 = arith.constant 1 : i32
    %add3A_643 = vector.broadcast %add3A_642 : i32 to vector<16xi32>
    %add3A_644 = arith.addi %gather3A_638, %add3A_643 : vector<16xi32>
    %jit3A_645 = arith.constant 0 : i32
    %broadcast_in_dim3A_646 = vector.broadcast %jit3A_645 : i32 to vector<16xi32>
    %select_n3A_647 = arith.select %eq3A_641, %broadcast_in_dim3A_646, %add3A_644 : vector<16xi1>, vector<16xi32>
    %lt3A_648 = arith.constant 2048 : i32
    %lt3A_649 = vector.broadcast %lt3A_648 : i32 to vector<16xi32>
    %lt3A_650 = arith.cmpi slt, %select_n3A_647, %lt3A_649 : vector<16xi32>
    %convert_element_type3A_651 = arith.extui %lt3A_650 : vector<16xi1> to vector<16xi32>
    %broadcast_in_dim3A_652 = arith.constant true
    %broadcast_in_dim3A_653 = vector.broadcast %broadcast_in_dim3A_652 : i1 to vector<16xi1>
    %masked_cumsum3A_654 = tpu.scan <sum>, %convert_element_type3A_651 masked %broadcast_in_dim3A_653 : vector<16xi32>, vector<16xi1> -> vector<16xi32>
    %add3A_655 = vector.broadcast %add3A_619 : i32 to vector<16xi32>
    %add3A_656 = arith.addi %add3A_655, %masked_cumsum3A_654 : vector<16xi32>
    %sub3A_657 = arith.subi %add3A_656, %convert_element_type3A_651 : vector<16xi32>
    %jit3A_658 = arith.constant 0 : i32
    %broadcast_in_dim3A_659 = vector.broadcast %jit3A_658 : i32 to vector<16xi32>
    %select_n3A_660 = arith.select %lt3A_650, %select_n3A_647, %broadcast_in_dim3A_659 : vector<16xi1>, vector<16xi32>
    %add3A_661 = arith.constant 2048 : i32
    %add3A_662 = vector.broadcast %add3A_661 : i32 to vector<16xi32>
    %add3A_663 = arith.addi %add3A_662, %select_n3A_660 : vector<16xi32>
    tpu.vector_store_idx %arg9[%sub3A_657], %add3A_663 masked %lt3A_650 : memref<512xi32, #tpu.memory_space<vmem>>[vector<16xi32>], vector<16xi32>, vector<16xi1>
    %and3A_664 = arith.constant 63 : i32
    %and3A_665 = vector.broadcast %and3A_664 : i32 to vector<16xi32>
    %and3A_666 = arith.andi %sub3A_657, %and3A_665 : vector<16xi32>
    %jit3A_667 = arith.constant 0 : i32
    %broadcast_in_dim3A_668 = vector.broadcast %jit3A_667 : i32 to vector<16xi32>
    %select_n3A_669 = arith.select %lt3A_650, %and3A_666, %broadcast_in_dim3A_668 : vector<16xi1>, vector<16xi32>
    %swap3A_670 = arith.constant 144 : index
    %swap3A_671 = tpu.vector_load %arg8[%swap3A_670] {strides = array<i32>} : memref<512xi32, #tpu.memory_space<vmem>>, vector<16xi32>,
    tpu.vector_store %arg8[%swap3A_670], %select_n3A_647 {strides = array<i32>} : memref<512xi32, #tpu.memory_space<vmem>>, vector<16xi32>,
    %swap3A_672 = arith.constant 144 : index
    %swap3A_673 = tpu.vector_load %arg10[%swap3A_672] {strides = array<i32>} : memref<512xi32, #tpu.memory_space<vmem>>, vector<16xi32>,
    tpu.vector_store %arg10[%swap3A_672], %select_n3A_669 {strides = array<i32>} : memref<512xi32, #tpu.memory_space<vmem>>, vector<16xi32>,
    %reduce_max3A_674 = arith.constant true
    %reduce_max3A_675 = vector.broadcast %reduce_max3A_674 : i1 to vector<16xi1>
    %reduce_max3A_676 = arith.constant -2147483648 : i32
    %reduce_max3A_677 = vector.broadcast %reduce_max3A_676 : i32 to vector<16xi32>
    %reduce_max3A_678 = arith.xori %masked_cumsum3A_654, %reduce_max3A_677 : vector<16xi32>
    %reduce_max3A_679 = tpu.scan <max>, %reduce_max3A_678 masked %reduce_max3A_675 : vector<16xi32>, vector<16xi1> -> vector<16xi32>
    %reduce_max3A_680 = arith.xori %reduce_max3A_679, %reduce_max3A_677 : vector<16xi32>
    %reduce_max3A_681 = vector.extract %reduce_max3A_680[15] : i32 from vector<16xi32>
    %add3A_682 = arith.addi %add3A_619, %reduce_max3A_681 : i32
    %eq3A_683 = arith.constant 9 : i32
    %eq3A_684 = vector.broadcast %eq3A_683 : i32 to vector<16xi32>
    %eq3A_685 = arith.cmpi eq, %iota3A, %eq3A_684 : vector<16xi32>
    %broadcast_in_dim3A_686 = vector.broadcast %add3A_682 : i32 to vector<16xi32>
    %select_n3A_687 = arith.select %eq3A_685, %broadcast_in_dim3A_686, %select_n3A_624 : vector<16xi1>, vector<16xi32>
    %add3A_688 = arith.constant 32 : i32
    %add3A_689 = arith.addi %mul3A_2, %add3A_688 : i32
    %add3A_690 = vector.broadcast %add3A_689 : i32 to vector<16xi32>
    %add3A_691 = arith.addi %add3A_690, %iota3A : vector<16xi32>
    %sub3A_692 = arith.constant 1 : i32
    %sub3A_693 = vector.broadcast %sub3A_692 : i32 to vector<16xi32>
    %sub3A_694 = arith.subi %add3A_691, %sub3A_693 : vector<16xi32>
    %max3A_695 = arith.constant 0 : i32
    %max3A_696 = vector.broadcast %max3A_695 : i32 to vector<16xi32>
    %max3A_697 = arith.maxsi %sub3A_694, %max3A_696 : vector<16xi32>
    %add3A_698 = arith.constant 8190 : i32
    %add3A_699 = vector.broadcast %add3A_698 : i32 to vector<16xi32>
    %add3A_700 = arith.addi %add3A_699, %max3A_697 : vector<16xi32>
    %gather3A_701 = tpu.vector_load_idx %arg7[%add3A_700] : memref<16380xi32, #tpu.memory_space<vmem>>[vector<16xi32>], vector<16xi32>,
    %eq3A_702 = arith.constant 0 : i32
    %eq3A_703 = vector.broadcast %eq3A_702 : i32 to vector<16xi32>
    %eq3A_704 = arith.cmpi eq, %add3A_691, %eq3A_703 : vector<16xi32>
    %add3A_705 = arith.constant 1 : i32
    %add3A_706 = vector.broadcast %add3A_705 : i32 to vector<16xi32>
    %add3A_707 = arith.addi %gather3A_701, %add3A_706 : vector<16xi32>
    %jit3A_708 = arith.constant 0 : i32
    %broadcast_in_dim3A_709 = vector.broadcast %jit3A_708 : i32 to vector<16xi32>
    %select_n3A_710 = arith.select %eq3A_704, %broadcast_in_dim3A_709, %add3A_707 : vector<16xi1>, vector<16xi32>
    %lt3A_711 = arith.constant 2048 : i32
    %lt3A_712 = vector.broadcast %lt3A_711 : i32 to vector<16xi32>
    %lt3A_713 = arith.cmpi slt, %select_n3A_710, %lt3A_712 : vector<16xi32>
    %convert_element_type3A_714 = arith.extui %lt3A_713 : vector<16xi1> to vector<16xi32>
    %broadcast_in_dim3A_715 = arith.constant true
    %broadcast_in_dim3A_716 = vector.broadcast %broadcast_in_dim3A_715 : i1 to vector<16xi1>
    %masked_cumsum3A_717 = tpu.scan <sum>, %convert_element_type3A_714 masked %broadcast_in_dim3A_716 : vector<16xi32>, vector<16xi1> -> vector<16xi32>
    %add3A_718 = vector.broadcast %add3A_682 : i32 to vector<16xi32>
    %add3A_719 = arith.addi %add3A_718, %masked_cumsum3A_717 : vector<16xi32>
    %sub3A_720 = arith.subi %add3A_719, %convert_element_type3A_714 : vector<16xi32>
    %jit3A_721 = arith.constant 0 : i32
    %broadcast_in_dim3A_722 = vector.broadcast %jit3A_721 : i32 to vector<16xi32>
    %select_n3A_723 = arith.select %lt3A_713, %select_n3A_710, %broadcast_in_dim3A_722 : vector<16xi1>, vector<16xi32>
    %add3A_724 = arith.constant 4096 : i32
    %add3A_725 = vector.broadcast %add3A_724 : i32 to vector<16xi32>
    %add3A_726 = arith.addi %add3A_725, %select_n3A_723 : vector<16xi32>
    tpu.vector_store_idx %arg9[%sub3A_720], %add3A_726 masked %lt3A_713 : memref<512xi32, #tpu.memory_space<vmem>>[vector<16xi32>], vector<16xi32>, vector<16xi1>
    %and3A_727 = arith.constant 63 : i32
    %and3A_728 = vector.broadcast %and3A_727 : i32 to vector<16xi32>
    %and3A_729 = arith.andi %sub3A_720, %and3A_728 : vector<16xi32>
    %jit3A_730 = arith.constant 0 : i32
    %broadcast_in_dim3A_731 = vector.broadcast %jit3A_730 : i32 to vector<16xi32>
    %select_n3A_732 = arith.select %lt3A_713, %and3A_729, %broadcast_in_dim3A_731 : vector<16xi1>, vector<16xi32>
    %swap3A_733 = arith.constant 160 : index
    %swap3A_734 = tpu.vector_load %arg8[%swap3A_733] {strides = array<i32>} : memref<512xi32, #tpu.memory_space<vmem>>, vector<16xi32>,
    tpu.vector_store %arg8[%swap3A_733], %select_n3A_710 {strides = array<i32>} : memref<512xi32, #tpu.memory_space<vmem>>, vector<16xi32>,
    %swap3A_735 = arith.constant 160 : index
    %swap3A_736 = tpu.vector_load %arg10[%swap3A_735] {strides = array<i32>} : memref<512xi32, #tpu.memory_space<vmem>>, vector<16xi32>,
    tpu.vector_store %arg10[%swap3A_735], %select_n3A_732 {strides = array<i32>} : memref<512xi32, #tpu.memory_space<vmem>>, vector<16xi32>,
    %reduce_max3A_737 = arith.constant true
    %reduce_max3A_738 = vector.broadcast %reduce_max3A_737 : i1 to vector<16xi1>
    %reduce_max3A_739 = arith.constant -2147483648 : i32
    %reduce_max3A_740 = vector.broadcast %reduce_max3A_739 : i32 to vector<16xi32>
    %reduce_max3A_741 = arith.xori %masked_cumsum3A_717, %reduce_max3A_740 : vector<16xi32>
    %reduce_max3A_742 = tpu.scan <max>, %reduce_max3A_741 masked %reduce_max3A_738 : vector<16xi32>, vector<16xi1> -> vector<16xi32>
    %reduce_max3A_743 = arith.xori %reduce_max3A_742, %reduce_max3A_740 : vector<16xi32>
    %reduce_max3A_744 = vector.extract %reduce_max3A_743[15] : i32 from vector<16xi32>
    %add3A_745 = arith.addi %add3A_682, %reduce_max3A_744 : i32
    %eq3A_746 = arith.constant 10 : i32
    %eq3A_747 = vector.broadcast %eq3A_746 : i32 to vector<16xi32>
    %eq3A_748 = arith.cmpi eq, %iota3A, %eq3A_747 : vector<16xi32>
    %broadcast_in_dim3A_749 = vector.broadcast %add3A_745 : i32 to vector<16xi32>
    %select_n3A_750 = arith.select %eq3A_748, %broadcast_in_dim3A_749, %select_n3A_687 : vector<16xi1>, vector<16xi32>
    %add3A_751 = arith.constant 32 : i32
    %add3A_752 = arith.addi %mul3A_2, %add3A_751 : i32
    %add3A_753 = vector.broadcast %add3A_752 : i32 to vector<16xi32>
    %add3A_754 = arith.addi %add3A_753, %iota3A : vector<16xi32>
    %sub3A_755 = arith.constant 1 : i32
    %sub3A_756 = vector.broadcast %sub3A_755 : i32 to vector<16xi32>
    %sub3A_757 = arith.subi %add3A_754, %sub3A_756 : vector<16xi32>
    %max3A_758 = arith.constant 0 : i32
    %max3A_759 = vector.broadcast %max3A_758 : i32 to vector<16xi32>
    %max3A_760 = arith.maxsi %sub3A_757, %max3A_759 : vector<16xi32>
    %add3A_761 = arith.constant 12285 : i32
    %add3A_762 = vector.broadcast %add3A_761 : i32 to vector<16xi32>
    %add3A_763 = arith.addi %add3A_762, %max3A_760 : vector<16xi32>
    %gather3A_764 = tpu.vector_load_idx %arg7[%add3A_763] : memref<16380xi32, #tpu.memory_space<vmem>>[vector<16xi32>], vector<16xi32>,
    %eq3A_765 = arith.constant 0 : i32
    %eq3A_766 = vector.broadcast %eq3A_765 : i32 to vector<16xi32>
    %eq3A_767 = arith.cmpi eq, %add3A_754, %eq3A_766 : vector<16xi32>
    %add3A_768 = arith.constant 1 : i32
    %add3A_769 = vector.broadcast %add3A_768 : i32 to vector<16xi32>
    %add3A_770 = arith.addi %gather3A_764, %add3A_769 : vector<16xi32>
    %jit3A_771 = arith.constant 0 : i32
    %broadcast_in_dim3A_772 = vector.broadcast %jit3A_771 : i32 to vector<16xi32>
    %select_n3A_773 = arith.select %eq3A_767, %broadcast_in_dim3A_772, %add3A_770 : vector<16xi1>, vector<16xi32>
    %lt3A_774 = arith.constant 2048 : i32
    %lt3A_775 = vector.broadcast %lt3A_774 : i32 to vector<16xi32>
    %lt3A_776 = arith.cmpi slt, %select_n3A_773, %lt3A_775 : vector<16xi32>
    %convert_element_type3A_777 = arith.extui %lt3A_776 : vector<16xi1> to vector<16xi32>
    %broadcast_in_dim3A_778 = arith.constant true
    %broadcast_in_dim3A_779 = vector.broadcast %broadcast_in_dim3A_778 : i1 to vector<16xi1>
    %masked_cumsum3A_780 = tpu.scan <sum>, %convert_element_type3A_777 masked %broadcast_in_dim3A_779 : vector<16xi32>, vector<16xi1> -> vector<16xi32>
    %add3A_781 = vector.broadcast %add3A_745 : i32 to vector<16xi32>
    %add3A_782 = arith.addi %add3A_781, %masked_cumsum3A_780 : vector<16xi32>
    %sub3A_783 = arith.subi %add3A_782, %convert_element_type3A_777 : vector<16xi32>
    %jit3A_784 = arith.constant 0 : i32
    %broadcast_in_dim3A_785 = vector.broadcast %jit3A_784 : i32 to vector<16xi32>
    %select_n3A_786 = arith.select %lt3A_776, %select_n3A_773, %broadcast_in_dim3A_785 : vector<16xi1>, vector<16xi32>
    %add3A_787 = arith.constant 6144 : i32
    %add3A_788 = vector.broadcast %add3A_787 : i32 to vector<16xi32>
    %add3A_789 = arith.addi %add3A_788, %select_n3A_786 : vector<16xi32>
    tpu.vector_store_idx %arg9[%sub3A_783], %add3A_789 masked %lt3A_776 : memref<512xi32, #tpu.memory_space<vmem>>[vector<16xi32>], vector<16xi32>, vector<16xi1>
    %and3A_790 = arith.constant 63 : i32
    %and3A_791 = vector.broadcast %and3A_790 : i32 to vector<16xi32>
    %and3A_792 = arith.andi %sub3A_783, %and3A_791 : vector<16xi32>
    %jit3A_793 = arith.constant 0 : i32
    %broadcast_in_dim3A_794 = vector.broadcast %jit3A_793 : i32 to vector<16xi32>
    %select_n3A_795 = arith.select %lt3A_776, %and3A_792, %broadcast_in_dim3A_794 : vector<16xi1>, vector<16xi32>
    %swap3A_796 = arith.constant 176 : index
    %swap3A_797 = tpu.vector_load %arg8[%swap3A_796] {strides = array<i32>} : memref<512xi32, #tpu.memory_space<vmem>>, vector<16xi32>,
    tpu.vector_store %arg8[%swap3A_796], %select_n3A_773 {strides = array<i32>} : memref<512xi32, #tpu.memory_space<vmem>>, vector<16xi32>,
    %swap3A_798 = arith.constant 176 : index
    %swap3A_799 = tpu.vector_load %arg10[%swap3A_798] {strides = array<i32>} : memref<512xi32, #tpu.memory_space<vmem>>, vector<16xi32>,
    tpu.vector_store %arg10[%swap3A_798], %select_n3A_795 {strides = array<i32>} : memref<512xi32, #tpu.memory_space<vmem>>, vector<16xi32>,
    %reduce_max3A_800 = arith.constant true
    %reduce_max3A_801 = vector.broadcast %reduce_max3A_800 : i1 to vector<16xi1>
    %reduce_max3A_802 = arith.constant -2147483648 : i32
    %reduce_max3A_803 = vector.broadcast %reduce_max3A_802 : i32 to vector<16xi32>
    %reduce_max3A_804 = arith.xori %masked_cumsum3A_780, %reduce_max3A_803 : vector<16xi32>
    %reduce_max3A_805 = tpu.scan <max>, %reduce_max3A_804 masked %reduce_max3A_801 : vector<16xi32>, vector<16xi1> -> vector<16xi32>
    %reduce_max3A_806 = arith.xori %reduce_max3A_805, %reduce_max3A_803 : vector<16xi32>
    %reduce_max3A_807 = vector.extract %reduce_max3A_806[15] : i32 from vector<16xi32>
    %add3A_808 = arith.addi %add3A_745, %reduce_max3A_807 : i32
    %eq3A_809 = arith.constant 11 : i32
    %eq3A_810 = vector.broadcast %eq3A_809 : i32 to vector<16xi32>
    %eq3A_811 = arith.cmpi eq, %iota3A, %eq3A_810 : vector<16xi32>
    %broadcast_in_dim3A_812 = vector.broadcast %add3A_808 : i32 to vector<16xi32>
    %select_n3A_813 = arith.select %eq3A_811, %broadcast_in_dim3A_812, %select_n3A_750 : vector<16xi1>, vector<16xi32>
    %add3A_814 = arith.constant 48 : i32
    %add3A_815 = arith.addi %mul3A_2, %add3A_814 : i32
    %add3A_816 = vector.broadcast %add3A_815 : i32 to vector<16xi32>
    %add3A_817 = arith.addi %add3A_816, %iota3A : vector<16xi32>
    %sub3A_818 = arith.constant 1 : i32
    %sub3A_819 = vector.broadcast %sub3A_818 : i32 to vector<16xi32>
    %sub3A_820 = arith.subi %add3A_817, %sub3A_819 : vector<16xi32>
    %max3A_821 = arith.constant 0 : i32
    %max3A_822 = vector.broadcast %max3A_821 : i32 to vector<16xi32>
    %max3A_823 = arith.maxsi %sub3A_820, %max3A_822 : vector<16xi32>
    %add3A_824 = arith.constant 0 : i32
    %add3A_825 = vector.broadcast %add3A_824 : i32 to vector<16xi32>
    %add3A_826 = arith.addi %add3A_825, %max3A_823 : vector<16xi32>
    %gather3A_827 = tpu.vector_load_idx %arg7[%add3A_826] : memref<16380xi32, #tpu.memory_space<vmem>>[vector<16xi32>], vector<16xi32>,
    %eq3A_828 = arith.constant 0 : i32
    %eq3A_829 = vector.broadcast %eq3A_828 : i32 to vector<16xi32>
    %eq3A_830 = arith.cmpi eq, %add3A_817, %eq3A_829 : vector<16xi32>
    %add3A_831 = arith.constant 1 : i32
    %add3A_832 = vector.broadcast %add3A_831 : i32 to vector<16xi32>
    %add3A_833 = arith.addi %gather3A_827, %add3A_832 : vector<16xi32>
    %jit3A_834 = arith.constant 0 : i32
    %broadcast_in_dim3A_835 = vector.broadcast %jit3A_834 : i32 to vector<16xi32>
    %select_n3A_836 = arith.select %eq3A_830, %broadcast_in_dim3A_835, %add3A_833 : vector<16xi1>, vector<16xi32>
    %lt3A_837 = arith.constant 2048 : i32
    %lt3A_838 = vector.broadcast %lt3A_837 : i32 to vector<16xi32>
    %lt3A_839 = arith.cmpi slt, %select_n3A_836, %lt3A_838 : vector<16xi32>
    %convert_element_type3A_840 = arith.extui %lt3A_839 : vector<16xi1> to vector<16xi32>
    %broadcast_in_dim3A_841 = arith.constant true
    %broadcast_in_dim3A_842 = vector.broadcast %broadcast_in_dim3A_841 : i1 to vector<16xi1>
    %masked_cumsum3A_843 = tpu.scan <sum>, %convert_element_type3A_840 masked %broadcast_in_dim3A_842 : vector<16xi32>, vector<16xi1> -> vector<16xi32>
    %add3A_844 = vector.broadcast %add3A_808 : i32 to vector<16xi32>
    %add3A_845 = arith.addi %add3A_844, %masked_cumsum3A_843 : vector<16xi32>
    %sub3A_846 = arith.subi %add3A_845, %convert_element_type3A_840 : vector<16xi32>
    %jit3A_847 = arith.constant 0 : i32
    %broadcast_in_dim3A_848 = vector.broadcast %jit3A_847 : i32 to vector<16xi32>
    %select_n3A_849 = arith.select %lt3A_839, %select_n3A_836, %broadcast_in_dim3A_848 : vector<16xi1>, vector<16xi32>
    %add3A_850 = arith.constant 0 : i32
    %add3A_851 = vector.broadcast %add3A_850 : i32 to vector<16xi32>
    %add3A_852 = arith.addi %add3A_851, %select_n3A_849 : vector<16xi32>
    tpu.vector_store_idx %arg9[%sub3A_846], %add3A_852 masked %lt3A_839 : memref<512xi32, #tpu.memory_space<vmem>>[vector<16xi32>], vector<16xi32>, vector<16xi1>
    %and3A_853 = arith.constant 63 : i32
    %and3A_854 = vector.broadcast %and3A_853 : i32 to vector<16xi32>
    %and3A_855 = arith.andi %sub3A_846, %and3A_854 : vector<16xi32>
    %jit3A_856 = arith.constant 0 : i32
    %broadcast_in_dim3A_857 = vector.broadcast %jit3A_856 : i32 to vector<16xi32>
    %select_n3A_858 = arith.select %lt3A_839, %and3A_855, %broadcast_in_dim3A_857 : vector<16xi1>, vector<16xi32>
    %swap3A_859 = arith.constant 192 : index
    %swap3A_860 = tpu.vector_load %arg8[%swap3A_859] {strides = array<i32>} : memref<512xi32, #tpu.memory_space<vmem>>, vector<16xi32>,
    tpu.vector_store %arg8[%swap3A_859], %select_n3A_836 {strides = array<i32>} : memref<512xi32, #tpu.memory_space<vmem>>, vector<16xi32>,
    %swap3A_861 = arith.constant 192 : index
    %swap3A_862 = tpu.vector_load %arg10[%swap3A_861] {strides = array<i32>} : memref<512xi32, #tpu.memory_space<vmem>>, vector<16xi32>,
    tpu.vector_store %arg10[%swap3A_861], %select_n3A_858 {strides = array<i32>} : memref<512xi32, #tpu.memory_space<vmem>>, vector<16xi32>,
    %reduce_max3A_863 = arith.constant true
    %reduce_max3A_864 = vector.broadcast %reduce_max3A_863 : i1 to vector<16xi1>
    %reduce_max3A_865 = arith.constant -2147483648 : i32
    %reduce_max3A_866 = vector.broadcast %reduce_max3A_865 : i32 to vector<16xi32>
    %reduce_max3A_867 = arith.xori %masked_cumsum3A_843, %reduce_max3A_866 : vector<16xi32>
    %reduce_max3A_868 = tpu.scan <max>, %reduce_max3A_867 masked %reduce_max3A_864 : vector<16xi32>, vector<16xi1> -> vector<16xi32>
    %reduce_max3A_869 = arith.xori %reduce_max3A_868, %reduce_max3A_866 : vector<16xi32>
    %reduce_max3A_870 = vector.extract %reduce_max3A_869[15] : i32 from vector<16xi32>
    %add3A_871 = arith.addi %add3A_808, %reduce_max3A_870 : i32
    %eq3A_872 = arith.constant 12 : i32
    %eq3A_873 = vector.broadcast %eq3A_872 : i32 to vector<16xi32>
    %eq3A_874 = arith.cmpi eq, %iota3A, %eq3A_873 : vector<16xi32>
    %broadcast_in_dim3A_875 = vector.broadcast %add3A_871 : i32 to vector<16xi32>
    %select_n3A_876 = arith.select %eq3A_874, %broadcast_in_dim3A_875, %select_n3A_813 : vector<16xi1>, vector<16xi32>
    %add3A_877 = arith.constant 48 : i32
    %add3A_878 = arith.addi %mul3A_2, %add3A_877 : i32
    %add3A_879 = vector.broadcast %add3A_878 : i32 to vector<16xi32>
    %add3A_880 = arith.addi %add3A_879, %iota3A : vector<16xi32>
    %sub3A_881 = arith.constant 1 : i32
    %sub3A_882 = vector.broadcast %sub3A_881 : i32 to vector<16xi32>
    %sub3A_883 = arith.subi %add3A_880, %sub3A_882 : vector<16xi32>
    %max3A_884 = arith.constant 0 : i32
    %max3A_885 = vector.broadcast %max3A_884 : i32 to vector<16xi32>
    %max3A_886 = arith.maxsi %sub3A_883, %max3A_885 : vector<16xi32>
    %add3A_887 = arith.constant 4095 : i32
    %add3A_888 = vector.broadcast %add3A_887 : i32 to vector<16xi32>
    %add3A_889 = arith.addi %add3A_888, %max3A_886 : vector<16xi32>
    %gather3A_890 = tpu.vector_load_idx %arg7[%add3A_889] : memref<16380xi32, #tpu.memory_space<vmem>>[vector<16xi32>], vector<16xi32>,
    %eq3A_891 = arith.constant 0 : i32
    %eq3A_892 = vector.broadcast %eq3A_891 : i32 to vector<16xi32>
    %eq3A_893 = arith.cmpi eq, %add3A_880, %eq3A_892 : vector<16xi32>
    %add3A_894 = arith.constant 1 : i32
    %add3A_895 = vector.broadcast %add3A_894 : i32 to vector<16xi32>
    %add3A_896 = arith.addi %gather3A_890, %add3A_895 : vector<16xi32>
    %jit3A_897 = arith.constant 0 : i32
    %broadcast_in_dim3A_898 = vector.broadcast %jit3A_897 : i32 to vector<16xi32>
    %select_n3A_899 = arith.select %eq3A_893, %broadcast_in_dim3A_898, %add3A_896 : vector<16xi1>, vector<16xi32>
    %lt3A_900 = arith.constant 2048 : i32
    %lt3A_901 = vector.broadcast %lt3A_900 : i32 to vector<16xi32>
    %lt3A_902 = arith.cmpi slt, %select_n3A_899, %lt3A_901 : vector<16xi32>
    %convert_element_type3A_903 = arith.extui %lt3A_902 : vector<16xi1> to vector<16xi32>
    %broadcast_in_dim3A_904 = arith.constant true
    %broadcast_in_dim3A_905 = vector.broadcast %broadcast_in_dim3A_904 : i1 to vector<16xi1>
    %masked_cumsum3A_906 = tpu.scan <sum>, %convert_element_type3A_903 masked %broadcast_in_dim3A_905 : vector<16xi32>, vector<16xi1> -> vector<16xi32>
    %add3A_907 = vector.broadcast %add3A_871 : i32 to vector<16xi32>
    %add3A_908 = arith.addi %add3A_907, %masked_cumsum3A_906 : vector<16xi32>
    %sub3A_909 = arith.subi %add3A_908, %convert_element_type3A_903 : vector<16xi32>
    %jit3A_910 = arith.constant 0 : i32
    %broadcast_in_dim3A_911 = vector.broadcast %jit3A_910 : i32 to vector<16xi32>
    %select_n3A_912 = arith.select %lt3A_902, %select_n3A_899, %broadcast_in_dim3A_911 : vector<16xi1>, vector<16xi32>
    %add3A_913 = arith.constant 2048 : i32
    %add3A_914 = vector.broadcast %add3A_913 : i32 to vector<16xi32>
    %add3A_915 = arith.addi %add3A_914, %select_n3A_912 : vector<16xi32>
    tpu.vector_store_idx %arg9[%sub3A_909], %add3A_915 masked %lt3A_902 : memref<512xi32, #tpu.memory_space<vmem>>[vector<16xi32>], vector<16xi32>, vector<16xi1>
    %and3A_916 = arith.constant 63 : i32
    %and3A_917 = vector.broadcast %and3A_916 : i32 to vector<16xi32>
    %and3A_918 = arith.andi %sub3A_909, %and3A_917 : vector<16xi32>
    %jit3A_919 = arith.constant 0 : i32
    %broadcast_in_dim3A_920 = vector.broadcast %jit3A_919 : i32 to vector<16xi32>
    %select_n3A_921 = arith.select %lt3A_902, %and3A_918, %broadcast_in_dim3A_920 : vector<16xi1>, vector<16xi32>
    %swap3A_922 = arith.constant 208 : index
    %swap3A_923 = tpu.vector_load %arg8[%swap3A_922] {strides = array<i32>} : memref<512xi32, #tpu.memory_space<vmem>>, vector<16xi32>,
    tpu.vector_store %arg8[%swap3A_922], %select_n3A_899 {strides = array<i32>} : memref<512xi32, #tpu.memory_space<vmem>>, vector<16xi32>,
    %swap3A_924 = arith.constant 208 : index
    %swap3A_925 = tpu.vector_load %arg10[%swap3A_924] {strides = array<i32>} : memref<512xi32, #tpu.memory_space<vmem>>, vector<16xi32>,
    tpu.vector_store %arg10[%swap3A_924], %select_n3A_921 {strides = array<i32>} : memref<512xi32, #tpu.memory_space<vmem>>, vector<16xi32>,
    %reduce_max3A_926 = arith.constant true
    %reduce_max3A_927 = vector.broadcast %reduce_max3A_926 : i1 to vector<16xi1>
    %reduce_max3A_928 = arith.constant -2147483648 : i32
    %reduce_max3A_929 = vector.broadcast %reduce_max3A_928 : i32 to vector<16xi32>
    %reduce_max3A_930 = arith.xori %masked_cumsum3A_906, %reduce_max3A_929 : vector<16xi32>
    %reduce_max3A_931 = tpu.scan <max>, %reduce_max3A_930 masked %reduce_max3A_927 : vector<16xi32>, vector<16xi1> -> vector<16xi32>
    %reduce_max3A_932 = arith.xori %reduce_max3A_931, %reduce_max3A_929 : vector<16xi32>
    %reduce_max3A_933 = vector.extract %reduce_max3A_932[15] : i32 from vector<16xi32>
    %add3A_934 = arith.addi %add3A_871, %reduce_max3A_933 : i32
    %eq3A_935 = arith.constant 13 : i32
    %eq3A_936 = vector.broadcast %eq3A_935 : i32 to vector<16xi32>
    %eq3A_937 = arith.cmpi eq, %iota3A, %eq3A_936 : vector<16xi32>
    %broadcast_in_dim3A_938 = vector.broadcast %add3A_934 : i32 to vector<16xi32>
    %select_n3A_939 = arith.select %eq3A_937, %broadcast_in_dim3A_938, %select_n3A_876 : vector<16xi1>, vector<16xi32>
    %add3A_940 = arith.constant 48 : i32
    %add3A_941 = arith.addi %mul3A_2, %add3A_940 : i32
    %add3A_942 = vector.broadcast %add3A_941 : i32 to vector<16xi32>
    %add3A_943 = arith.addi %add3A_942, %iota3A : vector<16xi32>
    %sub3A_944 = arith.constant 1 : i32
    %sub3A_945 = vector.broadcast %sub3A_944 : i32 to vector<16xi32>
    %sub3A_946 = arith.subi %add3A_943, %sub3A_945 : vector<16xi32>
    %max3A_947 = arith.constant 0 : i32
    %max3A_948 = vector.broadcast %max3A_947 : i32 to vector<16xi32>
    %max3A_949 = arith.maxsi %sub3A_946, %max3A_948 : vector<16xi32>
    %add3A_950 = arith.constant 8190 : i32
    %add3A_951 = vector.broadcast %add3A_950 : i32 to vector<16xi32>
    %add3A_952 = arith.addi %add3A_951, %max3A_949 : vector<16xi32>
    %gather3A_953 = tpu.vector_load_idx %arg7[%add3A_952] : memref<16380xi32, #tpu.memory_space<vmem>>[vector<16xi32>], vector<16xi32>,
    %eq3A_954 = arith.constant 0 : i32
    %eq3A_955 = vector.broadcast %eq3A_954 : i32 to vector<16xi32>
    %eq3A_956 = arith.cmpi eq, %add3A_943, %eq3A_955 : vector<16xi32>
    %add3A_957 = arith.constant 1 : i32
    %add3A_958 = vector.broadcast %add3A_957 : i32 to vector<16xi32>
    %add3A_959 = arith.addi %gather3A_953, %add3A_958 : vector<16xi32>
    %jit3A_960 = arith.constant 0 : i32
    %broadcast_in_dim3A_961 = vector.broadcast %jit3A_960 : i32 to vector<16xi32>
    %select_n3A_962 = arith.select %eq3A_956, %broadcast_in_dim3A_961, %add3A_959 : vector<16xi1>, vector<16xi32>
    %lt3A_963 = arith.constant 2048 : i32
    %lt3A_964 = vector.broadcast %lt3A_963 : i32 to vector<16xi32>
    %lt3A_965 = arith.cmpi slt, %select_n3A_962, %lt3A_964 : vector<16xi32>
    %convert_element_type3A_966 = arith.extui %lt3A_965 : vector<16xi1> to vector<16xi32>
    %broadcast_in_dim3A_967 = arith.constant true
    %broadcast_in_dim3A_968 = vector.broadcast %broadcast_in_dim3A_967 : i1 to vector<16xi1>
    %masked_cumsum3A_969 = tpu.scan <sum>, %convert_element_type3A_966 masked %broadcast_in_dim3A_968 : vector<16xi32>, vector<16xi1> -> vector<16xi32>
    %add3A_970 = vector.broadcast %add3A_934 : i32 to vector<16xi32>
    %add3A_971 = arith.addi %add3A_970, %masked_cumsum3A_969 : vector<16xi32>
    %sub3A_972 = arith.subi %add3A_971, %convert_element_type3A_966 : vector<16xi32>
    %jit3A_973 = arith.constant 0 : i32
    %broadcast_in_dim3A_974 = vector.broadcast %jit3A_973 : i32 to vector<16xi32>
    %select_n3A_975 = arith.select %lt3A_965, %select_n3A_962, %broadcast_in_dim3A_974 : vector<16xi1>, vector<16xi32>
    %add3A_976 = arith.constant 4096 : i32
    %add3A_977 = vector.broadcast %add3A_976 : i32 to vector<16xi32>
    %add3A_978 = arith.addi %add3A_977, %select_n3A_975 : vector<16xi32>
    tpu.vector_store_idx %arg9[%sub3A_972], %add3A_978 masked %lt3A_965 : memref<512xi32, #tpu.memory_space<vmem>>[vector<16xi32>], vector<16xi32>, vector<16xi1>
    %and3A_979 = arith.constant 63 : i32
    %and3A_980 = vector.broadcast %and3A_979 : i32 to vector<16xi32>
    %and3A_981 = arith.andi %sub3A_972, %and3A_980 : vector<16xi32>
    %jit3A_982 = arith.constant 0 : i32
    %broadcast_in_dim3A_983 = vector.broadcast %jit3A_982 : i32 to vector<16xi32>
    %select_n3A_984 = arith.select %lt3A_965, %and3A_981, %broadcast_in_dim3A_983 : vector<16xi1>, vector<16xi32>
    %swap3A_985 = arith.constant 224 : index
    %swap3A_986 = tpu.vector_load %arg8[%swap3A_985] {strides = array<i32>} : memref<512xi32, #tpu.memory_space<vmem>>, vector<16xi32>,
    tpu.vector_store %arg8[%swap3A_985], %select_n3A_962 {strides = array<i32>} : memref<512xi32, #tpu.memory_space<vmem>>, vector<16xi32>,
    %swap3A_987 = arith.constant 224 : index
    %swap3A_988 = tpu.vector_load %arg10[%swap3A_987] {strides = array<i32>} : memref<512xi32, #tpu.memory_space<vmem>>, vector<16xi32>,
    tpu.vector_store %arg10[%swap3A_987], %select_n3A_984 {strides = array<i32>} : memref<512xi32, #tpu.memory_space<vmem>>, vector<16xi32>,
    %reduce_max3A_989 = arith.constant true
    %reduce_max3A_990 = vector.broadcast %reduce_max3A_989 : i1 to vector<16xi1>
    %reduce_max3A_991 = arith.constant -2147483648 : i32
    %reduce_max3A_992 = vector.broadcast %reduce_max3A_991 : i32 to vector<16xi32>
    %reduce_max3A_993 = arith.xori %masked_cumsum3A_969, %reduce_max3A_992 : vector<16xi32>
    %reduce_max3A_994 = tpu.scan <max>, %reduce_max3A_993 masked %reduce_max3A_990 : vector<16xi32>, vector<16xi1> -> vector<16xi32>
    %reduce_max3A_995 = arith.xori %reduce_max3A_994, %reduce_max3A_992 : vector<16xi32>
    %reduce_max3A_996 = vector.extract %reduce_max3A_995[15] : i32 from vector<16xi32>
    %add3A_997 = arith.addi %add3A_934, %reduce_max3A_996 : i32
    %eq3A_998 = arith.constant 14 : i32
    %eq3A_999 = vector.broadcast %eq3A_998 : i32 to vector<16xi32>
    %eq3A_1000 = arith.cmpi eq, %iota3A, %eq3A_999 : vector<16xi32>
    %broadcast_in_dim3A_1001 = vector.broadcast %add3A_997 : i32 to vector<16xi32>
    %select_n3A_1002 = arith.select %eq3A_1000, %broadcast_in_dim3A_1001, %select_n3A_939 : vector<16xi1>, vector<16xi32>
    %add3A_1003 = arith.constant 48 : i32
    %add3A_1004 = arith.addi %mul3A_2, %add3A_1003 : i32
    %add3A_1005 = vector.broadcast %add3A_1004 : i32 to vector<16xi32>
    %add3A_1006 = arith.addi %add3A_1005, %iota3A : vector<16xi32>
    %sub3A_1007 = arith.constant 1 : i32
    %sub3A_1008 = vector.broadcast %sub3A_1007 : i32 to vector<16xi32>
    %sub3A_1009 = arith.subi %add3A_1006, %sub3A_1008 : vector<16xi32>
    %max3A_1010 = arith.constant 0 : i32
    %max3A_1011 = vector.broadcast %max3A_1010 : i32 to vector<16xi32>
    %max3A_1012 = arith.maxsi %sub3A_1009, %max3A_1011 : vector<16xi32>
    %add3A_1013 = arith.constant 12285 : i32
    %add3A_1014 = vector.broadcast %add3A_1013 : i32 to vector<16xi32>
    %add3A_1015 = arith.addi %add3A_1014, %max3A_1012 : vector<16xi32>
    %gather3A_1016 = tpu.vector_load_idx %arg7[%add3A_1015] : memref<16380xi32, #tpu.memory_space<vmem>>[vector<16xi32>], vector<16xi32>,
    %eq3A_1017 = arith.constant 0 : i32
    %eq3A_1018 = vector.broadcast %eq3A_1017 : i32 to vector<16xi32>
    %eq3A_1019 = arith.cmpi eq, %add3A_1006, %eq3A_1018 : vector<16xi32>
    %add3A_1020 = arith.constant 1 : i32
    %add3A_1021 = vector.broadcast %add3A_1020 : i32 to vector<16xi32>
    %add3A_1022 = arith.addi %gather3A_1016, %add3A_1021 : vector<16xi32>
    %jit3A_1023 = arith.constant 0 : i32
    %broadcast_in_dim3A_1024 = vector.broadcast %jit3A_1023 : i32 to vector<16xi32>
    %select_n3A_1025 = arith.select %eq3A_1019, %broadcast_in_dim3A_1024, %add3A_1022 : vector<16xi1>, vector<16xi32>
    %lt3A_1026 = arith.constant 2048 : i32
    %lt3A_1027 = vector.broadcast %lt3A_1026 : i32 to vector<16xi32>
    %lt3A_1028 = arith.cmpi slt, %select_n3A_1025, %lt3A_1027 : vector<16xi32>
    %convert_element_type3A_1029 = arith.extui %lt3A_1028 : vector<16xi1> to vector<16xi32>
    %broadcast_in_dim3A_1030 = arith.constant true
    %broadcast_in_dim3A_1031 = vector.broadcast %broadcast_in_dim3A_1030 : i1 to vector<16xi1>
    %masked_cumsum3A_1032 = tpu.scan <sum>, %convert_element_type3A_1029 masked %broadcast_in_dim3A_1031 : vector<16xi32>, vector<16xi1> -> vector<16xi32>
    %add3A_1033 = vector.broadcast %add3A_997 : i32 to vector<16xi32>
    %add3A_1034 = arith.addi %add3A_1033, %masked_cumsum3A_1032 : vector<16xi32>
    %sub3A_1035 = arith.subi %add3A_1034, %convert_element_type3A_1029 : vector<16xi32>
    %jit3A_1036 = arith.constant 0 : i32
    %broadcast_in_dim3A_1037 = vector.broadcast %jit3A_1036 : i32 to vector<16xi32>
    %select_n3A_1038 = arith.select %lt3A_1028, %select_n3A_1025, %broadcast_in_dim3A_1037 : vector<16xi1>, vector<16xi32>
    %add3A_1039 = arith.constant 6144 : i32
    %add3A_1040 = vector.broadcast %add3A_1039 : i32 to vector<16xi32>
    %add3A_1041 = arith.addi %add3A_1040, %select_n3A_1038 : vector<16xi32>
    tpu.vector_store_idx %arg9[%sub3A_1035], %add3A_1041 masked %lt3A_1028 : memref<512xi32, #tpu.memory_space<vmem>>[vector<16xi32>], vector<16xi32>, vector<16xi1>
    %and3A_1042 = arith.constant 63 : i32
    %and3A_1043 = vector.broadcast %and3A_1042 : i32 to vector<16xi32>
    %and3A_1044 = arith.andi %sub3A_1035, %and3A_1043 : vector<16xi32>
    %jit3A_1045 = arith.constant 0 : i32
    %broadcast_in_dim3A_1046 = vector.broadcast %jit3A_1045 : i32 to vector<16xi32>
    %select_n3A_1047 = arith.select %lt3A_1028, %and3A_1044, %broadcast_in_dim3A_1046 : vector<16xi1>, vector<16xi32>
    %swap3A_1048 = arith.constant 240 : index
    %swap3A_1049 = tpu.vector_load %arg8[%swap3A_1048] {strides = array<i32>} : memref<512xi32, #tpu.memory_space<vmem>>, vector<16xi32>,
    tpu.vector_store %arg8[%swap3A_1048], %select_n3A_1025 {strides = array<i32>} : memref<512xi32, #tpu.memory_space<vmem>>, vector<16xi32>,
    %swap3A_1050 = arith.constant 240 : index
    %swap3A_1051 = tpu.vector_load %arg10[%swap3A_1050] {strides = array<i32>} : memref<512xi32, #tpu.memory_space<vmem>>, vector<16xi32>,
    tpu.vector_store %arg10[%swap3A_1050], %select_n3A_1047 {strides = array<i32>} : memref<512xi32, #tpu.memory_space<vmem>>, vector<16xi32>,
    %reduce_max3A_1052 = arith.constant true
    %reduce_max3A_1053 = vector.broadcast %reduce_max3A_1052 : i1 to vector<16xi1>
    %reduce_max3A_1054 = arith.constant -2147483648 : i32
    %reduce_max3A_1055 = vector.broadcast %reduce_max3A_1054 : i32 to vector<16xi32>
    %reduce_max3A_1056 = arith.xori %masked_cumsum3A_1032, %reduce_max3A_1055 : vector<16xi32>
    %reduce_max3A_1057 = tpu.scan <max>, %reduce_max3A_1056 masked %reduce_max3A_1053 : vector<16xi32>, vector<16xi1> -> vector<16xi32>
    %reduce_max3A_1058 = arith.xori %reduce_max3A_1057, %reduce_max3A_1055 : vector<16xi32>
    %reduce_max3A_1059 = vector.extract %reduce_max3A_1058[15] : i32 from vector<16xi32>
    %add3A_1060 = arith.addi %add3A_997, %reduce_max3A_1059 : i32
    %eq3A_1061 = arith.constant 15 : i32
    %eq3A_1062 = vector.broadcast %eq3A_1061 : i32 to vector<16xi32>
    %eq3A_1063 = arith.cmpi eq, %iota3A, %eq3A_1062 : vector<16xi32>
    %broadcast_in_dim3A_1064 = vector.broadcast %add3A_1060 : i32 to vector<16xi32>
    %select_n3A_1065 = arith.select %eq3A_1063, %broadcast_in_dim3A_1064, %select_n3A_1002 : vector<16xi1>, vector<16xi32>
    %swap3A_1066 = arith.constant 0 : index
    %swap3A_1067 = tpu.vector_load %arg11[%swap3A_1066] {strides = array<i32>} : memref<32xi32, #tpu.memory_space<vmem>>, vector<16xi32>,
    tpu.vector_store %arg11[%swap3A_1066], %select_n3A_1065 {strides = array<i32>} : memref<32xi32, #tpu.memory_space<vmem>>, vector<16xi32>,
    %add3A_1068 = arith.constant 64 : i32
    %add3A_1069 = arith.addi %mul3A_2, %add3A_1068 : i32
    %add3A_1070 = vector.broadcast %add3A_1069 : i32 to vector<16xi32>
    %add3A_1071 = arith.addi %add3A_1070, %iota3A : vector<16xi32>
    %sub3A_1072 = arith.constant 1 : i32
    %sub3A_1073 = vector.broadcast %sub3A_1072 : i32 to vector<16xi32>
    %sub3A_1074 = arith.subi %add3A_1071, %sub3A_1073 : vector<16xi32>
    %max3A_1075 = arith.constant 0 : i32
    %max3A_1076 = vector.broadcast %max3A_1075 : i32 to vector<16xi32>
    %max3A_1077 = arith.maxsi %sub3A_1074, %max3A_1076 : vector<16xi32>
    %add3A_1078 = arith.constant 0 : i32
    %add3A_1079 = vector.broadcast %add3A_1078 : i32 to vector<16xi32>
    %add3A_1080 = arith.addi %add3A_1079, %max3A_1077 : vector<16xi32>
    %gather3A_1081 = tpu.vector_load_idx %arg7[%add3A_1080] : memref<16380xi32, #tpu.memory_space<vmem>>[vector<16xi32>], vector<16xi32>,
    %eq3A_1082 = arith.constant 0 : i32
    %eq3A_1083 = vector.broadcast %eq3A_1082 : i32 to vector<16xi32>
    %eq3A_1084 = arith.cmpi eq, %add3A_1071, %eq3A_1083 : vector<16xi32>
    %add3A_1085 = arith.constant 1 : i32
    %add3A_1086 = vector.broadcast %add3A_1085 : i32 to vector<16xi32>
    %add3A_1087 = arith.addi %gather3A_1081, %add3A_1086 : vector<16xi32>
    %jit3A_1088 = arith.constant 0 : i32
    %broadcast_in_dim3A_1089 = vector.broadcast %jit3A_1088 : i32 to vector<16xi32>
    %select_n3A_1090 = arith.select %eq3A_1084, %broadcast_in_dim3A_1089, %add3A_1087 : vector<16xi1>, vector<16xi32>
    %lt3A_1091 = arith.constant 2048 : i32
    %lt3A_1092 = vector.broadcast %lt3A_1091 : i32 to vector<16xi32>
    %lt3A_1093 = arith.cmpi slt, %select_n3A_1090, %lt3A_1092 : vector<16xi32>
    %convert_element_type3A_1094 = arith.extui %lt3A_1093 : vector<16xi1> to vector<16xi32>
    %broadcast_in_dim3A_1095 = arith.constant true
    %broadcast_in_dim3A_1096 = vector.broadcast %broadcast_in_dim3A_1095 : i1 to vector<16xi1>
    %masked_cumsum3A_1097 = tpu.scan <sum>, %convert_element_type3A_1094 masked %broadcast_in_dim3A_1096 : vector<16xi32>, vector<16xi1> -> vector<16xi32>
    %add3A_1098 = vector.broadcast %add3A_1060 : i32 to vector<16xi32>
    %add3A_1099 = arith.addi %add3A_1098, %masked_cumsum3A_1097 : vector<16xi32>
    %sub3A_1100 = arith.subi %add3A_1099, %convert_element_type3A_1094 : vector<16xi32>
    %jit3A_1101 = arith.constant 0 : i32
    %broadcast_in_dim3A_1102 = vector.broadcast %jit3A_1101 : i32 to vector<16xi32>
    %select_n3A_1103 = arith.select %lt3A_1093, %select_n3A_1090, %broadcast_in_dim3A_1102 : vector<16xi1>, vector<16xi32>
    %add3A_1104 = arith.constant 0 : i32
    %add3A_1105 = vector.broadcast %add3A_1104 : i32 to vector<16xi32>
    %add3A_1106 = arith.addi %add3A_1105, %select_n3A_1103 : vector<16xi32>
    tpu.vector_store_idx %arg9[%sub3A_1100], %add3A_1106 masked %lt3A_1093 : memref<512xi32, #tpu.memory_space<vmem>>[vector<16xi32>], vector<16xi32>, vector<16xi1>
    %and3A_1107 = arith.constant 63 : i32
    %and3A_1108 = vector.broadcast %and3A_1107 : i32 to vector<16xi32>
    %and3A_1109 = arith.andi %sub3A_1100, %and3A_1108 : vector<16xi32>
    %jit3A_1110 = arith.constant 0 : i32
    %broadcast_in_dim3A_1111 = vector.broadcast %jit3A_1110 : i32 to vector<16xi32>
    %select_n3A_1112 = arith.select %lt3A_1093, %and3A_1109, %broadcast_in_dim3A_1111 : vector<16xi1>, vector<16xi32>
    %swap3A_1113 = arith.constant 256 : index
    %swap3A_1114 = tpu.vector_load %arg8[%swap3A_1113] {strides = array<i32>} : memref<512xi32, #tpu.memory_space<vmem>>, vector<16xi32>,
    tpu.vector_store %arg8[%swap3A_1113], %select_n3A_1090 {strides = array<i32>} : memref<512xi32, #tpu.memory_space<vmem>>, vector<16xi32>,
    %swap3A_1115 = arith.constant 256 : index
    %swap3A_1116 = tpu.vector_load %arg10[%swap3A_1115] {strides = array<i32>} : memref<512xi32, #tpu.memory_space<vmem>>, vector<16xi32>,
    tpu.vector_store %arg10[%swap3A_1115], %select_n3A_1112 {strides = array<i32>} : memref<512xi32, #tpu.memory_space<vmem>>, vector<16xi32>,
    %reduce_max3A_1117 = arith.constant true
    %reduce_max3A_1118 = vector.broadcast %reduce_max3A_1117 : i1 to vector<16xi1>
    %reduce_max3A_1119 = arith.constant -2147483648 : i32
    %reduce_max3A_1120 = vector.broadcast %reduce_max3A_1119 : i32 to vector<16xi32>
    %reduce_max3A_1121 = arith.xori %masked_cumsum3A_1097, %reduce_max3A_1120 : vector<16xi32>
    %reduce_max3A_1122 = tpu.scan <max>, %reduce_max3A_1121 masked %reduce_max3A_1118 : vector<16xi32>, vector<16xi1> -> vector<16xi32>
    %reduce_max3A_1123 = arith.xori %reduce_max3A_1122, %reduce_max3A_1120 : vector<16xi32>
    %reduce_max3A_1124 = vector.extract %reduce_max3A_1123[15] : i32 from vector<16xi32>
    %add3A_1125 = arith.addi %add3A_1060, %reduce_max3A_1124 : i32
    %eq3A_1126 = arith.constant 0 : i32
    %eq3A_1127 = vector.broadcast %eq3A_1126 : i32 to vector<16xi32>
    %eq3A_1128 = arith.cmpi eq, %iota3A, %eq3A_1127 : vector<16xi32>
    %broadcast_in_dim3A_1129 = vector.broadcast %add3A_1125 : i32 to vector<16xi32>
    %select_n3A_1130 = arith.select %eq3A_1128, %broadcast_in_dim3A_1129, %broadcast_in_dim3A_3 : vector<16xi1>, vector<16xi32>
    %add3A_1131 = arith.constant 64 : i32
    %add3A_1132 = arith.addi %mul3A_2, %add3A_1131 : i32
    %add3A_1133 = vector.broadcast %add3A_1132 : i32 to vector<16xi32>
    %add3A_1134 = arith.addi %add3A_1133, %iota3A : vector<16xi32>
    %sub3A_1135 = arith.constant 1 : i32
    %sub3A_1136 = vector.broadcast %sub3A_1135 : i32 to vector<16xi32>
    %sub3A_1137 = arith.subi %add3A_1134, %sub3A_1136 : vector<16xi32>
    %max3A_1138 = arith.constant 0 : i32
    %max3A_1139 = vector.broadcast %max3A_1138 : i32 to vector<16xi32>
    %max3A_1140 = arith.maxsi %sub3A_1137, %max3A_1139 : vector<16xi32>
    %add3A_1141 = arith.constant 4095 : i32
    %add3A_1142 = vector.broadcast %add3A_1141 : i32 to vector<16xi32>
    %add3A_1143 = arith.addi %add3A_1142, %max3A_1140 : vector<16xi32>
    %gather3A_1144 = tpu.vector_load_idx %arg7[%add3A_1143] : memref<16380xi32, #tpu.memory_space<vmem>>[vector<16xi32>], vector<16xi32>,
    %eq3A_1145 = arith.constant 0 : i32
    %eq3A_1146 = vector.broadcast %eq3A_1145 : i32 to vector<16xi32>
    %eq3A_1147 = arith.cmpi eq, %add3A_1134, %eq3A_1146 : vector<16xi32>
    %add3A_1148 = arith.constant 1 : i32
    %add3A_1149 = vector.broadcast %add3A_1148 : i32 to vector<16xi32>
    %add3A_1150 = arith.addi %gather3A_1144, %add3A_1149 : vector<16xi32>
    %jit3A_1151 = arith.constant 0 : i32
    %broadcast_in_dim3A_1152 = vector.broadcast %jit3A_1151 : i32 to vector<16xi32>
    %select_n3A_1153 = arith.select %eq3A_1147, %broadcast_in_dim3A_1152, %add3A_1150 : vector<16xi1>, vector<16xi32>
    %lt3A_1154 = arith.constant 2048 : i32
    %lt3A_1155 = vector.broadcast %lt3A_1154 : i32 to vector<16xi32>
    %lt3A_1156 = arith.cmpi slt, %select_n3A_1153, %lt3A_1155 : vector<16xi32>
    %convert_element_type3A_1157 = arith.extui %lt3A_1156 : vector<16xi1> to vector<16xi32>
    %broadcast_in_dim3A_1158 = arith.constant true
    %broadcast_in_dim3A_1159 = vector.broadcast %broadcast_in_dim3A_1158 : i1 to vector<16xi1>
    %masked_cumsum3A_1160 = tpu.scan <sum>, %convert_element_type3A_1157 masked %broadcast_in_dim3A_1159 : vector<16xi32>, vector<16xi1> -> vector<16xi32>
    %add3A_1161 = vector.broadcast %add3A_1125 : i32 to vector<16xi32>
    %add3A_1162 = arith.addi %add3A_1161, %masked_cumsum3A_1160 : vector<16xi32>
    %sub3A_1163 = arith.subi %add3A_1162, %convert_element_type3A_1157 : vector<16xi32>
    %jit3A_1164 = arith.constant 0 : i32
    %broadcast_in_dim3A_1165 = vector.broadcast %jit3A_1164 : i32 to vector<16xi32>
    %select_n3A_1166 = arith.select %lt3A_1156, %select_n3A_1153, %broadcast_in_dim3A_1165 : vector<16xi1>, vector<16xi32>
    %add3A_1167 = arith.constant 2048 : i32
    %add3A_1168 = vector.broadcast %add3A_1167 : i32 to vector<16xi32>
    %add3A_1169 = arith.addi %add3A_1168, %select_n3A_1166 : vector<16xi32>
    tpu.vector_store_idx %arg9[%sub3A_1163], %add3A_1169 masked %lt3A_1156 : memref<512xi32, #tpu.memory_space<vmem>>[vector<16xi32>], vector<16xi32>, vector<16xi1>
    %and3A_1170 = arith.constant 63 : i32
    %and3A_1171 = vector.broadcast %and3A_1170 : i32 to vector<16xi32>
    %and3A_1172 = arith.andi %sub3A_1163, %and3A_1171 : vector<16xi32>
    %jit3A_1173 = arith.constant 0 : i32
    %broadcast_in_dim3A_1174 = vector.broadcast %jit3A_1173 : i32 to vector<16xi32>
    %select_n3A_1175 = arith.select %lt3A_1156, %and3A_1172, %broadcast_in_dim3A_1174 : vector<16xi1>, vector<16xi32>
    %swap3A_1176 = arith.constant 272 : index
    %swap3A_1177 = tpu.vector_load %arg8[%swap3A_1176] {strides = array<i32>} : memref<512xi32, #tpu.memory_space<vmem>>, vector<16xi32>,
    tpu.vector_store %arg8[%swap3A_1176], %select_n3A_1153 {strides = array<i32>} : memref<512xi32, #tpu.memory_space<vmem>>, vector<16xi32>,
    %swap3A_1178 = arith.constant 272 : index
    %swap3A_1179 = tpu.vector_load %arg10[%swap3A_1178] {strides = array<i32>} : memref<512xi32, #tpu.memory_space<vmem>>, vector<16xi32>,
    tpu.vector_store %arg10[%swap3A_1178], %select_n3A_1175 {strides = array<i32>} : memref<512xi32, #tpu.memory_space<vmem>>, vector<16xi32>,
    %reduce_max3A_1180 = arith.constant true
    %reduce_max3A_1181 = vector.broadcast %reduce_max3A_1180 : i1 to vector<16xi1>
    %reduce_max3A_1182 = arith.constant -2147483648 : i32
    %reduce_max3A_1183 = vector.broadcast %reduce_max3A_1182 : i32 to vector<16xi32>
    %reduce_max3A_1184 = arith.xori %masked_cumsum3A_1160, %reduce_max3A_1183 : vector<16xi32>
    %reduce_max3A_1185 = tpu.scan <max>, %reduce_max3A_1184 masked %reduce_max3A_1181 : vector<16xi32>, vector<16xi1> -> vector<16xi32>
    %reduce_max3A_1186 = arith.xori %reduce_max3A_1185, %reduce_max3A_1183 : vector<16xi32>
    %reduce_max3A_1187 = vector.extract %reduce_max3A_1186[15] : i32 from vector<16xi32>
    %add3A_1188 = arith.addi %add3A_1125, %reduce_max3A_1187 : i32
    %eq3A_1189 = arith.constant 1 : i32
    %eq3A_1190 = vector.broadcast %eq3A_1189 : i32 to vector<16xi32>
    %eq3A_1191 = arith.cmpi eq, %iota3A, %eq3A_1190 : vector<16xi32>
    %broadcast_in_dim3A_1192 = vector.broadcast %add3A_1188 : i32 to vector<16xi32>
    %select_n3A_1193 = arith.select %eq3A_1191, %broadcast_in_dim3A_1192, %select_n3A_1130 : vector<16xi1>, vector<16xi32>
    %add3A_1194 = arith.constant 64 : i32
    %add3A_1195 = arith.addi %mul3A_2, %add3A_1194 : i32
    %add3A_1196 = vector.broadcast %add3A_1195 : i32 to vector<16xi32>
    %add3A_1197 = arith.addi %add3A_1196, %iota3A : vector<16xi32>
    %sub3A_1198 = arith.constant 1 : i32
    %sub3A_1199 = vector.broadcast %sub3A_1198 : i32 to vector<16xi32>
    %sub3A_1200 = arith.subi %add3A_1197, %sub3A_1199 : vector<16xi32>
    %max3A_1201 = arith.constant 0 : i32
    %max3A_1202 = vector.broadcast %max3A_1201 : i32 to vector<16xi32>
    %max3A_1203 = arith.maxsi %sub3A_1200, %max3A_1202 : vector<16xi32>
    %add3A_1204 = arith.constant 8190 : i32
    %add3A_1205 = vector.broadcast %add3A_1204 : i32 to vector<16xi32>
    %add3A_1206 = arith.addi %add3A_1205, %max3A_1203 : vector<16xi32>
    %gather3A_1207 = tpu.vector_load_idx %arg7[%add3A_1206] : memref<16380xi32, #tpu.memory_space<vmem>>[vector<16xi32>], vector<16xi32>,
    %eq3A_1208 = arith.constant 0 : i32
    %eq3A_1209 = vector.broadcast %eq3A_1208 : i32 to vector<16xi32>
    %eq3A_1210 = arith.cmpi eq, %add3A_1197, %eq3A_1209 : vector<16xi32>
    %add3A_1211 = arith.constant 1 : i32
    %add3A_1212 = vector.broadcast %add3A_1211 : i32 to vector<16xi32>
    %add3A_1213 = arith.addi %gather3A_1207, %add3A_1212 : vector<16xi32>
    %jit3A_1214 = arith.constant 0 : i32
    %broadcast_in_dim3A_1215 = vector.broadcast %jit3A_1214 : i32 to vector<16xi32>
    %select_n3A_1216 = arith.select %eq3A_1210, %broadcast_in_dim3A_1215, %add3A_1213 : vector<16xi1>, vector<16xi32>
    %lt3A_1217 = arith.constant 2048 : i32
    %lt3A_1218 = vector.broadcast %lt3A_1217 : i32 to vector<16xi32>
    %lt3A_1219 = arith.cmpi slt, %select_n3A_1216, %lt3A_1218 : vector<16xi32>
    %convert_element_type3A_1220 = arith.extui %lt3A_1219 : vector<16xi1> to vector<16xi32>
    %broadcast_in_dim3A_1221 = arith.constant true
    %broadcast_in_dim3A_1222 = vector.broadcast %broadcast_in_dim3A_1221 : i1 to vector<16xi1>
    %masked_cumsum3A_1223 = tpu.scan <sum>, %convert_element_type3A_1220 masked %broadcast_in_dim3A_1222 : vector<16xi32>, vector<16xi1> -> vector<16xi32>
    %add3A_1224 = vector.broadcast %add3A_1188 : i32 to vector<16xi32>
    %add3A_1225 = arith.addi %add3A_1224, %masked_cumsum3A_1223 : vector<16xi32>
    %sub3A_1226 = arith.subi %add3A_1225, %convert_element_type3A_1220 : vector<16xi32>
    %jit3A_1227 = arith.constant 0 : i32
    %broadcast_in_dim3A_1228 = vector.broadcast %jit3A_1227 : i32 to vector<16xi32>
    %select_n3A_1229 = arith.select %lt3A_1219, %select_n3A_1216, %broadcast_in_dim3A_1228 : vector<16xi1>, vector<16xi32>
    %add3A_1230 = arith.constant 4096 : i32
    %add3A_1231 = vector.broadcast %add3A_1230 : i32 to vector<16xi32>
    %add3A_1232 = arith.addi %add3A_1231, %select_n3A_1229 : vector<16xi32>
    tpu.vector_store_idx %arg9[%sub3A_1226], %add3A_1232 masked %lt3A_1219 : memref<512xi32, #tpu.memory_space<vmem>>[vector<16xi32>], vector<16xi32>, vector<16xi1>
    %and3A_1233 = arith.constant 63 : i32
    %and3A_1234 = vector.broadcast %and3A_1233 : i32 to vector<16xi32>
    %and3A_1235 = arith.andi %sub3A_1226, %and3A_1234 : vector<16xi32>
    %jit3A_1236 = arith.constant 0 : i32
    %broadcast_in_dim3A_1237 = vector.broadcast %jit3A_1236 : i32 to vector<16xi32>
    %select_n3A_1238 = arith.select %lt3A_1219, %and3A_1235, %broadcast_in_dim3A_1237 : vector<16xi1>, vector<16xi32>
    %swap3A_1239 = arith.constant 288 : index
    %swap3A_1240 = tpu.vector_load %arg8[%swap3A_1239] {strides = array<i32>} : memref<512xi32, #tpu.memory_space<vmem>>, vector<16xi32>,
    tpu.vector_store %arg8[%swap3A_1239], %select_n3A_1216 {strides = array<i32>} : memref<512xi32, #tpu.memory_space<vmem>>, vector<16xi32>,
    %swap3A_1241 = arith.constant 288 : index
    %swap3A_1242 = tpu.vector_load %arg10[%swap3A_1241] {strides = array<i32>} : memref<512xi32, #tpu.memory_space<vmem>>, vector<16xi32>,
    tpu.vector_store %arg10[%swap3A_1241], %select_n3A_1238 {strides = array<i32>} : memref<512xi32, #tpu.memory_space<vmem>>, vector<16xi32>,
    %reduce_max3A_1243 = arith.constant true
    %reduce_max3A_1244 = vector.broadcast %reduce_max3A_1243 : i1 to vector<16xi1>
    %reduce_max3A_1245 = arith.constant -2147483648 : i32
    %reduce_max3A_1246 = vector.broadcast %reduce_max3A_1245 : i32 to vector<16xi32>
    %reduce_max3A_1247 = arith.xori %masked_cumsum3A_1223, %reduce_max3A_1246 : vector<16xi32>
    %reduce_max3A_1248 = tpu.scan <max>, %reduce_max3A_1247 masked %reduce_max3A_1244 : vector<16xi32>, vector<16xi1> -> vector<16xi32>
    %reduce_max3A_1249 = arith.xori %reduce_max3A_1248, %reduce_max3A_1246 : vector<16xi32>
    %reduce_max3A_1250 = vector.extract %reduce_max3A_1249[15] : i32 from vector<16xi32>
    %add3A_1251 = arith.addi %add3A_1188, %reduce_max3A_1250 : i32
    %eq3A_1252 = arith.constant 2 : i32
    %eq3A_1253 = vector.broadcast %eq3A_1252 : i32 to vector<16xi32>
    %eq3A_1254 = arith.cmpi eq, %iota3A, %eq3A_1253 : vector<16xi32>
    %broadcast_in_dim3A_1255 = vector.broadcast %add3A_1251 : i32 to vector<16xi32>
    %select_n3A_1256 = arith.select %eq3A_1254, %broadcast_in_dim3A_1255, %select_n3A_1193 : vector<16xi1>, vector<16xi32>
    %add3A_1257 = arith.constant 64 : i32
    %add3A_1258 = arith.addi %mul3A_2, %add3A_1257 : i32
    %add3A_1259 = vector.broadcast %add3A_1258 : i32 to vector<16xi32>
    %add3A_1260 = arith.addi %add3A_1259, %iota3A : vector<16xi32>
    %sub3A_1261 = arith.constant 1 : i32
    %sub3A_1262 = vector.broadcast %sub3A_1261 : i32 to vector<16xi32>
    %sub3A_1263 = arith.subi %add3A_1260, %sub3A_1262 : vector<16xi32>
    %max3A_1264 = arith.constant 0 : i32
    %max3A_1265 = vector.broadcast %max3A_1264 : i32 to vector<16xi32>
    %max3A_1266 = arith.maxsi %sub3A_1263, %max3A_1265 : vector<16xi32>
    %add3A_1267 = arith.constant 12285 : i32
    %add3A_1268 = vector.broadcast %add3A_1267 : i32 to vector<16xi32>
    %add3A_1269 = arith.addi %add3A_1268, %max3A_1266 : vector<16xi32>
    %gather3A_1270 = tpu.vector_load_idx %arg7[%add3A_1269] : memref<16380xi32, #tpu.memory_space<vmem>>[vector<16xi32>], vector<16xi32>,
    %eq3A_1271 = arith.constant 0 : i32
    %eq3A_1272 = vector.broadcast %eq3A_1271 : i32 to vector<16xi32>
    %eq3A_1273 = arith.cmpi eq, %add3A_1260, %eq3A_1272 : vector<16xi32>
    %add3A_1274 = arith.constant 1 : i32
    %add3A_1275 = vector.broadcast %add3A_1274 : i32 to vector<16xi32>
    %add3A_1276 = arith.addi %gather3A_1270, %add3A_1275 : vector<16xi32>
    %jit3A_1277 = arith.constant 0 : i32
    %broadcast_in_dim3A_1278 = vector.broadcast %jit3A_1277 : i32 to vector<16xi32>
    %select_n3A_1279 = arith.select %eq3A_1273, %broadcast_in_dim3A_1278, %add3A_1276 : vector<16xi1>, vector<16xi32>
    %lt3A_1280 = arith.constant 2048 : i32
    %lt3A_1281 = vector.broadcast %lt3A_1280 : i32 to vector<16xi32>
    %lt3A_1282 = arith.cmpi slt, %select_n3A_1279, %lt3A_1281 : vector<16xi32>
    %convert_element_type3A_1283 = arith.extui %lt3A_1282 : vector<16xi1> to vector<16xi32>
    %broadcast_in_dim3A_1284 = arith.constant true
    %broadcast_in_dim3A_1285 = vector.broadcast %broadcast_in_dim3A_1284 : i1 to vector<16xi1>
    %masked_cumsum3A_1286 = tpu.scan <sum>, %convert_element_type3A_1283 masked %broadcast_in_dim3A_1285 : vector<16xi32>, vector<16xi1> -> vector<16xi32>
    %add3A_1287 = vector.broadcast %add3A_1251 : i32 to vector<16xi32>
    %add3A_1288 = arith.addi %add3A_1287, %masked_cumsum3A_1286 : vector<16xi32>
    %sub3A_1289 = arith.subi %add3A_1288, %convert_element_type3A_1283 : vector<16xi32>
    %jit3A_1290 = arith.constant 0 : i32
    %broadcast_in_dim3A_1291 = vector.broadcast %jit3A_1290 : i32 to vector<16xi32>
    %select_n3A_1292 = arith.select %lt3A_1282, %select_n3A_1279, %broadcast_in_dim3A_1291 : vector<16xi1>, vector<16xi32>
    %add3A_1293 = arith.constant 6144 : i32
    %add3A_1294 = vector.broadcast %add3A_1293 : i32 to vector<16xi32>
    %add3A_1295 = arith.addi %add3A_1294, %select_n3A_1292 : vector<16xi32>
    tpu.vector_store_idx %arg9[%sub3A_1289], %add3A_1295 masked %lt3A_1282 : memref<512xi32, #tpu.memory_space<vmem>>[vector<16xi32>], vector<16xi32>, vector<16xi1>
    %and3A_1296 = arith.constant 63 : i32
    %and3A_1297 = vector.broadcast %and3A_1296 : i32 to vector<16xi32>
    %and3A_1298 = arith.andi %sub3A_1289, %and3A_1297 : vector<16xi32>
    %jit3A_1299 = arith.constant 0 : i32
    %broadcast_in_dim3A_1300 = vector.broadcast %jit3A_1299 : i32 to vector<16xi32>
    %select_n3A_1301 = arith.select %lt3A_1282, %and3A_1298, %broadcast_in_dim3A_1300 : vector<16xi1>, vector<16xi32>
    %swap3A_1302 = arith.constant 304 : index
    %swap3A_1303 = tpu.vector_load %arg8[%swap3A_1302] {strides = array<i32>} : memref<512xi32, #tpu.memory_space<vmem>>, vector<16xi32>,
    tpu.vector_store %arg8[%swap3A_1302], %select_n3A_1279 {strides = array<i32>} : memref<512xi32, #tpu.memory_space<vmem>>, vector<16xi32>,
    %swap3A_1304 = arith.constant 304 : index
    %swap3A_1305 = tpu.vector_load %arg10[%swap3A_1304] {strides = array<i32>} : memref<512xi32, #tpu.memory_space<vmem>>, vector<16xi32>,
    tpu.vector_store %arg10[%swap3A_1304], %select_n3A_1301 {strides = array<i32>} : memref<512xi32, #tpu.memory_space<vmem>>, vector<16xi32>,
    %reduce_max3A_1306 = arith.constant true
    %reduce_max3A_1307 = vector.broadcast %reduce_max3A_1306 : i1 to vector<16xi1>
    %reduce_max3A_1308 = arith.constant -2147483648 : i32
    %reduce_max3A_1309 = vector.broadcast %reduce_max3A_1308 : i32 to vector<16xi32>
    %reduce_max3A_1310 = arith.xori %masked_cumsum3A_1286, %reduce_max3A_1309 : vector<16xi32>
    %reduce_max3A_1311 = tpu.scan <max>, %reduce_max3A_1310 masked %reduce_max3A_1307 : vector<16xi32>, vector<16xi1> -> vector<16xi32>
    %reduce_max3A_1312 = arith.xori %reduce_max3A_1311, %reduce_max3A_1309 : vector<16xi32>
    %reduce_max3A_1313 = vector.extract %reduce_max3A_1312[15] : i32 from vector<16xi32>
    %add3A_1314 = arith.addi %add3A_1251, %reduce_max3A_1313 : i32
    %eq3A_1315 = arith.constant 3 : i32
    %eq3A_1316 = vector.broadcast %eq3A_1315 : i32 to vector<16xi32>
    %eq3A_1317 = arith.cmpi eq, %iota3A, %eq3A_1316 : vector<16xi32>
    %broadcast_in_dim3A_1318 = vector.broadcast %add3A_1314 : i32 to vector<16xi32>
    %select_n3A_1319 = arith.select %eq3A_1317, %broadcast_in_dim3A_1318, %select_n3A_1256 : vector<16xi1>, vector<16xi32>
    %add3A_1320 = arith.constant 80 : i32
    %add3A_1321 = arith.addi %mul3A_2, %add3A_1320 : i32
    %add3A_1322 = vector.broadcast %add3A_1321 : i32 to vector<16xi32>
    %add3A_1323 = arith.addi %add3A_1322, %iota3A : vector<16xi32>
    %sub3A_1324 = arith.constant 1 : i32
    %sub3A_1325 = vector.broadcast %sub3A_1324 : i32 to vector<16xi32>
    %sub3A_1326 = arith.subi %add3A_1323, %sub3A_1325 : vector<16xi32>
    %max3A_1327 = arith.constant 0 : i32
    %max3A_1328 = vector.broadcast %max3A_1327 : i32 to vector<16xi32>
    %max3A_1329 = arith.maxsi %sub3A_1326, %max3A_1328 : vector<16xi32>
    %add3A_1330 = arith.constant 0 : i32
    %add3A_1331 = vector.broadcast %add3A_1330 : i32 to vector<16xi32>
    %add3A_1332 = arith.addi %add3A_1331, %max3A_1329 : vector<16xi32>
    %gather3A_1333 = tpu.vector_load_idx %arg7[%add3A_1332] : memref<16380xi32, #tpu.memory_space<vmem>>[vector<16xi32>], vector<16xi32>,
    %eq3A_1334 = arith.constant 0 : i32
    %eq3A_1335 = vector.broadcast %eq3A_1334 : i32 to vector<16xi32>
    %eq3A_1336 = arith.cmpi eq, %add3A_1323, %eq3A_1335 : vector<16xi32>
    %add3A_1337 = arith.constant 1 : i32
    %add3A_1338 = vector.broadcast %add3A_1337 : i32 to vector<16xi32>
    %add3A_1339 = arith.addi %gather3A_1333, %add3A_1338 : vector<16xi32>
    %jit3A_1340 = arith.constant 0 : i32
    %broadcast_in_dim3A_1341 = vector.broadcast %jit3A_1340 : i32 to vector<16xi32>
    %select_n3A_1342 = arith.select %eq3A_1336, %broadcast_in_dim3A_1341, %add3A_1339 : vector<16xi1>, vector<16xi32>
    %lt3A_1343 = arith.constant 2048 : i32
    %lt3A_1344 = vector.broadcast %lt3A_1343 : i32 to vector<16xi32>
    %lt3A_1345 = arith.cmpi slt, %select_n3A_1342, %lt3A_1344 : vector<16xi32>
    %convert_element_type3A_1346 = arith.extui %lt3A_1345 : vector<16xi1> to vector<16xi32>
    %broadcast_in_dim3A_1347 = arith.constant true
    %broadcast_in_dim3A_1348 = vector.broadcast %broadcast_in_dim3A_1347 : i1 to vector<16xi1>
    %masked_cumsum3A_1349 = tpu.scan <sum>, %convert_element_type3A_1346 masked %broadcast_in_dim3A_1348 : vector<16xi32>, vector<16xi1> -> vector<16xi32>
    %add3A_1350 = vector.broadcast %add3A_1314 : i32 to vector<16xi32>
    %add3A_1351 = arith.addi %add3A_1350, %masked_cumsum3A_1349 : vector<16xi32>
    %sub3A_1352 = arith.subi %add3A_1351, %convert_element_type3A_1346 : vector<16xi32>
    %jit3A_1353 = arith.constant 0 : i32
    %broadcast_in_dim3A_1354 = vector.broadcast %jit3A_1353 : i32 to vector<16xi32>
    %select_n3A_1355 = arith.select %lt3A_1345, %select_n3A_1342, %broadcast_in_dim3A_1354 : vector<16xi1>, vector<16xi32>
    %add3A_1356 = arith.constant 0 : i32
    %add3A_1357 = vector.broadcast %add3A_1356 : i32 to vector<16xi32>
    %add3A_1358 = arith.addi %add3A_1357, %select_n3A_1355 : vector<16xi32>
    tpu.vector_store_idx %arg9[%sub3A_1352], %add3A_1358 masked %lt3A_1345 : memref<512xi32, #tpu.memory_space<vmem>>[vector<16xi32>], vector<16xi32>, vector<16xi1>
    %and3A_1359 = arith.constant 63 : i32
    %and3A_1360 = vector.broadcast %and3A_1359 : i32 to vector<16xi32>
    %and3A_1361 = arith.andi %sub3A_1352, %and3A_1360 : vector<16xi32>
    %jit3A_1362 = arith.constant 0 : i32
    %broadcast_in_dim3A_1363 = vector.broadcast %jit3A_1362 : i32 to vector<16xi32>
    %select_n3A_1364 = arith.select %lt3A_1345, %and3A_1361, %broadcast_in_dim3A_1363 : vector<16xi1>, vector<16xi32>
    %swap3A_1365 = arith.constant 320 : index
    %swap3A_1366 = tpu.vector_load %arg8[%swap3A_1365] {strides = array<i32>} : memref<512xi32, #tpu.memory_space<vmem>>, vector<16xi32>,
    tpu.vector_store %arg8[%swap3A_1365], %select_n3A_1342 {strides = array<i32>} : memref<512xi32, #tpu.memory_space<vmem>>, vector<16xi32>,
    %swap3A_1367 = arith.constant 320 : index
    %swap3A_1368 = tpu.vector_load %arg10[%swap3A_1367] {strides = array<i32>} : memref<512xi32, #tpu.memory_space<vmem>>, vector<16xi32>,
    tpu.vector_store %arg10[%swap3A_1367], %select_n3A_1364 {strides = array<i32>} : memref<512xi32, #tpu.memory_space<vmem>>, vector<16xi32>,
    %reduce_max3A_1369 = arith.constant true
    %reduce_max3A_1370 = vector.broadcast %reduce_max3A_1369 : i1 to vector<16xi1>
    %reduce_max3A_1371 = arith.constant -2147483648 : i32
    %reduce_max3A_1372 = vector.broadcast %reduce_max3A_1371 : i32 to vector<16xi32>
    %reduce_max3A_1373 = arith.xori %masked_cumsum3A_1349, %reduce_max3A_1372 : vector<16xi32>
    %reduce_max3A_1374 = tpu.scan <max>, %reduce_max3A_1373 masked %reduce_max3A_1370 : vector<16xi32>, vector<16xi1> -> vector<16xi32>
    %reduce_max3A_1375 = arith.xori %reduce_max3A_1374, %reduce_max3A_1372 : vector<16xi32>
    %reduce_max3A_1376 = vector.extract %reduce_max3A_1375[15] : i32 from vector<16xi32>
    %add3A_1377 = arith.addi %add3A_1314, %reduce_max3A_1376 : i32
    %eq3A_1378 = arith.constant 4 : i32
    %eq3A_1379 = vector.broadcast %eq3A_1378 : i32 to vector<16xi32>
    %eq3A_1380 = arith.cmpi eq, %iota3A, %eq3A_1379 : vector<16xi32>
    %broadcast_in_dim3A_1381 = vector.broadcast %add3A_1377 : i32 to vector<16xi32>
    %select_n3A_1382 = arith.select %eq3A_1380, %broadcast_in_dim3A_1381, %select_n3A_1319 : vector<16xi1>, vector<16xi32>
    %add3A_1383 = arith.constant 80 : i32
    %add3A_1384 = arith.addi %mul3A_2, %add3A_1383 : i32
    %add3A_1385 = vector.broadcast %add3A_1384 : i32 to vector<16xi32>
    %add3A_1386 = arith.addi %add3A_1385, %iota3A : vector<16xi32>
    %sub3A_1387 = arith.constant 1 : i32
    %sub3A_1388 = vector.broadcast %sub3A_1387 : i32 to vector<16xi32>
    %sub3A_1389 = arith.subi %add3A_1386, %sub3A_1388 : vector<16xi32>
    %max3A_1390 = arith.constant 0 : i32
    %max3A_1391 = vector.broadcast %max3A_1390 : i32 to vector<16xi32>
    %max3A_1392 = arith.maxsi %sub3A_1389, %max3A_1391 : vector<16xi32>
    %add3A_1393 = arith.constant 4095 : i32
    %add3A_1394 = vector.broadcast %add3A_1393 : i32 to vector<16xi32>
    %add3A_1395 = arith.addi %add3A_1394, %max3A_1392 : vector<16xi32>
    %gather3A_1396 = tpu.vector_load_idx %arg7[%add3A_1395] : memref<16380xi32, #tpu.memory_space<vmem>>[vector<16xi32>], vector<16xi32>,
    %eq3A_1397 = arith.constant 0 : i32
    %eq3A_1398 = vector.broadcast %eq3A_1397 : i32 to vector<16xi32>
    %eq3A_1399 = arith.cmpi eq, %add3A_1386, %eq3A_1398 : vector<16xi32>
    %add3A_1400 = arith.constant 1 : i32
    %add3A_1401 = vector.broadcast %add3A_1400 : i32 to vector<16xi32>
    %add3A_1402 = arith.addi %gather3A_1396, %add3A_1401 : vector<16xi32>
    %jit3A_1403 = arith.constant 0 : i32
    %broadcast_in_dim3A_1404 = vector.broadcast %jit3A_1403 : i32 to vector<16xi32>
    %select_n3A_1405 = arith.select %eq3A_1399, %broadcast_in_dim3A_1404, %add3A_1402 : vector<16xi1>, vector<16xi32>
    %lt3A_1406 = arith.constant 2048 : i32
    %lt3A_1407 = vector.broadcast %lt3A_1406 : i32 to vector<16xi32>
    %lt3A_1408 = arith.cmpi slt, %select_n3A_1405, %lt3A_1407 : vector<16xi32>
    %convert_element_type3A_1409 = arith.extui %lt3A_1408 : vector<16xi1> to vector<16xi32>
    %broadcast_in_dim3A_1410 = arith.constant true
    %broadcast_in_dim3A_1411 = vector.broadcast %broadcast_in_dim3A_1410 : i1 to vector<16xi1>
    %masked_cumsum3A_1412 = tpu.scan <sum>, %convert_element_type3A_1409 masked %broadcast_in_dim3A_1411 : vector<16xi32>, vector<16xi1> -> vector<16xi32>
    %add3A_1413 = vector.broadcast %add3A_1377 : i32 to vector<16xi32>
    %add3A_1414 = arith.addi %add3A_1413, %masked_cumsum3A_1412 : vector<16xi32>
    %sub3A_1415 = arith.subi %add3A_1414, %convert_element_type3A_1409 : vector<16xi32>
    %jit3A_1416 = arith.constant 0 : i32
    %broadcast_in_dim3A_1417 = vector.broadcast %jit3A_1416 : i32 to vector<16xi32>
    %select_n3A_1418 = arith.select %lt3A_1408, %select_n3A_1405, %broadcast_in_dim3A_1417 : vector<16xi1>, vector<16xi32>
    %add3A_1419 = arith.constant 2048 : i32
    %add3A_1420 = vector.broadcast %add3A_1419 : i32 to vector<16xi32>
    %add3A_1421 = arith.addi %add3A_1420, %select_n3A_1418 : vector<16xi32>
    tpu.vector_store_idx %arg9[%sub3A_1415], %add3A_1421 masked %lt3A_1408 : memref<512xi32, #tpu.memory_space<vmem>>[vector<16xi32>], vector<16xi32>, vector<16xi1>
    %and3A_1422 = arith.constant 63 : i32
    %and3A_1423 = vector.broadcast %and3A_1422 : i32 to vector<16xi32>
    %and3A_1424 = arith.andi %sub3A_1415, %and3A_1423 : vector<16xi32>
    %jit3A_1425 = arith.constant 0 : i32
    %broadcast_in_dim3A_1426 = vector.broadcast %jit3A_1425 : i32 to vector<16xi32>
    %select_n3A_1427 = arith.select %lt3A_1408, %and3A_1424, %broadcast_in_dim3A_1426 : vector<16xi1>, vector<16xi32>
    %swap3A_1428 = arith.constant 336 : index
    %swap3A_1429 = tpu.vector_load %arg8[%swap3A_1428] {strides = array<i32>} : memref<512xi32, #tpu.memory_space<vmem>>, vector<16xi32>,
    tpu.vector_store %arg8[%swap3A_1428], %select_n3A_1405 {strides = array<i32>} : memref<512xi32, #tpu.memory_space<vmem>>, vector<16xi32>,
    %swap3A_1430 = arith.constant 336 : index
    %swap3A_1431 = tpu.vector_load %arg10[%swap3A_1430] {strides = array<i32>} : memref<512xi32, #tpu.memory_space<vmem>>, vector<16xi32>,
    tpu.vector_store %arg10[%swap3A_1430], %select_n3A_1427 {strides = array<i32>} : memref<512xi32, #tpu.memory_space<vmem>>, vector<16xi32>,
    %reduce_max3A_1432 = arith.constant true
    %reduce_max3A_1433 = vector.broadcast %reduce_max3A_1432 : i1 to vector<16xi1>
    %reduce_max3A_1434 = arith.constant -2147483648 : i32
    %reduce_max3A_1435 = vector.broadcast %reduce_max3A_1434 : i32 to vector<16xi32>
    %reduce_max3A_1436 = arith.xori %masked_cumsum3A_1412, %reduce_max3A_1435 : vector<16xi32>
    %reduce_max3A_1437 = tpu.scan <max>, %reduce_max3A_1436 masked %reduce_max3A_1433 : vector<16xi32>, vector<16xi1> -> vector<16xi32>
    %reduce_max3A_1438 = arith.xori %reduce_max3A_1437, %reduce_max3A_1435 : vector<16xi32>
    %reduce_max3A_1439 = vector.extract %reduce_max3A_1438[15] : i32 from vector<16xi32>
    %add3A_1440 = arith.addi %add3A_1377, %reduce_max3A_1439 : i32
    %eq3A_1441 = arith.constant 5 : i32
    %eq3A_1442 = vector.broadcast %eq3A_1441 : i32 to vector<16xi32>
    %eq3A_1443 = arith.cmpi eq, %iota3A, %eq3A_1442 : vector<16xi32>
    %broadcast_in_dim3A_1444 = vector.broadcast %add3A_1440 : i32 to vector<16xi32>
    %select_n3A_1445 = arith.select %eq3A_1443, %broadcast_in_dim3A_1444, %select_n3A_1382 : vector<16xi1>, vector<16xi32>
    %add3A_1446 = arith.constant 80 : i32
    %add3A_1447 = arith.addi %mul3A_2, %add3A_1446 : i32
    %add3A_1448 = vector.broadcast %add3A_1447 : i32 to vector<16xi32>
    %add3A_1449 = arith.addi %add3A_1448, %iota3A : vector<16xi32>
    %sub3A_1450 = arith.constant 1 : i32
    %sub3A_1451 = vector.broadcast %sub3A_1450 : i32 to vector<16xi32>
    %sub3A_1452 = arith.subi %add3A_1449, %sub3A_1451 : vector<16xi32>
    %max3A_1453 = arith.constant 0 : i32
    %max3A_1454 = vector.broadcast %max3A_1453 : i32 to vector<16xi32>
    %max3A_1455 = arith.maxsi %sub3A_1452, %max3A_1454 : vector<16xi32>
    %add3A_1456 = arith.constant 8190 : i32
    %add3A_1457 = vector.broadcast %add3A_1456 : i32 to vector<16xi32>
    %add3A_1458 = arith.addi %add3A_1457, %max3A_1455 : vector<16xi32>
    %gather3A_1459 = tpu.vector_load_idx %arg7[%add3A_1458] : memref<16380xi32, #tpu.memory_space<vmem>>[vector<16xi32>], vector<16xi32>,
    %eq3A_1460 = arith.constant 0 : i32
    %eq3A_1461 = vector.broadcast %eq3A_1460 : i32 to vector<16xi32>
    %eq3A_1462 = arith.cmpi eq, %add3A_1449, %eq3A_1461 : vector<16xi32>
    %add3A_1463 = arith.constant 1 : i32
    %add3A_1464 = vector.broadcast %add3A_1463 : i32 to vector<16xi32>
    %add3A_1465 = arith.addi %gather3A_1459, %add3A_1464 : vector<16xi32>
    %jit3A_1466 = arith.constant 0 : i32
    %broadcast_in_dim3A_1467 = vector.broadcast %jit3A_1466 : i32 to vector<16xi32>
    %select_n3A_1468 = arith.select %eq3A_1462, %broadcast_in_dim3A_1467, %add3A_1465 : vector<16xi1>, vector<16xi32>
    %lt3A_1469 = arith.constant 2048 : i32
    %lt3A_1470 = vector.broadcast %lt3A_1469 : i32 to vector<16xi32>
    %lt3A_1471 = arith.cmpi slt, %select_n3A_1468, %lt3A_1470 : vector<16xi32>
    %convert_element_type3A_1472 = arith.extui %lt3A_1471 : vector<16xi1> to vector<16xi32>
    %broadcast_in_dim3A_1473 = arith.constant true
    %broadcast_in_dim3A_1474 = vector.broadcast %broadcast_in_dim3A_1473 : i1 to vector<16xi1>
    %masked_cumsum3A_1475 = tpu.scan <sum>, %convert_element_type3A_1472 masked %broadcast_in_dim3A_1474 : vector<16xi32>, vector<16xi1> -> vector<16xi32>
    %add3A_1476 = vector.broadcast %add3A_1440 : i32 to vector<16xi32>
    %add3A_1477 = arith.addi %add3A_1476, %masked_cumsum3A_1475 : vector<16xi32>
    %sub3A_1478 = arith.subi %add3A_1477, %convert_element_type3A_1472 : vector<16xi32>
    %jit3A_1479 = arith.constant 0 : i32
    %broadcast_in_dim3A_1480 = vector.broadcast %jit3A_1479 : i32 to vector<16xi32>
    %select_n3A_1481 = arith.select %lt3A_1471, %select_n3A_1468, %broadcast_in_dim3A_1480 : vector<16xi1>, vector<16xi32>
    %add3A_1482 = arith.constant 4096 : i32
    %add3A_1483 = vector.broadcast %add3A_1482 : i32 to vector<16xi32>
    %add3A_1484 = arith.addi %add3A_1483, %select_n3A_1481 : vector<16xi32>
    tpu.vector_store_idx %arg9[%sub3A_1478], %add3A_1484 masked %lt3A_1471 : memref<512xi32, #tpu.memory_space<vmem>>[vector<16xi32>], vector<16xi32>, vector<16xi1>
    %and3A_1485 = arith.constant 63 : i32
    %and3A_1486 = vector.broadcast %and3A_1485 : i32 to vector<16xi32>
    %and3A_1487 = arith.andi %sub3A_1478, %and3A_1486 : vector<16xi32>
    %jit3A_1488 = arith.constant 0 : i32
    %broadcast_in_dim3A_1489 = vector.broadcast %jit3A_1488 : i32 to vector<16xi32>
    %select_n3A_1490 = arith.select %lt3A_1471, %and3A_1487, %broadcast_in_dim3A_1489 : vector<16xi1>, vector<16xi32>
    %swap3A_1491 = arith.constant 352 : index
    %swap3A_1492 = tpu.vector_load %arg8[%swap3A_1491] {strides = array<i32>} : memref<512xi32, #tpu.memory_space<vmem>>, vector<16xi32>,
    tpu.vector_store %arg8[%swap3A_1491], %select_n3A_1468 {strides = array<i32>} : memref<512xi32, #tpu.memory_space<vmem>>, vector<16xi32>,
    %swap3A_1493 = arith.constant 352 : index
    %swap3A_1494 = tpu.vector_load %arg10[%swap3A_1493] {strides = array<i32>} : memref<512xi32, #tpu.memory_space<vmem>>, vector<16xi32>,
    tpu.vector_store %arg10[%swap3A_1493], %select_n3A_1490 {strides = array<i32>} : memref<512xi32, #tpu.memory_space<vmem>>, vector<16xi32>,
    %reduce_max3A_1495 = arith.constant true
    %reduce_max3A_1496 = vector.broadcast %reduce_max3A_1495 : i1 to vector<16xi1>
    %reduce_max3A_1497 = arith.constant -2147483648 : i32
    %reduce_max3A_1498 = vector.broadcast %reduce_max3A_1497 : i32 to vector<16xi32>
    %reduce_max3A_1499 = arith.xori %masked_cumsum3A_1475, %reduce_max3A_1498 : vector<16xi32>
    %reduce_max3A_1500 = tpu.scan <max>, %reduce_max3A_1499 masked %reduce_max3A_1496 : vector<16xi32>, vector<16xi1> -> vector<16xi32>
    %reduce_max3A_1501 = arith.xori %reduce_max3A_1500, %reduce_max3A_1498 : vector<16xi32>
    %reduce_max3A_1502 = vector.extract %reduce_max3A_1501[15] : i32 from vector<16xi32>
    %add3A_1503 = arith.addi %add3A_1440, %reduce_max3A_1502 : i32
    %eq3A_1504 = arith.constant 6 : i32
    %eq3A_1505 = vector.broadcast %eq3A_1504 : i32 to vector<16xi32>
    %eq3A_1506 = arith.cmpi eq, %iota3A, %eq3A_1505 : vector<16xi32>
    %broadcast_in_dim3A_1507 = vector.broadcast %add3A_1503 : i32 to vector<16xi32>
    %select_n3A_1508 = arith.select %eq3A_1506, %broadcast_in_dim3A_1507, %select_n3A_1445 : vector<16xi1>, vector<16xi32>
    %add3A_1509 = arith.constant 80 : i32
    %add3A_1510 = arith.addi %mul3A_2, %add3A_1509 : i32
    %add3A_1511 = vector.broadcast %add3A_1510 : i32 to vector<16xi32>
    %add3A_1512 = arith.addi %add3A_1511, %iota3A : vector<16xi32>
    %sub3A_1513 = arith.constant 1 : i32
    %sub3A_1514 = vector.broadcast %sub3A_1513 : i32 to vector<16xi32>
    %sub3A_1515 = arith.subi %add3A_1512, %sub3A_1514 : vector<16xi32>
    %max3A_1516 = arith.constant 0 : i32
    %max3A_1517 = vector.broadcast %max3A_1516 : i32 to vector<16xi32>
    %max3A_1518 = arith.maxsi %sub3A_1515, %max3A_1517 : vector<16xi32>
    %add3A_1519 = arith.constant 12285 : i32
    %add3A_1520 = vector.broadcast %add3A_1519 : i32 to vector<16xi32>
    %add3A_1521 = arith.addi %add3A_1520, %max3A_1518 : vector<16xi32>
    %gather3A_1522 = tpu.vector_load_idx %arg7[%add3A_1521] : memref<16380xi32, #tpu.memory_space<vmem>>[vector<16xi32>], vector<16xi32>,
    %eq3A_1523 = arith.constant 0 : i32
    %eq3A_1524 = vector.broadcast %eq3A_1523 : i32 to vector<16xi32>
    %eq3A_1525 = arith.cmpi eq, %add3A_1512, %eq3A_1524 : vector<16xi32>
    %add3A_1526 = arith.constant 1 : i32
    %add3A_1527 = vector.broadcast %add3A_1526 : i32 to vector<16xi32>
    %add3A_1528 = arith.addi %gather3A_1522, %add3A_1527 : vector<16xi32>
    %jit3A_1529 = arith.constant 0 : i32
    %broadcast_in_dim3A_1530 = vector.broadcast %jit3A_1529 : i32 to vector<16xi32>
    %select_n3A_1531 = arith.select %eq3A_1525, %broadcast_in_dim3A_1530, %add3A_1528 : vector<16xi1>, vector<16xi32>
    %lt3A_1532 = arith.constant 2048 : i32
    %lt3A_1533 = vector.broadcast %lt3A_1532 : i32 to vector<16xi32>
    %lt3A_1534 = arith.cmpi slt, %select_n3A_1531, %lt3A_1533 : vector<16xi32>
    %convert_element_type3A_1535 = arith.extui %lt3A_1534 : vector<16xi1> to vector<16xi32>
    %broadcast_in_dim3A_1536 = arith.constant true
    %broadcast_in_dim3A_1537 = vector.broadcast %broadcast_in_dim3A_1536 : i1 to vector<16xi1>
    %masked_cumsum3A_1538 = tpu.scan <sum>, %convert_element_type3A_1535 masked %broadcast_in_dim3A_1537 : vector<16xi32>, vector<16xi1> -> vector<16xi32>
    %add3A_1539 = vector.broadcast %add3A_1503 : i32 to vector<16xi32>
    %add3A_1540 = arith.addi %add3A_1539, %masked_cumsum3A_1538 : vector<16xi32>
    %sub3A_1541 = arith.subi %add3A_1540, %convert_element_type3A_1535 : vector<16xi32>
    %jit3A_1542 = arith.constant 0 : i32
    %broadcast_in_dim3A_1543 = vector.broadcast %jit3A_1542 : i32 to vector<16xi32>
    %select_n3A_1544 = arith.select %lt3A_1534, %select_n3A_1531, %broadcast_in_dim3A_1543 : vector<16xi1>, vector<16xi32>
    %add3A_1545 = arith.constant 6144 : i32
    %add3A_1546 = vector.broadcast %add3A_1545 : i32 to vector<16xi32>
    %add3A_1547 = arith.addi %add3A_1546, %select_n3A_1544 : vector<16xi32>
    tpu.vector_store_idx %arg9[%sub3A_1541], %add3A_1547 masked %lt3A_1534 : memref<512xi32, #tpu.memory_space<vmem>>[vector<16xi32>], vector<16xi32>, vector<16xi1>
    %and3A_1548 = arith.constant 63 : i32
    %and3A_1549 = vector.broadcast %and3A_1548 : i32 to vector<16xi32>
    %and3A_1550 = arith.andi %sub3A_1541, %and3A_1549 : vector<16xi32>
    %jit3A_1551 = arith.constant 0 : i32
    %broadcast_in_dim3A_1552 = vector.broadcast %jit3A_1551 : i32 to vector<16xi32>
    %select_n3A_1553 = arith.select %lt3A_1534, %and3A_1550, %broadcast_in_dim3A_1552 : vector<16xi1>, vector<16xi32>
    %swap3A_1554 = arith.constant 368 : index
    %swap3A_1555 = tpu.vector_load %arg8[%swap3A_1554] {strides = array<i32>} : memref<512xi32, #tpu.memory_space<vmem>>, vector<16xi32>,
    tpu.vector_store %arg8[%swap3A_1554], %select_n3A_1531 {strides = array<i32>} : memref<512xi32, #tpu.memory_space<vmem>>, vector<16xi32>,
    %swap3A_1556 = arith.constant 368 : index
    %swap3A_1557 = tpu.vector_load %arg10[%swap3A_1556] {strides = array<i32>} : memref<512xi32, #tpu.memory_space<vmem>>, vector<16xi32>,
    tpu.vector_store %arg10[%swap3A_1556], %select_n3A_1553 {strides = array<i32>} : memref<512xi32, #tpu.memory_space<vmem>>, vector<16xi32>,
    %reduce_max3A_1558 = arith.constant true
    %reduce_max3A_1559 = vector.broadcast %reduce_max3A_1558 : i1 to vector<16xi1>
    %reduce_max3A_1560 = arith.constant -2147483648 : i32
    %reduce_max3A_1561 = vector.broadcast %reduce_max3A_1560 : i32 to vector<16xi32>
    %reduce_max3A_1562 = arith.xori %masked_cumsum3A_1538, %reduce_max3A_1561 : vector<16xi32>
    %reduce_max3A_1563 = tpu.scan <max>, %reduce_max3A_1562 masked %reduce_max3A_1559 : vector<16xi32>, vector<16xi1> -> vector<16xi32>
    %reduce_max3A_1564 = arith.xori %reduce_max3A_1563, %reduce_max3A_1561 : vector<16xi32>
    %reduce_max3A_1565 = vector.extract %reduce_max3A_1564[15] : i32 from vector<16xi32>
    %add3A_1566 = arith.addi %add3A_1503, %reduce_max3A_1565 : i32
    %eq3A_1567 = arith.constant 7 : i32
    %eq3A_1568 = vector.broadcast %eq3A_1567 : i32 to vector<16xi32>
    %eq3A_1569 = arith.cmpi eq, %iota3A, %eq3A_1568 : vector<16xi32>
    %broadcast_in_dim3A_1570 = vector.broadcast %add3A_1566 : i32 to vector<16xi32>
    %select_n3A_1571 = arith.select %eq3A_1569, %broadcast_in_dim3A_1570, %select_n3A_1508 : vector<16xi1>, vector<16xi32>
    %add3A_1572 = arith.constant 96 : i32
    %add3A_1573 = arith.addi %mul3A_2, %add3A_1572 : i32
    %add3A_1574 = vector.broadcast %add3A_1573 : i32 to vector<16xi32>
    %add3A_1575 = arith.addi %add3A_1574, %iota3A : vector<16xi32>
    %sub3A_1576 = arith.constant 1 : i32
    %sub3A_1577 = vector.broadcast %sub3A_1576 : i32 to vector<16xi32>
    %sub3A_1578 = arith.subi %add3A_1575, %sub3A_1577 : vector<16xi32>
    %max3A_1579 = arith.constant 0 : i32
    %max3A_1580 = vector.broadcast %max3A_1579 : i32 to vector<16xi32>
    %max3A_1581 = arith.maxsi %sub3A_1578, %max3A_1580 : vector<16xi32>
    %add3A_1582 = arith.constant 0 : i32
    %add3A_1583 = vector.broadcast %add3A_1582 : i32 to vector<16xi32>
    %add3A_1584 = arith.addi %add3A_1583, %max3A_1581 : vector<16xi32>
    %gather3A_1585 = tpu.vector_load_idx %arg7[%add3A_1584] : memref<16380xi32, #tpu.memory_space<vmem>>[vector<16xi32>], vector<16xi32>,
    %eq3A_1586 = arith.constant 0 : i32
    %eq3A_1587 = vector.broadcast %eq3A_1586 : i32 to vector<16xi32>
    %eq3A_1588 = arith.cmpi eq, %add3A_1575, %eq3A_1587 : vector<16xi32>
    %add3A_1589 = arith.constant 1 : i32
    %add3A_1590 = vector.broadcast %add3A_1589 : i32 to vector<16xi32>
    %add3A_1591 = arith.addi %gather3A_1585, %add3A_1590 : vector<16xi32>
    %jit3A_1592 = arith.constant 0 : i32
    %broadcast_in_dim3A_1593 = vector.broadcast %jit3A_1592 : i32 to vector<16xi32>
    %select_n3A_1594 = arith.select %eq3A_1588, %broadcast_in_dim3A_1593, %add3A_1591 : vector<16xi1>, vector<16xi32>
    %lt3A_1595 = arith.constant 2048 : i32
    %lt3A_1596 = vector.broadcast %lt3A_1595 : i32 to vector<16xi32>
    %lt3A_1597 = arith.cmpi slt, %select_n3A_1594, %lt3A_1596 : vector<16xi32>
    %convert_element_type3A_1598 = arith.extui %lt3A_1597 : vector<16xi1> to vector<16xi32>
    %broadcast_in_dim3A_1599 = arith.constant true
    %broadcast_in_dim3A_1600 = vector.broadcast %broadcast_in_dim3A_1599 : i1 to vector<16xi1>
    %masked_cumsum3A_1601 = tpu.scan <sum>, %convert_element_type3A_1598 masked %broadcast_in_dim3A_1600 : vector<16xi32>, vector<16xi1> -> vector<16xi32>
    %add3A_1602 = vector.broadcast %add3A_1566 : i32 to vector<16xi32>
    %add3A_1603 = arith.addi %add3A_1602, %masked_cumsum3A_1601 : vector<16xi32>
    %sub3A_1604 = arith.subi %add3A_1603, %convert_element_type3A_1598 : vector<16xi32>
    %jit3A_1605 = arith.constant 0 : i32
    %broadcast_in_dim3A_1606 = vector.broadcast %jit3A_1605 : i32 to vector<16xi32>
    %select_n3A_1607 = arith.select %lt3A_1597, %select_n3A_1594, %broadcast_in_dim3A_1606 : vector<16xi1>, vector<16xi32>
    %add3A_1608 = arith.constant 0 : i32
    %add3A_1609 = vector.broadcast %add3A_1608 : i32 to vector<16xi32>
    %add3A_1610 = arith.addi %add3A_1609, %select_n3A_1607 : vector<16xi32>
    tpu.vector_store_idx %arg9[%sub3A_1604], %add3A_1610 masked %lt3A_1597 : memref<512xi32, #tpu.memory_space<vmem>>[vector<16xi32>], vector<16xi32>, vector<16xi1>
    %and3A_1611 = arith.constant 63 : i32
    %and3A_1612 = vector.broadcast %and3A_1611 : i32 to vector<16xi32>
    %and3A_1613 = arith.andi %sub3A_1604, %and3A_1612 : vector<16xi32>
    %jit3A_1614 = arith.constant 0 : i32
    %broadcast_in_dim3A_1615 = vector.broadcast %jit3A_1614 : i32 to vector<16xi32>
    %select_n3A_1616 = arith.select %lt3A_1597, %and3A_1613, %broadcast_in_dim3A_1615 : vector<16xi1>, vector<16xi32>
    %swap3A_1617 = arith.constant 384 : index
    %swap3A_1618 = tpu.vector_load %arg8[%swap3A_1617] {strides = array<i32>} : memref<512xi32, #tpu.memory_space<vmem>>, vector<16xi32>,
    tpu.vector_store %arg8[%swap3A_1617], %select_n3A_1594 {strides = array<i32>} : memref<512xi32, #tpu.memory_space<vmem>>, vector<16xi32>,
    %swap3A_1619 = arith.constant 384 : index
    %swap3A_1620 = tpu.vector_load %arg10[%swap3A_1619] {strides = array<i32>} : memref<512xi32, #tpu.memory_space<vmem>>, vector<16xi32>,
    tpu.vector_store %arg10[%swap3A_1619], %select_n3A_1616 {strides = array<i32>} : memref<512xi32, #tpu.memory_space<vmem>>, vector<16xi32>,
    %reduce_max3A_1621 = arith.constant true
    %reduce_max3A_1622 = vector.broadcast %reduce_max3A_1621 : i1 to vector<16xi1>
    %reduce_max3A_1623 = arith.constant -2147483648 : i32
    %reduce_max3A_1624 = vector.broadcast %reduce_max3A_1623 : i32 to vector<16xi32>
    %reduce_max3A_1625 = arith.xori %masked_cumsum3A_1601, %reduce_max3A_1624 : vector<16xi32>
    %reduce_max3A_1626 = tpu.scan <max>, %reduce_max3A_1625 masked %reduce_max3A_1622 : vector<16xi32>, vector<16xi1> -> vector<16xi32>
    %reduce_max3A_1627 = arith.xori %reduce_max3A_1626, %reduce_max3A_1624 : vector<16xi32>
    %reduce_max3A_1628 = vector.extract %reduce_max3A_1627[15] : i32 from vector<16xi32>
    %add3A_1629 = arith.addi %add3A_1566, %reduce_max3A_1628 : i32
    %eq3A_1630 = arith.constant 8 : i32
    %eq3A_1631 = vector.broadcast %eq3A_1630 : i32 to vector<16xi32>
    %eq3A_1632 = arith.cmpi eq, %iota3A, %eq3A_1631 : vector<16xi32>
    %broadcast_in_dim3A_1633 = vector.broadcast %add3A_1629 : i32 to vector<16xi32>
    %select_n3A_1634 = arith.select %eq3A_1632, %broadcast_in_dim3A_1633, %select_n3A_1571 : vector<16xi1>, vector<16xi32>
    %add3A_1635 = arith.constant 96 : i32
    %add3A_1636 = arith.addi %mul3A_2, %add3A_1635 : i32
    %add3A_1637 = vector.broadcast %add3A_1636 : i32 to vector<16xi32>
    %add3A_1638 = arith.addi %add3A_1637, %iota3A : vector<16xi32>
    %sub3A_1639 = arith.constant 1 : i32
    %sub3A_1640 = vector.broadcast %sub3A_1639 : i32 to vector<16xi32>
    %sub3A_1641 = arith.subi %add3A_1638, %sub3A_1640 : vector<16xi32>
    %max3A_1642 = arith.constant 0 : i32
    %max3A_1643 = vector.broadcast %max3A_1642 : i32 to vector<16xi32>
    %max3A_1644 = arith.maxsi %sub3A_1641, %max3A_1643 : vector<16xi32>
    %add3A_1645 = arith.constant 4095 : i32
    %add3A_1646 = vector.broadcast %add3A_1645 : i32 to vector<16xi32>
    %add3A_1647 = arith.addi %add3A_1646, %max3A_1644 : vector<16xi32>
    %gather3A_1648 = tpu.vector_load_idx %arg7[%add3A_1647] : memref<16380xi32, #tpu.memory_space<vmem>>[vector<16xi32>], vector<16xi32>,
    %eq3A_1649 = arith.constant 0 : i32
    %eq3A_1650 = vector.broadcast %eq3A_1649 : i32 to vector<16xi32>
    %eq3A_1651 = arith.cmpi eq, %add3A_1638, %eq3A_1650 : vector<16xi32>
    %add3A_1652 = arith.constant 1 : i32
    %add3A_1653 = vector.broadcast %add3A_1652 : i32 to vector<16xi32>
    %add3A_1654 = arith.addi %gather3A_1648, %add3A_1653 : vector<16xi32>
    %jit3A_1655 = arith.constant 0 : i32
    %broadcast_in_dim3A_1656 = vector.broadcast %jit3A_1655 : i32 to vector<16xi32>
    %select_n3A_1657 = arith.select %eq3A_1651, %broadcast_in_dim3A_1656, %add3A_1654 : vector<16xi1>, vector<16xi32>
    %lt3A_1658 = arith.constant 2048 : i32
    %lt3A_1659 = vector.broadcast %lt3A_1658 : i32 to vector<16xi32>
    %lt3A_1660 = arith.cmpi slt, %select_n3A_1657, %lt3A_1659 : vector<16xi32>
    %convert_element_type3A_1661 = arith.extui %lt3A_1660 : vector<16xi1> to vector<16xi32>
    %broadcast_in_dim3A_1662 = arith.constant true
    %broadcast_in_dim3A_1663 = vector.broadcast %broadcast_in_dim3A_1662 : i1 to vector<16xi1>
    %masked_cumsum3A_1664 = tpu.scan <sum>, %convert_element_type3A_1661 masked %broadcast_in_dim3A_1663 : vector<16xi32>, vector<16xi1> -> vector<16xi32>
    %add3A_1665 = vector.broadcast %add3A_1629 : i32 to vector<16xi32>
    %add3A_1666 = arith.addi %add3A_1665, %masked_cumsum3A_1664 : vector<16xi32>
    %sub3A_1667 = arith.subi %add3A_1666, %convert_element_type3A_1661 : vector<16xi32>
    %jit3A_1668 = arith.constant 0 : i32
    %broadcast_in_dim3A_1669 = vector.broadcast %jit3A_1668 : i32 to vector<16xi32>
    %select_n3A_1670 = arith.select %lt3A_1660, %select_n3A_1657, %broadcast_in_dim3A_1669 : vector<16xi1>, vector<16xi32>
    %add3A_1671 = arith.constant 2048 : i32
    %add3A_1672 = vector.broadcast %add3A_1671 : i32 to vector<16xi32>
    %add3A_1673 = arith.addi %add3A_1672, %select_n3A_1670 : vector<16xi32>
    tpu.vector_store_idx %arg9[%sub3A_1667], %add3A_1673 masked %lt3A_1660 : memref<512xi32, #tpu.memory_space<vmem>>[vector<16xi32>], vector<16xi32>, vector<16xi1>
    %and3A_1674 = arith.constant 63 : i32
    %and3A_1675 = vector.broadcast %and3A_1674 : i32 to vector<16xi32>
    %and3A_1676 = arith.andi %sub3A_1667, %and3A_1675 : vector<16xi32>
    %jit3A_1677 = arith.constant 0 : i32
    %broadcast_in_dim3A_1678 = vector.broadcast %jit3A_1677 : i32 to vector<16xi32>
    %select_n3A_1679 = arith.select %lt3A_1660, %and3A_1676, %broadcast_in_dim3A_1678 : vector<16xi1>, vector<16xi32>
    %swap3A_1680 = arith.constant 400 : index
    %swap3A_1681 = tpu.vector_load %arg8[%swap3A_1680] {strides = array<i32>} : memref<512xi32, #tpu.memory_space<vmem>>, vector<16xi32>,
    tpu.vector_store %arg8[%swap3A_1680], %select_n3A_1657 {strides = array<i32>} : memref<512xi32, #tpu.memory_space<vmem>>, vector<16xi32>,
    %swap3A_1682 = arith.constant 400 : index
    %swap3A_1683 = tpu.vector_load %arg10[%swap3A_1682] {strides = array<i32>} : memref<512xi32, #tpu.memory_space<vmem>>, vector<16xi32>,
    tpu.vector_store %arg10[%swap3A_1682], %select_n3A_1679 {strides = array<i32>} : memref<512xi32, #tpu.memory_space<vmem>>, vector<16xi32>,
    %reduce_max3A_1684 = arith.constant true
    %reduce_max3A_1685 = vector.broadcast %reduce_max3A_1684 : i1 to vector<16xi1>
    %reduce_max3A_1686 = arith.constant -2147483648 : i32
    %reduce_max3A_1687 = vector.broadcast %reduce_max3A_1686 : i32 to vector<16xi32>
    %reduce_max3A_1688 = arith.xori %masked_cumsum3A_1664, %reduce_max3A_1687 : vector<16xi32>
    %reduce_max3A_1689 = tpu.scan <max>, %reduce_max3A_1688 masked %reduce_max3A_1685 : vector<16xi32>, vector<16xi1> -> vector<16xi32>
    %reduce_max3A_1690 = arith.xori %reduce_max3A_1689, %reduce_max3A_1687 : vector<16xi32>
    %reduce_max3A_1691 = vector.extract %reduce_max3A_1690[15] : i32 from vector<16xi32>
    %add3A_1692 = arith.addi %add3A_1629, %reduce_max3A_1691 : i32
    %eq3A_1693 = arith.constant 9 : i32
    %eq3A_1694 = vector.broadcast %eq3A_1693 : i32 to vector<16xi32>
    %eq3A_1695 = arith.cmpi eq, %iota3A, %eq3A_1694 : vector<16xi32>
    %broadcast_in_dim3A_1696 = vector.broadcast %add3A_1692 : i32 to vector<16xi32>
    %select_n3A_1697 = arith.select %eq3A_1695, %broadcast_in_dim3A_1696, %select_n3A_1634 : vector<16xi1>, vector<16xi32>
    %add3A_1698 = arith.constant 96 : i32
    %add3A_1699 = arith.addi %mul3A_2, %add3A_1698 : i32
    %add3A_1700 = vector.broadcast %add3A_1699 : i32 to vector<16xi32>
    %add3A_1701 = arith.addi %add3A_1700, %iota3A : vector<16xi32>
    %sub3A_1702 = arith.constant 1 : i32
    %sub3A_1703 = vector.broadcast %sub3A_1702 : i32 to vector<16xi32>
    %sub3A_1704 = arith.subi %add3A_1701, %sub3A_1703 : vector<16xi32>
    %max3A_1705 = arith.constant 0 : i32
    %max3A_1706 = vector.broadcast %max3A_1705 : i32 to vector<16xi32>
    %max3A_1707 = arith.maxsi %sub3A_1704, %max3A_1706 : vector<16xi32>
    %add3A_1708 = arith.constant 8190 : i32
    %add3A_1709 = vector.broadcast %add3A_1708 : i32 to vector<16xi32>
    %add3A_1710 = arith.addi %add3A_1709, %max3A_1707 : vector<16xi32>
    %gather3A_1711 = tpu.vector_load_idx %arg7[%add3A_1710] : memref<16380xi32, #tpu.memory_space<vmem>>[vector<16xi32>], vector<16xi32>,
    %eq3A_1712 = arith.constant 0 : i32
    %eq3A_1713 = vector.broadcast %eq3A_1712 : i32 to vector<16xi32>
    %eq3A_1714 = arith.cmpi eq, %add3A_1701, %eq3A_1713 : vector<16xi32>
    %add3A_1715 = arith.constant 1 : i32
    %add3A_1716 = vector.broadcast %add3A_1715 : i32 to vector<16xi32>
    %add3A_1717 = arith.addi %gather3A_1711, %add3A_1716 : vector<16xi32>
    %jit3A_1718 = arith.constant 0 : i32
    %broadcast_in_dim3A_1719 = vector.broadcast %jit3A_1718 : i32 to vector<16xi32>
    %select_n3A_1720 = arith.select %eq3A_1714, %broadcast_in_dim3A_1719, %add3A_1717 : vector<16xi1>, vector<16xi32>
    %lt3A_1721 = arith.constant 2048 : i32
    %lt3A_1722 = vector.broadcast %lt3A_1721 : i32 to vector<16xi32>
    %lt3A_1723 = arith.cmpi slt, %select_n3A_1720, %lt3A_1722 : vector<16xi32>
    %convert_element_type3A_1724 = arith.extui %lt3A_1723 : vector<16xi1> to vector<16xi32>
    %broadcast_in_dim3A_1725 = arith.constant true
    %broadcast_in_dim3A_1726 = vector.broadcast %broadcast_in_dim3A_1725 : i1 to vector<16xi1>
    %masked_cumsum3A_1727 = tpu.scan <sum>, %convert_element_type3A_1724 masked %broadcast_in_dim3A_1726 : vector<16xi32>, vector<16xi1> -> vector<16xi32>
    %add3A_1728 = vector.broadcast %add3A_1692 : i32 to vector<16xi32>
    %add3A_1729 = arith.addi %add3A_1728, %masked_cumsum3A_1727 : vector<16xi32>
    %sub3A_1730 = arith.subi %add3A_1729, %convert_element_type3A_1724 : vector<16xi32>
    %jit3A_1731 = arith.constant 0 : i32
    %broadcast_in_dim3A_1732 = vector.broadcast %jit3A_1731 : i32 to vector<16xi32>
    %select_n3A_1733 = arith.select %lt3A_1723, %select_n3A_1720, %broadcast_in_dim3A_1732 : vector<16xi1>, vector<16xi32>
    %add3A_1734 = arith.constant 4096 : i32
    %add3A_1735 = vector.broadcast %add3A_1734 : i32 to vector<16xi32>
    %add3A_1736 = arith.addi %add3A_1735, %select_n3A_1733 : vector<16xi32>
    tpu.vector_store_idx %arg9[%sub3A_1730], %add3A_1736 masked %lt3A_1723 : memref<512xi32, #tpu.memory_space<vmem>>[vector<16xi32>], vector<16xi32>, vector<16xi1>
    %and3A_1737 = arith.constant 63 : i32
    %and3A_1738 = vector.broadcast %and3A_1737 : i32 to vector<16xi32>
    %and3A_1739 = arith.andi %sub3A_1730, %and3A_1738 : vector<16xi32>
    %jit3A_1740 = arith.constant 0 : i32
    %broadcast_in_dim3A_1741 = vector.broadcast %jit3A_1740 : i32 to vector<16xi32>
    %select_n3A_1742 = arith.select %lt3A_1723, %and3A_1739, %broadcast_in_dim3A_1741 : vector<16xi1>, vector<16xi32>
    %swap3A_1743 = arith.constant 416 : index
    %swap3A_1744 = tpu.vector_load %arg8[%swap3A_1743] {strides = array<i32>} : memref<512xi32, #tpu.memory_space<vmem>>, vector<16xi32>,
    tpu.vector_store %arg8[%swap3A_1743], %select_n3A_1720 {strides = array<i32>} : memref<512xi32, #tpu.memory_space<vmem>>, vector<16xi32>,
    %swap3A_1745 = arith.constant 416 : index
    %swap3A_1746 = tpu.vector_load %arg10[%swap3A_1745] {strides = array<i32>} : memref<512xi32, #tpu.memory_space<vmem>>, vector<16xi32>,
    tpu.vector_store %arg10[%swap3A_1745], %select_n3A_1742 {strides = array<i32>} : memref<512xi32, #tpu.memory_space<vmem>>, vector<16xi32>,
    %reduce_max3A_1747 = arith.constant true
    %reduce_max3A_1748 = vector.broadcast %reduce_max3A_1747 : i1 to vector<16xi1>
    %reduce_max3A_1749 = arith.constant -2147483648 : i32
    %reduce_max3A_1750 = vector.broadcast %reduce_max3A_1749 : i32 to vector<16xi32>
    %reduce_max3A_1751 = arith.xori %masked_cumsum3A_1727, %reduce_max3A_1750 : vector<16xi32>
    %reduce_max3A_1752 = tpu.scan <max>, %reduce_max3A_1751 masked %reduce_max3A_1748 : vector<16xi32>, vector<16xi1> -> vector<16xi32>
    %reduce_max3A_1753 = arith.xori %reduce_max3A_1752, %reduce_max3A_1750 : vector<16xi32>
    %reduce_max3A_1754 = vector.extract %reduce_max3A_1753[15] : i32 from vector<16xi32>
    %add3A_1755 = arith.addi %add3A_1692, %reduce_max3A_1754 : i32
    %eq3A_1756 = arith.constant 10 : i32
    %eq3A_1757 = vector.broadcast %eq3A_1756 : i32 to vector<16xi32>
    %eq3A_1758 = arith.cmpi eq, %iota3A, %eq3A_1757 : vector<16xi32>
    %broadcast_in_dim3A_1759 = vector.broadcast %add3A_1755 : i32 to vector<16xi32>
    %select_n3A_1760 = arith.select %eq3A_1758, %broadcast_in_dim3A_1759, %select_n3A_1697 : vector<16xi1>, vector<16xi32>
    %add3A_1761 = arith.constant 96 : i32
    %add3A_1762 = arith.addi %mul3A_2, %add3A_1761 : i32
    %add3A_1763 = vector.broadcast %add3A_1762 : i32 to vector<16xi32>
    %add3A_1764 = arith.addi %add3A_1763, %iota3A : vector<16xi32>
    %sub3A_1765 = arith.constant 1 : i32
    %sub3A_1766 = vector.broadcast %sub3A_1765 : i32 to vector<16xi32>
    %sub3A_1767 = arith.subi %add3A_1764, %sub3A_1766 : vector<16xi32>
    %max3A_1768 = arith.constant 0 : i32
    %max3A_1769 = vector.broadcast %max3A_1768 : i32 to vector<16xi32>
    %max3A_1770 = arith.maxsi %sub3A_1767, %max3A_1769 : vector<16xi32>
    %add3A_1771 = arith.constant 12285 : i32
    %add3A_1772 = vector.broadcast %add3A_1771 : i32 to vector<16xi32>
    %add3A_1773 = arith.addi %add3A_1772, %max3A_1770 : vector<16xi32>
    %gather3A_1774 = tpu.vector_load_idx %arg7[%add3A_1773] : memref<16380xi32, #tpu.memory_space<vmem>>[vector<16xi32>], vector<16xi32>,
    %eq3A_1775 = arith.constant 0 : i32
    %eq3A_1776 = vector.broadcast %eq3A_1775 : i32 to vector<16xi32>
    %eq3A_1777 = arith.cmpi eq, %add3A_1764, %eq3A_1776 : vector<16xi32>
    %add3A_1778 = arith.constant 1 : i32
    %add3A_1779 = vector.broadcast %add3A_1778 : i32 to vector<16xi32>
    %add3A_1780 = arith.addi %gather3A_1774, %add3A_1779 : vector<16xi32>
    %jit3A_1781 = arith.constant 0 : i32
    %broadcast_in_dim3A_1782 = vector.broadcast %jit3A_1781 : i32 to vector<16xi32>
    %select_n3A_1783 = arith.select %eq3A_1777, %broadcast_in_dim3A_1782, %add3A_1780 : vector<16xi1>, vector<16xi32>
    %lt3A_1784 = arith.constant 2048 : i32
    %lt3A_1785 = vector.broadcast %lt3A_1784 : i32 to vector<16xi32>
    %lt3A_1786 = arith.cmpi slt, %select_n3A_1783, %lt3A_1785 : vector<16xi32>
    %convert_element_type3A_1787 = arith.extui %lt3A_1786 : vector<16xi1> to vector<16xi32>
    %broadcast_in_dim3A_1788 = arith.constant true
    %broadcast_in_dim3A_1789 = vector.broadcast %broadcast_in_dim3A_1788 : i1 to vector<16xi1>
    %masked_cumsum3A_1790 = tpu.scan <sum>, %convert_element_type3A_1787 masked %broadcast_in_dim3A_1789 : vector<16xi32>, vector<16xi1> -> vector<16xi32>
    %add3A_1791 = vector.broadcast %add3A_1755 : i32 to vector<16xi32>
    %add3A_1792 = arith.addi %add3A_1791, %masked_cumsum3A_1790 : vector<16xi32>
    %sub3A_1793 = arith.subi %add3A_1792, %convert_element_type3A_1787 : vector<16xi32>
    %jit3A_1794 = arith.constant 0 : i32
    %broadcast_in_dim3A_1795 = vector.broadcast %jit3A_1794 : i32 to vector<16xi32>
    %select_n3A_1796 = arith.select %lt3A_1786, %select_n3A_1783, %broadcast_in_dim3A_1795 : vector<16xi1>, vector<16xi32>
    %add3A_1797 = arith.constant 6144 : i32
    %add3A_1798 = vector.broadcast %add3A_1797 : i32 to vector<16xi32>
    %add3A_1799 = arith.addi %add3A_1798, %select_n3A_1796 : vector<16xi32>
    tpu.vector_store_idx %arg9[%sub3A_1793], %add3A_1799 masked %lt3A_1786 : memref<512xi32, #tpu.memory_space<vmem>>[vector<16xi32>], vector<16xi32>, vector<16xi1>
    %and3A_1800 = arith.constant 63 : i32
    %and3A_1801 = vector.broadcast %and3A_1800 : i32 to vector<16xi32>
    %and3A_1802 = arith.andi %sub3A_1793, %and3A_1801 : vector<16xi32>
    %jit3A_1803 = arith.constant 0 : i32
    %broadcast_in_dim3A_1804 = vector.broadcast %jit3A_1803 : i32 to vector<16xi32>
    %select_n3A_1805 = arith.select %lt3A_1786, %and3A_1802, %broadcast_in_dim3A_1804 : vector<16xi1>, vector<16xi32>
    %swap3A_1806 = arith.constant 432 : index
    %swap3A_1807 = tpu.vector_load %arg8[%swap3A_1806] {strides = array<i32>} : memref<512xi32, #tpu.memory_space<vmem>>, vector<16xi32>,
    tpu.vector_store %arg8[%swap3A_1806], %select_n3A_1783 {strides = array<i32>} : memref<512xi32, #tpu.memory_space<vmem>>, vector<16xi32>,
    %swap3A_1808 = arith.constant 432 : index
    %swap3A_1809 = tpu.vector_load %arg10[%swap3A_1808] {strides = array<i32>} : memref<512xi32, #tpu.memory_space<vmem>>, vector<16xi32>,
    tpu.vector_store %arg10[%swap3A_1808], %select_n3A_1805 {strides = array<i32>} : memref<512xi32, #tpu.memory_space<vmem>>, vector<16xi32>,
    %reduce_max3A_1810 = arith.constant true
    %reduce_max3A_1811 = vector.broadcast %reduce_max3A_1810 : i1 to vector<16xi1>
    %reduce_max3A_1812 = arith.constant -2147483648 : i32
    %reduce_max3A_1813 = vector.broadcast %reduce_max3A_1812 : i32 to vector<16xi32>
    %reduce_max3A_1814 = arith.xori %masked_cumsum3A_1790, %reduce_max3A_1813 : vector<16xi32>
    %reduce_max3A_1815 = tpu.scan <max>, %reduce_max3A_1814 masked %reduce_max3A_1811 : vector<16xi32>, vector<16xi1> -> vector<16xi32>
    %reduce_max3A_1816 = arith.xori %reduce_max3A_1815, %reduce_max3A_1813 : vector<16xi32>
    %reduce_max3A_1817 = vector.extract %reduce_max3A_1816[15] : i32 from vector<16xi32>
    %add3A_1818 = arith.addi %add3A_1755, %reduce_max3A_1817 : i32
    %eq3A_1819 = arith.constant 11 : i32
    %eq3A_1820 = vector.broadcast %eq3A_1819 : i32 to vector<16xi32>
    %eq3A_1821 = arith.cmpi eq, %iota3A, %eq3A_1820 : vector<16xi32>
    %broadcast_in_dim3A_1822 = vector.broadcast %add3A_1818 : i32 to vector<16xi32>
    %select_n3A_1823 = arith.select %eq3A_1821, %broadcast_in_dim3A_1822, %select_n3A_1760 : vector<16xi1>, vector<16xi32>
    %add3A_1824 = arith.constant 112 : i32
    %add3A_1825 = arith.addi %mul3A_2, %add3A_1824 : i32
    %add3A_1826 = vector.broadcast %add3A_1825 : i32 to vector<16xi32>
    %add3A_1827 = arith.addi %add3A_1826, %iota3A : vector<16xi32>
    %sub3A_1828 = arith.constant 1 : i32
    %sub3A_1829 = vector.broadcast %sub3A_1828 : i32 to vector<16xi32>
    %sub3A_1830 = arith.subi %add3A_1827, %sub3A_1829 : vector<16xi32>
    %max3A_1831 = arith.constant 0 : i32
    %max3A_1832 = vector.broadcast %max3A_1831 : i32 to vector<16xi32>
    %max3A_1833 = arith.maxsi %sub3A_1830, %max3A_1832 : vector<16xi32>
    %add3A_1834 = arith.constant 0 : i32
    %add3A_1835 = vector.broadcast %add3A_1834 : i32 to vector<16xi32>
    %add3A_1836 = arith.addi %add3A_1835, %max3A_1833 : vector<16xi32>
    %gather3A_1837 = tpu.vector_load_idx %arg7[%add3A_1836] : memref<16380xi32, #tpu.memory_space<vmem>>[vector<16xi32>], vector<16xi32>,
    %eq3A_1838 = arith.constant 0 : i32
    %eq3A_1839 = vector.broadcast %eq3A_1838 : i32 to vector<16xi32>
    %eq3A_1840 = arith.cmpi eq, %add3A_1827, %eq3A_1839 : vector<16xi32>
    %add3A_1841 = arith.constant 1 : i32
    %add3A_1842 = vector.broadcast %add3A_1841 : i32 to vector<16xi32>
    %add3A_1843 = arith.addi %gather3A_1837, %add3A_1842 : vector<16xi32>
    %jit3A_1844 = arith.constant 0 : i32
    %broadcast_in_dim3A_1845 = vector.broadcast %jit3A_1844 : i32 to vector<16xi32>
    %select_n3A_1846 = arith.select %eq3A_1840, %broadcast_in_dim3A_1845, %add3A_1843 : vector<16xi1>, vector<16xi32>
    %lt3A_1847 = arith.constant 2048 : i32
    %lt3A_1848 = vector.broadcast %lt3A_1847 : i32 to vector<16xi32>
    %lt3A_1849 = arith.cmpi slt, %select_n3A_1846, %lt3A_1848 : vector<16xi32>
    %convert_element_type3A_1850 = arith.extui %lt3A_1849 : vector<16xi1> to vector<16xi32>
    %broadcast_in_dim3A_1851 = arith.constant true
    %broadcast_in_dim3A_1852 = vector.broadcast %broadcast_in_dim3A_1851 : i1 to vector<16xi1>
    %masked_cumsum3A_1853 = tpu.scan <sum>, %convert_element_type3A_1850 masked %broadcast_in_dim3A_1852 : vector<16xi32>, vector<16xi1> -> vector<16xi32>
    %add3A_1854 = vector.broadcast %add3A_1818 : i32 to vector<16xi32>
    %add3A_1855 = arith.addi %add3A_1854, %masked_cumsum3A_1853 : vector<16xi32>
    %sub3A_1856 = arith.subi %add3A_1855, %convert_element_type3A_1850 : vector<16xi32>
    %jit3A_1857 = arith.constant 0 : i32
    %broadcast_in_dim3A_1858 = vector.broadcast %jit3A_1857 : i32 to vector<16xi32>
    %select_n3A_1859 = arith.select %lt3A_1849, %select_n3A_1846, %broadcast_in_dim3A_1858 : vector<16xi1>, vector<16xi32>
    %add3A_1860 = arith.constant 0 : i32
    %add3A_1861 = vector.broadcast %add3A_1860 : i32 to vector<16xi32>
    %add3A_1862 = arith.addi %add3A_1861, %select_n3A_1859 : vector<16xi32>
    tpu.vector_store_idx %arg9[%sub3A_1856], %add3A_1862 masked %lt3A_1849 : memref<512xi32, #tpu.memory_space<vmem>>[vector<16xi32>], vector<16xi32>, vector<16xi1>
    %and3A_1863 = arith.constant 63 : i32
    %and3A_1864 = vector.broadcast %and3A_1863 : i32 to vector<16xi32>
    %and3A_1865 = arith.andi %sub3A_1856, %and3A_1864 : vector<16xi32>
    %jit3A_1866 = arith.constant 0 : i32
    %broadcast_in_dim3A_1867 = vector.broadcast %jit3A_1866 : i32 to vector<16xi32>
    %select_n3A_1868 = arith.select %lt3A_1849, %and3A_1865, %broadcast_in_dim3A_1867 : vector<16xi1>, vector<16xi32>
    %swap3A_1869 = arith.constant 448 : index
    %swap3A_1870 = tpu.vector_load %arg8[%swap3A_1869] {strides = array<i32>} : memref<512xi32, #tpu.memory_space<vmem>>, vector<16xi32>,
    tpu.vector_store %arg8[%swap3A_1869], %select_n3A_1846 {strides = array<i32>} : memref<512xi32, #tpu.memory_space<vmem>>, vector<16xi32>,
    %swap3A_1871 = arith.constant 448 : index
    %swap3A_1872 = tpu.vector_load %arg10[%swap3A_1871] {strides = array<i32>} : memref<512xi32, #tpu.memory_space<vmem>>, vector<16xi32>,
    tpu.vector_store %arg10[%swap3A_1871], %select_n3A_1868 {strides = array<i32>} : memref<512xi32, #tpu.memory_space<vmem>>, vector<16xi32>,
    %reduce_max3A_1873 = arith.constant true
    %reduce_max3A_1874 = vector.broadcast %reduce_max3A_1873 : i1 to vector<16xi1>
    %reduce_max3A_1875 = arith.constant -2147483648 : i32
    %reduce_max3A_1876 = vector.broadcast %reduce_max3A_1875 : i32 to vector<16xi32>
    %reduce_max3A_1877 = arith.xori %masked_cumsum3A_1853, %reduce_max3A_1876 : vector<16xi32>
    %reduce_max3A_1878 = tpu.scan <max>, %reduce_max3A_1877 masked %reduce_max3A_1874 : vector<16xi32>, vector<16xi1> -> vector<16xi32>
    %reduce_max3A_1879 = arith.xori %reduce_max3A_1878, %reduce_max3A_1876 : vector<16xi32>
    %reduce_max3A_1880 = vector.extract %reduce_max3A_1879[15] : i32 from vector<16xi32>
    %add3A_1881 = arith.addi %add3A_1818, %reduce_max3A_1880 : i32
    %eq3A_1882 = arith.constant 12 : i32
    %eq3A_1883 = vector.broadcast %eq3A_1882 : i32 to vector<16xi32>
    %eq3A_1884 = arith.cmpi eq, %iota3A, %eq3A_1883 : vector<16xi32>
    %broadcast_in_dim3A_1885 = vector.broadcast %add3A_1881 : i32 to vector<16xi32>
    %select_n3A_1886 = arith.select %eq3A_1884, %broadcast_in_dim3A_1885, %select_n3A_1823 : vector<16xi1>, vector<16xi32>
    %add3A_1887 = arith.constant 112 : i32
    %add3A_1888 = arith.addi %mul3A_2, %add3A_1887 : i32
    %add3A_1889 = vector.broadcast %add3A_1888 : i32 to vector<16xi32>
    %add3A_1890 = arith.addi %add3A_1889, %iota3A : vector<16xi32>
    %sub3A_1891 = arith.constant 1 : i32
    %sub3A_1892 = vector.broadcast %sub3A_1891 : i32 to vector<16xi32>
    %sub3A_1893 = arith.subi %add3A_1890, %sub3A_1892 : vector<16xi32>
    %max3A_1894 = arith.constant 0 : i32
    %max3A_1895 = vector.broadcast %max3A_1894 : i32 to vector<16xi32>
    %max3A_1896 = arith.maxsi %sub3A_1893, %max3A_1895 : vector<16xi32>
    %add3A_1897 = arith.constant 4095 : i32
    %add3A_1898 = vector.broadcast %add3A_1897 : i32 to vector<16xi32>
    %add3A_1899 = arith.addi %add3A_1898, %max3A_1896 : vector<16xi32>
    %gather3A_1900 = tpu.vector_load_idx %arg7[%add3A_1899] : memref<16380xi32, #tpu.memory_space<vmem>>[vector<16xi32>], vector<16xi32>,
    %eq3A_1901 = arith.constant 0 : i32
    %eq3A_1902 = vector.broadcast %eq3A_1901 : i32 to vector<16xi32>
    %eq3A_1903 = arith.cmpi eq, %add3A_1890, %eq3A_1902 : vector<16xi32>
    %add3A_1904 = arith.constant 1 : i32
    %add3A_1905 = vector.broadcast %add3A_1904 : i32 to vector<16xi32>
    %add3A_1906 = arith.addi %gather3A_1900, %add3A_1905 : vector<16xi32>
    %jit3A_1907 = arith.constant 0 : i32
    %broadcast_in_dim3A_1908 = vector.broadcast %jit3A_1907 : i32 to vector<16xi32>
    %select_n3A_1909 = arith.select %eq3A_1903, %broadcast_in_dim3A_1908, %add3A_1906 : vector<16xi1>, vector<16xi32>
    %lt3A_1910 = arith.constant 2048 : i32
    %lt3A_1911 = vector.broadcast %lt3A_1910 : i32 to vector<16xi32>
    %lt3A_1912 = arith.cmpi slt, %select_n3A_1909, %lt3A_1911 : vector<16xi32>
    %convert_element_type3A_1913 = arith.extui %lt3A_1912 : vector<16xi1> to vector<16xi32>
    %broadcast_in_dim3A_1914 = arith.constant true
    %broadcast_in_dim3A_1915 = vector.broadcast %broadcast_in_dim3A_1914 : i1 to vector<16xi1>
    %masked_cumsum3A_1916 = tpu.scan <sum>, %convert_element_type3A_1913 masked %broadcast_in_dim3A_1915 : vector<16xi32>, vector<16xi1> -> vector<16xi32>
    %add3A_1917 = vector.broadcast %add3A_1881 : i32 to vector<16xi32>
    %add3A_1918 = arith.addi %add3A_1917, %masked_cumsum3A_1916 : vector<16xi32>
    %sub3A_1919 = arith.subi %add3A_1918, %convert_element_type3A_1913 : vector<16xi32>
    %jit3A_1920 = arith.constant 0 : i32
    %broadcast_in_dim3A_1921 = vector.broadcast %jit3A_1920 : i32 to vector<16xi32>
    %select_n3A_1922 = arith.select %lt3A_1912, %select_n3A_1909, %broadcast_in_dim3A_1921 : vector<16xi1>, vector<16xi32>
    %add3A_1923 = arith.constant 2048 : i32
    %add3A_1924 = vector.broadcast %add3A_1923 : i32 to vector<16xi32>
    %add3A_1925 = arith.addi %add3A_1924, %select_n3A_1922 : vector<16xi32>
    tpu.vector_store_idx %arg9[%sub3A_1919], %add3A_1925 masked %lt3A_1912 : memref<512xi32, #tpu.memory_space<vmem>>[vector<16xi32>], vector<16xi32>, vector<16xi1>
    %and3A_1926 = arith.constant 63 : i32
    %and3A_1927 = vector.broadcast %and3A_1926 : i32 to vector<16xi32>
    %and3A_1928 = arith.andi %sub3A_1919, %and3A_1927 : vector<16xi32>
    %jit3A_1929 = arith.constant 0 : i32
    %broadcast_in_dim3A_1930 = vector.broadcast %jit3A_1929 : i32 to vector<16xi32>
    %select_n3A_1931 = arith.select %lt3A_1912, %and3A_1928, %broadcast_in_dim3A_1930 : vector<16xi1>, vector<16xi32>
    %swap3A_1932 = arith.constant 464 : index
    %swap3A_1933 = tpu.vector_load %arg8[%swap3A_1932] {strides = array<i32>} : memref<512xi32, #tpu.memory_space<vmem>>, vector<16xi32>,
    tpu.vector_store %arg8[%swap3A_1932], %select_n3A_1909 {strides = array<i32>} : memref<512xi32, #tpu.memory_space<vmem>>, vector<16xi32>,
    %swap3A_1934 = arith.constant 464 : index
    %swap3A_1935 = tpu.vector_load %arg10[%swap3A_1934] {strides = array<i32>} : memref<512xi32, #tpu.memory_space<vmem>>, vector<16xi32>,
    tpu.vector_store %arg10[%swap3A_1934], %select_n3A_1931 {strides = array<i32>} : memref<512xi32, #tpu.memory_space<vmem>>, vector<16xi32>,
    %reduce_max3A_1936 = arith.constant true
    %reduce_max3A_1937 = vector.broadcast %reduce_max3A_1936 : i1 to vector<16xi1>
    %reduce_max3A_1938 = arith.constant -2147483648 : i32
    %reduce_max3A_1939 = vector.broadcast %reduce_max3A_1938 : i32 to vector<16xi32>
    %reduce_max3A_1940 = arith.xori %masked_cumsum3A_1916, %reduce_max3A_1939 : vector<16xi32>
    %reduce_max3A_1941 = tpu.scan <max>, %reduce_max3A_1940 masked %reduce_max3A_1937 : vector<16xi32>, vector<16xi1> -> vector<16xi32>
    %reduce_max3A_1942 = arith.xori %reduce_max3A_1941, %reduce_max3A_1939 : vector<16xi32>
    %reduce_max3A_1943 = vector.extract %reduce_max3A_1942[15] : i32 from vector<16xi32>
    %add3A_1944 = arith.addi %add3A_1881, %reduce_max3A_1943 : i32
    %eq3A_1945 = arith.constant 13 : i32
    %eq3A_1946 = vector.broadcast %eq3A_1945 : i32 to vector<16xi32>
    %eq3A_1947 = arith.cmpi eq, %iota3A, %eq3A_1946 : vector<16xi32>
    %broadcast_in_dim3A_1948 = vector.broadcast %add3A_1944 : i32 to vector<16xi32>
    %select_n3A_1949 = arith.select %eq3A_1947, %broadcast_in_dim3A_1948, %select_n3A_1886 : vector<16xi1>, vector<16xi32>
    %add3A_1950 = arith.constant 112 : i32
    %add3A_1951 = arith.addi %mul3A_2, %add3A_1950 : i32
    %add3A_1952 = vector.broadcast %add3A_1951 : i32 to vector<16xi32>
    %add3A_1953 = arith.addi %add3A_1952, %iota3A : vector<16xi32>
    %sub3A_1954 = arith.constant 1 : i32
    %sub3A_1955 = vector.broadcast %sub3A_1954 : i32 to vector<16xi32>
    %sub3A_1956 = arith.subi %add3A_1953, %sub3A_1955 : vector<16xi32>
    %max3A_1957 = arith.constant 0 : i32
    %max3A_1958 = vector.broadcast %max3A_1957 : i32 to vector<16xi32>
    %max3A_1959 = arith.maxsi %sub3A_1956, %max3A_1958 : vector<16xi32>
    %add3A_1960 = arith.constant 8190 : i32
    %add3A_1961 = vector.broadcast %add3A_1960 : i32 to vector<16xi32>
    %add3A_1962 = arith.addi %add3A_1961, %max3A_1959 : vector<16xi32>
    %gather3A_1963 = tpu.vector_load_idx %arg7[%add3A_1962] : memref<16380xi32, #tpu.memory_space<vmem>>[vector<16xi32>], vector<16xi32>,
    %eq3A_1964 = arith.constant 0 : i32
    %eq3A_1965 = vector.broadcast %eq3A_1964 : i32 to vector<16xi32>
    %eq3A_1966 = arith.cmpi eq, %add3A_1953, %eq3A_1965 : vector<16xi32>
    %add3A_1967 = arith.constant 1 : i32
    %add3A_1968 = vector.broadcast %add3A_1967 : i32 to vector<16xi32>
    %add3A_1969 = arith.addi %gather3A_1963, %add3A_1968 : vector<16xi32>
    %jit3A_1970 = arith.constant 0 : i32
    %broadcast_in_dim3A_1971 = vector.broadcast %jit3A_1970 : i32 to vector<16xi32>
    %select_n3A_1972 = arith.select %eq3A_1966, %broadcast_in_dim3A_1971, %add3A_1969 : vector<16xi1>, vector<16xi32>
    %lt3A_1973 = arith.constant 2048 : i32
    %lt3A_1974 = vector.broadcast %lt3A_1973 : i32 to vector<16xi32>
    %lt3A_1975 = arith.cmpi slt, %select_n3A_1972, %lt3A_1974 : vector<16xi32>
    %convert_element_type3A_1976 = arith.extui %lt3A_1975 : vector<16xi1> to vector<16xi32>
    %broadcast_in_dim3A_1977 = arith.constant true
    %broadcast_in_dim3A_1978 = vector.broadcast %broadcast_in_dim3A_1977 : i1 to vector<16xi1>
    %masked_cumsum3A_1979 = tpu.scan <sum>, %convert_element_type3A_1976 masked %broadcast_in_dim3A_1978 : vector<16xi32>, vector<16xi1> -> vector<16xi32>
    %add3A_1980 = vector.broadcast %add3A_1944 : i32 to vector<16xi32>
    %add3A_1981 = arith.addi %add3A_1980, %masked_cumsum3A_1979 : vector<16xi32>
    %sub3A_1982 = arith.subi %add3A_1981, %convert_element_type3A_1976 : vector<16xi32>
    %jit3A_1983 = arith.constant 0 : i32
    %broadcast_in_dim3A_1984 = vector.broadcast %jit3A_1983 : i32 to vector<16xi32>
    %select_n3A_1985 = arith.select %lt3A_1975, %select_n3A_1972, %broadcast_in_dim3A_1984 : vector<16xi1>, vector<16xi32>
    %add3A_1986 = arith.constant 4096 : i32
    %add3A_1987 = vector.broadcast %add3A_1986 : i32 to vector<16xi32>
    %add3A_1988 = arith.addi %add3A_1987, %select_n3A_1985 : vector<16xi32>
    tpu.vector_store_idx %arg9[%sub3A_1982], %add3A_1988 masked %lt3A_1975 : memref<512xi32, #tpu.memory_space<vmem>>[vector<16xi32>], vector<16xi32>, vector<16xi1>
    %and3A_1989 = arith.constant 63 : i32
    %and3A_1990 = vector.broadcast %and3A_1989 : i32 to vector<16xi32>
    %and3A_1991 = arith.andi %sub3A_1982, %and3A_1990 : vector<16xi32>
    %jit3A_1992 = arith.constant 0 : i32
    %broadcast_in_dim3A_1993 = vector.broadcast %jit3A_1992 : i32 to vector<16xi32>
    %select_n3A_1994 = arith.select %lt3A_1975, %and3A_1991, %broadcast_in_dim3A_1993 : vector<16xi1>, vector<16xi32>
    %swap3A_1995 = arith.constant 480 : index
    %swap3A_1996 = tpu.vector_load %arg8[%swap3A_1995] {strides = array<i32>} : memref<512xi32, #tpu.memory_space<vmem>>, vector<16xi32>,
    tpu.vector_store %arg8[%swap3A_1995], %select_n3A_1972 {strides = array<i32>} : memref<512xi32, #tpu.memory_space<vmem>>, vector<16xi32>,
    %swap3A_1997 = arith.constant 480 : index
    %swap3A_1998 = tpu.vector_load %arg10[%swap3A_1997] {strides = array<i32>} : memref<512xi32, #tpu.memory_space<vmem>>, vector<16xi32>,
    tpu.vector_store %arg10[%swap3A_1997], %select_n3A_1994 {strides = array<i32>} : memref<512xi32, #tpu.memory_space<vmem>>, vector<16xi32>,
    %reduce_max3A_1999 = arith.constant true
    %reduce_max3A_2000 = vector.broadcast %reduce_max3A_1999 : i1 to vector<16xi1>
    %reduce_max3A_2001 = arith.constant -2147483648 : i32
    %reduce_max3A_2002 = vector.broadcast %reduce_max3A_2001 : i32 to vector<16xi32>
    %reduce_max3A_2003 = arith.xori %masked_cumsum3A_1979, %reduce_max3A_2002 : vector<16xi32>
    %reduce_max3A_2004 = tpu.scan <max>, %reduce_max3A_2003 masked %reduce_max3A_2000 : vector<16xi32>, vector<16xi1> -> vector<16xi32>
    %reduce_max3A_2005 = arith.xori %reduce_max3A_2004, %reduce_max3A_2002 : vector<16xi32>
    %reduce_max3A_2006 = vector.extract %reduce_max3A_2005[15] : i32 from vector<16xi32>
    %add3A_2007 = arith.addi %add3A_1944, %reduce_max3A_2006 : i32
    %eq3A_2008 = arith.constant 14 : i32
    %eq3A_2009 = vector.broadcast %eq3A_2008 : i32 to vector<16xi32>
    %eq3A_2010 = arith.cmpi eq, %iota3A, %eq3A_2009 : vector<16xi32>
    %broadcast_in_dim3A_2011 = vector.broadcast %add3A_2007 : i32 to vector<16xi32>
    %select_n3A_2012 = arith.select %eq3A_2010, %broadcast_in_dim3A_2011, %select_n3A_1949 : vector<16xi1>, vector<16xi32>
    %add3A_2013 = arith.constant 112 : i32
    %add3A_2014 = arith.addi %mul3A_2, %add3A_2013 : i32
    %add3A_2015 = vector.broadcast %add3A_2014 : i32 to vector<16xi32>
    %add3A_2016 = arith.addi %add3A_2015, %iota3A : vector<16xi32>
    %sub3A_2017 = arith.constant 1 : i32
    %sub3A_2018 = vector.broadcast %sub3A_2017 : i32 to vector<16xi32>
    %sub3A_2019 = arith.subi %add3A_2016, %sub3A_2018 : vector<16xi32>
    %max3A_2020 = arith.constant 0 : i32
    %max3A_2021 = vector.broadcast %max3A_2020 : i32 to vector<16xi32>
    %max3A_2022 = arith.maxsi %sub3A_2019, %max3A_2021 : vector<16xi32>
    %add3A_2023 = arith.constant 12285 : i32
    %add3A_2024 = vector.broadcast %add3A_2023 : i32 to vector<16xi32>
    %add3A_2025 = arith.addi %add3A_2024, %max3A_2022 : vector<16xi32>
    %gather3A_2026 = tpu.vector_load_idx %arg7[%add3A_2025] : memref<16380xi32, #tpu.memory_space<vmem>>[vector<16xi32>], vector<16xi32>,
    %eq3A_2027 = arith.constant 0 : i32
    %eq3A_2028 = vector.broadcast %eq3A_2027 : i32 to vector<16xi32>
    %eq3A_2029 = arith.cmpi eq, %add3A_2016, %eq3A_2028 : vector<16xi32>
    %add3A_2030 = arith.constant 1 : i32
    %add3A_2031 = vector.broadcast %add3A_2030 : i32 to vector<16xi32>
    %add3A_2032 = arith.addi %gather3A_2026, %add3A_2031 : vector<16xi32>
    %jit3A_2033 = arith.constant 0 : i32
    %broadcast_in_dim3A_2034 = vector.broadcast %jit3A_2033 : i32 to vector<16xi32>
    %select_n3A_2035 = arith.select %eq3A_2029, %broadcast_in_dim3A_2034, %add3A_2032 : vector<16xi1>, vector<16xi32>
    %lt3A_2036 = arith.constant 2048 : i32
    %lt3A_2037 = vector.broadcast %lt3A_2036 : i32 to vector<16xi32>
    %lt3A_2038 = arith.cmpi slt, %select_n3A_2035, %lt3A_2037 : vector<16xi32>
    %convert_element_type3A_2039 = arith.extui %lt3A_2038 : vector<16xi1> to vector<16xi32>
    %broadcast_in_dim3A_2040 = arith.constant true
    %broadcast_in_dim3A_2041 = vector.broadcast %broadcast_in_dim3A_2040 : i1 to vector<16xi1>
    %masked_cumsum3A_2042 = tpu.scan <sum>, %convert_element_type3A_2039 masked %broadcast_in_dim3A_2041 : vector<16xi32>, vector<16xi1> -> vector<16xi32>
    %add3A_2043 = vector.broadcast %add3A_2007 : i32 to vector<16xi32>
    %add3A_2044 = arith.addi %add3A_2043, %masked_cumsum3A_2042 : vector<16xi32>
    %sub3A_2045 = arith.subi %add3A_2044, %convert_element_type3A_2039 : vector<16xi32>
    %jit3A_2046 = arith.constant 0 : i32
    %broadcast_in_dim3A_2047 = vector.broadcast %jit3A_2046 : i32 to vector<16xi32>
    %select_n3A_2048 = arith.select %lt3A_2038, %select_n3A_2035, %broadcast_in_dim3A_2047 : vector<16xi1>, vector<16xi32>
    %add3A_2049 = arith.constant 6144 : i32
    %add3A_2050 = vector.broadcast %add3A_2049 : i32 to vector<16xi32>
    %add3A_2051 = arith.addi %add3A_2050, %select_n3A_2048 : vector<16xi32>
    tpu.vector_store_idx %arg9[%sub3A_2045], %add3A_2051 masked %lt3A_2038 : memref<512xi32, #tpu.memory_space<vmem>>[vector<16xi32>], vector<16xi32>, vector<16xi1>
    %and3A_2052 = arith.constant 63 : i32
    %and3A_2053 = vector.broadcast %and3A_2052 : i32 to vector<16xi32>
    %and3A_2054 = arith.andi %sub3A_2045, %and3A_2053 : vector<16xi32>
    %jit3A_2055 = arith.constant 0 : i32
    %broadcast_in_dim3A_2056 = vector.broadcast %jit3A_2055 : i32 to vector<16xi32>
    %select_n3A_2057 = arith.select %lt3A_2038, %and3A_2054, %broadcast_in_dim3A_2056 : vector<16xi1>, vector<16xi32>
    %swap3A_2058 = arith.constant 496 : index
    %swap3A_2059 = tpu.vector_load %arg8[%swap3A_2058] {strides = array<i32>} : memref<512xi32, #tpu.memory_space<vmem>>, vector<16xi32>,
    tpu.vector_store %arg8[%swap3A_2058], %select_n3A_2035 {strides = array<i32>} : memref<512xi32, #tpu.memory_space<vmem>>, vector<16xi32>,
    %swap3A_2060 = arith.constant 496 : index
    %swap3A_2061 = tpu.vector_load %arg10[%swap3A_2060] {strides = array<i32>} : memref<512xi32, #tpu.memory_space<vmem>>, vector<16xi32>,
    tpu.vector_store %arg10[%swap3A_2060], %select_n3A_2057 {strides = array<i32>} : memref<512xi32, #tpu.memory_space<vmem>>, vector<16xi32>,
    %reduce_max3A_2062 = arith.constant true
    %reduce_max3A_2063 = vector.broadcast %reduce_max3A_2062 : i1 to vector<16xi1>
    %reduce_max3A_2064 = arith.constant -2147483648 : i32
    %reduce_max3A_2065 = vector.broadcast %reduce_max3A_2064 : i32 to vector<16xi32>
    %reduce_max3A_2066 = arith.xori %masked_cumsum3A_2042, %reduce_max3A_2065 : vector<16xi32>
    %reduce_max3A_2067 = tpu.scan <max>, %reduce_max3A_2066 masked %reduce_max3A_2063 : vector<16xi32>, vector<16xi1> -> vector<16xi32>
    %reduce_max3A_2068 = arith.xori %reduce_max3A_2067, %reduce_max3A_2065 : vector<16xi32>
    %reduce_max3A_2069 = vector.extract %reduce_max3A_2068[15] : i32 from vector<16xi32>
    %add3A_2070 = arith.addi %add3A_2007, %reduce_max3A_2069 : i32
    %eq3A_2071 = arith.constant 15 : i32
    %eq3A_2072 = vector.broadcast %eq3A_2071 : i32 to vector<16xi32>
    %eq3A_2073 = arith.cmpi eq, %iota3A, %eq3A_2072 : vector<16xi32>
    %broadcast_in_dim3A_2074 = vector.broadcast %add3A_2070 : i32 to vector<16xi32>
    %select_n3A_2075 = arith.select %eq3A_2073, %broadcast_in_dim3A_2074, %select_n3A_2012 : vector<16xi1>, vector<16xi32>
    %swap3A_2076 = arith.constant 16 : index
    %swap3A_2077 = tpu.vector_load %arg11[%swap3A_2076] {strides = array<i32>} : memref<32xi32, #tpu.memory_space<vmem>>, vector<16xi32>,
    tpu.vector_store %arg11[%swap3A_2076], %select_n3A_2075 {strides = array<i32>} : memref<32xi32, #tpu.memory_space<vmem>>, vector<16xi32>,
    %add3A_2078 = arith.constant 16 : i32
    %add3A_2079 = arith.addi %add3A_2070, %add3A_2078 : i32
    %sub3A_2080 = arith.constant 1 : i32
    %sub3A_2081 = arith.subi %add3A_2079, %sub3A_2080 : i32
    %jit3A_2082 = arith.constant 16 : i32
    %div3A = arith.divsi %sub3A_2081, %jit3A_2082 : i32
    %sign3A = arith.constant 0 : i32
    %sign3A_2083 = arith.cmpi sgt, %sub3A_2081, %sign3A : i32
    %sign3A_2084 = arith.extui %sign3A_2083 : i1 to i32
    %sign3A_2085 = arith.constant 0 : i32
    %sign3A_2086 = arith.cmpi slt, %sub3A_2081, %sign3A_2085 : i32
    %sign3A_2087 = arith.extui %sign3A_2086 : i1 to i32
    %sign3A_2088 = arith.subi %sign3A_2084, %sign3A_2087 : i32
    %sign3A_2089 = arith.constant 0 : i32
    %sign3A_2090 = arith.cmpi sgt, %jit3A_2082, %sign3A_2089 : i32
    %sign3A_2091 = arith.extui %sign3A_2090 : i1 to i32
    %sign3A_2092 = arith.constant 0 : i32
    %sign3A_2093 = arith.cmpi slt, %jit3A_2082, %sign3A_2092 : i32
    %sign3A_2094 = arith.extui %sign3A_2093 : i1 to i32
    %sign3A_2095 = arith.subi %sign3A_2091, %sign3A_2094 : i32
    %ne3A = arith.cmpi ne, %sign3A_2088, %sign3A_2095 : i32
    %rem3A = arith.remsi %sub3A_2081, %jit3A_2082 : i32
    %ne3A_2096 = arith.constant 0 : i32
    %ne3A_2097 = arith.cmpi ne, %rem3A, %ne3A_2096 : i32
    %and3A_2098 = arith.andi %ne3A, %ne3A_2097 : i1
    %sub3A_2099 = arith.constant 1 : i32
    %sub3A_2100 = arith.subi %div3A, %sub3A_2099 : i32
    %select_n3A_2101 = arith.select %and3A_2098, %sub3A_2100, %div3A : i32
    %get3A = arith.constant 0 : i32
    %get3A_2102 = arith.index_cast %get3A : i32 to index
    %get3A_2103 = arith.constant 0 : index
    %get3A_2104 = tpu.vector_load %arg12[%get3A_2102, %get3A_2103] {strides = array<i32>} : memref<1x768xf32, #tpu.memory_space<vmem>>, vector<16xf32>,
    %get3A_2105 = arith.constant 0 : i32
    %get3A_2106 = arith.index_cast %get3A_2105 : i32 to index
    %get3A_2107 = arith.constant 16 : index
    %get3A_2108 = tpu.vector_load %arg12[%get3A_2106, %get3A_2107] {strides = array<i32>} : memref<1x768xf32, #tpu.memory_space<vmem>>, vector<16xf32>,
    %get3A_2109 = arith.constant 0 : i32
    %get3A_2110 = arith.index_cast %get3A_2109 : i32 to index
    %get3A_2111 = arith.constant 32 : index
    %get3A_2112 = tpu.vector_load %arg12[%get3A_2110, %get3A_2111] {strides = array<i32>} : memref<1x768xf32, #tpu.memory_space<vmem>>, vector<16xf32>,
    %get3A_2113 = arith.constant 0 : i32
    %get3A_2114 = arith.index_cast %get3A_2113 : i32 to index
    %get3A_2115 = arith.constant 48 : index
    %get3A_2116 = tpu.vector_load %arg12[%get3A_2114, %get3A_2115] {strides = array<i32>} : memref<1x768xf32, #tpu.memory_space<vmem>>, vector<16xf32>,
    %get3A_2117 = arith.constant 0 : i32
    %get3A_2118 = arith.index_cast %get3A_2117 : i32 to index
    %get3A_2119 = arith.constant 64 : index
    %get3A_2120 = tpu.vector_load %arg12[%get3A_2118, %get3A_2119] {strides = array<i32>} : memref<1x768xf32, #tpu.memory_space<vmem>>, vector<16xf32>,
    %get3A_2121 = arith.constant 0 : i32
    %get3A_2122 = arith.index_cast %get3A_2121 : i32 to index
    %get3A_2123 = arith.constant 80 : index
    %get3A_2124 = tpu.vector_load %arg12[%get3A_2122, %get3A_2123] {strides = array<i32>} : memref<1x768xf32, #tpu.memory_space<vmem>>, vector<16xf32>,
    %get3A_2125 = arith.constant 0 : i32
    %get3A_2126 = arith.index_cast %get3A_2125 : i32 to index
    %get3A_2127 = arith.constant 96 : index
    %get3A_2128 = tpu.vector_load %arg12[%get3A_2126, %get3A_2127] {strides = array<i32>} : memref<1x768xf32, #tpu.memory_space<vmem>>, vector<16xf32>,
    %get3A_2129 = arith.constant 0 : i32
    %get3A_2130 = arith.index_cast %get3A_2129 : i32 to index
    %get3A_2131 = arith.constant 112 : index
    %get3A_2132 = tpu.vector_load %arg12[%get3A_2130, %get3A_2131] {strides = array<i32>} : memref<1x768xf32, #tpu.memory_space<vmem>>, vector<16xf32>,
    %get3A_2133 = arith.constant 0 : i32
    %get3A_2134 = arith.index_cast %get3A_2133 : i32 to index
    %get3A_2135 = arith.constant 128 : index
    %get3A_2136 = tpu.vector_load %arg12[%get3A_2134, %get3A_2135] {strides = array<i32>} : memref<1x768xf32, #tpu.memory_space<vmem>>, vector<16xf32>,
    %get3A_2137 = arith.constant 0 : i32
    %get3A_2138 = arith.index_cast %get3A_2137 : i32 to index
    %get3A_2139 = arith.constant 144 : index
    %get3A_2140 = tpu.vector_load %arg12[%get3A_2138, %get3A_2139] {strides = array<i32>} : memref<1x768xf32, #tpu.memory_space<vmem>>, vector<16xf32>,
    %get3A_2141 = arith.constant 0 : i32
    %get3A_2142 = arith.index_cast %get3A_2141 : i32 to index
    %get3A_2143 = arith.constant 160 : index
    %get3A_2144 = tpu.vector_load %arg12[%get3A_2142, %get3A_2143] {strides = array<i32>} : memref<1x768xf32, #tpu.memory_space<vmem>>, vector<16xf32>,
    %get3A_2145 = arith.constant 0 : i32
    %get3A_2146 = arith.index_cast %get3A_2145 : i32 to index
    %get3A_2147 = arith.constant 176 : index
    %get3A_2148 = tpu.vector_load %arg12[%get3A_2146, %get3A_2147] {strides = array<i32>} : memref<1x768xf32, #tpu.memory_space<vmem>>, vector<16xf32>,
    %get3A_2149 = arith.constant 0 : i32
    %get3A_2150 = arith.index_cast %get3A_2149 : i32 to index
    %get3A_2151 = arith.constant 192 : index
    %get3A_2152 = tpu.vector_load %arg12[%get3A_2150, %get3A_2151] {strides = array<i32>} : memref<1x768xf32, #tpu.memory_space<vmem>>, vector<16xf32>,
    %get3A_2153 = arith.constant 0 : i32
    %get3A_2154 = arith.index_cast %get3A_2153 : i32 to index
    %get3A_2155 = arith.constant 208 : index
    %get3A_2156 = tpu.vector_load %arg12[%get3A_2154, %get3A_2155] {strides = array<i32>} : memref<1x768xf32, #tpu.memory_space<vmem>>, vector<16xf32>,
    %get3A_2157 = arith.constant 0 : i32
    %get3A_2158 = arith.index_cast %get3A_2157 : i32 to index
    %get3A_2159 = arith.constant 224 : index
    %get3A_2160 = tpu.vector_load %arg12[%get3A_2158, %get3A_2159] {strides = array<i32>} : memref<1x768xf32, #tpu.memory_space<vmem>>, vector<16xf32>,
    %get3A_2161 = arith.constant 0 : i32
    %get3A_2162 = arith.index_cast %get3A_2161 : i32 to index
    %get3A_2163 = arith.constant 240 : index
    %get3A_2164 = tpu.vector_load %arg12[%get3A_2162, %get3A_2163] {strides = array<i32>} : memref<1x768xf32, #tpu.memory_space<vmem>>, vector<16xf32>,
    %get3A_2165 = arith.constant 0 : i32
    %get3A_2166 = arith.index_cast %get3A_2165 : i32 to index
    %get3A_2167 = arith.constant 256 : index
    %get3A_2168 = tpu.vector_load %arg12[%get3A_2166, %get3A_2167] {strides = array<i32>} : memref<1x768xf32, #tpu.memory_space<vmem>>, vector<16xf32>,
    %get3A_2169 = arith.constant 0 : i32
    %get3A_2170 = arith.index_cast %get3A_2169 : i32 to index
    %get3A_2171 = arith.constant 272 : index
    %get3A_2172 = tpu.vector_load %arg12[%get3A_2170, %get3A_2171] {strides = array<i32>} : memref<1x768xf32, #tpu.memory_space<vmem>>, vector<16xf32>,
    %get3A_2173 = arith.constant 0 : i32
    %get3A_2174 = arith.index_cast %get3A_2173 : i32 to index
    %get3A_2175 = arith.constant 288 : index
    %get3A_2176 = tpu.vector_load %arg12[%get3A_2174, %get3A_2175] {strides = array<i32>} : memref<1x768xf32, #tpu.memory_space<vmem>>, vector<16xf32>,
    %get3A_2177 = arith.constant 0 : i32
    %get3A_2178 = arith.index_cast %get3A_2177 : i32 to index
    %get3A_2179 = arith.constant 304 : index
    %get3A_2180 = tpu.vector_load %arg12[%get3A_2178, %get3A_2179] {strides = array<i32>} : memref<1x768xf32, #tpu.memory_space<vmem>>, vector<16xf32>,
    %get3A_2181 = arith.constant 0 : i32
    %get3A_2182 = arith.index_cast %get3A_2181 : i32 to index
    %get3A_2183 = arith.constant 320 : index
    %get3A_2184 = tpu.vector_load %arg12[%get3A_2182, %get3A_2183] {strides = array<i32>} : memref<1x768xf32, #tpu.memory_space<vmem>>, vector<16xf32>,
    %get3A_2185 = arith.constant 0 : i32
    %get3A_2186 = arith.index_cast %get3A_2185 : i32 to index
    %get3A_2187 = arith.constant 336 : index
    %get3A_2188 = tpu.vector_load %arg12[%get3A_2186, %get3A_2187] {strides = array<i32>} : memref<1x768xf32, #tpu.memory_space<vmem>>, vector<16xf32>,
    %get3A_2189 = arith.constant 0 : i32
    %get3A_2190 = arith.index_cast %get3A_2189 : i32 to index
    %get3A_2191 = arith.constant 352 : index
    %get3A_2192 = tpu.vector_load %arg12[%get3A_2190, %get3A_2191] {strides = array<i32>} : memref<1x768xf32, #tpu.memory_space<vmem>>, vector<16xf32>,
    %get3A_2193 = arith.constant 0 : i32
    %get3A_2194 = arith.index_cast %get3A_2193 : i32 to index
    %get3A_2195 = arith.constant 368 : index
    %get3A_2196 = tpu.vector_load %arg12[%get3A_2194, %get3A_2195] {strides = array<i32>} : memref<1x768xf32, #tpu.memory_space<vmem>>, vector<16xf32>,
    %get3A_2197 = arith.constant 0 : i32
    %get3A_2198 = arith.index_cast %get3A_2197 : i32 to index
    %get3A_2199 = arith.constant 384 : index
    %get3A_2200 = tpu.vector_load %arg12[%get3A_2198, %get3A_2199] {strides = array<i32>} : memref<1x768xf32, #tpu.memory_space<vmem>>, vector<16xf32>,
    %get3A_2201 = arith.constant 0 : i32
    %get3A_2202 = arith.index_cast %get3A_2201 : i32 to index
    %get3A_2203 = arith.constant 400 : index
    %get3A_2204 = tpu.vector_load %arg12[%get3A_2202, %get3A_2203] {strides = array<i32>} : memref<1x768xf32, #tpu.memory_space<vmem>>, vector<16xf32>,
    %get3A_2205 = arith.constant 0 : i32
    %get3A_2206 = arith.index_cast %get3A_2205 : i32 to index
    %get3A_2207 = arith.constant 416 : index
    %get3A_2208 = tpu.vector_load %arg12[%get3A_2206, %get3A_2207] {strides = array<i32>} : memref<1x768xf32, #tpu.memory_space<vmem>>, vector<16xf32>,
    %get3A_2209 = arith.constant 0 : i32
    %get3A_2210 = arith.index_cast %get3A_2209 : i32 to index
    %get3A_2211 = arith.constant 432 : index
    %get3A_2212 = tpu.vector_load %arg12[%get3A_2210, %get3A_2211] {strides = array<i32>} : memref<1x768xf32, #tpu.memory_space<vmem>>, vector<16xf32>,
    %get3A_2213 = arith.constant 0 : i32
    %get3A_2214 = arith.index_cast %get3A_2213 : i32 to index
    %get3A_2215 = arith.constant 448 : index
    %get3A_2216 = tpu.vector_load %arg12[%get3A_2214, %get3A_2215] {strides = array<i32>} : memref<1x768xf32, #tpu.memory_space<vmem>>, vector<16xf32>,
    %get3A_2217 = arith.constant 0 : i32
    %get3A_2218 = arith.index_cast %get3A_2217 : i32 to index
    %get3A_2219 = arith.constant 464 : index
    %get3A_2220 = tpu.vector_load %arg12[%get3A_2218, %get3A_2219] {strides = array<i32>} : memref<1x768xf32, #tpu.memory_space<vmem>>, vector<16xf32>,
    %get3A_2221 = arith.constant 0 : i32
    %get3A_2222 = arith.index_cast %get3A_2221 : i32 to index
    %get3A_2223 = arith.constant 480 : index
    %get3A_2224 = tpu.vector_load %arg12[%get3A_2222, %get3A_2223] {strides = array<i32>} : memref<1x768xf32, #tpu.memory_space<vmem>>, vector<16xf32>,
    %get3A_2225 = arith.constant 0 : i32
    %get3A_2226 = arith.index_cast %get3A_2225 : i32 to index
    %get3A_2227 = arith.constant 496 : index
    %get3A_2228 = tpu.vector_load %arg12[%get3A_2226, %get3A_2227] {strides = array<i32>} : memref<1x768xf32, #tpu.memory_space<vmem>>, vector<16xf32>,
    %get3A_2229 = arith.constant 0 : i32
    %get3A_2230 = arith.index_cast %get3A_2229 : i32 to index
    %get3A_2231 = arith.constant 512 : index
    %get3A_2232 = tpu.vector_load %arg12[%get3A_2230, %get3A_2231] {strides = array<i32>} : memref<1x768xf32, #tpu.memory_space<vmem>>, vector<16xf32>,
    %get3A_2233 = arith.constant 0 : i32
    %get3A_2234 = arith.index_cast %get3A_2233 : i32 to index
    %get3A_2235 = arith.constant 528 : index
    %get3A_2236 = tpu.vector_load %arg12[%get3A_2234, %get3A_2235] {strides = array<i32>} : memref<1x768xf32, #tpu.memory_space<vmem>>, vector<16xf32>,
    %get3A_2237 = arith.constant 0 : i32
    %get3A_2238 = arith.index_cast %get3A_2237 : i32 to index
    %get3A_2239 = arith.constant 544 : index
    %get3A_2240 = tpu.vector_load %arg12[%get3A_2238, %get3A_2239] {strides = array<i32>} : memref<1x768xf32, #tpu.memory_space<vmem>>, vector<16xf32>,
    %get3A_2241 = arith.constant 0 : i32
    %get3A_2242 = arith.index_cast %get3A_2241 : i32 to index
    %get3A_2243 = arith.constant 560 : index
    %get3A_2244 = tpu.vector_load %arg12[%get3A_2242, %get3A_2243] {strides = array<i32>} : memref<1x768xf32, #tpu.memory_space<vmem>>, vector<16xf32>,
    %get3A_2245 = arith.constant 0 : i32
    %get3A_2246 = arith.index_cast %get3A_2245 : i32 to index
    %get3A_2247 = arith.constant 576 : index
    %get3A_2248 = tpu.vector_load %arg12[%get3A_2246, %get3A_2247] {strides = array<i32>} : memref<1x768xf32, #tpu.memory_space<vmem>>, vector<16xf32>,
    %get3A_2249 = arith.constant 0 : i32
    %get3A_2250 = arith.index_cast %get3A_2249 : i32 to index
    %get3A_2251 = arith.constant 592 : index
    %get3A_2252 = tpu.vector_load %arg12[%get3A_2250, %get3A_2251] {strides = array<i32>} : memref<1x768xf32, #tpu.memory_space<vmem>>, vector<16xf32>,
    %get3A_2253 = arith.constant 0 : i32
    %get3A_2254 = arith.index_cast %get3A_2253 : i32 to index
    %get3A_2255 = arith.constant 608 : index
    %get3A_2256 = tpu.vector_load %arg12[%get3A_2254, %get3A_2255] {strides = array<i32>} : memref<1x768xf32, #tpu.memory_space<vmem>>, vector<16xf32>,
    %get3A_2257 = arith.constant 0 : i32
    %get3A_2258 = arith.index_cast %get3A_2257 : i32 to index
    %get3A_2259 = arith.constant 624 : index
    %get3A_2260 = tpu.vector_load %arg12[%get3A_2258, %get3A_2259] {strides = array<i32>} : memref<1x768xf32, #tpu.memory_space<vmem>>, vector<16xf32>,
    %get3A_2261 = arith.constant 0 : i32
    %get3A_2262 = arith.index_cast %get3A_2261 : i32 to index
    %get3A_2263 = arith.constant 640 : index
    %get3A_2264 = tpu.vector_load %arg12[%get3A_2262, %get3A_2263] {strides = array<i32>} : memref<1x768xf32, #tpu.memory_space<vmem>>, vector<16xf32>,
    %get3A_2265 = arith.constant 0 : i32
    %get3A_2266 = arith.index_cast %get3A_2265 : i32 to index
    %get3A_2267 = arith.constant 656 : index
    %get3A_2268 = tpu.vector_load %arg12[%get3A_2266, %get3A_2267] {strides = array<i32>} : memref<1x768xf32, #tpu.memory_space<vmem>>, vector<16xf32>,
    %get3A_2269 = arith.constant 0 : i32
    %get3A_2270 = arith.index_cast %get3A_2269 : i32 to index
    %get3A_2271 = arith.constant 672 : index
    %get3A_2272 = tpu.vector_load %arg12[%get3A_2270, %get3A_2271] {strides = array<i32>} : memref<1x768xf32, #tpu.memory_space<vmem>>, vector<16xf32>,
    %get3A_2273 = arith.constant 0 : i32
    %get3A_2274 = arith.index_cast %get3A_2273 : i32 to index
    %get3A_2275 = arith.constant 688 : index
    %get3A_2276 = tpu.vector_load %arg12[%get3A_2274, %get3A_2275] {strides = array<i32>} : memref<1x768xf32, #tpu.memory_space<vmem>>, vector<16xf32>,
    %get3A_2277 = arith.constant 0 : i32
    %get3A_2278 = arith.index_cast %get3A_2277 : i32 to index
    %get3A_2279 = arith.constant 704 : index
    %get3A_2280 = tpu.vector_load %arg12[%get3A_2278, %get3A_2279] {strides = array<i32>} : memref<1x768xf32, #tpu.memory_space<vmem>>, vector<16xf32>,
    %get3A_2281 = arith.constant 0 : i32
    %get3A_2282 = arith.index_cast %get3A_2281 : i32 to index
    %get3A_2283 = arith.constant 720 : index
    %get3A_2284 = tpu.vector_load %arg12[%get3A_2282, %get3A_2283] {strides = array<i32>} : memref<1x768xf32, #tpu.memory_space<vmem>>, vector<16xf32>,
    %get3A_2285 = arith.constant 0 : i32
    %get3A_2286 = arith.index_cast %get3A_2285 : i32 to index
    %get3A_2287 = arith.constant 736 : index
    %get3A_2288 = tpu.vector_load %arg12[%get3A_2286, %get3A_2287] {strides = array<i32>} : memref<1x768xf32, #tpu.memory_space<vmem>>, vector<16xf32>,
    %get3A_2289 = arith.constant 0 : i32
    %get3A_2290 = arith.index_cast %get3A_2289 : i32 to index
    %get3A_2291 = arith.constant 752 : index
    %get3A_2292 = tpu.vector_load %arg12[%get3A_2290, %get3A_2291] {strides = array<i32>} : memref<1x768xf32, #tpu.memory_space<vmem>>, vector<16xf32>,
    %add3A_2293 = arith.constant 0 : i32
    %add3A_2294 = arith.addi %mul3A_2, %add3A_2293 : i32
    %dma_start3A = arith.constant 0 : i32
    %dma_start3A_2295 = arith.constant 0 : i32
    %dma_start3A_2296 = arith.constant 0 : i32
    %dma_start3A_2297 = arith.constant 0 : i32
    %dma_start3A_2298 = tpu.memref_slice %arg15[%dma_start3A, %dma_start3A_2296, %dma_start3A_2297] : memref<2x16x768xf32, #tpu.memory_space<vmem>> -> memref<1x16x768xf32, #tpu.memory_space<vmem>>
    %dma_start3A_2299 = tpu.memref_squeeze %dma_start3A_2298 : memref<1x16x768xf32, #tpu.memory_space<vmem>> -> memref<16x768xf32, #tpu.memory_space<vmem>>
    %dma_start3A_2300 = arith.constant 0 : i32
    %dma_start3A_2301 = tpu.memref_slice %arg5[%add3A_2294, %dma_start3A_2300] : memref<4096x768xf32, #tpu.memory_space<hbm>> -> memref<16x768xf32, #tpu.memory_space<hbm>>
    %dma_start3A_2302 = tpu.memref_slice %arg17[%dma_start3A_2295] : memref<2x!tpu.dma_semaphore, #tpu.memory_space<semaphore_mem>> -> memref<1x!tpu.dma_semaphore, #tpu.memory_space<semaphore_mem>>
    %dma_start3A_2303 = tpu.memref_squeeze %dma_start3A_2302 : memref<1x!tpu.dma_semaphore, #tpu.memory_space<semaphore_mem>> -> memref<!tpu.dma_semaphore, #tpu.memory_space<semaphore_mem>>
    %dma_start3A_2304 = arith.constant 0 : i32
    %dma_start3A_2305 = arith.constant 0 : i32
    %dma_start3A_2306 = tpu.memref_slice %arg15[%dma_start3A, %dma_start3A_2304, %dma_start3A_2305] : memref<2x16x768xf32, #tpu.memory_space<vmem>> -> memref<1x16x768xf32, #tpu.memory_space<vmem>>
    %dma_start3A_2307 = tpu.memref_squeeze %dma_start3A_2306 : memref<1x16x768xf32, #tpu.memory_space<vmem>> -> memref<16x768xf32, #tpu.memory_space<vmem>>
    %dma_start3A_2308 = arith.constant 0 : i32
    %dma_start3A_2309 = tpu.memref_slice %arg5[%add3A_2294, %dma_start3A_2308] : memref<4096x768xf32, #tpu.memory_space<hbm>> -> memref<16x768xf32, #tpu.memory_space<hbm>>
    tpu.enqueue_dma source(%dma_start3A_2309 : memref<16x768xf32, #tpu.memory_space<hbm>>) target(%dma_start3A_2307 : memref<16x768xf32, #tpu.memory_space<vmem>>) target_semaphore(%dma_start3A_2303 : memref<!tpu.dma_semaphore, #tpu.memory_space<semaphore_mem>>)
    %scan3A = arith.constant 0 : i32
    %scan3A_2310 = arith.constant 0 : i32
    %scan3A_2311 = arith.constant 0 : i32
    %scan3A_2312 = arith.constant 0 : i32
    %scan3A_2313 = arith.constant 32 : i32
    %scan3A_2314 = arith.addi %scan3A_2312, %scan3A_2313 : i32
    %scan3A_2315 = arith.constant 1 : i32
    %scan3A_2316:3 = scf.for %scan3A_2365 = %scan3A_2312 to %scan3A_2314 step %scan3A_2315 iter_args(%scan3A_2366 = %scan3A, %scan3A_2367 = %scan3A_2310, %scan3A_2368 = %scan3A_2311) -> (i32, i32, i32)  : i32 {
      %rem3A_2369 = arith.constant 2 : i32
      %rem3A_2370 = arith.remsi %scan3A_2365, %rem3A_2369 : i32
      %jit3A_2371 = arith.constant 4 : i32
      %div3A_2372 = arith.divsi %scan3A_2365, %jit3A_2371 : i32
      %sign3A_2373 = arith.constant 0 : i32
      %sign3A_2374 = arith.cmpi sgt, %scan3A_2365, %sign3A_2373 : i32
      %sign3A_2375 = arith.extui %sign3A_2374 : i1 to i32
      %sign3A_2376 = arith.constant 0 : i32
      %sign3A_2377 = arith.cmpi slt, %scan3A_2365, %sign3A_2376 : i32
      %sign3A_2378 = arith.extui %sign3A_2377 : i1 to i32
      %sign3A_2379 = arith.subi %sign3A_2375, %sign3A_2378 : i32
      %sign3A_2380 = arith.constant 0 : i32
      %sign3A_2381 = arith.cmpi sgt, %jit3A_2371, %sign3A_2380 : i32
      %sign3A_2382 = arith.extui %sign3A_2381 : i1 to i32
      %sign3A_2383 = arith.constant 0 : i32
      %sign3A_2384 = arith.cmpi slt, %jit3A_2371, %sign3A_2383 : i32
      %sign3A_2385 = arith.extui %sign3A_2384 : i1 to i32
      %sign3A_2386 = arith.subi %sign3A_2382, %sign3A_2385 : i32
      %ne3A_2387 = arith.cmpi ne, %sign3A_2379, %sign3A_2386 : i32
      %rem3A_2388 = arith.remsi %scan3A_2365, %jit3A_2371 : i32
      %ne3A_2389 = arith.constant 0 : i32
      %ne3A_2390 = arith.cmpi ne, %rem3A_2388, %ne3A_2389 : i32
      %and3A_2391 = arith.andi %ne3A_2387, %ne3A_2390 : i1
      %sub3A_2392 = arith.constant 1 : i32
      %sub3A_2393 = arith.subi %div3A_2372, %sub3A_2392 : i32
      %select_n3A_2394 = arith.select %and3A_2391, %sub3A_2393, %div3A_2372 : i32
      %rem3A_2395 = arith.constant 2 : i32
      %rem3A_2396 = arith.remsi %select_n3A_2394, %rem3A_2395 : i32
      %ge3A = arith.constant 2 : i32
      %ge3A_2397 = arith.cmpi sge, %scan3A_2365, %ge3A : i32
      %convert_element_type3A_2398 = arith.extui %ge3A_2397 : i1 to i32
      %cond3A = arith.constant 0 : i32
      %cond3A_2399 = arith.cmpi ne, %convert_element_type3A_2398, %cond3A : i32
      scf.if %cond3A_2399 {
        %sub3A_2554 = arith.constant 2 : i32
        %sub3A_2555 = arith.subi %scan3A_2365, %sub3A_2554 : i32
        %rem3A_2556 = arith.constant 4 : i32
        %rem3A_2557 = arith.remsi %sub3A_2555, %rem3A_2556 : i32
        %mul3A_2558 = arith.constant 4096 : i32
        %mul3A_2559 = arith.muli %rem3A_2557, %mul3A_2558 : i32
        %add3A_2560 = arith.addi %mul3A_2559, %mul3A_2 : i32
        %jit3A_2561 = arith.constant 4 : i32
        %div3A_2562 = arith.divsi %sub3A_2555, %jit3A_2561 : i32
        %sign3A_2563 = arith.constant 0 : i32
        %sign3A_2564 = arith.cmpi sgt, %sub3A_2555, %sign3A_2563 : i32
        %sign3A_2565 = arith.extui %sign3A_2564 : i1 to i32
        %sign3A_2566 = arith.constant 0 : i32
        %sign3A_2567 = arith.cmpi slt, %sub3A_2555, %sign3A_2566 : i32
        %sign3A_2568 = arith.extui %sign3A_2567 : i1 to i32
        %sign3A_2569 = arith.subi %sign3A_2565, %sign3A_2568 : i32
        %sign3A_2570 = arith.constant 0 : i32
        %sign3A_2571 = arith.cmpi sgt, %jit3A_2561, %sign3A_2570 : i32
        %sign3A_2572 = arith.extui %sign3A_2571 : i1 to i32
        %sign3A_2573 = arith.constant 0 : i32
        %sign3A_2574 = arith.cmpi slt, %jit3A_2561, %sign3A_2573 : i32
        %sign3A_2575 = arith.extui %sign3A_2574 : i1 to i32
        %sign3A_2576 = arith.subi %sign3A_2572, %sign3A_2575 : i32
        %ne3A_2577 = arith.cmpi ne, %sign3A_2569, %sign3A_2576 : i32
        %rem3A_2578 = arith.remsi %sub3A_2555, %jit3A_2561 : i32
        %ne3A_2579 = arith.constant 0 : i32
        %ne3A_2580 = arith.cmpi ne, %rem3A_2578, %ne3A_2579 : i32
        %and3A_2581 = arith.andi %ne3A_2577, %ne3A_2580 : i1
        %sub3A_2582 = arith.constant 1 : i32
        %sub3A_2583 = arith.subi %div3A_2562, %sub3A_2582 : i32
        %select_n3A_2584 = arith.select %and3A_2581, %sub3A_2583, %div3A_2562 : i32
        %mul3A_2585 = arith.constant 16 : i32
        %mul3A_2586 = arith.muli %select_n3A_2584, %mul3A_2585 : i32
        %add3A_2587 = arith.addi %add3A_2560, %mul3A_2586 : i32
        %dma_wait3A_2588 = arith.constant 0 : i32
        %dma_wait3A_2589 = arith.constant 0 : i32
        %dma_wait3A_2590 = tpu.memref_slice %arg14[%rem3A_2370, %dma_wait3A_2588, %dma_wait3A_2589] : memref<2x16x768xf32, #tpu.memory_space<vmem>> -> memref<1x16x768xf32, #tpu.memory_space<vmem>>
        %dma_wait3A_2591 = tpu.memref_squeeze %dma_wait3A_2590 : memref<1x16x768xf32, #tpu.memory_space<vmem>> -> memref<16x768xf32, #tpu.memory_space<vmem>>
        %dma_wait3A_2592 = arith.constant 0 : i32
        %dma_wait3A_2593 = tpu.memref_slice %arg6[%add3A_2587, %dma_wait3A_2592] : memref<16384x768xf32, #tpu.memory_space<hbm>> -> memref<16x768xf32, #tpu.memory_space<hbm>>
        %dma_wait3A_2594 = tpu.memref_slice %arg18[%rem3A_2370] : memref<2x!tpu.dma_semaphore, #tpu.memory_space<semaphore_mem>> -> memref<1x!tpu.dma_semaphore, #tpu.memory_space<semaphore_mem>>
        %dma_wait3A_2595 = tpu.memref_squeeze %dma_wait3A_2594 : memref<1x!tpu.dma_semaphore, #tpu.memory_space<semaphore_mem>> -> memref<!tpu.dma_semaphore, #tpu.memory_space<semaphore_mem>>
        %dma_wait3A_2596 = arith.constant 0 : i32
        %dma_wait3A_2597 = tpu.memref_slice %arg6[%add3A_2587, %dma_wait3A_2596] : memref<16384x768xf32, #tpu.memory_space<hbm>> -> memref<16x768xf32, #tpu.memory_space<hbm>>
        %dma_wait3A_2598 = arith.constant 0 : i32
        %dma_wait3A_2599 = arith.constant 0 : i32
        %dma_wait3A_2600 = tpu.memref_slice %arg14[%rem3A_2370, %dma_wait3A_2598, %dma_wait3A_2599] : memref<2x16x768xf32, #tpu.memory_space<vmem>> -> memref<1x16x768xf32, #tpu.memory_space<vmem>>
        %dma_wait3A_2601 = tpu.memref_squeeze %dma_wait3A_2600 : memref<1x16x768xf32, #tpu.memory_space<vmem>> -> memref<16x768xf32, #tpu.memory_space<vmem>>
        tpu.wait_dma2 semaphore(%dma_wait3A_2595 : memref<!tpu.dma_semaphore, #tpu.memory_space<semaphore_mem>>) src(%dma_wait3A_2601 : memref<16x768xf32, #tpu.memory_space<vmem>>) dst(%dma_wait3A_2597 : memref<16x768xf32, #tpu.memory_space<hbm>>)
      } else {
      }
      %rem3A_2400 = arith.constant 4 : i32
      %rem3A_2401 = arith.remsi %scan3A_2365, %rem3A_2400 : i32
      %eq3A_2402 = arith.constant 0 : i32
      %eq3A_2403 = arith.cmpi eq, %rem3A_2401, %eq3A_2402 : i32
      %add3A_2404 = arith.constant 1 : i32
      %add3A_2405 = arith.addi %select_n3A_2394, %add3A_2404 : i32
      %lt3A_2406 = arith.constant 8 : i32
      %lt3A_2407 = arith.cmpi slt, %add3A_2405, %lt3A_2406 : i32
      %and3A_2408 = arith.andi %eq3A_2403, %lt3A_2407 : i1
      %convert_element_type3A_2409 = arith.extui %and3A_2408 : i1 to i32
      %cond3A_2410 = arith.constant 0 : i32
      %cond3A_2411 = arith.cmpi ne, %convert_element_type3A_2409, %cond3A_2410 : i32
      scf.if %cond3A_2411 {
        %add3A_2554 = arith.constant 1 : i32
        %add3A_2555 = arith.addi %select_n3A_2394, %add3A_2554 : i32
        %sub3A_2556 = arith.constant 1 : i32
        %sub3A_2557 = arith.subi %sub3A_2556, %rem3A_2396 : i32
        %mul3A_2558 = arith.constant 16 : i32
        %mul3A_2559 = arith.muli %add3A_2555, %mul3A_2558 : i32
        %add3A_2560 = arith.addi %mul3A_2, %mul3A_2559 : i32
        %dma_start3A_2561 = arith.constant 0 : i32
        %dma_start3A_2562 = arith.constant 0 : i32
        %dma_start3A_2563 = tpu.memref_slice %arg15[%sub3A_2557, %dma_start3A_2561, %dma_start3A_2562] : memref<2x16x768xf32, #tpu.memory_space<vmem>> -> memref<1x16x768xf32, #tpu.memory_space<vmem>>
        %dma_start3A_2564 = tpu.memref_squeeze %dma_start3A_2563 : memref<1x16x768xf32, #tpu.memory_space<vmem>> -> memref<16x768xf32, #tpu.memory_space<vmem>>
        %dma_start3A_2565 = arith.constant 0 : i32
        %dma_start3A_2566 = tpu.memref_slice %arg5[%add3A_2560, %dma_start3A_2565] : memref<4096x768xf32, #tpu.memory_space<hbm>> -> memref<16x768xf32, #tpu.memory_space<hbm>>
        %dma_start3A_2567 = tpu.memref_slice %arg17[%sub3A_2557] : memref<2x!tpu.dma_semaphore, #tpu.memory_space<semaphore_mem>> -> memref<1x!tpu.dma_semaphore, #tpu.memory_space<semaphore_mem>>
        %dma_start3A_2568 = tpu.memref_squeeze %dma_start3A_2567 : memref<1x!tpu.dma_semaphore, #tpu.memory_space<semaphore_mem>> -> memref<!tpu.dma_semaphore, #tpu.memory_space<semaphore_mem>>
        %dma_start3A_2569 = arith.constant 0 : i32
        %dma_start3A_2570 = arith.constant 0 : i32
        %dma_start3A_2571 = tpu.memref_slice %arg15[%sub3A_2557, %dma_start3A_2569, %dma_start3A_2570] : memref<2x16x768xf32, #tpu.memory_space<vmem>> -> memref<1x16x768xf32, #tpu.memory_space<vmem>>
        %dma_start3A_2572 = tpu.memref_squeeze %dma_start3A_2571 : memref<1x16x768xf32, #tpu.memory_space<vmem>> -> memref<16x768xf32, #tpu.memory_space<vmem>>
        %dma_start3A_2573 = arith.constant 0 : i32
        %dma_start3A_2574 = tpu.memref_slice %arg5[%add3A_2560, %dma_start3A_2573] : memref<4096x768xf32, #tpu.memory_space<hbm>> -> memref<16x768xf32, #tpu.memory_space<hbm>>
        tpu.enqueue_dma source(%dma_start3A_2574 : memref<16x768xf32, #tpu.memory_space<hbm>>) target(%dma_start3A_2572 : memref<16x768xf32, #tpu.memory_space<vmem>>) target_semaphore(%dma_start3A_2568 : memref<!tpu.dma_semaphore, #tpu.memory_space<semaphore_mem>>)
      } else {
      }
      %broadcast_in_dim3A_2412 = vector.broadcast %scan3A_2365 : i32 to vector<16xi32>
      %gather3A_2413 = tpu.vector_load_idx %arg11[%broadcast_in_dim3A_2412] : memref<32xi32, #tpu.memory_space<vmem>>[vector<16xi32>], vector<16xi32>,
      %reduce_max3A_2414 = arith.constant true
      %reduce_max3A_2415 = vector.broadcast %reduce_max3A_2414 : i1 to vector<16xi1>
      %reduce_max3A_2416 = arith.constant -2147483648 : i32
      %reduce_max3A_2417 = vector.broadcast %reduce_max3A_2416 : i32 to vector<16xi32>
      %reduce_max3A_2418 = arith.xori %gather3A_2413, %reduce_max3A_2417 : vector<16xi32>
      %reduce_max3A_2419 = tpu.scan <max>, %reduce_max3A_2418 masked %reduce_max3A_2415 : vector<16xi32>, vector<16xi1> -> vector<16xi32>
      %reduce_max3A_2420 = arith.xori %reduce_max3A_2419, %reduce_max3A_2417 : vector<16xi32>
      %reduce_max3A_2421 = vector.extract %reduce_max3A_2420[15] : i32 from vector<16xi32>
      %add3A_2422 = arith.constant 16 : i32
      %add3A_2423 = arith.addi %reduce_max3A_2421, %add3A_2422 : i32
      %sub3A_2424 = arith.constant 1 : i32
      %sub3A_2425 = arith.subi %add3A_2423, %sub3A_2424 : i32
      %jit3A_2426 = arith.constant 16 : i32
      %div3A_2427 = arith.divsi %sub3A_2425, %jit3A_2426 : i32
      %sign3A_2428 = arith.constant 0 : i32
      %sign3A_2429 = arith.cmpi sgt, %sub3A_2425, %sign3A_2428 : i32
      %sign3A_2430 = arith.extui %sign3A_2429 : i1 to i32
      %sign3A_2431 = arith.constant 0 : i32
      %sign3A_2432 = arith.cmpi slt, %sub3A_2425, %sign3A_2431 : i32
      %sign3A_2433 = arith.extui %sign3A_2432 : i1 to i32
      %sign3A_2434 = arith.subi %sign3A_2430, %sign3A_2433 : i32
      %sign3A_2435 = arith.constant 0 : i32
      %sign3A_2436 = arith.cmpi sgt, %jit3A_2426, %sign3A_2435 : i32
      %sign3A_2437 = arith.extui %sign3A_2436 : i1 to i32
      %sign3A_2438 = arith.constant 0 : i32
      %sign3A_2439 = arith.cmpi slt, %jit3A_2426, %sign3A_2438 : i32
      %sign3A_2440 = arith.extui %sign3A_2439 : i1 to i32
      %sign3A_2441 = arith.subi %sign3A_2437, %sign3A_2440 : i32
      %ne3A_2442 = arith.cmpi ne, %sign3A_2434, %sign3A_2441 : i32
      %rem3A_2443 = arith.remsi %sub3A_2425, %jit3A_2426 : i32
      %ne3A_2444 = arith.constant 0 : i32
      %ne3A_2445 = arith.cmpi ne, %rem3A_2443, %ne3A_2444 : i32
      %and3A_2446 = arith.andi %ne3A_2442, %ne3A_2445 : i1
      %sub3A_2447 = arith.constant 1 : i32
      %sub3A_2448 = arith.subi %div3A_2427, %sub3A_2447 : i32
      %select_n3A_2449 = arith.select %and3A_2446, %sub3A_2448, %div3A_2427 : i32
      %jit3A_2450 = arith.constant 16 : i32
      %div3A_2451 = arith.divsi %scan3A_2368, %jit3A_2450 : i32
      %sign3A_2452 = arith.constant 0 : i32
      %sign3A_2453 = arith.cmpi sgt, %scan3A_2368, %sign3A_2452 : i32
      %sign3A_2454 = arith.extui %sign3A_2453 : i1 to i32
      %sign3A_2455 = arith.constant 0 : i32
      %sign3A_2456 = arith.cmpi slt, %scan3A_2368, %sign3A_2455 : i32
      %sign3A_2457 = arith.extui %sign3A_2456 : i1 to i32
      %sign3A_2458 = arith.subi %sign3A_2454, %sign3A_2457 : i32
      %sign3A_2459 = arith.constant 0 : i32
      %sign3A_2460 = arith.cmpi sgt, %jit3A_2450, %sign3A_2459 : i32
      %sign3A_2461 = arith.extui %sign3A_2460 : i1 to i32
      %sign3A_2462 = arith.constant 0 : i32
      %sign3A_2463 = arith.cmpi slt, %jit3A_2450, %sign3A_2462 : i32
      %sign3A_2464 = arith.extui %sign3A_2463 : i1 to i32
      %sign3A_2465 = arith.subi %sign3A_2461, %sign3A_2464 : i32
      %ne3A_2466 = arith.cmpi ne, %sign3A_2458, %sign3A_2465 : i32
      %rem3A_2467 = arith.remsi %scan3A_2368, %jit3A_2450 : i32
      %ne3A_2468 = arith.constant 0 : i32
      %ne3A_2469 = arith.cmpi ne, %rem3A_2467, %ne3A_2468 : i32
      %and3A_2470 = arith.andi %ne3A_2466, %ne3A_2469 : i1
      %sub3A_2471 = arith.constant 1 : i32
      %sub3A_2472 = arith.subi %div3A_2451, %sub3A_2471 : i32
      %select_n3A_2473 = arith.select %and3A_2470, %sub3A_2472, %div3A_2451 : i32
      %add3A_2474 = arith.constant 4 : i32
      %add3A_2475 = arith.addi %select_n3A_2473, %add3A_2474 : i32
      %min3A = arith.minsi %add3A_2475, %select_n3A_2101 : i32
      %max3A_2476 = arith.maxsi %scan3A_2366, %min3A : i32
      %while3A = arith.constant 0 : i32
      %while3A_2477 = arith.subi %min3A, %scan3A_2366 : i32
      %while3A_2478 = arith.addi %scan3A_2366, %while3A_2477 : i32
      %while3A_2479 = arith.constant 1 : i32
      %while3A_2480 = arith.divsi %while3A_2477, %while3A_2479 : i32
      %while3A_2481 = arith.muli %while3A_2480, %while3A_2479 : i32
      %while3A_2482 = arith.addi %scan3A_2366, %while3A_2481 : i32
      %while3A_2483 = arith.constant 1 : i32
      scf.for %while3A_2554 = %scan3A_2366 to %while3A_2482 step %while3A_2483  : i32 {
        %mul3A_2555 = arith.constant 16 : i32
        %mul3A_2556 = arith.muli %while3A_2554, %mul3A_2555 : i32
        %rem3A_2557 = arith.constant 4 : i32
        %rem3A_2558 = arith.remsi %while3A_2554, %rem3A_2557 : i32
        %mul3A_2559 = arith.constant 16 : i32
        %mul3A_2560 = arith.muli %rem3A_2558, %mul3A_2559 : i32
        %dma_start3A_2561 = arith.constant 0 : i32
        %dma_start3A_2562 = tpu.memref_slice %arg13[%mul3A_2560, %dma_start3A_2561] : memref<64x768xf32, #tpu.memory_space<vmem>> -> memref<16x768xf32, #tpu.memory_space<vmem>>
        %dma_start3A_2563 = tpu.memref_slice %arg9[%mul3A_2556] : memref<512xi32, #tpu.memory_space<vmem>> -> memref<16xi32, #tpu.memory_space<vmem>>
        %dma_start3A_2564 = arith.constant 0 : i32
        %dma_start3A_2565 = arith.constant 0 : i32
        %dma_start3A_2566 = tpu.memref_slice %arg2[%dma_start3A_2564, %dma_start3A_2565] : memref<8192x768xf32, #tpu.memory_space<hbm>> -> memref<8192x768xf32, #tpu.memory_space<hbm>>
        tpu.enqueue_indirect_dma source(%dma_start3A_2566 : memref<8192x768xf32, #tpu.memory_space<hbm>>) target(%dma_start3A_2562 : memref<16x768xf32, #tpu.memory_space<vmem>>) offsets(%dma_start3A_2563 : memref<16xi32, #tpu.memory_space<vmem>>) semaphore(%arg16 : memref<!tpu.dma_semaphore, #tpu.memory_space<semaphore_mem>>)
      }
      %while3A_2484 = arith.constant 1 : i32
      scf.for %while3A_2554 = %while3A_2482 to %while3A_2478 step %while3A_2484  : i32 {
        %mul3A_2555 = arith.constant 16 : i32
        %mul3A_2556 = arith.muli %while3A_2554, %mul3A_2555 : i32
        %rem3A_2557 = arith.constant 4 : i32
        %rem3A_2558 = arith.remsi %while3A_2554, %rem3A_2557 : i32
        %mul3A_2559 = arith.constant 16 : i32
        %mul3A_2560 = arith.muli %rem3A_2558, %mul3A_2559 : i32
        %dma_start3A_2561 = arith.constant 0 : i32
        %dma_start3A_2562 = tpu.memref_slice %arg13[%mul3A_2560, %dma_start3A_2561] : memref<64x768xf32, #tpu.memory_space<vmem>> -> memref<16x768xf32, #tpu.memory_space<vmem>>
        %dma_start3A_2563 = tpu.memref_slice %arg9[%mul3A_2556] : memref<512xi32, #tpu.memory_space<vmem>> -> memref<16xi32, #tpu.memory_space<vmem>>
        %dma_start3A_2564 = arith.constant 0 : i32
        %dma_start3A_2565 = arith.constant 0 : i32
        %dma_start3A_2566 = tpu.memref_slice %arg2[%dma_start3A_2564, %dma_start3A_2565] : memref<8192x768xf32, #tpu.memory_space<hbm>> -> memref<8192x768xf32, #tpu.memory_space<hbm>>
        tpu.enqueue_indirect_dma source(%dma_start3A_2566 : memref<8192x768xf32, #tpu.memory_space<hbm>>) target(%dma_start3A_2562 : memref<16x768xf32, #tpu.memory_space<vmem>>) offsets(%dma_start3A_2563 : memref<16xi32, #tpu.memory_space<vmem>>) semaphore(%arg16 : memref<!tpu.dma_semaphore, #tpu.memory_space<semaphore_mem>>)
      }
      %max3A_2485 = arith.maxsi %scan3A_2367, %select_n3A_2449 : i32
      %while3A_2486 = arith.constant 0 : i32
      %while3A_2487 = arith.subi %select_n3A_2449, %scan3A_2367 : i32
      %while3A_2488 = arith.addi %scan3A_2367, %while3A_2487 : i32
      %while3A_2489 = arith.constant 1 : i32
      %while3A_2490 = arith.divsi %while3A_2487, %while3A_2489 : i32
      %while3A_2491 = arith.muli %while3A_2490, %while3A_2489 : i32
      %while3A_2492 = arith.addi %scan3A_2367, %while3A_2491 : i32
      %while3A_2493 = arith.constant 1 : i32
      scf.for %while3A_2554 = %scan3A_2367 to %while3A_2492 step %while3A_2493  : i32 {
        %mul3A_2555 = arith.constant 16 : i32
        %mul3A_2556 = arith.muli %while3A_2554, %mul3A_2555 : i32
        %rem3A_2557 = arith.constant 4 : i32
        %rem3A_2558 = arith.remsi %while3A_2554, %rem3A_2557 : i32
        %mul3A_2559 = arith.constant 16 : i32
        %mul3A_2560 = arith.muli %rem3A_2558, %mul3A_2559 : i32
        %dma_wait3A_2561 = arith.constant 0 : i32
        %dma_wait3A_2562 = tpu.memref_slice %arg13[%mul3A_2560, %dma_wait3A_2561] : memref<64x768xf32, #tpu.memory_space<vmem>> -> memref<16x768xf32, #tpu.memory_space<vmem>>
        %dma_wait3A_2563 = tpu.memref_slice %arg9[%mul3A_2556] : memref<512xi32, #tpu.memory_space<vmem>> -> memref<16xi32, #tpu.memory_space<vmem>>
        %dma_wait3A_2564 = arith.constant 0 : i32
        %dma_wait3A_2565 = arith.constant 0 : i32
        %dma_wait3A_2566 = tpu.memref_slice %arg2[%dma_wait3A_2564, %dma_wait3A_2565] : memref<8192x768xf32, #tpu.memory_space<hbm>> -> memref<8192x768xf32, #tpu.memory_space<hbm>>
        tpu.wait_indirect_dma semaphore(%arg16 : memref<!tpu.dma_semaphore, #tpu.memory_space<semaphore_mem>>) src(%dma_wait3A_2566 : memref<8192x768xf32, #tpu.memory_space<hbm>>) dst(%dma_wait3A_2562 : memref<16x768xf32, #tpu.memory_space<vmem>>)
      }
      %while3A_2494 = arith.constant 1 : i32
      scf.for %while3A_2554 = %while3A_2492 to %while3A_2488 step %while3A_2494  : i32 {
        %mul3A_2555 = arith.constant 16 : i32
        %mul3A_2556 = arith.muli %while3A_2554, %mul3A_2555 : i32
        %rem3A_2557 = arith.constant 4 : i32
        %rem3A_2558 = arith.remsi %while3A_2554, %rem3A_2557 : i32
        %mul3A_2559 = arith.constant 16 : i32
        %mul3A_2560 = arith.muli %rem3A_2558, %mul3A_2559 : i32
        %dma_wait3A_2561 = arith.constant 0 : i32
        %dma_wait3A_2562 = tpu.memref_slice %arg13[%mul3A_2560, %dma_wait3A_2561] : memref<64x768xf32, #tpu.memory_space<vmem>> -> memref<16x768xf32, #tpu.memory_space<vmem>>
        %dma_wait3A_2563 = tpu.memref_slice %arg9[%mul3A_2556] : memref<512xi32, #tpu.memory_space<vmem>> -> memref<16xi32, #tpu.memory_space<vmem>>
        %dma_wait3A_2564 = arith.constant 0 : i32
        %dma_wait3A_2565 = arith.constant 0 : i32
        %dma_wait3A_2566 = tpu.memref_slice %arg2[%dma_wait3A_2564, %dma_wait3A_2565] : memref<8192x768xf32, #tpu.memory_space<hbm>> -> memref<8192x768xf32, #tpu.memory_space<hbm>>
        tpu.wait_indirect_dma semaphore(%arg16 : memref<!tpu.dma_semaphore, #tpu.memory_space<semaphore_mem>>) src(%dma_wait3A_2566 : memref<8192x768xf32, #tpu.memory_space<hbm>>) dst(%dma_wait3A_2562 : memref<16x768xf32, #tpu.memory_space<vmem>>)
      }
      %rem3A_2495 = arith.constant 4 : i32
      %rem3A_2496 = arith.remsi %scan3A_2365, %rem3A_2495 : i32
      %eq3A_2497 = arith.constant 0 : i32
      %eq3A_2498 = arith.cmpi eq, %rem3A_2496, %eq3A_2497 : i32
      %convert_element_type3A_2499 = arith.extui %eq3A_2498 : i1 to i32
      %cond3A_2500 = arith.constant 0 : i32
      %cond3A_2501 = arith.cmpi ne, %convert_element_type3A_2499, %cond3A_2500 : i32
      scf.if %cond3A_2501 {
        %mul3A_2554 = arith.constant 16 : i32
        %mul3A_2555 = arith.muli %select_n3A_2394, %mul3A_2554 : i32
        %add3A_2556 = arith.addi %mul3A_2, %mul3A_2555 : i32
        %dma_wait3A_2557 = arith.constant 0 : i32
        %dma_wait3A_2558 = arith.constant 0 : i32
        %dma_wait3A_2559 = tpu.memref_slice %arg15[%rem3A_2396, %dma_wait3A_2557, %dma_wait3A_2558] : memref<2x16x768xf32, #tpu.memory_space<vmem>> -> memref<1x16x768xf32, #tpu.memory_space<vmem>>
        %dma_wait3A_2560 = tpu.memref_squeeze %dma_wait3A_2559 : memref<1x16x768xf32, #tpu.memory_space<vmem>> -> memref<16x768xf32, #tpu.memory_space<vmem>>
        %dma_wait3A_2561 = arith.constant 0 : i32
        %dma_wait3A_2562 = tpu.memref_slice %arg5[%add3A_2556, %dma_wait3A_2561] : memref<4096x768xf32, #tpu.memory_space<hbm>> -> memref<16x768xf32, #tpu.memory_space<hbm>>
        %dma_wait3A_2563 = tpu.memref_slice %arg17[%rem3A_2396] : memref<2x!tpu.dma_semaphore, #tpu.memory_space<semaphore_mem>> -> memref<1x!tpu.dma_semaphore, #tpu.memory_space<semaphore_mem>>
        %dma_wait3A_2564 = tpu.memref_squeeze %dma_wait3A_2563 : memref<1x!tpu.dma_semaphore, #tpu.memory_space<semaphore_mem>> -> memref<!tpu.dma_semaphore, #tpu.memory_space<semaphore_mem>>
        %dma_wait3A_2565 = arith.constant 0 : i32
        %dma_wait3A_2566 = arith.constant 0 : i32
        %dma_wait3A_2567 = tpu.memref_slice %arg15[%rem3A_2396, %dma_wait3A_2565, %dma_wait3A_2566] : memref<2x16x768xf32, #tpu.memory_space<vmem>> -> memref<1x16x768xf32, #tpu.memory_space<vmem>>
        %dma_wait3A_2568 = tpu.memref_squeeze %dma_wait3A_2567 : memref<1x16x768xf32, #tpu.memory_space<vmem>> -> memref<16x768xf32, #tpu.memory_space<vmem>>
        %dma_wait3A_2569 = arith.constant 0 : i32
        %dma_wait3A_2570 = tpu.memref_slice %arg5[%add3A_2556, %dma_wait3A_2569] : memref<4096x768xf32, #tpu.memory_space<hbm>> -> memref<16x768xf32, #tpu.memory_space<hbm>>
        tpu.wait_dma2 semaphore(%dma_wait3A_2564 : memref<!tpu.dma_semaphore, #tpu.memory_space<semaphore_mem>>) src(%dma_wait3A_2570 : memref<16x768xf32, #tpu.memory_space<hbm>>) dst(%dma_wait3A_2568 : memref<16x768xf32, #tpu.memory_space<vmem>>)
      } else {
      }
      %scan3A_2502 = arith.constant 0 : i32
      %scan3A_2503 = arith.constant 0 : i32
      %scan3A_2504 = arith.constant 16 : i32
      %scan3A_2505 = arith.addi %scan3A_2503, %scan3A_2504 : i32
      %scan3A_2506 = arith.constant 1 : i32
      scf.for %scan3A_2554 = %scan3A_2503 to %scan3A_2505 step %scan3A_2506  : i32 {
        %mul3A_2555 = arith.constant 16 : i32
        %mul3A_2556 = arith.muli %scan3A_2365, %mul3A_2555 : i32
        %add3A_2557 = arith.addi %mul3A_2556, %scan3A_2554 : i32
        %broadcast_in_dim3A_2558 = vector.broadcast %add3A_2557 : i32 to vector<16xi32>
        %gather3A_2559 = tpu.vector_load_idx %arg8[%broadcast_in_dim3A_2558] : memref<512xi32, #tpu.memory_space<vmem>>[vector<16xi32>], vector<16xi32>,
        %lt3A_2560 = arith.constant 2048 : i32
        %lt3A_2561 = vector.broadcast %lt3A_2560 : i32 to vector<16xi32>
        %lt3A_2562 = arith.cmpi slt, %gather3A_2559, %lt3A_2561 : vector<16xi32>
        %convert_element_type3A_2563 = arith.extui %lt3A_2562 : vector<16xi1> to vector<16xi32>
        %reduce_max3A_2564 = arith.constant true
        %reduce_max3A_2565 = vector.broadcast %reduce_max3A_2564 : i1 to vector<16xi1>
        %reduce_max3A_2566 = arith.constant -2147483648 : i32
        %reduce_max3A_2567 = vector.broadcast %reduce_max3A_2566 : i32 to vector<16xi32>
        %reduce_max3A_2568 = arith.xori %convert_element_type3A_2563, %reduce_max3A_2567 : vector<16xi32>
        %reduce_max3A_2569 = tpu.scan <max>, %reduce_max3A_2568 masked %reduce_max3A_2565 : vector<16xi32>, vector<16xi1> -> vector<16xi32>
        %reduce_max3A_2570 = arith.xori %reduce_max3A_2569, %reduce_max3A_2567 : vector<16xi32>
        %reduce_max3A_2571 = vector.extract %reduce_max3A_2570[15] : i32 from vector<16xi32>
        %gather3A_2572 = tpu.vector_load_idx %arg10[%broadcast_in_dim3A_2558] : memref<512xi32, #tpu.memory_space<vmem>>[vector<16xi32>], vector<16xi32>,
        %reduce_max3A_2573 = arith.constant true
        %reduce_max3A_2574 = vector.broadcast %reduce_max3A_2573 : i1 to vector<16xi1>
        %reduce_max3A_2575 = arith.constant -2147483648 : i32
        %reduce_max3A_2576 = vector.broadcast %reduce_max3A_2575 : i32 to vector<16xi32>
        %reduce_max3A_2577 = arith.xori %gather3A_2572, %reduce_max3A_2576 : vector<16xi32>
        %reduce_max3A_2578 = tpu.scan <max>, %reduce_max3A_2577 masked %reduce_max3A_2574 : vector<16xi32>, vector<16xi1> -> vector<16xi32>
        %reduce_max3A_2579 = arith.xori %reduce_max3A_2578, %reduce_max3A_2576 : vector<16xi32>
        %reduce_max3A_2580 = vector.extract %reduce_max3A_2579[15] : i32 from vector<16xi32>
        %eq3A_2581 = arith.constant 1 : i32
        %eq3A_2582 = arith.cmpi eq, %reduce_max3A_2571, %eq3A_2581 : i32
        %convert_element_type3A_2583 = arith.extui %eq3A_2582 : i1 to i32
        %cond3A_2584 = arith.constant 0 : i32
        %cond3A_2585 = arith.cmpi ne, %convert_element_type3A_2583, %cond3A_2584 : i32
        scf.if %cond3A_2585 {
          %get3A_2591 = arith.index_cast %reduce_max3A_2580 : i32 to index
          %get3A_2592 = arith.constant 0 : index
          %get3A_2593 = tpu.vector_load %arg13[%get3A_2591, %get3A_2592] {strides = array<i32>} : memref<64x768xf32, #tpu.memory_space<vmem>>, vector<16xf32>,
          %get3A_2594 = arith.index_cast %rem3A_2396 : i32 to index
          %get3A_2595 = arith.index_cast %scan3A_2554 : i32 to index
          %get3A_2596 = arith.constant 0 : index
          %get3A_2597 = tpu.vector_load %arg15[%get3A_2594, %get3A_2595, %get3A_2596] {strides = array<i32>} : memref<2x16x768xf32, #tpu.memory_space<vmem>>, vector<16xf32>,
          %add3A_2598 = arith.addf %get3A_2593, %get3A_2597 : vector<16xf32>
          %swap3A_2599 = arith.index_cast %rem3A_2370 : i32 to index
          %swap3A_2600 = arith.index_cast %scan3A_2554 : i32 to index
          %swap3A_2601 = arith.constant 0 : index
          %swap3A_2602 = tpu.vector_load %arg14[%swap3A_2599, %swap3A_2600, %swap3A_2601] {strides = array<i32>} : memref<2x16x768xf32, #tpu.memory_space<vmem>>, vector<16xf32>,
          tpu.vector_store %arg14[%swap3A_2599, %swap3A_2600, %swap3A_2601], %add3A_2598 {strides = array<i32>} : memref<2x16x768xf32, #tpu.memory_space<vmem>>, vector<16xf32>,
          %get3A_2603 = arith.index_cast %reduce_max3A_2580 : i32 to index
          %get3A_2604 = arith.constant 16 : index
          %get3A_2605 = tpu.vector_load %arg13[%get3A_2603, %get3A_2604] {strides = array<i32>} : memref<64x768xf32, #tpu.memory_space<vmem>>, vector<16xf32>,
          %get3A_2606 = arith.index_cast %rem3A_2396 : i32 to index
          %get3A_2607 = arith.index_cast %scan3A_2554 : i32 to index
          %get3A_2608 = arith.constant 16 : index
          %get3A_2609 = tpu.vector_load %arg15[%get3A_2606, %get3A_2607, %get3A_2608] {strides = array<i32>} : memref<2x16x768xf32, #tpu.memory_space<vmem>>, vector<16xf32>,
          %add3A_2610 = arith.addf %get3A_2605, %get3A_2609 : vector<16xf32>
          %swap3A_2611 = arith.index_cast %rem3A_2370 : i32 to index
          %swap3A_2612 = arith.index_cast %scan3A_2554 : i32 to index
          %swap3A_2613 = arith.constant 16 : index
          %swap3A_2614 = tpu.vector_load %arg14[%swap3A_2611, %swap3A_2612, %swap3A_2613] {strides = array<i32>} : memref<2x16x768xf32, #tpu.memory_space<vmem>>, vector<16xf32>,
          tpu.vector_store %arg14[%swap3A_2611, %swap3A_2612, %swap3A_2613], %add3A_2610 {strides = array<i32>} : memref<2x16x768xf32, #tpu.memory_space<vmem>>, vector<16xf32>,
          %get3A_2615 = arith.index_cast %reduce_max3A_2580 : i32 to index
          %get3A_2616 = arith.constant 32 : index
          %get3A_2617 = tpu.vector_load %arg13[%get3A_2615, %get3A_2616] {strides = array<i32>} : memref<64x768xf32, #tpu.memory_space<vmem>>, vector<16xf32>,
          %get3A_2618 = arith.index_cast %rem3A_2396 : i32 to index
          %get3A_2619 = arith.index_cast %scan3A_2554 : i32 to index
          %get3A_2620 = arith.constant 32 : index
          %get3A_2621 = tpu.vector_load %arg15[%get3A_2618, %get3A_2619, %get3A_2620] {strides = array<i32>} : memref<2x16x768xf32, #tpu.memory_space<vmem>>, vector<16xf32>,
          %add3A_2622 = arith.addf %get3A_2617, %get3A_2621 : vector<16xf32>
          %swap3A_2623 = arith.index_cast %rem3A_2370 : i32 to index
          %swap3A_2624 = arith.index_cast %scan3A_2554 : i32 to index
          %swap3A_2625 = arith.constant 32 : index
          %swap3A_2626 = tpu.vector_load %arg14[%swap3A_2623, %swap3A_2624, %swap3A_2625] {strides = array<i32>} : memref<2x16x768xf32, #tpu.memory_space<vmem>>, vector<16xf32>,
          tpu.vector_store %arg14[%swap3A_2623, %swap3A_2624, %swap3A_2625], %add3A_2622 {strides = array<i32>} : memref<2x16x768xf32, #tpu.memory_space<vmem>>, vector<16xf32>,
          %get3A_2627 = arith.index_cast %reduce_max3A_2580 : i32 to index
          %get3A_2628 = arith.constant 48 : index
          %get3A_2629 = tpu.vector_load %arg13[%get3A_2627, %get3A_2628] {strides = array<i32>} : memref<64x768xf32, #tpu.memory_space<vmem>>, vector<16xf32>,
          %get3A_2630 = arith.index_cast %rem3A_2396 : i32 to index
          %get3A_2631 = arith.index_cast %scan3A_2554 : i32 to index
          %get3A_2632 = arith.constant 48 : index
          %get3A_2633 = tpu.vector_load %arg15[%get3A_2630, %get3A_2631, %get3A_2632] {strides = array<i32>} : memref<2x16x768xf32, #tpu.memory_space<vmem>>, vector<16xf32>,
          %add3A_2634 = arith.addf %get3A_2629, %get3A_2633 : vector<16xf32>
          %swap3A_2635 = arith.index_cast %rem3A_2370 : i32 to index
          %swap3A_2636 = arith.index_cast %scan3A_2554 : i32 to index
          %swap3A_2637 = arith.constant 48 : index
          %swap3A_2638 = tpu.vector_load %arg14[%swap3A_2635, %swap3A_2636, %swap3A_2637] {strides = array<i32>} : memref<2x16x768xf32, #tpu.memory_space<vmem>>, vector<16xf32>,
          tpu.vector_store %arg14[%swap3A_2635, %swap3A_2636, %swap3A_2637], %add3A_2634 {strides = array<i32>} : memref<2x16x768xf32, #tpu.memory_space<vmem>>, vector<16xf32>,
          %get3A_2639 = arith.index_cast %reduce_max3A_2580 : i32 to index
          %get3A_2640 = arith.constant 64 : index
          %get3A_2641 = tpu.vector_load %arg13[%get3A_2639, %get3A_2640] {strides = array<i32>} : memref<64x768xf32, #tpu.memory_space<vmem>>, vector<16xf32>,
          %get3A_2642 = arith.index_cast %rem3A_2396 : i32 to index
          %get3A_2643 = arith.index_cast %scan3A_2554 : i32 to index
          %get3A_2644 = arith.constant 64 : index
          %get3A_2645 = tpu.vector_load %arg15[%get3A_2642, %get3A_2643, %get3A_2644] {strides = array<i32>} : memref<2x16x768xf32, #tpu.memory_space<vmem>>, vector<16xf32>,
          %add3A_2646 = arith.addf %get3A_2641, %get3A_2645 : vector<16xf32>
          %swap3A_2647 = arith.index_cast %rem3A_2370 : i32 to index
          %swap3A_2648 = arith.index_cast %scan3A_2554 : i32 to index
          %swap3A_2649 = arith.constant 64 : index
          %swap3A_2650 = tpu.vector_load %arg14[%swap3A_2647, %swap3A_2648, %swap3A_2649] {strides = array<i32>} : memref<2x16x768xf32, #tpu.memory_space<vmem>>, vector<16xf32>,
          tpu.vector_store %arg14[%swap3A_2647, %swap3A_2648, %swap3A_2649], %add3A_2646 {strides = array<i32>} : memref<2x16x768xf32, #tpu.memory_space<vmem>>, vector<16xf32>,
          %get3A_2651 = arith.index_cast %reduce_max3A_2580 : i32 to index
          %get3A_2652 = arith.constant 80 : index
          %get3A_2653 = tpu.vector_load %arg13[%get3A_2651, %get3A_2652] {strides = array<i32>} : memref<64x768xf32, #tpu.memory_space<vmem>>, vector<16xf32>,
          %get3A_2654 = arith.index_cast %rem3A_2396 : i32 to index
          %get3A_2655 = arith.index_cast %scan3A_2554 : i32 to index
          %get3A_2656 = arith.constant 80 : index
          %get3A_2657 = tpu.vector_load %arg15[%get3A_2654, %get3A_2655, %get3A_2656] {strides = array<i32>} : memref<2x16x768xf32, #tpu.memory_space<vmem>>, vector<16xf32>,
          %add3A_2658 = arith.addf %get3A_2653, %get3A_2657 : vector<16xf32>
          %swap3A_2659 = arith.index_cast %rem3A_2370 : i32 to index
          %swap3A_2660 = arith.index_cast %scan3A_2554 : i32 to index
          %swap3A_2661 = arith.constant 80 : index
          %swap3A_2662 = tpu.vector_load %arg14[%swap3A_2659, %swap3A_2660, %swap3A_2661] {strides = array<i32>} : memref<2x16x768xf32, #tpu.memory_space<vmem>>, vector<16xf32>,
          tpu.vector_store %arg14[%swap3A_2659, %swap3A_2660, %swap3A_2661], %add3A_2658 {strides = array<i32>} : memref<2x16x768xf32, #tpu.memory_space<vmem>>, vector<16xf32>,
          %get3A_2663 = arith.index_cast %reduce_max3A_2580 : i32 to index
          %get3A_2664 = arith.constant 96 : index
          %get3A_2665 = tpu.vector_load %arg13[%get3A_2663, %get3A_2664] {strides = array<i32>} : memref<64x768xf32, #tpu.memory_space<vmem>>, vector<16xf32>,
          %get3A_2666 = arith.index_cast %rem3A_2396 : i32 to index
          %get3A_2667 = arith.index_cast %scan3A_2554 : i32 to index
          %get3A_2668 = arith.constant 96 : index
          %get3A_2669 = tpu.vector_load %arg15[%get3A_2666, %get3A_2667, %get3A_2668] {strides = array<i32>} : memref<2x16x768xf32, #tpu.memory_space<vmem>>, vector<16xf32>,
          %add3A_2670 = arith.addf %get3A_2665, %get3A_2669 : vector<16xf32>
          %swap3A_2671 = arith.index_cast %rem3A_2370 : i32 to index
          %swap3A_2672 = arith.index_cast %scan3A_2554 : i32 to index
          %swap3A_2673 = arith.constant 96 : index
          %swap3A_2674 = tpu.vector_load %arg14[%swap3A_2671, %swap3A_2672, %swap3A_2673] {strides = array<i32>} : memref<2x16x768xf32, #tpu.memory_space<vmem>>, vector<16xf32>,
          tpu.vector_store %arg14[%swap3A_2671, %swap3A_2672, %swap3A_2673], %add3A_2670 {strides = array<i32>} : memref<2x16x768xf32, #tpu.memory_space<vmem>>, vector<16xf32>,
          %get3A_2675 = arith.index_cast %reduce_max3A_2580 : i32 to index
          %get3A_2676 = arith.constant 112 : index
          %get3A_2677 = tpu.vector_load %arg13[%get3A_2675, %get3A_2676] {strides = array<i32>} : memref<64x768xf32, #tpu.memory_space<vmem>>, vector<16xf32>,
          %get3A_2678 = arith.index_cast %rem3A_2396 : i32 to index
          %get3A_2679 = arith.index_cast %scan3A_2554 : i32 to index
          %get3A_2680 = arith.constant 112 : index
          %get3A_2681 = tpu.vector_load %arg15[%get3A_2678, %get3A_2679, %get3A_2680] {strides = array<i32>} : memref<2x16x768xf32, #tpu.memory_space<vmem>>, vector<16xf32>,
          %add3A_2682 = arith.addf %get3A_2677, %get3A_2681 : vector<16xf32>
          %swap3A_2683 = arith.index_cast %rem3A_2370 : i32 to index
          %swap3A_2684 = arith.index_cast %scan3A_2554 : i32 to index
          %swap3A_2685 = arith.constant 112 : index
          %swap3A_2686 = tpu.vector_load %arg14[%swap3A_2683, %swap3A_2684, %swap3A_2685] {strides = array<i32>} : memref<2x16x768xf32, #tpu.memory_space<vmem>>, vector<16xf32>,
          tpu.vector_store %arg14[%swap3A_2683, %swap3A_2684, %swap3A_2685], %add3A_2682 {strides = array<i32>} : memref<2x16x768xf32, #tpu.memory_space<vmem>>, vector<16xf32>,
          %get3A_2687 = arith.index_cast %reduce_max3A_2580 : i32 to index
          %get3A_2688 = arith.constant 128 : index
          %get3A_2689 = tpu.vector_load %arg13[%get3A_2687, %get3A_2688] {strides = array<i32>} : memref<64x768xf32, #tpu.memory_space<vmem>>, vector<16xf32>,
          %get3A_2690 = arith.index_cast %rem3A_2396 : i32 to index
          %get3A_2691 = arith.index_cast %scan3A_2554 : i32 to index
          %get3A_2692 = arith.constant 128 : index
          %get3A_2693 = tpu.vector_load %arg15[%get3A_2690, %get3A_2691, %get3A_2692] {strides = array<i32>} : memref<2x16x768xf32, #tpu.memory_space<vmem>>, vector<16xf32>,
          %add3A_2694 = arith.addf %get3A_2689, %get3A_2693 : vector<16xf32>
          %swap3A_2695 = arith.index_cast %rem3A_2370 : i32 to index
          %swap3A_2696 = arith.index_cast %scan3A_2554 : i32 to index
          %swap3A_2697 = arith.constant 128 : index
          %swap3A_2698 = tpu.vector_load %arg14[%swap3A_2695, %swap3A_2696, %swap3A_2697] {strides = array<i32>} : memref<2x16x768xf32, #tpu.memory_space<vmem>>, vector<16xf32>,
          tpu.vector_store %arg14[%swap3A_2695, %swap3A_2696, %swap3A_2697], %add3A_2694 {strides = array<i32>} : memref<2x16x768xf32, #tpu.memory_space<vmem>>, vector<16xf32>,
          %get3A_2699 = arith.index_cast %reduce_max3A_2580 : i32 to index
          %get3A_2700 = arith.constant 144 : index
          %get3A_2701 = tpu.vector_load %arg13[%get3A_2699, %get3A_2700] {strides = array<i32>} : memref<64x768xf32, #tpu.memory_space<vmem>>, vector<16xf32>,
          %get3A_2702 = arith.index_cast %rem3A_2396 : i32 to index
          %get3A_2703 = arith.index_cast %scan3A_2554 : i32 to index
          %get3A_2704 = arith.constant 144 : index
          %get3A_2705 = tpu.vector_load %arg15[%get3A_2702, %get3A_2703, %get3A_2704] {strides = array<i32>} : memref<2x16x768xf32, #tpu.memory_space<vmem>>, vector<16xf32>,
          %add3A_2706 = arith.addf %get3A_2701, %get3A_2705 : vector<16xf32>
          %swap3A_2707 = arith.index_cast %rem3A_2370 : i32 to index
          %swap3A_2708 = arith.index_cast %scan3A_2554 : i32 to index
          %swap3A_2709 = arith.constant 144 : index
          %swap3A_2710 = tpu.vector_load %arg14[%swap3A_2707, %swap3A_2708, %swap3A_2709] {strides = array<i32>} : memref<2x16x768xf32, #tpu.memory_space<vmem>>, vector<16xf32>,
          tpu.vector_store %arg14[%swap3A_2707, %swap3A_2708, %swap3A_2709], %add3A_2706 {strides = array<i32>} : memref<2x16x768xf32, #tpu.memory_space<vmem>>, vector<16xf32>,
          %get3A_2711 = arith.index_cast %reduce_max3A_2580 : i32 to index
          %get3A_2712 = arith.constant 160 : index
          %get3A_2713 = tpu.vector_load %arg13[%get3A_2711, %get3A_2712] {strides = array<i32>} : memref<64x768xf32, #tpu.memory_space<vmem>>, vector<16xf32>,
          %get3A_2714 = arith.index_cast %rem3A_2396 : i32 to index
          %get3A_2715 = arith.index_cast %scan3A_2554 : i32 to index
          %get3A_2716 = arith.constant 160 : index
          %get3A_2717 = tpu.vector_load %arg15[%get3A_2714, %get3A_2715, %get3A_2716] {strides = array<i32>} : memref<2x16x768xf32, #tpu.memory_space<vmem>>, vector<16xf32>,
          %add3A_2718 = arith.addf %get3A_2713, %get3A_2717 : vector<16xf32>
          %swap3A_2719 = arith.index_cast %rem3A_2370 : i32 to index
          %swap3A_2720 = arith.index_cast %scan3A_2554 : i32 to index
          %swap3A_2721 = arith.constant 160 : index
          %swap3A_2722 = tpu.vector_load %arg14[%swap3A_2719, %swap3A_2720, %swap3A_2721] {strides = array<i32>} : memref<2x16x768xf32, #tpu.memory_space<vmem>>, vector<16xf32>,
          tpu.vector_store %arg14[%swap3A_2719, %swap3A_2720, %swap3A_2721], %add3A_2718 {strides = array<i32>} : memref<2x16x768xf32, #tpu.memory_space<vmem>>, vector<16xf32>,
          %get3A_2723 = arith.index_cast %reduce_max3A_2580 : i32 to index
          %get3A_2724 = arith.constant 176 : index
          %get3A_2725 = tpu.vector_load %arg13[%get3A_2723, %get3A_2724] {strides = array<i32>} : memref<64x768xf32, #tpu.memory_space<vmem>>, vector<16xf32>,
          %get3A_2726 = arith.index_cast %rem3A_2396 : i32 to index
          %get3A_2727 = arith.index_cast %scan3A_2554 : i32 to index
          %get3A_2728 = arith.constant 176 : index
          %get3A_2729 = tpu.vector_load %arg15[%get3A_2726, %get3A_2727, %get3A_2728] {strides = array<i32>} : memref<2x16x768xf32, #tpu.memory_space<vmem>>, vector<16xf32>,
          %add3A_2730 = arith.addf %get3A_2725, %get3A_2729 : vector<16xf32>
          %swap3A_2731 = arith.index_cast %rem3A_2370 : i32 to index
          %swap3A_2732 = arith.index_cast %scan3A_2554 : i32 to index
          %swap3A_2733 = arith.constant 176 : index
          %swap3A_2734 = tpu.vector_load %arg14[%swap3A_2731, %swap3A_2732, %swap3A_2733] {strides = array<i32>} : memref<2x16x768xf32, #tpu.memory_space<vmem>>, vector<16xf32>,
          tpu.vector_store %arg14[%swap3A_2731, %swap3A_2732, %swap3A_2733], %add3A_2730 {strides = array<i32>} : memref<2x16x768xf32, #tpu.memory_space<vmem>>, vector<16xf32>,
          %get3A_2735 = arith.index_cast %reduce_max3A_2580 : i32 to index
          %get3A_2736 = arith.constant 192 : index
          %get3A_2737 = tpu.vector_load %arg13[%get3A_2735, %get3A_2736] {strides = array<i32>} : memref<64x768xf32, #tpu.memory_space<vmem>>, vector<16xf32>,
          %get3A_2738 = arith.index_cast %rem3A_2396 : i32 to index
          %get3A_2739 = arith.index_cast %scan3A_2554 : i32 to index
          %get3A_2740 = arith.constant 192 : index
          %get3A_2741 = tpu.vector_load %arg15[%get3A_2738, %get3A_2739, %get3A_2740] {strides = array<i32>} : memref<2x16x768xf32, #tpu.memory_space<vmem>>, vector<16xf32>,
          %add3A_2742 = arith.addf %get3A_2737, %get3A_2741 : vector<16xf32>
          %swap3A_2743 = arith.index_cast %rem3A_2370 : i32 to index
          %swap3A_2744 = arith.index_cast %scan3A_2554 : i32 to index
          %swap3A_2745 = arith.constant 192 : index
          %swap3A_2746 = tpu.vector_load %arg14[%swap3A_2743, %swap3A_2744, %swap3A_2745] {strides = array<i32>} : memref<2x16x768xf32, #tpu.memory_space<vmem>>, vector<16xf32>,
          tpu.vector_store %arg14[%swap3A_2743, %swap3A_2744, %swap3A_2745], %add3A_2742 {strides = array<i32>} : memref<2x16x768xf32, #tpu.memory_space<vmem>>, vector<16xf32>,
          %get3A_2747 = arith.index_cast %reduce_max3A_2580 : i32 to index
          %get3A_2748 = arith.constant 208 : index
          %get3A_2749 = tpu.vector_load %arg13[%get3A_2747, %get3A_2748] {strides = array<i32>} : memref<64x768xf32, #tpu.memory_space<vmem>>, vector<16xf32>,
          %get3A_2750 = arith.index_cast %rem3A_2396 : i32 to index
          %get3A_2751 = arith.index_cast %scan3A_2554 : i32 to index
          %get3A_2752 = arith.constant 208 : index
          %get3A_2753 = tpu.vector_load %arg15[%get3A_2750, %get3A_2751, %get3A_2752] {strides = array<i32>} : memref<2x16x768xf32, #tpu.memory_space<vmem>>, vector<16xf32>,
          %add3A_2754 = arith.addf %get3A_2749, %get3A_2753 : vector<16xf32>
          %swap3A_2755 = arith.index_cast %rem3A_2370 : i32 to index
          %swap3A_2756 = arith.index_cast %scan3A_2554 : i32 to index
          %swap3A_2757 = arith.constant 208 : index
          %swap3A_2758 = tpu.vector_load %arg14[%swap3A_2755, %swap3A_2756, %swap3A_2757] {strides = array<i32>} : memref<2x16x768xf32, #tpu.memory_space<vmem>>, vector<16xf32>,
          tpu.vector_store %arg14[%swap3A_2755, %swap3A_2756, %swap3A_2757], %add3A_2754 {strides = array<i32>} : memref<2x16x768xf32, #tpu.memory_space<vmem>>, vector<16xf32>,
          %get3A_2759 = arith.index_cast %reduce_max3A_2580 : i32 to index
          %get3A_2760 = arith.constant 224 : index
          %get3A_2761 = tpu.vector_load %arg13[%get3A_2759, %get3A_2760] {strides = array<i32>} : memref<64x768xf32, #tpu.memory_space<vmem>>, vector<16xf32>,
          %get3A_2762 = arith.index_cast %rem3A_2396 : i32 to index
          %get3A_2763 = arith.index_cast %scan3A_2554 : i32 to index
          %get3A_2764 = arith.constant 224 : index
          %get3A_2765 = tpu.vector_load %arg15[%get3A_2762, %get3A_2763, %get3A_2764] {strides = array<i32>} : memref<2x16x768xf32, #tpu.memory_space<vmem>>, vector<16xf32>,
          %add3A_2766 = arith.addf %get3A_2761, %get3A_2765 : vector<16xf32>
          %swap3A_2767 = arith.index_cast %rem3A_2370 : i32 to index
          %swap3A_2768 = arith.index_cast %scan3A_2554 : i32 to index
          %swap3A_2769 = arith.constant 224 : index
          %swap3A_2770 = tpu.vector_load %arg14[%swap3A_2767, %swap3A_2768, %swap3A_2769] {strides = array<i32>} : memref<2x16x768xf32, #tpu.memory_space<vmem>>, vector<16xf32>,
          tpu.vector_store %arg14[%swap3A_2767, %swap3A_2768, %swap3A_2769], %add3A_2766 {strides = array<i32>} : memref<2x16x768xf32, #tpu.memory_space<vmem>>, vector<16xf32>,
          %get3A_2771 = arith.index_cast %reduce_max3A_2580 : i32 to index
          %get3A_2772 = arith.constant 240 : index
          %get3A_2773 = tpu.vector_load %arg13[%get3A_2771, %get3A_2772] {strides = array<i32>} : memref<64x768xf32, #tpu.memory_space<vmem>>, vector<16xf32>,
          %get3A_2774 = arith.index_cast %rem3A_2396 : i32 to index
          %get3A_2775 = arith.index_cast %scan3A_2554 : i32 to index
          %get3A_2776 = arith.constant 240 : index
          %get3A_2777 = tpu.vector_load %arg15[%get3A_2774, %get3A_2775, %get3A_2776] {strides = array<i32>} : memref<2x16x768xf32, #tpu.memory_space<vmem>>, vector<16xf32>,
          %add3A_2778 = arith.addf %get3A_2773, %get3A_2777 : vector<16xf32>
          %swap3A_2779 = arith.index_cast %rem3A_2370 : i32 to index
          %swap3A_2780 = arith.index_cast %scan3A_2554 : i32 to index
          %swap3A_2781 = arith.constant 240 : index
          %swap3A_2782 = tpu.vector_load %arg14[%swap3A_2779, %swap3A_2780, %swap3A_2781] {strides = array<i32>} : memref<2x16x768xf32, #tpu.memory_space<vmem>>, vector<16xf32>,
          tpu.vector_store %arg14[%swap3A_2779, %swap3A_2780, %swap3A_2781], %add3A_2778 {strides = array<i32>} : memref<2x16x768xf32, #tpu.memory_space<vmem>>, vector<16xf32>,
          %get3A_2783 = arith.index_cast %reduce_max3A_2580 : i32 to index
          %get3A_2784 = arith.constant 256 : index
          %get3A_2785 = tpu.vector_load %arg13[%get3A_2783, %get3A_2784] {strides = array<i32>} : memref<64x768xf32, #tpu.memory_space<vmem>>, vector<16xf32>,
          %get3A_2786 = arith.index_cast %rem3A_2396 : i32 to index
          %get3A_2787 = arith.index_cast %scan3A_2554 : i32 to index
          %get3A_2788 = arith.constant 256 : index
          %get3A_2789 = tpu.vector_load %arg15[%get3A_2786, %get3A_2787, %get3A_2788] {strides = array<i32>} : memref<2x16x768xf32, #tpu.memory_space<vmem>>, vector<16xf32>,
          %add3A_2790 = arith.addf %get3A_2785, %get3A_2789 : vector<16xf32>
          %swap3A_2791 = arith.index_cast %rem3A_2370 : i32 to index
          %swap3A_2792 = arith.index_cast %scan3A_2554 : i32 to index
          %swap3A_2793 = arith.constant 256 : index
          %swap3A_2794 = tpu.vector_load %arg14[%swap3A_2791, %swap3A_2792, %swap3A_2793] {strides = array<i32>} : memref<2x16x768xf32, #tpu.memory_space<vmem>>, vector<16xf32>,
          tpu.vector_store %arg14[%swap3A_2791, %swap3A_2792, %swap3A_2793], %add3A_2790 {strides = array<i32>} : memref<2x16x768xf32, #tpu.memory_space<vmem>>, vector<16xf32>,
          %get3A_2795 = arith.index_cast %reduce_max3A_2580 : i32 to index
          %get3A_2796 = arith.constant 272 : index
          %get3A_2797 = tpu.vector_load %arg13[%get3A_2795, %get3A_2796] {strides = array<i32>} : memref<64x768xf32, #tpu.memory_space<vmem>>, vector<16xf32>,
          %get3A_2798 = arith.index_cast %rem3A_2396 : i32 to index
          %get3A_2799 = arith.index_cast %scan3A_2554 : i32 to index
          %get3A_2800 = arith.constant 272 : index
          %get3A_2801 = tpu.vector_load %arg15[%get3A_2798, %get3A_2799, %get3A_2800] {strides = array<i32>} : memref<2x16x768xf32, #tpu.memory_space<vmem>>, vector<16xf32>,
          %add3A_2802 = arith.addf %get3A_2797, %get3A_2801 : vector<16xf32>
          %swap3A_2803 = arith.index_cast %rem3A_2370 : i32 to index
          %swap3A_2804 = arith.index_cast %scan3A_2554 : i32 to index
          %swap3A_2805 = arith.constant 272 : index
          %swap3A_2806 = tpu.vector_load %arg14[%swap3A_2803, %swap3A_2804, %swap3A_2805] {strides = array<i32>} : memref<2x16x768xf32, #tpu.memory_space<vmem>>, vector<16xf32>,
          tpu.vector_store %arg14[%swap3A_2803, %swap3A_2804, %swap3A_2805], %add3A_2802 {strides = array<i32>} : memref<2x16x768xf32, #tpu.memory_space<vmem>>, vector<16xf32>,
          %get3A_2807 = arith.index_cast %reduce_max3A_2580 : i32 to index
          %get3A_2808 = arith.constant 288 : index
          %get3A_2809 = tpu.vector_load %arg13[%get3A_2807, %get3A_2808] {strides = array<i32>} : memref<64x768xf32, #tpu.memory_space<vmem>>, vector<16xf32>,
          %get3A_2810 = arith.index_cast %rem3A_2396 : i32 to index
          %get3A_2811 = arith.index_cast %scan3A_2554 : i32 to index
          %get3A_2812 = arith.constant 288 : index
          %get3A_2813 = tpu.vector_load %arg15[%get3A_2810, %get3A_2811, %get3A_2812] {strides = array<i32>} : memref<2x16x768xf32, #tpu.memory_space<vmem>>, vector<16xf32>,
          %add3A_2814 = arith.addf %get3A_2809, %get3A_2813 : vector<16xf32>
          %swap3A_2815 = arith.index_cast %rem3A_2370 : i32 to index
          %swap3A_2816 = arith.index_cast %scan3A_2554 : i32 to index
          %swap3A_2817 = arith.constant 288 : index
          %swap3A_2818 = tpu.vector_load %arg14[%swap3A_2815, %swap3A_2816, %swap3A_2817] {strides = array<i32>} : memref<2x16x768xf32, #tpu.memory_space<vmem>>, vector<16xf32>,
          tpu.vector_store %arg14[%swap3A_2815, %swap3A_2816, %swap3A_2817], %add3A_2814 {strides = array<i32>} : memref<2x16x768xf32, #tpu.memory_space<vmem>>, vector<16xf32>,
          %get3A_2819 = arith.index_cast %reduce_max3A_2580 : i32 to index
          %get3A_2820 = arith.constant 304 : index
          %get3A_2821 = tpu.vector_load %arg13[%get3A_2819, %get3A_2820] {strides = array<i32>} : memref<64x768xf32, #tpu.memory_space<vmem>>, vector<16xf32>,
          %get3A_2822 = arith.index_cast %rem3A_2396 : i32 to index
          %get3A_2823 = arith.index_cast %scan3A_2554 : i32 to index
          %get3A_2824 = arith.constant 304 : index
          %get3A_2825 = tpu.vector_load %arg15[%get3A_2822, %get3A_2823, %get3A_2824] {strides = array<i32>} : memref<2x16x768xf32, #tpu.memory_space<vmem>>, vector<16xf32>,
          %add3A_2826 = arith.addf %get3A_2821, %get3A_2825 : vector<16xf32>
          %swap3A_2827 = arith.index_cast %rem3A_2370 : i32 to index
          %swap3A_2828 = arith.index_cast %scan3A_2554 : i32 to index
          %swap3A_2829 = arith.constant 304 : index
          %swap3A_2830 = tpu.vector_load %arg14[%swap3A_2827, %swap3A_2828, %swap3A_2829] {strides = array<i32>} : memref<2x16x768xf32, #tpu.memory_space<vmem>>, vector<16xf32>,
          tpu.vector_store %arg14[%swap3A_2827, %swap3A_2828, %swap3A_2829], %add3A_2826 {strides = array<i32>} : memref<2x16x768xf32, #tpu.memory_space<vmem>>, vector<16xf32>,
          %get3A_2831 = arith.index_cast %reduce_max3A_2580 : i32 to index
          %get3A_2832 = arith.constant 320 : index
          %get3A_2833 = tpu.vector_load %arg13[%get3A_2831, %get3A_2832] {strides = array<i32>} : memref<64x768xf32, #tpu.memory_space<vmem>>, vector<16xf32>,
          %get3A_2834 = arith.index_cast %rem3A_2396 : i32 to index
          %get3A_2835 = arith.index_cast %scan3A_2554 : i32 to index
          %get3A_2836 = arith.constant 320 : index
          %get3A_2837 = tpu.vector_load %arg15[%get3A_2834, %get3A_2835, %get3A_2836] {strides = array<i32>} : memref<2x16x768xf32, #tpu.memory_space<vmem>>, vector<16xf32>,
          %add3A_2838 = arith.addf %get3A_2833, %get3A_2837 : vector<16xf32>
          %swap3A_2839 = arith.index_cast %rem3A_2370 : i32 to index
          %swap3A_2840 = arith.index_cast %scan3A_2554 : i32 to index
          %swap3A_2841 = arith.constant 320 : index
          %swap3A_2842 = tpu.vector_load %arg14[%swap3A_2839, %swap3A_2840, %swap3A_2841] {strides = array<i32>} : memref<2x16x768xf32, #tpu.memory_space<vmem>>, vector<16xf32>,
          tpu.vector_store %arg14[%swap3A_2839, %swap3A_2840, %swap3A_2841], %add3A_2838 {strides = array<i32>} : memref<2x16x768xf32, #tpu.memory_space<vmem>>, vector<16xf32>,
          %get3A_2843 = arith.index_cast %reduce_max3A_2580 : i32 to index
          %get3A_2844 = arith.constant 336 : index
          %get3A_2845 = tpu.vector_load %arg13[%get3A_2843, %get3A_2844] {strides = array<i32>} : memref<64x768xf32, #tpu.memory_space<vmem>>, vector<16xf32>,
          %get3A_2846 = arith.index_cast %rem3A_2396 : i32 to index
          %get3A_2847 = arith.index_cast %scan3A_2554 : i32 to index
          %get3A_2848 = arith.constant 336 : index
          %get3A_2849 = tpu.vector_load %arg15[%get3A_2846, %get3A_2847, %get3A_2848] {strides = array<i32>} : memref<2x16x768xf32, #tpu.memory_space<vmem>>, vector<16xf32>,
          %add3A_2850 = arith.addf %get3A_2845, %get3A_2849 : vector<16xf32>
          %swap3A_2851 = arith.index_cast %rem3A_2370 : i32 to index
          %swap3A_2852 = arith.index_cast %scan3A_2554 : i32 to index
          %swap3A_2853 = arith.constant 336 : index
          %swap3A_2854 = tpu.vector_load %arg14[%swap3A_2851, %swap3A_2852, %swap3A_2853] {strides = array<i32>} : memref<2x16x768xf32, #tpu.memory_space<vmem>>, vector<16xf32>,
          tpu.vector_store %arg14[%swap3A_2851, %swap3A_2852, %swap3A_2853], %add3A_2850 {strides = array<i32>} : memref<2x16x768xf32, #tpu.memory_space<vmem>>, vector<16xf32>,
          %get3A_2855 = arith.index_cast %reduce_max3A_2580 : i32 to index
          %get3A_2856 = arith.constant 352 : index
          %get3A_2857 = tpu.vector_load %arg13[%get3A_2855, %get3A_2856] {strides = array<i32>} : memref<64x768xf32, #tpu.memory_space<vmem>>, vector<16xf32>,
          %get3A_2858 = arith.index_cast %rem3A_2396 : i32 to index
          %get3A_2859 = arith.index_cast %scan3A_2554 : i32 to index
          %get3A_2860 = arith.constant 352 : index
          %get3A_2861 = tpu.vector_load %arg15[%get3A_2858, %get3A_2859, %get3A_2860] {strides = array<i32>} : memref<2x16x768xf32, #tpu.memory_space<vmem>>, vector<16xf32>,
          %add3A_2862 = arith.addf %get3A_2857, %get3A_2861 : vector<16xf32>
          %swap3A_2863 = arith.index_cast %rem3A_2370 : i32 to index
          %swap3A_2864 = arith.index_cast %scan3A_2554 : i32 to index
          %swap3A_2865 = arith.constant 352 : index
          %swap3A_2866 = tpu.vector_load %arg14[%swap3A_2863, %swap3A_2864, %swap3A_2865] {strides = array<i32>} : memref<2x16x768xf32, #tpu.memory_space<vmem>>, vector<16xf32>,
          tpu.vector_store %arg14[%swap3A_2863, %swap3A_2864, %swap3A_2865], %add3A_2862 {strides = array<i32>} : memref<2x16x768xf32, #tpu.memory_space<vmem>>, vector<16xf32>,
          %get3A_2867 = arith.index_cast %reduce_max3A_2580 : i32 to index
          %get3A_2868 = arith.constant 368 : index
          %get3A_2869 = tpu.vector_load %arg13[%get3A_2867, %get3A_2868] {strides = array<i32>} : memref<64x768xf32, #tpu.memory_space<vmem>>, vector<16xf32>,
          %get3A_2870 = arith.index_cast %rem3A_2396 : i32 to index
          %get3A_2871 = arith.index_cast %scan3A_2554 : i32 to index
          %get3A_2872 = arith.constant 368 : index
          %get3A_2873 = tpu.vector_load %arg15[%get3A_2870, %get3A_2871, %get3A_2872] {strides = array<i32>} : memref<2x16x768xf32, #tpu.memory_space<vmem>>, vector<16xf32>,
          %add3A_2874 = arith.addf %get3A_2869, %get3A_2873 : vector<16xf32>
          %swap3A_2875 = arith.index_cast %rem3A_2370 : i32 to index
          %swap3A_2876 = arith.index_cast %scan3A_2554 : i32 to index
          %swap3A_2877 = arith.constant 368 : index
          %swap3A_2878 = tpu.vector_load %arg14[%swap3A_2875, %swap3A_2876, %swap3A_2877] {strides = array<i32>} : memref<2x16x768xf32, #tpu.memory_space<vmem>>, vector<16xf32>,
          tpu.vector_store %arg14[%swap3A_2875, %swap3A_2876, %swap3A_2877], %add3A_2874 {strides = array<i32>} : memref<2x16x768xf32, #tpu.memory_space<vmem>>, vector<16xf32>,
          %get3A_2879 = arith.index_cast %reduce_max3A_2580 : i32 to index
          %get3A_2880 = arith.constant 384 : index
          %get3A_2881 = tpu.vector_load %arg13[%get3A_2879, %get3A_2880] {strides = array<i32>} : memref<64x768xf32, #tpu.memory_space<vmem>>, vector<16xf32>,
          %get3A_2882 = arith.index_cast %rem3A_2396 : i32 to index
          %get3A_2883 = arith.index_cast %scan3A_2554 : i32 to index
          %get3A_2884 = arith.constant 384 : index
          %get3A_2885 = tpu.vector_load %arg15[%get3A_2882, %get3A_2883, %get3A_2884] {strides = array<i32>} : memref<2x16x768xf32, #tpu.memory_space<vmem>>, vector<16xf32>,
          %add3A_2886 = arith.addf %get3A_2881, %get3A_2885 : vector<16xf32>
          %swap3A_2887 = arith.index_cast %rem3A_2370 : i32 to index
          %swap3A_2888 = arith.index_cast %scan3A_2554 : i32 to index
          %swap3A_2889 = arith.constant 384 : index
          %swap3A_2890 = tpu.vector_load %arg14[%swap3A_2887, %swap3A_2888, %swap3A_2889] {strides = array<i32>} : memref<2x16x768xf32, #tpu.memory_space<vmem>>, vector<16xf32>,
          tpu.vector_store %arg14[%swap3A_2887, %swap3A_2888, %swap3A_2889], %add3A_2886 {strides = array<i32>} : memref<2x16x768xf32, #tpu.memory_space<vmem>>, vector<16xf32>,
          %get3A_2891 = arith.index_cast %reduce_max3A_2580 : i32 to index
          %get3A_2892 = arith.constant 400 : index
          %get3A_2893 = tpu.vector_load %arg13[%get3A_2891, %get3A_2892] {strides = array<i32>} : memref<64x768xf32, #tpu.memory_space<vmem>>, vector<16xf32>,
          %get3A_2894 = arith.index_cast %rem3A_2396 : i32 to index
          %get3A_2895 = arith.index_cast %scan3A_2554 : i32 to index
          %get3A_2896 = arith.constant 400 : index
          %get3A_2897 = tpu.vector_load %arg15[%get3A_2894, %get3A_2895, %get3A_2896] {strides = array<i32>} : memref<2x16x768xf32, #tpu.memory_space<vmem>>, vector<16xf32>,
          %add3A_2898 = arith.addf %get3A_2893, %get3A_2897 : vector<16xf32>
          %swap3A_2899 = arith.index_cast %rem3A_2370 : i32 to index
          %swap3A_2900 = arith.index_cast %scan3A_2554 : i32 to index
          %swap3A_2901 = arith.constant 400 : index
          %swap3A_2902 = tpu.vector_load %arg14[%swap3A_2899, %swap3A_2900, %swap3A_2901] {strides = array<i32>} : memref<2x16x768xf32, #tpu.memory_space<vmem>>, vector<16xf32>,
          tpu.vector_store %arg14[%swap3A_2899, %swap3A_2900, %swap3A_2901], %add3A_2898 {strides = array<i32>} : memref<2x16x768xf32, #tpu.memory_space<vmem>>, vector<16xf32>,
          %get3A_2903 = arith.index_cast %reduce_max3A_2580 : i32 to index
          %get3A_2904 = arith.constant 416 : index
          %get3A_2905 = tpu.vector_load %arg13[%get3A_2903, %get3A_2904] {strides = array<i32>} : memref<64x768xf32, #tpu.memory_space<vmem>>, vector<16xf32>,
          %get3A_2906 = arith.index_cast %rem3A_2396 : i32 to index
          %get3A_2907 = arith.index_cast %scan3A_2554 : i32 to index
          %get3A_2908 = arith.constant 416 : index
          %get3A_2909 = tpu.vector_load %arg15[%get3A_2906, %get3A_2907, %get3A_2908] {strides = array<i32>} : memref<2x16x768xf32, #tpu.memory_space<vmem>>, vector<16xf32>,
          %add3A_2910 = arith.addf %get3A_2905, %get3A_2909 : vector<16xf32>
          %swap3A_2911 = arith.index_cast %rem3A_2370 : i32 to index
          %swap3A_2912 = arith.index_cast %scan3A_2554 : i32 to index
          %swap3A_2913 = arith.constant 416 : index
          %swap3A_2914 = tpu.vector_load %arg14[%swap3A_2911, %swap3A_2912, %swap3A_2913] {strides = array<i32>} : memref<2x16x768xf32, #tpu.memory_space<vmem>>, vector<16xf32>,
          tpu.vector_store %arg14[%swap3A_2911, %swap3A_2912, %swap3A_2913], %add3A_2910 {strides = array<i32>} : memref<2x16x768xf32, #tpu.memory_space<vmem>>, vector<16xf32>,
          %get3A_2915 = arith.index_cast %reduce_max3A_2580 : i32 to index
          %get3A_2916 = arith.constant 432 : index
          %get3A_2917 = tpu.vector_load %arg13[%get3A_2915, %get3A_2916] {strides = array<i32>} : memref<64x768xf32, #tpu.memory_space<vmem>>, vector<16xf32>,
          %get3A_2918 = arith.index_cast %rem3A_2396 : i32 to index
          %get3A_2919 = arith.index_cast %scan3A_2554 : i32 to index
          %get3A_2920 = arith.constant 432 : index
          %get3A_2921 = tpu.vector_load %arg15[%get3A_2918, %get3A_2919, %get3A_2920] {strides = array<i32>} : memref<2x16x768xf32, #tpu.memory_space<vmem>>, vector<16xf32>,
          %add3A_2922 = arith.addf %get3A_2917, %get3A_2921 : vector<16xf32>
          %swap3A_2923 = arith.index_cast %rem3A_2370 : i32 to index
          %swap3A_2924 = arith.index_cast %scan3A_2554 : i32 to index
          %swap3A_2925 = arith.constant 432 : index
          %swap3A_2926 = tpu.vector_load %arg14[%swap3A_2923, %swap3A_2924, %swap3A_2925] {strides = array<i32>} : memref<2x16x768xf32, #tpu.memory_space<vmem>>, vector<16xf32>,
          tpu.vector_store %arg14[%swap3A_2923, %swap3A_2924, %swap3A_2925], %add3A_2922 {strides = array<i32>} : memref<2x16x768xf32, #tpu.memory_space<vmem>>, vector<16xf32>,
          %get3A_2927 = arith.index_cast %reduce_max3A_2580 : i32 to index
          %get3A_2928 = arith.constant 448 : index
          %get3A_2929 = tpu.vector_load %arg13[%get3A_2927, %get3A_2928] {strides = array<i32>} : memref<64x768xf32, #tpu.memory_space<vmem>>, vector<16xf32>,
          %get3A_2930 = arith.index_cast %rem3A_2396 : i32 to index
          %get3A_2931 = arith.index_cast %scan3A_2554 : i32 to index
          %get3A_2932 = arith.constant 448 : index
          %get3A_2933 = tpu.vector_load %arg15[%get3A_2930, %get3A_2931, %get3A_2932] {strides = array<i32>} : memref<2x16x768xf32, #tpu.memory_space<vmem>>, vector<16xf32>,
          %add3A_2934 = arith.addf %get3A_2929, %get3A_2933 : vector<16xf32>
          %swap3A_2935 = arith.index_cast %rem3A_2370 : i32 to index
          %swap3A_2936 = arith.index_cast %scan3A_2554 : i32 to index
          %swap3A_2937 = arith.constant 448 : index
          %swap3A_2938 = tpu.vector_load %arg14[%swap3A_2935, %swap3A_2936, %swap3A_2937] {strides = array<i32>} : memref<2x16x768xf32, #tpu.memory_space<vmem>>, vector<16xf32>,
          tpu.vector_store %arg14[%swap3A_2935, %swap3A_2936, %swap3A_2937], %add3A_2934 {strides = array<i32>} : memref<2x16x768xf32, #tpu.memory_space<vmem>>, vector<16xf32>,
          %get3A_2939 = arith.index_cast %reduce_max3A_2580 : i32 to index
          %get3A_2940 = arith.constant 464 : index
          %get3A_2941 = tpu.vector_load %arg13[%get3A_2939, %get3A_2940] {strides = array<i32>} : memref<64x768xf32, #tpu.memory_space<vmem>>, vector<16xf32>,
          %get3A_2942 = arith.index_cast %rem3A_2396 : i32 to index
          %get3A_2943 = arith.index_cast %scan3A_2554 : i32 to index
          %get3A_2944 = arith.constant 464 : index
          %get3A_2945 = tpu.vector_load %arg15[%get3A_2942, %get3A_2943, %get3A_2944] {strides = array<i32>} : memref<2x16x768xf32, #tpu.memory_space<vmem>>, vector<16xf32>,
          %add3A_2946 = arith.addf %get3A_2941, %get3A_2945 : vector<16xf32>
          %swap3A_2947 = arith.index_cast %rem3A_2370 : i32 to index
          %swap3A_2948 = arith.index_cast %scan3A_2554 : i32 to index
          %swap3A_2949 = arith.constant 464 : index
          %swap3A_2950 = tpu.vector_load %arg14[%swap3A_2947, %swap3A_2948, %swap3A_2949] {strides = array<i32>} : memref<2x16x768xf32, #tpu.memory_space<vmem>>, vector<16xf32>,
          tpu.vector_store %arg14[%swap3A_2947, %swap3A_2948, %swap3A_2949], %add3A_2946 {strides = array<i32>} : memref<2x16x768xf32, #tpu.memory_space<vmem>>, vector<16xf32>,
          %get3A_2951 = arith.index_cast %reduce_max3A_2580 : i32 to index
          %get3A_2952 = arith.constant 480 : index
          %get3A_2953 = tpu.vector_load %arg13[%get3A_2951, %get3A_2952] {strides = array<i32>} : memref<64x768xf32, #tpu.memory_space<vmem>>, vector<16xf32>,
          %get3A_2954 = arith.index_cast %rem3A_2396 : i32 to index
          %get3A_2955 = arith.index_cast %scan3A_2554 : i32 to index
          %get3A_2956 = arith.constant 480 : index
          %get3A_2957 = tpu.vector_load %arg15[%get3A_2954, %get3A_2955, %get3A_2956] {strides = array<i32>} : memref<2x16x768xf32, #tpu.memory_space<vmem>>, vector<16xf32>,
          %add3A_2958 = arith.addf %get3A_2953, %get3A_2957 : vector<16xf32>
          %swap3A_2959 = arith.index_cast %rem3A_2370 : i32 to index
          %swap3A_2960 = arith.index_cast %scan3A_2554 : i32 to index
          %swap3A_2961 = arith.constant 480 : index
          %swap3A_2962 = tpu.vector_load %arg14[%swap3A_2959, %swap3A_2960, %swap3A_2961] {strides = array<i32>} : memref<2x16x768xf32, #tpu.memory_space<vmem>>, vector<16xf32>,
          tpu.vector_store %arg14[%swap3A_2959, %swap3A_2960, %swap3A_2961], %add3A_2958 {strides = array<i32>} : memref<2x16x768xf32, #tpu.memory_space<vmem>>, vector<16xf32>,
          %get3A_2963 = arith.index_cast %reduce_max3A_2580 : i32 to index
          %get3A_2964 = arith.constant 496 : index
          %get3A_2965 = tpu.vector_load %arg13[%get3A_2963, %get3A_2964] {strides = array<i32>} : memref<64x768xf32, #tpu.memory_space<vmem>>, vector<16xf32>,
          %get3A_2966 = arith.index_cast %rem3A_2396 : i32 to index
          %get3A_2967 = arith.index_cast %scan3A_2554 : i32 to index
          %get3A_2968 = arith.constant 496 : index
          %get3A_2969 = tpu.vector_load %arg15[%get3A_2966, %get3A_2967, %get3A_2968] {strides = array<i32>} : memref<2x16x768xf32, #tpu.memory_space<vmem>>, vector<16xf32>,
          %add3A_2970 = arith.addf %get3A_2965, %get3A_2969 : vector<16xf32>
          %swap3A_2971 = arith.index_cast %rem3A_2370 : i32 to index
          %swap3A_2972 = arith.index_cast %scan3A_2554 : i32 to index
          %swap3A_2973 = arith.constant 496 : index
          %swap3A_2974 = tpu.vector_load %arg14[%swap3A_2971, %swap3A_2972, %swap3A_2973] {strides = array<i32>} : memref<2x16x768xf32, #tpu.memory_space<vmem>>, vector<16xf32>,
          tpu.vector_store %arg14[%swap3A_2971, %swap3A_2972, %swap3A_2973], %add3A_2970 {strides = array<i32>} : memref<2x16x768xf32, #tpu.memory_space<vmem>>, vector<16xf32>,
          %get3A_2975 = arith.index_cast %reduce_max3A_2580 : i32 to index
          %get3A_2976 = arith.constant 512 : index
          %get3A_2977 = tpu.vector_load %arg13[%get3A_2975, %get3A_2976] {strides = array<i32>} : memref<64x768xf32, #tpu.memory_space<vmem>>, vector<16xf32>,
          %get3A_2978 = arith.index_cast %rem3A_2396 : i32 to index
          %get3A_2979 = arith.index_cast %scan3A_2554 : i32 to index
          %get3A_2980 = arith.constant 512 : index
          %get3A_2981 = tpu.vector_load %arg15[%get3A_2978, %get3A_2979, %get3A_2980] {strides = array<i32>} : memref<2x16x768xf32, #tpu.memory_space<vmem>>, vector<16xf32>,
          %add3A_2982 = arith.addf %get3A_2977, %get3A_2981 : vector<16xf32>
          %swap3A_2983 = arith.index_cast %rem3A_2370 : i32 to index
          %swap3A_2984 = arith.index_cast %scan3A_2554 : i32 to index
          %swap3A_2985 = arith.constant 512 : index
          %swap3A_2986 = tpu.vector_load %arg14[%swap3A_2983, %swap3A_2984, %swap3A_2985] {strides = array<i32>} : memref<2x16x768xf32, #tpu.memory_space<vmem>>, vector<16xf32>,
          tpu.vector_store %arg14[%swap3A_2983, %swap3A_2984, %swap3A_2985], %add3A_2982 {strides = array<i32>} : memref<2x16x768xf32, #tpu.memory_space<vmem>>, vector<16xf32>,
          %get3A_2987 = arith.index_cast %reduce_max3A_2580 : i32 to index
          %get3A_2988 = arith.constant 528 : index
          %get3A_2989 = tpu.vector_load %arg13[%get3A_2987, %get3A_2988] {strides = array<i32>} : memref<64x768xf32, #tpu.memory_space<vmem>>, vector<16xf32>,
          %get3A_2990 = arith.index_cast %rem3A_2396 : i32 to index
          %get3A_2991 = arith.index_cast %scan3A_2554 : i32 to index
          %get3A_2992 = arith.constant 528 : index
          %get3A_2993 = tpu.vector_load %arg15[%get3A_2990, %get3A_2991, %get3A_2992] {strides = array<i32>} : memref<2x16x768xf32, #tpu.memory_space<vmem>>, vector<16xf32>,
          %add3A_2994 = arith.addf %get3A_2989, %get3A_2993 : vector<16xf32>
          %swap3A_2995 = arith.index_cast %rem3A_2370 : i32 to index
          %swap3A_2996 = arith.index_cast %scan3A_2554 : i32 to index
          %swap3A_2997 = arith.constant 528 : index
          %swap3A_2998 = tpu.vector_load %arg14[%swap3A_2995, %swap3A_2996, %swap3A_2997] {strides = array<i32>} : memref<2x16x768xf32, #tpu.memory_space<vmem>>, vector<16xf32>,
          tpu.vector_store %arg14[%swap3A_2995, %swap3A_2996, %swap3A_2997], %add3A_2994 {strides = array<i32>} : memref<2x16x768xf32, #tpu.memory_space<vmem>>, vector<16xf32>,
          %get3A_2999 = arith.index_cast %reduce_max3A_2580 : i32 to index
          %get3A_3000 = arith.constant 544 : index
          %get3A_3001 = tpu.vector_load %arg13[%get3A_2999, %get3A_3000] {strides = array<i32>} : memref<64x768xf32, #tpu.memory_space<vmem>>, vector<16xf32>,
          %get3A_3002 = arith.index_cast %rem3A_2396 : i32 to index
          %get3A_3003 = arith.index_cast %scan3A_2554 : i32 to index
          %get3A_3004 = arith.constant 544 : index
          %get3A_3005 = tpu.vector_load %arg15[%get3A_3002, %get3A_3003, %get3A_3004] {strides = array<i32>} : memref<2x16x768xf32, #tpu.memory_space<vmem>>, vector<16xf32>,
          %add3A_3006 = arith.addf %get3A_3001, %get3A_3005 : vector<16xf32>
          %swap3A_3007 = arith.index_cast %rem3A_2370 : i32 to index
          %swap3A_3008 = arith.index_cast %scan3A_2554 : i32 to index
          %swap3A_3009 = arith.constant 544 : index
          %swap3A_3010 = tpu.vector_load %arg14[%swap3A_3007, %swap3A_3008, %swap3A_3009] {strides = array<i32>} : memref<2x16x768xf32, #tpu.memory_space<vmem>>, vector<16xf32>,
          tpu.vector_store %arg14[%swap3A_3007, %swap3A_3008, %swap3A_3009], %add3A_3006 {strides = array<i32>} : memref<2x16x768xf32, #tpu.memory_space<vmem>>, vector<16xf32>,
          %get3A_3011 = arith.index_cast %reduce_max3A_2580 : i32 to index
          %get3A_3012 = arith.constant 560 : index
          %get3A_3013 = tpu.vector_load %arg13[%get3A_3011, %get3A_3012] {strides = array<i32>} : memref<64x768xf32, #tpu.memory_space<vmem>>, vector<16xf32>,
          %get3A_3014 = arith.index_cast %rem3A_2396 : i32 to index
          %get3A_3015 = arith.index_cast %scan3A_2554 : i32 to index
          %get3A_3016 = arith.constant 560 : index
          %get3A_3017 = tpu.vector_load %arg15[%get3A_3014, %get3A_3015, %get3A_3016] {strides = array<i32>} : memref<2x16x768xf32, #tpu.memory_space<vmem>>, vector<16xf32>,
          %add3A_3018 = arith.addf %get3A_3013, %get3A_3017 : vector<16xf32>
          %swap3A_3019 = arith.index_cast %rem3A_2370 : i32 to index
          %swap3A_3020 = arith.index_cast %scan3A_2554 : i32 to index
          %swap3A_3021 = arith.constant 560 : index
          %swap3A_3022 = tpu.vector_load %arg14[%swap3A_3019, %swap3A_3020, %swap3A_3021] {strides = array<i32>} : memref<2x16x768xf32, #tpu.memory_space<vmem>>, vector<16xf32>,
          tpu.vector_store %arg14[%swap3A_3019, %swap3A_3020, %swap3A_3021], %add3A_3018 {strides = array<i32>} : memref<2x16x768xf32, #tpu.memory_space<vmem>>, vector<16xf32>,
          %get3A_3023 = arith.index_cast %reduce_max3A_2580 : i32 to index
          %get3A_3024 = arith.constant 576 : index
          %get3A_3025 = tpu.vector_load %arg13[%get3A_3023, %get3A_3024] {strides = array<i32>} : memref<64x768xf32, #tpu.memory_space<vmem>>, vector<16xf32>,
          %get3A_3026 = arith.index_cast %rem3A_2396 : i32 to index
          %get3A_3027 = arith.index_cast %scan3A_2554 : i32 to index
          %get3A_3028 = arith.constant 576 : index
          %get3A_3029 = tpu.vector_load %arg15[%get3A_3026, %get3A_3027, %get3A_3028] {strides = array<i32>} : memref<2x16x768xf32, #tpu.memory_space<vmem>>, vector<16xf32>,
          %add3A_3030 = arith.addf %get3A_3025, %get3A_3029 : vector<16xf32>
          %swap3A_3031 = arith.index_cast %rem3A_2370 : i32 to index
          %swap3A_3032 = arith.index_cast %scan3A_2554 : i32 to index
          %swap3A_3033 = arith.constant 576 : index
          %swap3A_3034 = tpu.vector_load %arg14[%swap3A_3031, %swap3A_3032, %swap3A_3033] {strides = array<i32>} : memref<2x16x768xf32, #tpu.memory_space<vmem>>, vector<16xf32>,
          tpu.vector_store %arg14[%swap3A_3031, %swap3A_3032, %swap3A_3033], %add3A_3030 {strides = array<i32>} : memref<2x16x768xf32, #tpu.memory_space<vmem>>, vector<16xf32>,
          %get3A_3035 = arith.index_cast %reduce_max3A_2580 : i32 to index
          %get3A_3036 = arith.constant 592 : index
          %get3A_3037 = tpu.vector_load %arg13[%get3A_3035, %get3A_3036] {strides = array<i32>} : memref<64x768xf32, #tpu.memory_space<vmem>>, vector<16xf32>,
          %get3A_3038 = arith.index_cast %rem3A_2396 : i32 to index
          %get3A_3039 = arith.index_cast %scan3A_2554 : i32 to index
          %get3A_3040 = arith.constant 592 : index
          %get3A_3041 = tpu.vector_load %arg15[%get3A_3038, %get3A_3039, %get3A_3040] {strides = array<i32>} : memref<2x16x768xf32, #tpu.memory_space<vmem>>, vector<16xf32>,
          %add3A_3042 = arith.addf %get3A_3037, %get3A_3041 : vector<16xf32>
          %swap3A_3043 = arith.index_cast %rem3A_2370 : i32 to index
          %swap3A_3044 = arith.index_cast %scan3A_2554 : i32 to index
          %swap3A_3045 = arith.constant 592 : index
          %swap3A_3046 = tpu.vector_load %arg14[%swap3A_3043, %swap3A_3044, %swap3A_3045] {strides = array<i32>} : memref<2x16x768xf32, #tpu.memory_space<vmem>>, vector<16xf32>,
          tpu.vector_store %arg14[%swap3A_3043, %swap3A_3044, %swap3A_3045], %add3A_3042 {strides = array<i32>} : memref<2x16x768xf32, #tpu.memory_space<vmem>>, vector<16xf32>,
          %get3A_3047 = arith.index_cast %reduce_max3A_2580 : i32 to index
          %get3A_3048 = arith.constant 608 : index
          %get3A_3049 = tpu.vector_load %arg13[%get3A_3047, %get3A_3048] {strides = array<i32>} : memref<64x768xf32, #tpu.memory_space<vmem>>, vector<16xf32>,
          %get3A_3050 = arith.index_cast %rem3A_2396 : i32 to index
          %get3A_3051 = arith.index_cast %scan3A_2554 : i32 to index
          %get3A_3052 = arith.constant 608 : index
          %get3A_3053 = tpu.vector_load %arg15[%get3A_3050, %get3A_3051, %get3A_3052] {strides = array<i32>} : memref<2x16x768xf32, #tpu.memory_space<vmem>>, vector<16xf32>,
          %add3A_3054 = arith.addf %get3A_3049, %get3A_3053 : vector<16xf32>
          %swap3A_3055 = arith.index_cast %rem3A_2370 : i32 to index
          %swap3A_3056 = arith.index_cast %scan3A_2554 : i32 to index
          %swap3A_3057 = arith.constant 608 : index
          %swap3A_3058 = tpu.vector_load %arg14[%swap3A_3055, %swap3A_3056, %swap3A_3057] {strides = array<i32>} : memref<2x16x768xf32, #tpu.memory_space<vmem>>, vector<16xf32>,
          tpu.vector_store %arg14[%swap3A_3055, %swap3A_3056, %swap3A_3057], %add3A_3054 {strides = array<i32>} : memref<2x16x768xf32, #tpu.memory_space<vmem>>, vector<16xf32>,
          %get3A_3059 = arith.index_cast %reduce_max3A_2580 : i32 to index
          %get3A_3060 = arith.constant 624 : index
          %get3A_3061 = tpu.vector_load %arg13[%get3A_3059, %get3A_3060] {strides = array<i32>} : memref<64x768xf32, #tpu.memory_space<vmem>>, vector<16xf32>,
          %get3A_3062 = arith.index_cast %rem3A_2396 : i32 to index
          %get3A_3063 = arith.index_cast %scan3A_2554 : i32 to index
          %get3A_3064 = arith.constant 624 : index
          %get3A_3065 = tpu.vector_load %arg15[%get3A_3062, %get3A_3063, %get3A_3064] {strides = array<i32>} : memref<2x16x768xf32, #tpu.memory_space<vmem>>, vector<16xf32>,
          %add3A_3066 = arith.addf %get3A_3061, %get3A_3065 : vector<16xf32>
          %swap3A_3067 = arith.index_cast %rem3A_2370 : i32 to index
          %swap3A_3068 = arith.index_cast %scan3A_2554 : i32 to index
          %swap3A_3069 = arith.constant 624 : index
          %swap3A_3070 = tpu.vector_load %arg14[%swap3A_3067, %swap3A_3068, %swap3A_3069] {strides = array<i32>} : memref<2x16x768xf32, #tpu.memory_space<vmem>>, vector<16xf32>,
          tpu.vector_store %arg14[%swap3A_3067, %swap3A_3068, %swap3A_3069], %add3A_3066 {strides = array<i32>} : memref<2x16x768xf32, #tpu.memory_space<vmem>>, vector<16xf32>,
          %get3A_3071 = arith.index_cast %reduce_max3A_2580 : i32 to index
          %get3A_3072 = arith.constant 640 : index
          %get3A_3073 = tpu.vector_load %arg13[%get3A_3071, %get3A_3072] {strides = array<i32>} : memref<64x768xf32, #tpu.memory_space<vmem>>, vector<16xf32>,
          %get3A_3074 = arith.index_cast %rem3A_2396 : i32 to index
          %get3A_3075 = arith.index_cast %scan3A_2554 : i32 to index
          %get3A_3076 = arith.constant 640 : index
          %get3A_3077 = tpu.vector_load %arg15[%get3A_3074, %get3A_3075, %get3A_3076] {strides = array<i32>} : memref<2x16x768xf32, #tpu.memory_space<vmem>>, vector<16xf32>,
          %add3A_3078 = arith.addf %get3A_3073, %get3A_3077 : vector<16xf32>
          %swap3A_3079 = arith.index_cast %rem3A_2370 : i32 to index
          %swap3A_3080 = arith.index_cast %scan3A_2554 : i32 to index
          %swap3A_3081 = arith.constant 640 : index
          %swap3A_3082 = tpu.vector_load %arg14[%swap3A_3079, %swap3A_3080, %swap3A_3081] {strides = array<i32>} : memref<2x16x768xf32, #tpu.memory_space<vmem>>, vector<16xf32>,
          tpu.vector_store %arg14[%swap3A_3079, %swap3A_3080, %swap3A_3081], %add3A_3078 {strides = array<i32>} : memref<2x16x768xf32, #tpu.memory_space<vmem>>, vector<16xf32>,
          %get3A_3083 = arith.index_cast %reduce_max3A_2580 : i32 to index
          %get3A_3084 = arith.constant 656 : index
          %get3A_3085 = tpu.vector_load %arg13[%get3A_3083, %get3A_3084] {strides = array<i32>} : memref<64x768xf32, #tpu.memory_space<vmem>>, vector<16xf32>,
          %get3A_3086 = arith.index_cast %rem3A_2396 : i32 to index
          %get3A_3087 = arith.index_cast %scan3A_2554 : i32 to index
          %get3A_3088 = arith.constant 656 : index
          %get3A_3089 = tpu.vector_load %arg15[%get3A_3086, %get3A_3087, %get3A_3088] {strides = array<i32>} : memref<2x16x768xf32, #tpu.memory_space<vmem>>, vector<16xf32>,
          %add3A_3090 = arith.addf %get3A_3085, %get3A_3089 : vector<16xf32>
          %swap3A_3091 = arith.index_cast %rem3A_2370 : i32 to index
          %swap3A_3092 = arith.index_cast %scan3A_2554 : i32 to index
          %swap3A_3093 = arith.constant 656 : index
          %swap3A_3094 = tpu.vector_load %arg14[%swap3A_3091, %swap3A_3092, %swap3A_3093] {strides = array<i32>} : memref<2x16x768xf32, #tpu.memory_space<vmem>>, vector<16xf32>,
          tpu.vector_store %arg14[%swap3A_3091, %swap3A_3092, %swap3A_3093], %add3A_3090 {strides = array<i32>} : memref<2x16x768xf32, #tpu.memory_space<vmem>>, vector<16xf32>,
          %get3A_3095 = arith.index_cast %reduce_max3A_2580 : i32 to index
          %get3A_3096 = arith.constant 672 : index
          %get3A_3097 = tpu.vector_load %arg13[%get3A_3095, %get3A_3096] {strides = array<i32>} : memref<64x768xf32, #tpu.memory_space<vmem>>, vector<16xf32>,
          %get3A_3098 = arith.index_cast %rem3A_2396 : i32 to index
          %get3A_3099 = arith.index_cast %scan3A_2554 : i32 to index
          %get3A_3100 = arith.constant 672 : index
          %get3A_3101 = tpu.vector_load %arg15[%get3A_3098, %get3A_3099, %get3A_3100] {strides = array<i32>} : memref<2x16x768xf32, #tpu.memory_space<vmem>>, vector<16xf32>,
          %add3A_3102 = arith.addf %get3A_3097, %get3A_3101 : vector<16xf32>
          %swap3A_3103 = arith.index_cast %rem3A_2370 : i32 to index
          %swap3A_3104 = arith.index_cast %scan3A_2554 : i32 to index
          %swap3A_3105 = arith.constant 672 : index
          %swap3A_3106 = tpu.vector_load %arg14[%swap3A_3103, %swap3A_3104, %swap3A_3105] {strides = array<i32>} : memref<2x16x768xf32, #tpu.memory_space<vmem>>, vector<16xf32>,
          tpu.vector_store %arg14[%swap3A_3103, %swap3A_3104, %swap3A_3105], %add3A_3102 {strides = array<i32>} : memref<2x16x768xf32, #tpu.memory_space<vmem>>, vector<16xf32>,
          %get3A_3107 = arith.index_cast %reduce_max3A_2580 : i32 to index
          %get3A_3108 = arith.constant 688 : index
          %get3A_3109 = tpu.vector_load %arg13[%get3A_3107, %get3A_3108] {strides = array<i32>} : memref<64x768xf32, #tpu.memory_space<vmem>>, vector<16xf32>,
          %get3A_3110 = arith.index_cast %rem3A_2396 : i32 to index
          %get3A_3111 = arith.index_cast %scan3A_2554 : i32 to index
          %get3A_3112 = arith.constant 688 : index
          %get3A_3113 = tpu.vector_load %arg15[%get3A_3110, %get3A_3111, %get3A_3112] {strides = array<i32>} : memref<2x16x768xf32, #tpu.memory_space<vmem>>, vector<16xf32>,
          %add3A_3114 = arith.addf %get3A_3109, %get3A_3113 : vector<16xf32>
          %swap3A_3115 = arith.index_cast %rem3A_2370 : i32 to index
          %swap3A_3116 = arith.index_cast %scan3A_2554 : i32 to index
          %swap3A_3117 = arith.constant 688 : index
          %swap3A_3118 = tpu.vector_load %arg14[%swap3A_3115, %swap3A_3116, %swap3A_3117] {strides = array<i32>} : memref<2x16x768xf32, #tpu.memory_space<vmem>>, vector<16xf32>,
          tpu.vector_store %arg14[%swap3A_3115, %swap3A_3116, %swap3A_3117], %add3A_3114 {strides = array<i32>} : memref<2x16x768xf32, #tpu.memory_space<vmem>>, vector<16xf32>,
          %get3A_3119 = arith.index_cast %reduce_max3A_2580 : i32 to index
          %get3A_3120 = arith.constant 704 : index
          %get3A_3121 = tpu.vector_load %arg13[%get3A_3119, %get3A_3120] {strides = array<i32>} : memref<64x768xf32, #tpu.memory_space<vmem>>, vector<16xf32>,
          %get3A_3122 = arith.index_cast %rem3A_2396 : i32 to index
          %get3A_3123 = arith.index_cast %scan3A_2554 : i32 to index
          %get3A_3124 = arith.constant 704 : index
          %get3A_3125 = tpu.vector_load %arg15[%get3A_3122, %get3A_3123, %get3A_3124] {strides = array<i32>} : memref<2x16x768xf32, #tpu.memory_space<vmem>>, vector<16xf32>,
          %add3A_3126 = arith.addf %get3A_3121, %get3A_3125 : vector<16xf32>
          %swap3A_3127 = arith.index_cast %rem3A_2370 : i32 to index
          %swap3A_3128 = arith.index_cast %scan3A_2554 : i32 to index
          %swap3A_3129 = arith.constant 704 : index
          %swap3A_3130 = tpu.vector_load %arg14[%swap3A_3127, %swap3A_3128, %swap3A_3129] {strides = array<i32>} : memref<2x16x768xf32, #tpu.memory_space<vmem>>, vector<16xf32>,
          tpu.vector_store %arg14[%swap3A_3127, %swap3A_3128, %swap3A_3129], %add3A_3126 {strides = array<i32>} : memref<2x16x768xf32, #tpu.memory_space<vmem>>, vector<16xf32>,
          %get3A_3131 = arith.index_cast %reduce_max3A_2580 : i32 to index
          %get3A_3132 = arith.constant 720 : index
          %get3A_3133 = tpu.vector_load %arg13[%get3A_3131, %get3A_3132] {strides = array<i32>} : memref<64x768xf32, #tpu.memory_space<vmem>>, vector<16xf32>,
          %get3A_3134 = arith.index_cast %rem3A_2396 : i32 to index
          %get3A_3135 = arith.index_cast %scan3A_2554 : i32 to index
          %get3A_3136 = arith.constant 720 : index
          %get3A_3137 = tpu.vector_load %arg15[%get3A_3134, %get3A_3135, %get3A_3136] {strides = array<i32>} : memref<2x16x768xf32, #tpu.memory_space<vmem>>, vector<16xf32>,
          %add3A_3138 = arith.addf %get3A_3133, %get3A_3137 : vector<16xf32>
          %swap3A_3139 = arith.index_cast %rem3A_2370 : i32 to index
          %swap3A_3140 = arith.index_cast %scan3A_2554 : i32 to index
          %swap3A_3141 = arith.constant 720 : index
          %swap3A_3142 = tpu.vector_load %arg14[%swap3A_3139, %swap3A_3140, %swap3A_3141] {strides = array<i32>} : memref<2x16x768xf32, #tpu.memory_space<vmem>>, vector<16xf32>,
          tpu.vector_store %arg14[%swap3A_3139, %swap3A_3140, %swap3A_3141], %add3A_3138 {strides = array<i32>} : memref<2x16x768xf32, #tpu.memory_space<vmem>>, vector<16xf32>,
          %get3A_3143 = arith.index_cast %reduce_max3A_2580 : i32 to index
          %get3A_3144 = arith.constant 736 : index
          %get3A_3145 = tpu.vector_load %arg13[%get3A_3143, %get3A_3144] {strides = array<i32>} : memref<64x768xf32, #tpu.memory_space<vmem>>, vector<16xf32>,
          %get3A_3146 = arith.index_cast %rem3A_2396 : i32 to index
          %get3A_3147 = arith.index_cast %scan3A_2554 : i32 to index
          %get3A_3148 = arith.constant 736 : index
          %get3A_3149 = tpu.vector_load %arg15[%get3A_3146, %get3A_3147, %get3A_3148] {strides = array<i32>} : memref<2x16x768xf32, #tpu.memory_space<vmem>>, vector<16xf32>,
          %add3A_3150 = arith.addf %get3A_3145, %get3A_3149 : vector<16xf32>
          %swap3A_3151 = arith.index_cast %rem3A_2370 : i32 to index
          %swap3A_3152 = arith.index_cast %scan3A_2554 : i32 to index
          %swap3A_3153 = arith.constant 736 : index
          %swap3A_3154 = tpu.vector_load %arg14[%swap3A_3151, %swap3A_3152, %swap3A_3153] {strides = array<i32>} : memref<2x16x768xf32, #tpu.memory_space<vmem>>, vector<16xf32>,
          tpu.vector_store %arg14[%swap3A_3151, %swap3A_3152, %swap3A_3153], %add3A_3150 {strides = array<i32>} : memref<2x16x768xf32, #tpu.memory_space<vmem>>, vector<16xf32>,
          %get3A_3155 = arith.index_cast %reduce_max3A_2580 : i32 to index
          %get3A_3156 = arith.constant 752 : index
          %get3A_3157 = tpu.vector_load %arg13[%get3A_3155, %get3A_3156] {strides = array<i32>} : memref<64x768xf32, #tpu.memory_space<vmem>>, vector<16xf32>,
          %get3A_3158 = arith.index_cast %rem3A_2396 : i32 to index
          %get3A_3159 = arith.index_cast %scan3A_2554 : i32 to index
          %get3A_3160 = arith.constant 752 : index
          %get3A_3161 = tpu.vector_load %arg15[%get3A_3158, %get3A_3159, %get3A_3160] {strides = array<i32>} : memref<2x16x768xf32, #tpu.memory_space<vmem>>, vector<16xf32>,
          %add3A_3162 = arith.addf %get3A_3157, %get3A_3161 : vector<16xf32>
          %swap3A_3163 = arith.index_cast %rem3A_2370 : i32 to index
          %swap3A_3164 = arith.index_cast %scan3A_2554 : i32 to index
          %swap3A_3165 = arith.constant 752 : index
          %swap3A_3166 = tpu.vector_load %arg14[%swap3A_3163, %swap3A_3164, %swap3A_3165] {strides = array<i32>} : memref<2x16x768xf32, #tpu.memory_space<vmem>>, vector<16xf32>,
          tpu.vector_store %arg14[%swap3A_3163, %swap3A_3164, %swap3A_3165], %add3A_3162 {strides = array<i32>} : memref<2x16x768xf32, #tpu.memory_space<vmem>>, vector<16xf32>,
        } else {
        }
        %eq3A_2586 = arith.constant 0 : i32
        %eq3A_2587 = arith.cmpi eq, %reduce_max3A_2571, %eq3A_2586 : i32
        %convert_element_type3A_2588 = arith.extui %eq3A_2587 : i1 to i32
        %cond3A_2589 = arith.constant 0 : i32
        %cond3A_2590 = arith.cmpi ne, %convert_element_type3A_2588, %cond3A_2589 : i32
        scf.if %cond3A_2590 {
          %get3A_2591 = arith.index_cast %rem3A_2396 : i32 to index
          %get3A_2592 = arith.index_cast %scan3A_2554 : i32 to index
          %get3A_2593 = arith.constant 0 : index
          %get3A_2594 = tpu.vector_load %arg15[%get3A_2591, %get3A_2592, %get3A_2593] {strides = array<i32>} : memref<2x16x768xf32, #tpu.memory_space<vmem>>, vector<16xf32>,
          %add3A_2595 = arith.addf %get3A_2104, %get3A_2594 : vector<16xf32>
          %swap3A_2596 = arith.index_cast %rem3A_2370 : i32 to index
          %swap3A_2597 = arith.index_cast %scan3A_2554 : i32 to index
          %swap3A_2598 = arith.constant 0 : index
          %swap3A_2599 = tpu.vector_load %arg14[%swap3A_2596, %swap3A_2597, %swap3A_2598] {strides = array<i32>} : memref<2x16x768xf32, #tpu.memory_space<vmem>>, vector<16xf32>,
          tpu.vector_store %arg14[%swap3A_2596, %swap3A_2597, %swap3A_2598], %add3A_2595 {strides = array<i32>} : memref<2x16x768xf32, #tpu.memory_space<vmem>>, vector<16xf32>,
          %get3A_2600 = arith.index_cast %rem3A_2396 : i32 to index
          %get3A_2601 = arith.index_cast %scan3A_2554 : i32 to index
          %get3A_2602 = arith.constant 16 : index
          %get3A_2603 = tpu.vector_load %arg15[%get3A_2600, %get3A_2601, %get3A_2602] {strides = array<i32>} : memref<2x16x768xf32, #tpu.memory_space<vmem>>, vector<16xf32>,
          %add3A_2604 = arith.addf %get3A_2108, %get3A_2603 : vector<16xf32>
          %swap3A_2605 = arith.index_cast %rem3A_2370 : i32 to index
          %swap3A_2606 = arith.index_cast %scan3A_2554 : i32 to index
          %swap3A_2607 = arith.constant 16 : index
          %swap3A_2608 = tpu.vector_load %arg14[%swap3A_2605, %swap3A_2606, %swap3A_2607] {strides = array<i32>} : memref<2x16x768xf32, #tpu.memory_space<vmem>>, vector<16xf32>,
          tpu.vector_store %arg14[%swap3A_2605, %swap3A_2606, %swap3A_2607], %add3A_2604 {strides = array<i32>} : memref<2x16x768xf32, #tpu.memory_space<vmem>>, vector<16xf32>,
          %get3A_2609 = arith.index_cast %rem3A_2396 : i32 to index
          %get3A_2610 = arith.index_cast %scan3A_2554 : i32 to index
          %get3A_2611 = arith.constant 32 : index
          %get3A_2612 = tpu.vector_load %arg15[%get3A_2609, %get3A_2610, %get3A_2611] {strides = array<i32>} : memref<2x16x768xf32, #tpu.memory_space<vmem>>, vector<16xf32>,
          %add3A_2613 = arith.addf %get3A_2112, %get3A_2612 : vector<16xf32>
          %swap3A_2614 = arith.index_cast %rem3A_2370 : i32 to index
          %swap3A_2615 = arith.index_cast %scan3A_2554 : i32 to index
          %swap3A_2616 = arith.constant 32 : index
          %swap3A_2617 = tpu.vector_load %arg14[%swap3A_2614, %swap3A_2615, %swap3A_2616] {strides = array<i32>} : memref<2x16x768xf32, #tpu.memory_space<vmem>>, vector<16xf32>,
          tpu.vector_store %arg14[%swap3A_2614, %swap3A_2615, %swap3A_2616], %add3A_2613 {strides = array<i32>} : memref<2x16x768xf32, #tpu.memory_space<vmem>>, vector<16xf32>,
          %get3A_2618 = arith.index_cast %rem3A_2396 : i32 to index
          %get3A_2619 = arith.index_cast %scan3A_2554 : i32 to index
          %get3A_2620 = arith.constant 48 : index
          %get3A_2621 = tpu.vector_load %arg15[%get3A_2618, %get3A_2619, %get3A_2620] {strides = array<i32>} : memref<2x16x768xf32, #tpu.memory_space<vmem>>, vector<16xf32>,
          %add3A_2622 = arith.addf %get3A_2116, %get3A_2621 : vector<16xf32>
          %swap3A_2623 = arith.index_cast %rem3A_2370 : i32 to index
          %swap3A_2624 = arith.index_cast %scan3A_2554 : i32 to index
          %swap3A_2625 = arith.constant 48 : index
          %swap3A_2626 = tpu.vector_load %arg14[%swap3A_2623, %swap3A_2624, %swap3A_2625] {strides = array<i32>} : memref<2x16x768xf32, #tpu.memory_space<vmem>>, vector<16xf32>,
          tpu.vector_store %arg14[%swap3A_2623, %swap3A_2624, %swap3A_2625], %add3A_2622 {strides = array<i32>} : memref<2x16x768xf32, #tpu.memory_space<vmem>>, vector<16xf32>,
          %get3A_2627 = arith.index_cast %rem3A_2396 : i32 to index
          %get3A_2628 = arith.index_cast %scan3A_2554 : i32 to index
          %get3A_2629 = arith.constant 64 : index
          %get3A_2630 = tpu.vector_load %arg15[%get3A_2627, %get3A_2628, %get3A_2629] {strides = array<i32>} : memref<2x16x768xf32, #tpu.memory_space<vmem>>, vector<16xf32>,
          %add3A_2631 = arith.addf %get3A_2120, %get3A_2630 : vector<16xf32>
          %swap3A_2632 = arith.index_cast %rem3A_2370 : i32 to index
          %swap3A_2633 = arith.index_cast %scan3A_2554 : i32 to index
          %swap3A_2634 = arith.constant 64 : index
          %swap3A_2635 = tpu.vector_load %arg14[%swap3A_2632, %swap3A_2633, %swap3A_2634] {strides = array<i32>} : memref<2x16x768xf32, #tpu.memory_space<vmem>>, vector<16xf32>,
          tpu.vector_store %arg14[%swap3A_2632, %swap3A_2633, %swap3A_2634], %add3A_2631 {strides = array<i32>} : memref<2x16x768xf32, #tpu.memory_space<vmem>>, vector<16xf32>,
          %get3A_2636 = arith.index_cast %rem3A_2396 : i32 to index
          %get3A_2637 = arith.index_cast %scan3A_2554 : i32 to index
          %get3A_2638 = arith.constant 80 : index
          %get3A_2639 = tpu.vector_load %arg15[%get3A_2636, %get3A_2637, %get3A_2638] {strides = array<i32>} : memref<2x16x768xf32, #tpu.memory_space<vmem>>, vector<16xf32>,
          %add3A_2640 = arith.addf %get3A_2124, %get3A_2639 : vector<16xf32>
          %swap3A_2641 = arith.index_cast %rem3A_2370 : i32 to index
          %swap3A_2642 = arith.index_cast %scan3A_2554 : i32 to index
          %swap3A_2643 = arith.constant 80 : index
          %swap3A_2644 = tpu.vector_load %arg14[%swap3A_2641, %swap3A_2642, %swap3A_2643] {strides = array<i32>} : memref<2x16x768xf32, #tpu.memory_space<vmem>>, vector<16xf32>,
          tpu.vector_store %arg14[%swap3A_2641, %swap3A_2642, %swap3A_2643], %add3A_2640 {strides = array<i32>} : memref<2x16x768xf32, #tpu.memory_space<vmem>>, vector<16xf32>,
          %get3A_2645 = arith.index_cast %rem3A_2396 : i32 to index
          %get3A_2646 = arith.index_cast %scan3A_2554 : i32 to index
          %get3A_2647 = arith.constant 96 : index
          %get3A_2648 = tpu.vector_load %arg15[%get3A_2645, %get3A_2646, %get3A_2647] {strides = array<i32>} : memref<2x16x768xf32, #tpu.memory_space<vmem>>, vector<16xf32>,
          %add3A_2649 = arith.addf %get3A_2128, %get3A_2648 : vector<16xf32>
          %swap3A_2650 = arith.index_cast %rem3A_2370 : i32 to index
          %swap3A_2651 = arith.index_cast %scan3A_2554 : i32 to index
          %swap3A_2652 = arith.constant 96 : index
          %swap3A_2653 = tpu.vector_load %arg14[%swap3A_2650, %swap3A_2651, %swap3A_2652] {strides = array<i32>} : memref<2x16x768xf32, #tpu.memory_space<vmem>>, vector<16xf32>,
          tpu.vector_store %arg14[%swap3A_2650, %swap3A_2651, %swap3A_2652], %add3A_2649 {strides = array<i32>} : memref<2x16x768xf32, #tpu.memory_space<vmem>>, vector<16xf32>,
          %get3A_2654 = arith.index_cast %rem3A_2396 : i32 to index
          %get3A_2655 = arith.index_cast %scan3A_2554 : i32 to index
          %get3A_2656 = arith.constant 112 : index
          %get3A_2657 = tpu.vector_load %arg15[%get3A_2654, %get3A_2655, %get3A_2656] {strides = array<i32>} : memref<2x16x768xf32, #tpu.memory_space<vmem>>, vector<16xf32>,
          %add3A_2658 = arith.addf %get3A_2132, %get3A_2657 : vector<16xf32>
          %swap3A_2659 = arith.index_cast %rem3A_2370 : i32 to index
          %swap3A_2660 = arith.index_cast %scan3A_2554 : i32 to index
          %swap3A_2661 = arith.constant 112 : index
          %swap3A_2662 = tpu.vector_load %arg14[%swap3A_2659, %swap3A_2660, %swap3A_2661] {strides = array<i32>} : memref<2x16x768xf32, #tpu.memory_space<vmem>>, vector<16xf32>,
          tpu.vector_store %arg14[%swap3A_2659, %swap3A_2660, %swap3A_2661], %add3A_2658 {strides = array<i32>} : memref<2x16x768xf32, #tpu.memory_space<vmem>>, vector<16xf32>,
          %get3A_2663 = arith.index_cast %rem3A_2396 : i32 to index
          %get3A_2664 = arith.index_cast %scan3A_2554 : i32 to index
          %get3A_2665 = arith.constant 128 : index
          %get3A_2666 = tpu.vector_load %arg15[%get3A_2663, %get3A_2664, %get3A_2665] {strides = array<i32>} : memref<2x16x768xf32, #tpu.memory_space<vmem>>, vector<16xf32>,
          %add3A_2667 = arith.addf %get3A_2136, %get3A_2666 : vector<16xf32>
          %swap3A_2668 = arith.index_cast %rem3A_2370 : i32 to index
          %swap3A_2669 = arith.index_cast %scan3A_2554 : i32 to index
          %swap3A_2670 = arith.constant 128 : index
          %swap3A_2671 = tpu.vector_load %arg14[%swap3A_2668, %swap3A_2669, %swap3A_2670] {strides = array<i32>} : memref<2x16x768xf32, #tpu.memory_space<vmem>>, vector<16xf32>,
          tpu.vector_store %arg14[%swap3A_2668, %swap3A_2669, %swap3A_2670], %add3A_2667 {strides = array<i32>} : memref<2x16x768xf32, #tpu.memory_space<vmem>>, vector<16xf32>,
          %get3A_2672 = arith.index_cast %rem3A_2396 : i32 to index
          %get3A_2673 = arith.index_cast %scan3A_2554 : i32 to index
          %get3A_2674 = arith.constant 144 : index
          %get3A_2675 = tpu.vector_load %arg15[%get3A_2672, %get3A_2673, %get3A_2674] {strides = array<i32>} : memref<2x16x768xf32, #tpu.memory_space<vmem>>, vector<16xf32>,
          %add3A_2676 = arith.addf %get3A_2140, %get3A_2675 : vector<16xf32>
          %swap3A_2677 = arith.index_cast %rem3A_2370 : i32 to index
          %swap3A_2678 = arith.index_cast %scan3A_2554 : i32 to index
          %swap3A_2679 = arith.constant 144 : index
          %swap3A_2680 = tpu.vector_load %arg14[%swap3A_2677, %swap3A_2678, %swap3A_2679] {strides = array<i32>} : memref<2x16x768xf32, #tpu.memory_space<vmem>>, vector<16xf32>,
          tpu.vector_store %arg14[%swap3A_2677, %swap3A_2678, %swap3A_2679], %add3A_2676 {strides = array<i32>} : memref<2x16x768xf32, #tpu.memory_space<vmem>>, vector<16xf32>,
          %get3A_2681 = arith.index_cast %rem3A_2396 : i32 to index
          %get3A_2682 = arith.index_cast %scan3A_2554 : i32 to index
          %get3A_2683 = arith.constant 160 : index
          %get3A_2684 = tpu.vector_load %arg15[%get3A_2681, %get3A_2682, %get3A_2683] {strides = array<i32>} : memref<2x16x768xf32, #tpu.memory_space<vmem>>, vector<16xf32>,
          %add3A_2685 = arith.addf %get3A_2144, %get3A_2684 : vector<16xf32>
          %swap3A_2686 = arith.index_cast %rem3A_2370 : i32 to index
          %swap3A_2687 = arith.index_cast %scan3A_2554 : i32 to index
          %swap3A_2688 = arith.constant 160 : index
          %swap3A_2689 = tpu.vector_load %arg14[%swap3A_2686, %swap3A_2687, %swap3A_2688] {strides = array<i32>} : memref<2x16x768xf32, #tpu.memory_space<vmem>>, vector<16xf32>,
          tpu.vector_store %arg14[%swap3A_2686, %swap3A_2687, %swap3A_2688], %add3A_2685 {strides = array<i32>} : memref<2x16x768xf32, #tpu.memory_space<vmem>>, vector<16xf32>,
          %get3A_2690 = arith.index_cast %rem3A_2396 : i32 to index
          %get3A_2691 = arith.index_cast %scan3A_2554 : i32 to index
          %get3A_2692 = arith.constant 176 : index
          %get3A_2693 = tpu.vector_load %arg15[%get3A_2690, %get3A_2691, %get3A_2692] {strides = array<i32>} : memref<2x16x768xf32, #tpu.memory_space<vmem>>, vector<16xf32>,
          %add3A_2694 = arith.addf %get3A_2148, %get3A_2693 : vector<16xf32>
          %swap3A_2695 = arith.index_cast %rem3A_2370 : i32 to index
          %swap3A_2696 = arith.index_cast %scan3A_2554 : i32 to index
          %swap3A_2697 = arith.constant 176 : index
          %swap3A_2698 = tpu.vector_load %arg14[%swap3A_2695, %swap3A_2696, %swap3A_2697] {strides = array<i32>} : memref<2x16x768xf32, #tpu.memory_space<vmem>>, vector<16xf32>,
          tpu.vector_store %arg14[%swap3A_2695, %swap3A_2696, %swap3A_2697], %add3A_2694 {strides = array<i32>} : memref<2x16x768xf32, #tpu.memory_space<vmem>>, vector<16xf32>,
          %get3A_2699 = arith.index_cast %rem3A_2396 : i32 to index
          %get3A_2700 = arith.index_cast %scan3A_2554 : i32 to index
          %get3A_2701 = arith.constant 192 : index
          %get3A_2702 = tpu.vector_load %arg15[%get3A_2699, %get3A_2700, %get3A_2701] {strides = array<i32>} : memref<2x16x768xf32, #tpu.memory_space<vmem>>, vector<16xf32>,
          %add3A_2703 = arith.addf %get3A_2152, %get3A_2702 : vector<16xf32>
          %swap3A_2704 = arith.index_cast %rem3A_2370 : i32 to index
          %swap3A_2705 = arith.index_cast %scan3A_2554 : i32 to index
          %swap3A_2706 = arith.constant 192 : index
          %swap3A_2707 = tpu.vector_load %arg14[%swap3A_2704, %swap3A_2705, %swap3A_2706] {strides = array<i32>} : memref<2x16x768xf32, #tpu.memory_space<vmem>>, vector<16xf32>,
          tpu.vector_store %arg14[%swap3A_2704, %swap3A_2705, %swap3A_2706], %add3A_2703 {strides = array<i32>} : memref<2x16x768xf32, #tpu.memory_space<vmem>>, vector<16xf32>,
          %get3A_2708 = arith.index_cast %rem3A_2396 : i32 to index
          %get3A_2709 = arith.index_cast %scan3A_2554 : i32 to index
          %get3A_2710 = arith.constant 208 : index
          %get3A_2711 = tpu.vector_load %arg15[%get3A_2708, %get3A_2709, %get3A_2710] {strides = array<i32>} : memref<2x16x768xf32, #tpu.memory_space<vmem>>, vector<16xf32>,
          %add3A_2712 = arith.addf %get3A_2156, %get3A_2711 : vector<16xf32>
          %swap3A_2713 = arith.index_cast %rem3A_2370 : i32 to index
          %swap3A_2714 = arith.index_cast %scan3A_2554 : i32 to index
          %swap3A_2715 = arith.constant 208 : index
          %swap3A_2716 = tpu.vector_load %arg14[%swap3A_2713, %swap3A_2714, %swap3A_2715] {strides = array<i32>} : memref<2x16x768xf32, #tpu.memory_space<vmem>>, vector<16xf32>,
          tpu.vector_store %arg14[%swap3A_2713, %swap3A_2714, %swap3A_2715], %add3A_2712 {strides = array<i32>} : memref<2x16x768xf32, #tpu.memory_space<vmem>>, vector<16xf32>,
          %get3A_2717 = arith.index_cast %rem3A_2396 : i32 to index
          %get3A_2718 = arith.index_cast %scan3A_2554 : i32 to index
          %get3A_2719 = arith.constant 224 : index
          %get3A_2720 = tpu.vector_load %arg15[%get3A_2717, %get3A_2718, %get3A_2719] {strides = array<i32>} : memref<2x16x768xf32, #tpu.memory_space<vmem>>, vector<16xf32>,
          %add3A_2721 = arith.addf %get3A_2160, %get3A_2720 : vector<16xf32>
          %swap3A_2722 = arith.index_cast %rem3A_2370 : i32 to index
          %swap3A_2723 = arith.index_cast %scan3A_2554 : i32 to index
          %swap3A_2724 = arith.constant 224 : index
          %swap3A_2725 = tpu.vector_load %arg14[%swap3A_2722, %swap3A_2723, %swap3A_2724] {strides = array<i32>} : memref<2x16x768xf32, #tpu.memory_space<vmem>>, vector<16xf32>,
          tpu.vector_store %arg14[%swap3A_2722, %swap3A_2723, %swap3A_2724], %add3A_2721 {strides = array<i32>} : memref<2x16x768xf32, #tpu.memory_space<vmem>>, vector<16xf32>,
          %get3A_2726 = arith.index_cast %rem3A_2396 : i32 to index
          %get3A_2727 = arith.index_cast %scan3A_2554 : i32 to index
          %get3A_2728 = arith.constant 240 : index
          %get3A_2729 = tpu.vector_load %arg15[%get3A_2726, %get3A_2727, %get3A_2728] {strides = array<i32>} : memref<2x16x768xf32, #tpu.memory_space<vmem>>, vector<16xf32>,
          %add3A_2730 = arith.addf %get3A_2164, %get3A_2729 : vector<16xf32>
          %swap3A_2731 = arith.index_cast %rem3A_2370 : i32 to index
          %swap3A_2732 = arith.index_cast %scan3A_2554 : i32 to index
          %swap3A_2733 = arith.constant 240 : index
          %swap3A_2734 = tpu.vector_load %arg14[%swap3A_2731, %swap3A_2732, %swap3A_2733] {strides = array<i32>} : memref<2x16x768xf32, #tpu.memory_space<vmem>>, vector<16xf32>,
          tpu.vector_store %arg14[%swap3A_2731, %swap3A_2732, %swap3A_2733], %add3A_2730 {strides = array<i32>} : memref<2x16x768xf32, #tpu.memory_space<vmem>>, vector<16xf32>,
          %get3A_2735 = arith.index_cast %rem3A_2396 : i32 to index
          %get3A_2736 = arith.index_cast %scan3A_2554 : i32 to index
          %get3A_2737 = arith.constant 256 : index
          %get3A_2738 = tpu.vector_load %arg15[%get3A_2735, %get3A_2736, %get3A_2737] {strides = array<i32>} : memref<2x16x768xf32, #tpu.memory_space<vmem>>, vector<16xf32>,
          %add3A_2739 = arith.addf %get3A_2168, %get3A_2738 : vector<16xf32>
          %swap3A_2740 = arith.index_cast %rem3A_2370 : i32 to index
          %swap3A_2741 = arith.index_cast %scan3A_2554 : i32 to index
          %swap3A_2742 = arith.constant 256 : index
          %swap3A_2743 = tpu.vector_load %arg14[%swap3A_2740, %swap3A_2741, %swap3A_2742] {strides = array<i32>} : memref<2x16x768xf32, #tpu.memory_space<vmem>>, vector<16xf32>,
          tpu.vector_store %arg14[%swap3A_2740, %swap3A_2741, %swap3A_2742], %add3A_2739 {strides = array<i32>} : memref<2x16x768xf32, #tpu.memory_space<vmem>>, vector<16xf32>,
          %get3A_2744 = arith.index_cast %rem3A_2396 : i32 to index
          %get3A_2745 = arith.index_cast %scan3A_2554 : i32 to index
          %get3A_2746 = arith.constant 272 : index
          %get3A_2747 = tpu.vector_load %arg15[%get3A_2744, %get3A_2745, %get3A_2746] {strides = array<i32>} : memref<2x16x768xf32, #tpu.memory_space<vmem>>, vector<16xf32>,
          %add3A_2748 = arith.addf %get3A_2172, %get3A_2747 : vector<16xf32>
          %swap3A_2749 = arith.index_cast %rem3A_2370 : i32 to index
          %swap3A_2750 = arith.index_cast %scan3A_2554 : i32 to index
          %swap3A_2751 = arith.constant 272 : index
          %swap3A_2752 = tpu.vector_load %arg14[%swap3A_2749, %swap3A_2750, %swap3A_2751] {strides = array<i32>} : memref<2x16x768xf32, #tpu.memory_space<vmem>>, vector<16xf32>,
          tpu.vector_store %arg14[%swap3A_2749, %swap3A_2750, %swap3A_2751], %add3A_2748 {strides = array<i32>} : memref<2x16x768xf32, #tpu.memory_space<vmem>>, vector<16xf32>,
          %get3A_2753 = arith.index_cast %rem3A_2396 : i32 to index
          %get3A_2754 = arith.index_cast %scan3A_2554 : i32 to index
          %get3A_2755 = arith.constant 288 : index
          %get3A_2756 = tpu.vector_load %arg15[%get3A_2753, %get3A_2754, %get3A_2755] {strides = array<i32>} : memref<2x16x768xf32, #tpu.memory_space<vmem>>, vector<16xf32>,
          %add3A_2757 = arith.addf %get3A_2176, %get3A_2756 : vector<16xf32>
          %swap3A_2758 = arith.index_cast %rem3A_2370 : i32 to index
          %swap3A_2759 = arith.index_cast %scan3A_2554 : i32 to index
          %swap3A_2760 = arith.constant 288 : index
          %swap3A_2761 = tpu.vector_load %arg14[%swap3A_2758, %swap3A_2759, %swap3A_2760] {strides = array<i32>} : memref<2x16x768xf32, #tpu.memory_space<vmem>>, vector<16xf32>,
          tpu.vector_store %arg14[%swap3A_2758, %swap3A_2759, %swap3A_2760], %add3A_2757 {strides = array<i32>} : memref<2x16x768xf32, #tpu.memory_space<vmem>>, vector<16xf32>,
          %get3A_2762 = arith.index_cast %rem3A_2396 : i32 to index
          %get3A_2763 = arith.index_cast %scan3A_2554 : i32 to index
          %get3A_2764 = arith.constant 304 : index
          %get3A_2765 = tpu.vector_load %arg15[%get3A_2762, %get3A_2763, %get3A_2764] {strides = array<i32>} : memref<2x16x768xf32, #tpu.memory_space<vmem>>, vector<16xf32>,
          %add3A_2766 = arith.addf %get3A_2180, %get3A_2765 : vector<16xf32>
          %swap3A_2767 = arith.index_cast %rem3A_2370 : i32 to index
          %swap3A_2768 = arith.index_cast %scan3A_2554 : i32 to index
          %swap3A_2769 = arith.constant 304 : index
          %swap3A_2770 = tpu.vector_load %arg14[%swap3A_2767, %swap3A_2768, %swap3A_2769] {strides = array<i32>} : memref<2x16x768xf32, #tpu.memory_space<vmem>>, vector<16xf32>,
          tpu.vector_store %arg14[%swap3A_2767, %swap3A_2768, %swap3A_2769], %add3A_2766 {strides = array<i32>} : memref<2x16x768xf32, #tpu.memory_space<vmem>>, vector<16xf32>,
          %get3A_2771 = arith.index_cast %rem3A_2396 : i32 to index
          %get3A_2772 = arith.index_cast %scan3A_2554 : i32 to index
          %get3A_2773 = arith.constant 320 : index
          %get3A_2774 = tpu.vector_load %arg15[%get3A_2771, %get3A_2772, %get3A_2773] {strides = array<i32>} : memref<2x16x768xf32, #tpu.memory_space<vmem>>, vector<16xf32>,
          %add3A_2775 = arith.addf %get3A_2184, %get3A_2774 : vector<16xf32>
          %swap3A_2776 = arith.index_cast %rem3A_2370 : i32 to index
          %swap3A_2777 = arith.index_cast %scan3A_2554 : i32 to index
          %swap3A_2778 = arith.constant 320 : index
          %swap3A_2779 = tpu.vector_load %arg14[%swap3A_2776, %swap3A_2777, %swap3A_2778] {strides = array<i32>} : memref<2x16x768xf32, #tpu.memory_space<vmem>>, vector<16xf32>,
          tpu.vector_store %arg14[%swap3A_2776, %swap3A_2777, %swap3A_2778], %add3A_2775 {strides = array<i32>} : memref<2x16x768xf32, #tpu.memory_space<vmem>>, vector<16xf32>,
          %get3A_2780 = arith.index_cast %rem3A_2396 : i32 to index
          %get3A_2781 = arith.index_cast %scan3A_2554 : i32 to index
          %get3A_2782 = arith.constant 336 : index
          %get3A_2783 = tpu.vector_load %arg15[%get3A_2780, %get3A_2781, %get3A_2782] {strides = array<i32>} : memref<2x16x768xf32, #tpu.memory_space<vmem>>, vector<16xf32>,
          %add3A_2784 = arith.addf %get3A_2188, %get3A_2783 : vector<16xf32>
          %swap3A_2785 = arith.index_cast %rem3A_2370 : i32 to index
          %swap3A_2786 = arith.index_cast %scan3A_2554 : i32 to index
          %swap3A_2787 = arith.constant 336 : index
          %swap3A_2788 = tpu.vector_load %arg14[%swap3A_2785, %swap3A_2786, %swap3A_2787] {strides = array<i32>} : memref<2x16x768xf32, #tpu.memory_space<vmem>>, vector<16xf32>,
          tpu.vector_store %arg14[%swap3A_2785, %swap3A_2786, %swap3A_2787], %add3A_2784 {strides = array<i32>} : memref<2x16x768xf32, #tpu.memory_space<vmem>>, vector<16xf32>,
          %get3A_2789 = arith.index_cast %rem3A_2396 : i32 to index
          %get3A_2790 = arith.index_cast %scan3A_2554 : i32 to index
          %get3A_2791 = arith.constant 352 : index
          %get3A_2792 = tpu.vector_load %arg15[%get3A_2789, %get3A_2790, %get3A_2791] {strides = array<i32>} : memref<2x16x768xf32, #tpu.memory_space<vmem>>, vector<16xf32>,
          %add3A_2793 = arith.addf %get3A_2192, %get3A_2792 : vector<16xf32>
          %swap3A_2794 = arith.index_cast %rem3A_2370 : i32 to index
          %swap3A_2795 = arith.index_cast %scan3A_2554 : i32 to index
          %swap3A_2796 = arith.constant 352 : index
          %swap3A_2797 = tpu.vector_load %arg14[%swap3A_2794, %swap3A_2795, %swap3A_2796] {strides = array<i32>} : memref<2x16x768xf32, #tpu.memory_space<vmem>>, vector<16xf32>,
          tpu.vector_store %arg14[%swap3A_2794, %swap3A_2795, %swap3A_2796], %add3A_2793 {strides = array<i32>} : memref<2x16x768xf32, #tpu.memory_space<vmem>>, vector<16xf32>,
          %get3A_2798 = arith.index_cast %rem3A_2396 : i32 to index
          %get3A_2799 = arith.index_cast %scan3A_2554 : i32 to index
          %get3A_2800 = arith.constant 368 : index
          %get3A_2801 = tpu.vector_load %arg15[%get3A_2798, %get3A_2799, %get3A_2800] {strides = array<i32>} : memref<2x16x768xf32, #tpu.memory_space<vmem>>, vector<16xf32>,
          %add3A_2802 = arith.addf %get3A_2196, %get3A_2801 : vector<16xf32>
          %swap3A_2803 = arith.index_cast %rem3A_2370 : i32 to index
          %swap3A_2804 = arith.index_cast %scan3A_2554 : i32 to index
          %swap3A_2805 = arith.constant 368 : index
          %swap3A_2806 = tpu.vector_load %arg14[%swap3A_2803, %swap3A_2804, %swap3A_2805] {strides = array<i32>} : memref<2x16x768xf32, #tpu.memory_space<vmem>>, vector<16xf32>,
          tpu.vector_store %arg14[%swap3A_2803, %swap3A_2804, %swap3A_2805], %add3A_2802 {strides = array<i32>} : memref<2x16x768xf32, #tpu.memory_space<vmem>>, vector<16xf32>,
          %get3A_2807 = arith.index_cast %rem3A_2396 : i32 to index
          %get3A_2808 = arith.index_cast %scan3A_2554 : i32 to index
          %get3A_2809 = arith.constant 384 : index
          %get3A_2810 = tpu.vector_load %arg15[%get3A_2807, %get3A_2808, %get3A_2809] {strides = array<i32>} : memref<2x16x768xf32, #tpu.memory_space<vmem>>, vector<16xf32>,
          %add3A_2811 = arith.addf %get3A_2200, %get3A_2810 : vector<16xf32>
          %swap3A_2812 = arith.index_cast %rem3A_2370 : i32 to index
          %swap3A_2813 = arith.index_cast %scan3A_2554 : i32 to index
          %swap3A_2814 = arith.constant 384 : index
          %swap3A_2815 = tpu.vector_load %arg14[%swap3A_2812, %swap3A_2813, %swap3A_2814] {strides = array<i32>} : memref<2x16x768xf32, #tpu.memory_space<vmem>>, vector<16xf32>,
          tpu.vector_store %arg14[%swap3A_2812, %swap3A_2813, %swap3A_2814], %add3A_2811 {strides = array<i32>} : memref<2x16x768xf32, #tpu.memory_space<vmem>>, vector<16xf32>,
          %get3A_2816 = arith.index_cast %rem3A_2396 : i32 to index
          %get3A_2817 = arith.index_cast %scan3A_2554 : i32 to index
          %get3A_2818 = arith.constant 400 : index
          %get3A_2819 = tpu.vector_load %arg15[%get3A_2816, %get3A_2817, %get3A_2818] {strides = array<i32>} : memref<2x16x768xf32, #tpu.memory_space<vmem>>, vector<16xf32>,
          %add3A_2820 = arith.addf %get3A_2204, %get3A_2819 : vector<16xf32>
          %swap3A_2821 = arith.index_cast %rem3A_2370 : i32 to index
          %swap3A_2822 = arith.index_cast %scan3A_2554 : i32 to index
          %swap3A_2823 = arith.constant 400 : index
          %swap3A_2824 = tpu.vector_load %arg14[%swap3A_2821, %swap3A_2822, %swap3A_2823] {strides = array<i32>} : memref<2x16x768xf32, #tpu.memory_space<vmem>>, vector<16xf32>,
          tpu.vector_store %arg14[%swap3A_2821, %swap3A_2822, %swap3A_2823], %add3A_2820 {strides = array<i32>} : memref<2x16x768xf32, #tpu.memory_space<vmem>>, vector<16xf32>,
          %get3A_2825 = arith.index_cast %rem3A_2396 : i32 to index
          %get3A_2826 = arith.index_cast %scan3A_2554 : i32 to index
          %get3A_2827 = arith.constant 416 : index
          %get3A_2828 = tpu.vector_load %arg15[%get3A_2825, %get3A_2826, %get3A_2827] {strides = array<i32>} : memref<2x16x768xf32, #tpu.memory_space<vmem>>, vector<16xf32>,
          %add3A_2829 = arith.addf %get3A_2208, %get3A_2828 : vector<16xf32>
          %swap3A_2830 = arith.index_cast %rem3A_2370 : i32 to index
          %swap3A_2831 = arith.index_cast %scan3A_2554 : i32 to index
          %swap3A_2832 = arith.constant 416 : index
          %swap3A_2833 = tpu.vector_load %arg14[%swap3A_2830, %swap3A_2831, %swap3A_2832] {strides = array<i32>} : memref<2x16x768xf32, #tpu.memory_space<vmem>>, vector<16xf32>,
          tpu.vector_store %arg14[%swap3A_2830, %swap3A_2831, %swap3A_2832], %add3A_2829 {strides = array<i32>} : memref<2x16x768xf32, #tpu.memory_space<vmem>>, vector<16xf32>,
          %get3A_2834 = arith.index_cast %rem3A_2396 : i32 to index
          %get3A_2835 = arith.index_cast %scan3A_2554 : i32 to index
          %get3A_2836 = arith.constant 432 : index
          %get3A_2837 = tpu.vector_load %arg15[%get3A_2834, %get3A_2835, %get3A_2836] {strides = array<i32>} : memref<2x16x768xf32, #tpu.memory_space<vmem>>, vector<16xf32>,
          %add3A_2838 = arith.addf %get3A_2212, %get3A_2837 : vector<16xf32>
          %swap3A_2839 = arith.index_cast %rem3A_2370 : i32 to index
          %swap3A_2840 = arith.index_cast %scan3A_2554 : i32 to index
          %swap3A_2841 = arith.constant 432 : index
          %swap3A_2842 = tpu.vector_load %arg14[%swap3A_2839, %swap3A_2840, %swap3A_2841] {strides = array<i32>} : memref<2x16x768xf32, #tpu.memory_space<vmem>>, vector<16xf32>,
          tpu.vector_store %arg14[%swap3A_2839, %swap3A_2840, %swap3A_2841], %add3A_2838 {strides = array<i32>} : memref<2x16x768xf32, #tpu.memory_space<vmem>>, vector<16xf32>,
          %get3A_2843 = arith.index_cast %rem3A_2396 : i32 to index
          %get3A_2844 = arith.index_cast %scan3A_2554 : i32 to index
          %get3A_2845 = arith.constant 448 : index
          %get3A_2846 = tpu.vector_load %arg15[%get3A_2843, %get3A_2844, %get3A_2845] {strides = array<i32>} : memref<2x16x768xf32, #tpu.memory_space<vmem>>, vector<16xf32>,
          %add3A_2847 = arith.addf %get3A_2216, %get3A_2846 : vector<16xf32>
          %swap3A_2848 = arith.index_cast %rem3A_2370 : i32 to index
          %swap3A_2849 = arith.index_cast %scan3A_2554 : i32 to index
          %swap3A_2850 = arith.constant 448 : index
          %swap3A_2851 = tpu.vector_load %arg14[%swap3A_2848, %swap3A_2849, %swap3A_2850] {strides = array<i32>} : memref<2x16x768xf32, #tpu.memory_space<vmem>>, vector<16xf32>,
          tpu.vector_store %arg14[%swap3A_2848, %swap3A_2849, %swap3A_2850], %add3A_2847 {strides = array<i32>} : memref<2x16x768xf32, #tpu.memory_space<vmem>>, vector<16xf32>,
          %get3A_2852 = arith.index_cast %rem3A_2396 : i32 to index
          %get3A_2853 = arith.index_cast %scan3A_2554 : i32 to index
          %get3A_2854 = arith.constant 464 : index
          %get3A_2855 = tpu.vector_load %arg15[%get3A_2852, %get3A_2853, %get3A_2854] {strides = array<i32>} : memref<2x16x768xf32, #tpu.memory_space<vmem>>, vector<16xf32>,
          %add3A_2856 = arith.addf %get3A_2220, %get3A_2855 : vector<16xf32>
          %swap3A_2857 = arith.index_cast %rem3A_2370 : i32 to index
          %swap3A_2858 = arith.index_cast %scan3A_2554 : i32 to index
          %swap3A_2859 = arith.constant 464 : index
          %swap3A_2860 = tpu.vector_load %arg14[%swap3A_2857, %swap3A_2858, %swap3A_2859] {strides = array<i32>} : memref<2x16x768xf32, #tpu.memory_space<vmem>>, vector<16xf32>,
          tpu.vector_store %arg14[%swap3A_2857, %swap3A_2858, %swap3A_2859], %add3A_2856 {strides = array<i32>} : memref<2x16x768xf32, #tpu.memory_space<vmem>>, vector<16xf32>,
          %get3A_2861 = arith.index_cast %rem3A_2396 : i32 to index
          %get3A_2862 = arith.index_cast %scan3A_2554 : i32 to index
          %get3A_2863 = arith.constant 480 : index
          %get3A_2864 = tpu.vector_load %arg15[%get3A_2861, %get3A_2862, %get3A_2863] {strides = array<i32>} : memref<2x16x768xf32, #tpu.memory_space<vmem>>, vector<16xf32>,
          %add3A_2865 = arith.addf %get3A_2224, %get3A_2864 : vector<16xf32>
          %swap3A_2866 = arith.index_cast %rem3A_2370 : i32 to index
          %swap3A_2867 = arith.index_cast %scan3A_2554 : i32 to index
          %swap3A_2868 = arith.constant 480 : index
          %swap3A_2869 = tpu.vector_load %arg14[%swap3A_2866, %swap3A_2867, %swap3A_2868] {strides = array<i32>} : memref<2x16x768xf32, #tpu.memory_space<vmem>>, vector<16xf32>,
          tpu.vector_store %arg14[%swap3A_2866, %swap3A_2867, %swap3A_2868], %add3A_2865 {strides = array<i32>} : memref<2x16x768xf32, #tpu.memory_space<vmem>>, vector<16xf32>,
          %get3A_2870 = arith.index_cast %rem3A_2396 : i32 to index
          %get3A_2871 = arith.index_cast %scan3A_2554 : i32 to index
          %get3A_2872 = arith.constant 496 : index
          %get3A_2873 = tpu.vector_load %arg15[%get3A_2870, %get3A_2871, %get3A_2872] {strides = array<i32>} : memref<2x16x768xf32, #tpu.memory_space<vmem>>, vector<16xf32>,
          %add3A_2874 = arith.addf %get3A_2228, %get3A_2873 : vector<16xf32>
          %swap3A_2875 = arith.index_cast %rem3A_2370 : i32 to index
          %swap3A_2876 = arith.index_cast %scan3A_2554 : i32 to index
          %swap3A_2877 = arith.constant 496 : index
          %swap3A_2878 = tpu.vector_load %arg14[%swap3A_2875, %swap3A_2876, %swap3A_2877] {strides = array<i32>} : memref<2x16x768xf32, #tpu.memory_space<vmem>>, vector<16xf32>,
          tpu.vector_store %arg14[%swap3A_2875, %swap3A_2876, %swap3A_2877], %add3A_2874 {strides = array<i32>} : memref<2x16x768xf32, #tpu.memory_space<vmem>>, vector<16xf32>,
          %get3A_2879 = arith.index_cast %rem3A_2396 : i32 to index
          %get3A_2880 = arith.index_cast %scan3A_2554 : i32 to index
          %get3A_2881 = arith.constant 512 : index
          %get3A_2882 = tpu.vector_load %arg15[%get3A_2879, %get3A_2880, %get3A_2881] {strides = array<i32>} : memref<2x16x768xf32, #tpu.memory_space<vmem>>, vector<16xf32>,
          %add3A_2883 = arith.addf %get3A_2232, %get3A_2882 : vector<16xf32>
          %swap3A_2884 = arith.index_cast %rem3A_2370 : i32 to index
          %swap3A_2885 = arith.index_cast %scan3A_2554 : i32 to index
          %swap3A_2886 = arith.constant 512 : index
          %swap3A_2887 = tpu.vector_load %arg14[%swap3A_2884, %swap3A_2885, %swap3A_2886] {strides = array<i32>} : memref<2x16x768xf32, #tpu.memory_space<vmem>>, vector<16xf32>,
          tpu.vector_store %arg14[%swap3A_2884, %swap3A_2885, %swap3A_2886], %add3A_2883 {strides = array<i32>} : memref<2x16x768xf32, #tpu.memory_space<vmem>>, vector<16xf32>,
          %get3A_2888 = arith.index_cast %rem3A_2396 : i32 to index
          %get3A_2889 = arith.index_cast %scan3A_2554 : i32 to index
          %get3A_2890 = arith.constant 528 : index
          %get3A_2891 = tpu.vector_load %arg15[%get3A_2888, %get3A_2889, %get3A_2890] {strides = array<i32>} : memref<2x16x768xf32, #tpu.memory_space<vmem>>, vector<16xf32>,
          %add3A_2892 = arith.addf %get3A_2236, %get3A_2891 : vector<16xf32>
          %swap3A_2893 = arith.index_cast %rem3A_2370 : i32 to index
          %swap3A_2894 = arith.index_cast %scan3A_2554 : i32 to index
          %swap3A_2895 = arith.constant 528 : index
          %swap3A_2896 = tpu.vector_load %arg14[%swap3A_2893, %swap3A_2894, %swap3A_2895] {strides = array<i32>} : memref<2x16x768xf32, #tpu.memory_space<vmem>>, vector<16xf32>,
          tpu.vector_store %arg14[%swap3A_2893, %swap3A_2894, %swap3A_2895], %add3A_2892 {strides = array<i32>} : memref<2x16x768xf32, #tpu.memory_space<vmem>>, vector<16xf32>,
          %get3A_2897 = arith.index_cast %rem3A_2396 : i32 to index
          %get3A_2898 = arith.index_cast %scan3A_2554 : i32 to index
          %get3A_2899 = arith.constant 544 : index
          %get3A_2900 = tpu.vector_load %arg15[%get3A_2897, %get3A_2898, %get3A_2899] {strides = array<i32>} : memref<2x16x768xf32, #tpu.memory_space<vmem>>, vector<16xf32>,
          %add3A_2901 = arith.addf %get3A_2240, %get3A_2900 : vector<16xf32>
          %swap3A_2902 = arith.index_cast %rem3A_2370 : i32 to index
          %swap3A_2903 = arith.index_cast %scan3A_2554 : i32 to index
          %swap3A_2904 = arith.constant 544 : index
          %swap3A_2905 = tpu.vector_load %arg14[%swap3A_2902, %swap3A_2903, %swap3A_2904] {strides = array<i32>} : memref<2x16x768xf32, #tpu.memory_space<vmem>>, vector<16xf32>,
          tpu.vector_store %arg14[%swap3A_2902, %swap3A_2903, %swap3A_2904], %add3A_2901 {strides = array<i32>} : memref<2x16x768xf32, #tpu.memory_space<vmem>>, vector<16xf32>,
          %get3A_2906 = arith.index_cast %rem3A_2396 : i32 to index
          %get3A_2907 = arith.index_cast %scan3A_2554 : i32 to index
          %get3A_2908 = arith.constant 560 : index
          %get3A_2909 = tpu.vector_load %arg15[%get3A_2906, %get3A_2907, %get3A_2908] {strides = array<i32>} : memref<2x16x768xf32, #tpu.memory_space<vmem>>, vector<16xf32>,
          %add3A_2910 = arith.addf %get3A_2244, %get3A_2909 : vector<16xf32>
          %swap3A_2911 = arith.index_cast %rem3A_2370 : i32 to index
          %swap3A_2912 = arith.index_cast %scan3A_2554 : i32 to index
          %swap3A_2913 = arith.constant 560 : index
          %swap3A_2914 = tpu.vector_load %arg14[%swap3A_2911, %swap3A_2912, %swap3A_2913] {strides = array<i32>} : memref<2x16x768xf32, #tpu.memory_space<vmem>>, vector<16xf32>,
          tpu.vector_store %arg14[%swap3A_2911, %swap3A_2912, %swap3A_2913], %add3A_2910 {strides = array<i32>} : memref<2x16x768xf32, #tpu.memory_space<vmem>>, vector<16xf32>,
          %get3A_2915 = arith.index_cast %rem3A_2396 : i32 to index
          %get3A_2916 = arith.index_cast %scan3A_2554 : i32 to index
          %get3A_2917 = arith.constant 576 : index
          %get3A_2918 = tpu.vector_load %arg15[%get3A_2915, %get3A_2916, %get3A_2917] {strides = array<i32>} : memref<2x16x768xf32, #tpu.memory_space<vmem>>, vector<16xf32>,
          %add3A_2919 = arith.addf %get3A_2248, %get3A_2918 : vector<16xf32>
          %swap3A_2920 = arith.index_cast %rem3A_2370 : i32 to index
          %swap3A_2921 = arith.index_cast %scan3A_2554 : i32 to index
          %swap3A_2922 = arith.constant 576 : index
          %swap3A_2923 = tpu.vector_load %arg14[%swap3A_2920, %swap3A_2921, %swap3A_2922] {strides = array<i32>} : memref<2x16x768xf32, #tpu.memory_space<vmem>>, vector<16xf32>,
          tpu.vector_store %arg14[%swap3A_2920, %swap3A_2921, %swap3A_2922], %add3A_2919 {strides = array<i32>} : memref<2x16x768xf32, #tpu.memory_space<vmem>>, vector<16xf32>,
          %get3A_2924 = arith.index_cast %rem3A_2396 : i32 to index
          %get3A_2925 = arith.index_cast %scan3A_2554 : i32 to index
          %get3A_2926 = arith.constant 592 : index
          %get3A_2927 = tpu.vector_load %arg15[%get3A_2924, %get3A_2925, %get3A_2926] {strides = array<i32>} : memref<2x16x768xf32, #tpu.memory_space<vmem>>, vector<16xf32>,
          %add3A_2928 = arith.addf %get3A_2252, %get3A_2927 : vector<16xf32>
          %swap3A_2929 = arith.index_cast %rem3A_2370 : i32 to index
          %swap3A_2930 = arith.index_cast %scan3A_2554 : i32 to index
          %swap3A_2931 = arith.constant 592 : index
          %swap3A_2932 = tpu.vector_load %arg14[%swap3A_2929, %swap3A_2930, %swap3A_2931] {strides = array<i32>} : memref<2x16x768xf32, #tpu.memory_space<vmem>>, vector<16xf32>,
          tpu.vector_store %arg14[%swap3A_2929, %swap3A_2930, %swap3A_2931], %add3A_2928 {strides = array<i32>} : memref<2x16x768xf32, #tpu.memory_space<vmem>>, vector<16xf32>,
          %get3A_2933 = arith.index_cast %rem3A_2396 : i32 to index
          %get3A_2934 = arith.index_cast %scan3A_2554 : i32 to index
          %get3A_2935 = arith.constant 608 : index
          %get3A_2936 = tpu.vector_load %arg15[%get3A_2933, %get3A_2934, %get3A_2935] {strides = array<i32>} : memref<2x16x768xf32, #tpu.memory_space<vmem>>, vector<16xf32>,
          %add3A_2937 = arith.addf %get3A_2256, %get3A_2936 : vector<16xf32>
          %swap3A_2938 = arith.index_cast %rem3A_2370 : i32 to index
          %swap3A_2939 = arith.index_cast %scan3A_2554 : i32 to index
          %swap3A_2940 = arith.constant 608 : index
          %swap3A_2941 = tpu.vector_load %arg14[%swap3A_2938, %swap3A_2939, %swap3A_2940] {strides = array<i32>} : memref<2x16x768xf32, #tpu.memory_space<vmem>>, vector<16xf32>,
          tpu.vector_store %arg14[%swap3A_2938, %swap3A_2939, %swap3A_2940], %add3A_2937 {strides = array<i32>} : memref<2x16x768xf32, #tpu.memory_space<vmem>>, vector<16xf32>,
          %get3A_2942 = arith.index_cast %rem3A_2396 : i32 to index
          %get3A_2943 = arith.index_cast %scan3A_2554 : i32 to index
          %get3A_2944 = arith.constant 624 : index
          %get3A_2945 = tpu.vector_load %arg15[%get3A_2942, %get3A_2943, %get3A_2944] {strides = array<i32>} : memref<2x16x768xf32, #tpu.memory_space<vmem>>, vector<16xf32>,
          %add3A_2946 = arith.addf %get3A_2260, %get3A_2945 : vector<16xf32>
          %swap3A_2947 = arith.index_cast %rem3A_2370 : i32 to index
          %swap3A_2948 = arith.index_cast %scan3A_2554 : i32 to index
          %swap3A_2949 = arith.constant 624 : index
          %swap3A_2950 = tpu.vector_load %arg14[%swap3A_2947, %swap3A_2948, %swap3A_2949] {strides = array<i32>} : memref<2x16x768xf32, #tpu.memory_space<vmem>>, vector<16xf32>,
          tpu.vector_store %arg14[%swap3A_2947, %swap3A_2948, %swap3A_2949], %add3A_2946 {strides = array<i32>} : memref<2x16x768xf32, #tpu.memory_space<vmem>>, vector<16xf32>,
          %get3A_2951 = arith.index_cast %rem3A_2396 : i32 to index
          %get3A_2952 = arith.index_cast %scan3A_2554 : i32 to index
          %get3A_2953 = arith.constant 640 : index
          %get3A_2954 = tpu.vector_load %arg15[%get3A_2951, %get3A_2952, %get3A_2953] {strides = array<i32>} : memref<2x16x768xf32, #tpu.memory_space<vmem>>, vector<16xf32>,
          %add3A_2955 = arith.addf %get3A_2264, %get3A_2954 : vector<16xf32>
          %swap3A_2956 = arith.index_cast %rem3A_2370 : i32 to index
          %swap3A_2957 = arith.index_cast %scan3A_2554 : i32 to index
          %swap3A_2958 = arith.constant 640 : index
          %swap3A_2959 = tpu.vector_load %arg14[%swap3A_2956, %swap3A_2957, %swap3A_2958] {strides = array<i32>} : memref<2x16x768xf32, #tpu.memory_space<vmem>>, vector<16xf32>,
          tpu.vector_store %arg14[%swap3A_2956, %swap3A_2957, %swap3A_2958], %add3A_2955 {strides = array<i32>} : memref<2x16x768xf32, #tpu.memory_space<vmem>>, vector<16xf32>,
          %get3A_2960 = arith.index_cast %rem3A_2396 : i32 to index
          %get3A_2961 = arith.index_cast %scan3A_2554 : i32 to index
          %get3A_2962 = arith.constant 656 : index
          %get3A_2963 = tpu.vector_load %arg15[%get3A_2960, %get3A_2961, %get3A_2962] {strides = array<i32>} : memref<2x16x768xf32, #tpu.memory_space<vmem>>, vector<16xf32>,
          %add3A_2964 = arith.addf %get3A_2268, %get3A_2963 : vector<16xf32>
          %swap3A_2965 = arith.index_cast %rem3A_2370 : i32 to index
          %swap3A_2966 = arith.index_cast %scan3A_2554 : i32 to index
          %swap3A_2967 = arith.constant 656 : index
          %swap3A_2968 = tpu.vector_load %arg14[%swap3A_2965, %swap3A_2966, %swap3A_2967] {strides = array<i32>} : memref<2x16x768xf32, #tpu.memory_space<vmem>>, vector<16xf32>,
          tpu.vector_store %arg14[%swap3A_2965, %swap3A_2966, %swap3A_2967], %add3A_2964 {strides = array<i32>} : memref<2x16x768xf32, #tpu.memory_space<vmem>>, vector<16xf32>,
          %get3A_2969 = arith.index_cast %rem3A_2396 : i32 to index
          %get3A_2970 = arith.index_cast %scan3A_2554 : i32 to index
          %get3A_2971 = arith.constant 672 : index
          %get3A_2972 = tpu.vector_load %arg15[%get3A_2969, %get3A_2970, %get3A_2971] {strides = array<i32>} : memref<2x16x768xf32, #tpu.memory_space<vmem>>, vector<16xf32>,
          %add3A_2973 = arith.addf %get3A_2272, %get3A_2972 : vector<16xf32>
          %swap3A_2974 = arith.index_cast %rem3A_2370 : i32 to index
          %swap3A_2975 = arith.index_cast %scan3A_2554 : i32 to index
          %swap3A_2976 = arith.constant 672 : index
          %swap3A_2977 = tpu.vector_load %arg14[%swap3A_2974, %swap3A_2975, %swap3A_2976] {strides = array<i32>} : memref<2x16x768xf32, #tpu.memory_space<vmem>>, vector<16xf32>,
          tpu.vector_store %arg14[%swap3A_2974, %swap3A_2975, %swap3A_2976], %add3A_2973 {strides = array<i32>} : memref<2x16x768xf32, #tpu.memory_space<vmem>>, vector<16xf32>,
          %get3A_2978 = arith.index_cast %rem3A_2396 : i32 to index
          %get3A_2979 = arith.index_cast %scan3A_2554 : i32 to index
          %get3A_2980 = arith.constant 688 : index
          %get3A_2981 = tpu.vector_load %arg15[%get3A_2978, %get3A_2979, %get3A_2980] {strides = array<i32>} : memref<2x16x768xf32, #tpu.memory_space<vmem>>, vector<16xf32>,
          %add3A_2982 = arith.addf %get3A_2276, %get3A_2981 : vector<16xf32>
          %swap3A_2983 = arith.index_cast %rem3A_2370 : i32 to index
          %swap3A_2984 = arith.index_cast %scan3A_2554 : i32 to index
          %swap3A_2985 = arith.constant 688 : index
          %swap3A_2986 = tpu.vector_load %arg14[%swap3A_2983, %swap3A_2984, %swap3A_2985] {strides = array<i32>} : memref<2x16x768xf32, #tpu.memory_space<vmem>>, vector<16xf32>,
          tpu.vector_store %arg14[%swap3A_2983, %swap3A_2984, %swap3A_2985], %add3A_2982 {strides = array<i32>} : memref<2x16x768xf32, #tpu.memory_space<vmem>>, vector<16xf32>,
          %get3A_2987 = arith.index_cast %rem3A_2396 : i32 to index
          %get3A_2988 = arith.index_cast %scan3A_2554 : i32 to index
          %get3A_2989 = arith.constant 704 : index
          %get3A_2990 = tpu.vector_load %arg15[%get3A_2987, %get3A_2988, %get3A_2989] {strides = array<i32>} : memref<2x16x768xf32, #tpu.memory_space<vmem>>, vector<16xf32>,
          %add3A_2991 = arith.addf %get3A_2280, %get3A_2990 : vector<16xf32>
          %swap3A_2992 = arith.index_cast %rem3A_2370 : i32 to index
          %swap3A_2993 = arith.index_cast %scan3A_2554 : i32 to index
          %swap3A_2994 = arith.constant 704 : index
          %swap3A_2995 = tpu.vector_load %arg14[%swap3A_2992, %swap3A_2993, %swap3A_2994] {strides = array<i32>} : memref<2x16x768xf32, #tpu.memory_space<vmem>>, vector<16xf32>,
          tpu.vector_store %arg14[%swap3A_2992, %swap3A_2993, %swap3A_2994], %add3A_2991 {strides = array<i32>} : memref<2x16x768xf32, #tpu.memory_space<vmem>>, vector<16xf32>,
          %get3A_2996 = arith.index_cast %rem3A_2396 : i32 to index
          %get3A_2997 = arith.index_cast %scan3A_2554 : i32 to index
          %get3A_2998 = arith.constant 720 : index
          %get3A_2999 = tpu.vector_load %arg15[%get3A_2996, %get3A_2997, %get3A_2998] {strides = array<i32>} : memref<2x16x768xf32, #tpu.memory_space<vmem>>, vector<16xf32>,
          %add3A_3000 = arith.addf %get3A_2284, %get3A_2999 : vector<16xf32>
          %swap3A_3001 = arith.index_cast %rem3A_2370 : i32 to index
          %swap3A_3002 = arith.index_cast %scan3A_2554 : i32 to index
          %swap3A_3003 = arith.constant 720 : index
          %swap3A_3004 = tpu.vector_load %arg14[%swap3A_3001, %swap3A_3002, %swap3A_3003] {strides = array<i32>} : memref<2x16x768xf32, #tpu.memory_space<vmem>>, vector<16xf32>,
          tpu.vector_store %arg14[%swap3A_3001, %swap3A_3002, %swap3A_3003], %add3A_3000 {strides = array<i32>} : memref<2x16x768xf32, #tpu.memory_space<vmem>>, vector<16xf32>,
          %get3A_3005 = arith.index_cast %rem3A_2396 : i32 to index
          %get3A_3006 = arith.index_cast %scan3A_2554 : i32 to index
          %get3A_3007 = arith.constant 736 : index
          %get3A_3008 = tpu.vector_load %arg15[%get3A_3005, %get3A_3006, %get3A_3007] {strides = array<i32>} : memref<2x16x768xf32, #tpu.memory_space<vmem>>, vector<16xf32>,
          %add3A_3009 = arith.addf %get3A_2288, %get3A_3008 : vector<16xf32>
          %swap3A_3010 = arith.index_cast %rem3A_2370 : i32 to index
          %swap3A_3011 = arith.index_cast %scan3A_2554 : i32 to index
          %swap3A_3012 = arith.constant 736 : index
          %swap3A_3013 = tpu.vector_load %arg14[%swap3A_3010, %swap3A_3011, %swap3A_3012] {strides = array<i32>} : memref<2x16x768xf32, #tpu.memory_space<vmem>>, vector<16xf32>,
          tpu.vector_store %arg14[%swap3A_3010, %swap3A_3011, %swap3A_3012], %add3A_3009 {strides = array<i32>} : memref<2x16x768xf32, #tpu.memory_space<vmem>>, vector<16xf32>,
          %get3A_3014 = arith.index_cast %rem3A_2396 : i32 to index
          %get3A_3015 = arith.index_cast %scan3A_2554 : i32 to index
          %get3A_3016 = arith.constant 752 : index
          %get3A_3017 = tpu.vector_load %arg15[%get3A_3014, %get3A_3015, %get3A_3016] {strides = array<i32>} : memref<2x16x768xf32, #tpu.memory_space<vmem>>, vector<16xf32>,
          %add3A_3018 = arith.addf %get3A_2292, %get3A_3017 : vector<16xf32>
          %swap3A_3019 = arith.index_cast %rem3A_2370 : i32 to index
          %swap3A_3020 = arith.index_cast %scan3A_2554 : i32 to index
          %swap3A_3021 = arith.constant 752 : index
          %swap3A_3022 = tpu.vector_load %arg14[%swap3A_3019, %swap3A_3020, %swap3A_3021] {strides = array<i32>} : memref<2x16x768xf32, #tpu.memory_space<vmem>>, vector<16xf32>,
          tpu.vector_store %arg14[%swap3A_3019, %swap3A_3020, %swap3A_3021], %add3A_3018 {strides = array<i32>} : memref<2x16x768xf32, #tpu.memory_space<vmem>>, vector<16xf32>,
        } else {
        }
      }
      %scan3A_2507 = arith.constant 16 : i32
      %rem3A_2508 = arith.constant 4 : i32
      %rem3A_2509 = arith.remsi %scan3A_2365, %rem3A_2508 : i32
      %mul3A_2510 = arith.constant 4096 : i32
      %mul3A_2511 = arith.muli %rem3A_2509, %mul3A_2510 : i32
      %add3A_2512 = arith.addi %mul3A_2511, %mul3A_2 : i32
      %jit3A_2513 = arith.constant 4 : i32
      %div3A_2514 = arith.divsi %scan3A_2365, %jit3A_2513 : i32
      %sign3A_2515 = arith.constant 0 : i32
      %sign3A_2516 = arith.cmpi sgt, %scan3A_2365, %sign3A_2515 : i32
      %sign3A_2517 = arith.extui %sign3A_2516 : i1 to i32
      %sign3A_2518 = arith.constant 0 : i32
      %sign3A_2519 = arith.cmpi slt, %scan3A_2365, %sign3A_2518 : i32
      %sign3A_2520 = arith.extui %sign3A_2519 : i1 to i32
      %sign3A_2521 = arith.subi %sign3A_2517, %sign3A_2520 : i32
      %sign3A_2522 = arith.constant 0 : i32
      %sign3A_2523 = arith.cmpi sgt, %jit3A_2513, %sign3A_2522 : i32
      %sign3A_2524 = arith.extui %sign3A_2523 : i1 to i32
      %sign3A_2525 = arith.constant 0 : i32
      %sign3A_2526 = arith.cmpi slt, %jit3A_2513, %sign3A_2525 : i32
      %sign3A_2527 = arith.extui %sign3A_2526 : i1 to i32
      %sign3A_2528 = arith.subi %sign3A_2524, %sign3A_2527 : i32
      %ne3A_2529 = arith.cmpi ne, %sign3A_2521, %sign3A_2528 : i32
      %rem3A_2530 = arith.remsi %scan3A_2365, %jit3A_2513 : i32
      %ne3A_2531 = arith.constant 0 : i32
      %ne3A_2532 = arith.cmpi ne, %rem3A_2530, %ne3A_2531 : i32
      %and3A_2533 = arith.andi %ne3A_2529, %ne3A_2532 : i1
      %sub3A_2534 = arith.constant 1 : i32
      %sub3A_2535 = arith.subi %div3A_2514, %sub3A_2534 : i32
      %select_n3A_2536 = arith.select %and3A_2533, %sub3A_2535, %div3A_2514 : i32
      %mul3A_2537 = arith.constant 16 : i32
      %mul3A_2538 = arith.muli %select_n3A_2536, %mul3A_2537 : i32
      %add3A_2539 = arith.addi %add3A_2512, %mul3A_2538 : i32
      %dma_start3A_2540 = arith.constant 0 : i32
      %dma_start3A_2541 = arith.constant 0 : i32
      %dma_start3A_2542 = tpu.memref_slice %arg14[%rem3A_2370, %dma_start3A_2540, %dma_start3A_2541] : memref<2x16x768xf32, #tpu.memory_space<vmem>> -> memref<1x16x768xf32, #tpu.memory_space<vmem>>
      %dma_start3A_2543 = tpu.memref_squeeze %dma_start3A_2542 : memref<1x16x768xf32, #tpu.memory_space<vmem>> -> memref<16x768xf32, #tpu.memory_space<vmem>>
      %dma_start3A_2544 = arith.constant 0 : i32
      %dma_start3A_2545 = tpu.memref_slice %arg6[%add3A_2539, %dma_start3A_2544] : memref<16384x768xf32, #tpu.memory_space<hbm>> -> memref<16x768xf32, #tpu.memory_space<hbm>>
      %dma_start3A_2546 = tpu.memref_slice %arg18[%rem3A_2370] : memref<2x!tpu.dma_semaphore, #tpu.memory_space<semaphore_mem>> -> memref<1x!tpu.dma_semaphore, #tpu.memory_space<semaphore_mem>>
      %dma_start3A_2547 = tpu.memref_squeeze %dma_start3A_2546 : memref<1x!tpu.dma_semaphore, #tpu.memory_space<semaphore_mem>> -> memref<!tpu.dma_semaphore, #tpu.memory_space<semaphore_mem>>
      %dma_start3A_2548 = arith.constant 0 : i32
      %dma_start3A_2549 = tpu.memref_slice %arg6[%add3A_2539, %dma_start3A_2548] : memref<16384x768xf32, #tpu.memory_space<hbm>> -> memref<16x768xf32, #tpu.memory_space<hbm>>
      %dma_start3A_2550 = arith.constant 0 : i32
      %dma_start3A_2551 = arith.constant 0 : i32
      %dma_start3A_2552 = tpu.memref_slice %arg14[%rem3A_2370, %dma_start3A_2550, %dma_start3A_2551] : memref<2x16x768xf32, #tpu.memory_space<vmem>> -> memref<1x16x768xf32, #tpu.memory_space<vmem>>
      %dma_start3A_2553 = tpu.memref_squeeze %dma_start3A_2552 : memref<1x16x768xf32, #tpu.memory_space<vmem>> -> memref<16x768xf32, #tpu.memory_space<vmem>>
      tpu.enqueue_dma source(%dma_start3A_2553 : memref<16x768xf32, #tpu.memory_space<vmem>>) target(%dma_start3A_2549 : memref<16x768xf32, #tpu.memory_space<hbm>>) target_semaphore(%dma_start3A_2547 : memref<!tpu.dma_semaphore, #tpu.memory_space<semaphore_mem>>)
      scf.yield %max3A_2476, %max3A_2485, %reduce_max3A_2421 : i32, i32, i32
    }
    %scan3A_2317 = arith.constant 32 : i32
    %rem3A_2318 = arith.constant 30 : i32
    %rem3A_2319 = arith.constant 4 : i32
    %rem3A_2320 = arith.remsi %rem3A_2318, %rem3A_2319 : i32
    %mul3A_2321 = arith.constant 4096 : i32
    %mul3A_2322 = arith.muli %rem3A_2320, %mul3A_2321 : i32
    %add3A_2323 = arith.addi %mul3A_2322, %mul3A_2 : i32
    %add3A_2324 = arith.constant 112 : i32
    %add3A_2325 = arith.addi %add3A_2323, %add3A_2324 : i32
    %dma_wait3A = arith.constant 0 : i32
    %dma_wait3A_2326 = arith.constant 0 : i32
    %dma_wait3A_2327 = arith.constant 0 : i32
    %dma_wait3A_2328 = arith.constant 0 : i32
    %dma_wait3A_2329 = tpu.memref_slice %arg14[%dma_wait3A, %dma_wait3A_2327, %dma_wait3A_2328] : memref<2x16x768xf32, #tpu.memory_space<vmem>> -> memref<1x16x768xf32, #tpu.memory_space<vmem>>
    %dma_wait3A_2330 = tpu.memref_squeeze %dma_wait3A_2329 : memref<1x16x768xf32, #tpu.memory_space<vmem>> -> memref<16x768xf32, #tpu.memory_space<vmem>>
    %dma_wait3A_2331 = arith.constant 0 : i32
    %dma_wait3A_2332 = tpu.memref_slice %arg6[%add3A_2325, %dma_wait3A_2331] : memref<16384x768xf32, #tpu.memory_space<hbm>> -> memref<16x768xf32, #tpu.memory_space<hbm>>
    %dma_wait3A_2333 = tpu.memref_slice %arg18[%dma_wait3A_2326] : memref<2x!tpu.dma_semaphore, #tpu.memory_space<semaphore_mem>> -> memref<1x!tpu.dma_semaphore, #tpu.memory_space<semaphore_mem>>
    %dma_wait3A_2334 = tpu.memref_squeeze %dma_wait3A_2333 : memref<1x!tpu.dma_semaphore, #tpu.memory_space<semaphore_mem>> -> memref<!tpu.dma_semaphore, #tpu.memory_space<semaphore_mem>>
    %dma_wait3A_2335 = arith.constant 0 : i32
    %dma_wait3A_2336 = tpu.memref_slice %arg6[%add3A_2325, %dma_wait3A_2335] : memref<16384x768xf32, #tpu.memory_space<hbm>> -> memref<16x768xf32, #tpu.memory_space<hbm>>
    %dma_wait3A_2337 = arith.constant 0 : i32
    %dma_wait3A_2338 = arith.constant 0 : i32
    %dma_wait3A_2339 = tpu.memref_slice %arg14[%dma_wait3A, %dma_wait3A_2337, %dma_wait3A_2338] : memref<2x16x768xf32, #tpu.memory_space<vmem>> -> memref<1x16x768xf32, #tpu.memory_space<vmem>>
    %dma_wait3A_2340 = tpu.memref_squeeze %dma_wait3A_2339 : memref<1x16x768xf32, #tpu.memory_space<vmem>> -> memref<16x768xf32, #tpu.memory_space<vmem>>
    tpu.wait_dma2 semaphore(%dma_wait3A_2334 : memref<!tpu.dma_semaphore, #tpu.memory_space<semaphore_mem>>) src(%dma_wait3A_2340 : memref<16x768xf32, #tpu.memory_space<vmem>>) dst(%dma_wait3A_2336 : memref<16x768xf32, #tpu.memory_space<hbm>>)
    %rem3A_2341 = arith.constant 31 : i32
    %rem3A_2342 = arith.constant 4 : i32
    %rem3A_2343 = arith.remsi %rem3A_2341, %rem3A_2342 : i32
    %mul3A_2344 = arith.constant 4096 : i32
    %mul3A_2345 = arith.muli %rem3A_2343, %mul3A_2344 : i32
    %add3A_2346 = arith.addi %mul3A_2345, %mul3A_2 : i32
    %add3A_2347 = arith.constant 112 : i32
    %add3A_2348 = arith.addi %add3A_2346, %add3A_2347 : i32
    %dma_wait3A_2349 = arith.constant 1 : i32
    %dma_wait3A_2350 = arith.constant 1 : i32
    %dma_wait3A_2351 = arith.constant 0 : i32
    %dma_wait3A_2352 = arith.constant 0 : i32
    %dma_wait3A_2353 = tpu.memref_slice %arg14[%dma_wait3A_2349, %dma_wait3A_2351, %dma_wait3A_2352] : memref<2x16x768xf32, #tpu.memory_space<vmem>> -> memref<1x16x768xf32, #tpu.memory_space<vmem>>
    %dma_wait3A_2354 = tpu.memref_squeeze %dma_wait3A_2353 : memref<1x16x768xf32, #tpu.memory_space<vmem>> -> memref<16x768xf32, #tpu.memory_space<vmem>>
    %dma_wait3A_2355 = arith.constant 0 : i32
    %dma_wait3A_2356 = tpu.memref_slice %arg6[%add3A_2348, %dma_wait3A_2355] : memref<16384x768xf32, #tpu.memory_space<hbm>> -> memref<16x768xf32, #tpu.memory_space<hbm>>
    %dma_wait3A_2357 = tpu.memref_slice %arg18[%dma_wait3A_2350] : memref<2x!tpu.dma_semaphore, #tpu.memory_space<semaphore_mem>> -> memref<1x!tpu.dma_semaphore, #tpu.memory_space<semaphore_mem>>
    %dma_wait3A_2358 = tpu.memref_squeeze %dma_wait3A_2357 : memref<1x!tpu.dma_semaphore, #tpu.memory_space<semaphore_mem>> -> memref<!tpu.dma_semaphore, #tpu.memory_space<semaphore_mem>>
    %dma_wait3A_2359 = arith.constant 0 : i32
    %dma_wait3A_2360 = tpu.memref_slice %arg6[%add3A_2348, %dma_wait3A_2359] : memref<16384x768xf32, #tpu.memory_space<hbm>> -> memref<16x768xf32, #tpu.memory_space<hbm>>
    %dma_wait3A_2361 = arith.constant 0 : i32
    %dma_wait3A_2362 = arith.constant 0 : i32
    %dma_wait3A_2363 = tpu.memref_slice %arg14[%dma_wait3A_2349, %dma_wait3A_2361, %dma_wait3A_2362] : memref<2x16x768xf32, #tpu.memory_space<vmem>> -> memref<1x16x768xf32, #tpu.memory_space<vmem>>
    %dma_wait3A_2364 = tpu.memref_squeeze %dma_wait3A_2363 : memref<1x16x768xf32, #tpu.memory_space<vmem>> -> memref<16x768xf32, #tpu.memory_space<vmem>>
    tpu.wait_dma2 semaphore(%dma_wait3A_2358 : memref<!tpu.dma_semaphore, #tpu.memory_space<semaphore_mem>>) src(%dma_wait3A_2364 : memref<16x768xf32, #tpu.memory_space<vmem>>) dst(%dma_wait3A_2360 : memref<16x768xf32, #tpu.memory_space<hbm>>)
    return
  }
}

</mosaic_0001>

<sc_bundles>
// kernel: kernel.3.cloned.1.call-start
scs
__scs_entry_jumppad:
0x0: {  	(pc) =	sbr.rel $0x88, $3  }
0x1: {  	(tag) =	ssettag $0x0;
	lr =	simm.s32 $0x1  }
0x2: {  	[smem:$0x3F9D] =	sst lr;
	_ =	strace $0xD0000000  }
0x3: {  	_ = 	snop  }
0x4: {  	_ = 	snop  }
0x5: {  	_ = 	snop  }
0x6: {  	_ = 	snop  }
0x7: {  	_ = 	snop  }
__scs_overlays_trampoline_lowered:
0x8: {  	[smem:$0x3FAC] =	sst s0  }
0x9: {  	[smem:$0x3FAD] =	sst s1  }
0xa: {  	[smem:$0x3FAE] =	sst s2  }
0xb: {  	[smem:$0x3FAF] =	sst s3  }
0xc: {  	[smem:$0x3FB0] =	sst s4  }
0xd: {  	[smem:$0x3FB1] =	sst s5  }
0xe: {  	[smem:$0x3FB2] =	sst s6  }
0xf: {  	[smem:$0x3FB3] =	sst s7  }
0x10: {  	[smem:$0x3FB4] =	sst s8  }
0x11: {  	[smem:$0x3FB5] =	sst s9;
	s0 =	simm.s32 @!p0 $0x0  }
0x12: {  	s1 =	sld [smem:$0x3F9B];
	s0 =	simm.s32 @p0 $0x1  }
0x13: {  	[smem:$0x3FB6] =	sst s0;
	s0 =	simm.s32 @!p1 $0x0  }
0x14: {  	s2 =	sld [smem:$0x3F9A];
	s0 =	simm.s32 @p1 $0x1  }
0x15: {  	[smem:$0x3FB7] =	sst s0;
	s0 =	simm.s32 @!p2 $0x0  }
0x16: {  	s3 =	sld [smem:$0x3FDB];
	s0 =	simm.s32 @p2 $0x1  }
0x17: {  	s4 =	simm.s32 $0x1BF5;
	[smem:$0x3FB9] =	sst s0  }
0x18: {  	s0 =	sld [smem:$0x3F9C];
	_ =	swait.ge [sflag:s4], $0x0  }
0x19: {  	s7 =	sld [smem:$0x3F9D]  }
0x1a: {  	s8 =	sadd.s32 $0xFFFFE003, lr  }
0x1b: {  	s9 =	sadd.s32 $0xFFFFFEF7, lr;
	s5 =	simm.s32 $0xFFFFFFFF;
	p2 =	slt.u32 s8, $0xFFFFF086  }
0x1c: {  	p1 =	slt.u32 s9, $0xF7A;
	s5 =	simm.s32 @!p2 $0x0  }
0x1d: {  	s5 =	simm.s32 @p1 $0x1;
	p0 =	seq.s32 s7, s2  }
0x1e: {  	s7 =	smul.u32 @!p0 $0xF7A, s2;
	p2 =	seq.s32 @!p0 s5, $0x0  }
0x1f: {  	s9 =	smul.u32 $0xF7A, s1;
	s8 =	simm.s32 @!p0 $0x1BF5;
	p2 =	por !p2, p0  }
0x20: {  	[sflag:s8] =	ssyncset.s32 @!p0 $0xFFFFF086;
	s6 =	sadd.s32 @!p0 s3, s7;
	s7 =	simm.s32 @!p0 $0x108  }
0x21: {  	s3 =	sadd.s32 s3, s9;
	s6 =	sadd.s32 @!p0 $0x88, s6;
	s7 =	simm.s32 @p2 $0x1082  }
0x22: {  	[simem:s7], [sflag:s8] =	dma.local @!p0 [hbm:s6], $0xF7A  }
0x23: {  	s9 =	sor.u32 $0xD0000000, s2;
	s6 =	simm.s32 $0x108;
	_ =	swait.ge @!p0 [sflag:s8], $0x0  }
0x24: {  	s3 =	sadd.s32 $0x88, s3;
	s6 =	simm.s32 @!p1 $0x1082;
	[sflag:s4] =	ssyncset.s32 $0xFFFFF086  }
0x25: {  	[simem:s6], [sflag:s4] =	dma.local [hbm:s3], $0xF7A  }
0x26: {  	[smem:$0x3F9D] =	sst s1;
	(tag) =	ssettag s2;
	_ =	strace s9  }
0x27: {  	s1 =	sld [smem:$0x3FAD]  }
0x28: {  	s2 =	sld [smem:$0x3FAE]  }
0x29: {  	s4 =	sld [smem:$0x3FB0]  }
0x2a: {  	p0 =	seq.s32 s5, $0x0;
	s5 =	sld [smem:$0x3FB1]  }
0x2b: {  	s6 =	sld [smem:$0x3FB2]  }
0x2c: {  	s7 =	sld [smem:$0x3FB3]  }
0x2d: {  	s3 =	simm.s32 $0x108;
	s8 =	sld [smem:$0x3FB4]  }
0x2e: {  	s3 =	simm.s32 @!p0 $0x1082;
	s9 =	sld [smem:$0x3FB5]  }
0x2f: {  	lr =	sadd.s32 s0, s3;
	s0 =	sld [smem:$0x3FAC]  }
0x30: {  	s3 =	sld [smem:$0x3FAF]  }
0x31: {  	[smem:$0x3FB8] =	sst s10  }
0x32: {  	s10 =	sld [smem:$0x3FB6];
	_ =	sdelay $0x3  }
0x33: {  	p0 =	seq.s32 s10, $0x1;
	s10 =	sld [smem:$0x3FB8];
	_ =	sdelay $0x3  }
0x34: {  	[smem:$0x3FB8] =	sst s10  }
0x35: {  	s10 =	sld [smem:$0x3FB7];
	_ =	sdelay $0x3  }
0x36: {  	p1 =	seq.s32 s10, $0x1;
	s10 =	sld [smem:$0x3FB8];
	_ =	sdelay $0x3  }
0x37: {  	[smem:$0x3FB8] =	sst s10  }
0x38: {  	s10 =	sld [smem:$0x3FB9]  }
0x39: {  	_ = 	snop;
	(pc) =	sbr.ind lr, $3  }
0x3a: {  	_ = 	snop  }
0x3b: {  	_ = 	snop  }
0x3c: {  	p2 =	seq.s32 s10, $0x1;
	s10 =	sld [smem:$0x3FB8]  }
0x3d: {  	_ =	shalt  }
0x3e: {  	_ =	shalt  }
0x3f: {  	_ =	shalt  }
0x40: {  	_ =	shalt  }
0x41: {  	_ =	shalt  }
0x42: {  	_ =	shalt  }
0x43: {  	_ =	shalt  }
0x44: {  	_ =	shalt  }
0x45: {  	_ =	shalt  }
0x46: {  	_ =	shalt  }
0x47: {  	_ =	shalt  }
0x48: {  	_ =	shalt  }
0x49: {  	_ =	shalt  }
0x4a: {  	_ =	shalt  }
0x4b: {  	_ =	shalt  }
0x4c: {  	_ =	shalt  }
0x4d: {  	_ =	shalt  }
0x4e: {  	_ =	shalt  }
0x4f: {  	_ =	shalt  }
0x50: {  	_ =	shalt  }
0x51: {  	_ =	shalt  }
0x52: {  	_ =	shalt  }
0x53: {  	_ =	shalt  }
0x54: {  	_ =	shalt  }
0x55: {  	_ =	shalt  }
0x56: {  	_ =	shalt  }
0x57: {  	_ =	shalt  }
0x58: {  	_ =	shalt  }
0x59: {  	_ =	shalt  }
0x5a: {  	_ =	shalt  }
0x5b: {  	_ =	shalt  }
0x5c: {  	_ =	shalt  }
0x5d: {  	_ =	shalt  }
0x5e: {  	_ =	shalt  }
0x5f: {  	_ =	shalt  }
0x60: {  	_ =	shalt  }
0x61: {  	_ =	shalt  }
0x62: {  	_ =	shalt  }
0x63: {  	_ =	shalt  }
0x64: {  	_ =	shalt  }
0x65: {  	_ =	shalt  }
0x66: {  	_ =	shalt  }
0x67: {  	_ =	shalt  }
0x68: {  	_ =	shalt  }
0x69: {  	_ =	shalt  }
0x6a: {  	_ =	shalt  }
0x6b: {  	_ =	shalt  }
0x6c: {  	_ =	shalt  }
0x6d: {  	_ =	shalt  }
0x6e: {  	_ =	shalt  }
0x6f: {  	_ =	shalt  }
0x70: {  	_ =	shalt  }
0x71: {  	_ =	shalt  }
0x72: {  	_ =	shalt  }
0x73: {  	_ =	shalt  }
0x74: {  	_ =	shalt  }
0x75: {  	_ =	shalt  }
0x76: {  	_ =	shalt  }
0x77: {  	_ =	shalt  }
0x78: {  	_ =	shalt  }
0x79: {  	_ =	shalt  }
0x7a: {  	_ =	shalt  }
0x7b: {  	_ =	shalt  }
0x7c: {  	_ =	shalt  }
0x7d: {  	_ =	shalt  }
0x7e: {  	_ =	shalt  }
0x7f: {  	_ =	shalt  }
0x80: {  	_ =	shalt  }
0x81: {  	_ =	shalt  }
0x82: {  	_ =	shalt  }
0x83: {  	_ =	shalt  }
0x84: {  	_ =	shalt  }
0x85: {  	_ =	shalt  }
0x86: {  	_ =	shalt  }
0x87: {  	_ =	shalt  }
.Lfunc_end0:
.L_simem_size_0:
called_computation_lowered:
.L_overlay_start_0:
0x88: {  	s2 =	sld [smem:$0x3FD9]  }
0x89: {  	s3 =	sld [smem:$0x3FFE];
	_ =	sdelay $0x1  }
0x8a: {  	s1 =	srdreg.scid  }
0x8b: {  	s0 =	sand.u32 $0x1, s1  }
0x8c: {  	s17 =	sshll.u32 s0, $0xA;
	s2 =	sadd.s32 s3, s2  }
0x8d: {  	s2 =	sadd.s32 s2, s17  }
0x8e: {  	[smem:$0x3FC4] =	sst s2  }
0x8f: {  	_ = 	snop  }
0x90: {  	s2 =	sld [smem:$0x3FC9]  }
0x91: {  	s18 =	sld [smem:$0x3FC7]  }
0x92: {  	s4 =	sld [smem:$0x3FC6]  }
0x93: {  	s5 =	sld [smem:$0x3FD0];
	(tm) =	ssettm $0x1  }
0x94: {  	s6 =	sld [smem:$0x3FFB];
	_ =	sdelay $0x3  }
0x95: {  	_ =	strace s6  }
0x96: {  	s6 =	sld [smem:$0x3FFC];
	_ =	sdelay $0x3  }
0x97: {  	_ =	strace s6  }
0x98: {  	s6 =	sld [smem:$0x3FFD];
	_ =	sdelay $0x3  }
0x99: {  	_ =	strace s6  }
0x9a: {  	_ =	strace $0x8FFFFFFF  }
0x9b: {  	s19 =	sld [smem:$0x3FDB];
	_ =	sdelay $0x1  }
0x9c: {  	s7 =	simm.s32 $_scs_section_size  }
0x9d: {  	s8 =	simm.s32 $_size__tile_overlayer_lowered;
	s9 =	simm.s32 $_tile_overlayer_lowered  }
0x9e: {  	s22 =	simm.s32 $0x1BFF;
	s21 =	sshll.u32 s9, $0x1;
	s6 =	sadd.s32 s7, s19  }
0x9f: {  	s10 =	simm.s32 $0x0;
	s20 =	sshll.u32 s8, $0x1;
	s8 =	sadd.s32 s21, s6  }
0xa0: {  	[timem:s10], [sflag:s22] =	dma.local [hbm:s8], s20  }
0xa1: {  	_ =	swait.ge [sflag:s22], s20  }
0xa2: {  	s7 =	ssub.s32 $0x0, s20;
	[sflag:s22] =	ssyncset.done $0x0  }
0xa3: {  	[sflag:s22] =	ssyncadd.s32 s7;
	_ =	sdelay $0x1  }
0xa4: {  	s23 =	simm.s32 $0x1B8B  }
0xa5: {  	_ =	swait.ge [sflag:s23], $0x1  }
0xa6: {  	[sflag:s23] =	ssyncset.done $0x0  }
0xa7: {  	s25 =	simm.s32 $0x1B8E;
	s24 =	sld [smem:$0x3FFE];
	[sflag:s23] =	ssyncadd.s32 $0xFFFFFFFF  }
0xa8: {  	s26 =	simm.s32 $execute0_lowered;
	[smem:$0x3FD2] =	sst s25  }
0xa9: {  	s8 =	sshll.u32 s26, $0x1;
	_ =	strace $0x80000046;
	[dreg:$0x1] =	wrdreg $0xFFFFFFFF  }
0xaa: {  	s28 =	simm.s32 $_size_execute0_lowered;
	s6 =	sadd.s32 s6, s8;
	[dreg:$0x0] =	wrdreg $0x0  }
0xab: {  	s8 =	sshll.u32 s28, $0x1;
	[dreg:$0x2] =	wrdreg s6  }
0xac: {  	[dreg:$0x3] =	wrdreg s8  }
0xad: {  	[dreg:$0x4] =	wrdreg $0xC0  }
0xae: {  	_ =	task [dreg:s10], $0x5FFFF  }
0xaf: {  	[dreg:$0x1] =	wrdreg $0xFFFFFFFF  }
0xb0: {  	[dreg:$0x0] =	wrdreg $0x60  }
0xb1: {  	[dreg:$0x2] =	wrdreg s2  }
0xb2: {  	[dreg:$0x3] =	wrdreg s24  }
0xb3: {  	[dreg:$0x4] =	wrdreg s18  }
0xb4: {  	[dreg:$0x5] =	wrdreg s4  }
0xb5: {  	[dreg:$0x6] =	wrdreg s5  }
0xb6: {  	[dreg:$0x7] =	wrdreg $0x9  }
0xb7: {  	_ =	task.clear_ibuf [dreg:s10], $0x8FFFF;
	_ =	strace $0x90000046  }
0xb8: {  	s29 =	simm.s32 $0x9;
	_ =	strace $0x80000048  }
0xb9: {  	_ =	swait.ge [sflag:s29], $0x1  }
0xba: {  	[sflag:s29] =	ssyncadd.s32 $0xFFFFFFFF  }
0xbb: {  	_ =	strace $0x90000048  }
0xbc: {  	_ =	sfence  }
0xbd: {  	s30 =	sld [smem:$0x0];
	_ =	sdelay $0x2  }
0xbe: {  	s31 =	sshll.u32 s1, $0xD;
	s1 =	sshrl.u32 s1, $0x2  }
0xbf: {  	s3 =	sand.u32 $0x4000, s31;
	s1 =	sadd.s32 s1, s30  }
0xc0: {  	s0 =	sor.u32 s3, s0;
	s1 =	sshll.u32 s1, $0x11  }
0xc1: {  	s0 =	sor.u32 s1, s0  }
0xc2: {  	s0 =	sadd.s32 $0x8F2B, s0  }
0xc3: {  	[sflag:s0] =	ssyncadd.remote.s32 $0x1  }
0xc4: {  	_ =	sfence.sel $0xFFFF  }
0xc5: {  	[dreg:$0x0] =	wrdreg $0xFFFFFFFF;
	(pc) =	sbr.abs _section_cstart, $3  }
0xc6: {  	[dreg:$0x1] =	wrdreg $0xFFFFFFFF  }
0xc7: {  	_ =	task.clear_ibuf [dreg:s10], $0x2FFFF;
	_ =	strace $0x9FFFFFFF  }
0xc8: {  	(tm) =	ssettm $0x7FFFFFFF  }
0xc9: {  	_ =	shalt  }
tec
execute0_lowered:
.L_overlay_start_1:
0x0: {  	(tag) =	ssettag $0x1  }
0x1: {  	s0 =	srdreg.scid  }
0x2: {  	s1 =	stileid.u32;
	s0 =	sand.u32 $0x1, s0  }
0x3: {  	v0 =	vlaneseq.u32;
	s1 =	sshll.u32 s1, $0x8;
	s2 =	sshll.u32 s0, $0x7  }
0x4: {  	v2 =	vadd.s32 $0xFFFFFFFF, v0;
	s1 =	sor.u32 s2, s1  }
0x5: {  	v1 =	vadd.s32 s1, v2  }
0x6: {  	vm0 =	vgt.s32 v1, $0x0  }
0x7: {  	v1 =	vnsel vm0, $0x0, v1  }
0x8: {  	s2 =	sor.u32 $0x10, s1;
	v5 =	vadd.s32 $0xFFF, v1  }
0x9: {  	v4 =	vadd.s32 s2, v2;
	[tilespmem:$0x1FE80] =	vst v5;
	v5 =	vadd.s32 $0x1FFE, v1  }
0xa: {  	vm0 =	vgt.s32 v4, $0x0;
	[tilespmem:$0x1FE90] =	vst v5;
	v5 =	vadd.s32 $0x2FFD, v1  }
0xb: {  	s3 =	sor.u32 $0x20, s1;
	[tilespmem:$0x1FEA0] =	vst v5;
	v5 =	vnsel vm0, $0x0, v4  }
0xc: {  	v4 =	vadd.s32 s3, v2;
	v6 =	vadd.s32 $0xFFF, v5  }
0xd: {  	s26 =	sor.u32 $0x30, s1;
	vm0 =	vgt.s32 v4, $0x0;
	[tilespmem:$0x1FEB0] =	vst v6;
	v6 =	vadd.s32 $0x1FFE, v5  }
0xe: {  	v9 =	vnsel vm0, $0x0, v4;
	v4 =	vadd.s32 s26, v2;
	[tilespmem:$0x1FEC0] =	vst v6;
	v6 =	vadd.s32 $0x2FFD, v5  }
0xf: {  	s28 =	sor.u32 $0x40, s1;
	vm0 =	vgt.s32 v4, $0x0;
	[tilespmem:$0x1FED0] =	vst v6;
	v6 =	vadd.s32 $0xFFF, v9  }
0x10: {  	v13 =	vnsel vm0, $0x0, v4;
	v4 =	vadd.s32 s28, v2;
	[tilespmem:$0x1FEE0] =	vst v6;
	v6 =	vadd.s32 $0x1FFE, v9  }
0x11: {  	s4 =	sor.u32 $0x50, s1;
	vm0 =	vgt.s32 v4, $0x0;
	[tilespmem:$0x1FEF0] =	vst v6;
	v6 =	vadd.s32 $0x2FFD, v9  }
0x12: {  	v17 =	vnsel vm0, $0x0, v4;
	v4 =	vadd.s32 s4, v2;
	[tilespmem:$0x1FF00] =	vst v6;
	v6 =	vadd.s32 $0xFFF, v13  }
0x13: {  	s29 =	sor.u32 $0x60, s1;
	vm0 =	vgt.s32 v4, $0x0;
	[tilespmem:$0x1FF10] =	vst v6;
	v6 =	vadd.s32 $0x1FFE, v13  }
0x14: {  	v21 =	vnsel vm0, $0x0, v4;
	v4 =	vadd.s32 s29, v2;
	[tilespmem:$0x1FF20] =	vst v6;
	v6 =	vadd.s32 $0x2FFD, v13  }
0x15: {  	vm0 =	vgt.s32 v4, $0x0;
	[tilespmem:$0x1FF30] =	vst v6;
	v6 =	vadd.s32 $0xFFF, v17  }
0x16: {  	s30 =	sor.u32 $0x70, s1;
	v24 =	vnsel vm0, $0x0, v4;
	v4 =	vadd.s32 $0x2FFD, v21;
	[tilespmem:$0x1FF40] =	vst v6  }
0x17: {  	v2 =	vadd.s32 s30, v2;
	v6 =	vadd.s32 $0x1FFE, v17;
	[tilespmem:$0x1FF90] =	vst v4  }
0x18: {  	s6 =	rddreg [dreg:$0x1];
	vm0 =	vgt.s32 v2, $0x0;
	v4 =	vadd.s32 $0xFFF, v24;
	[tilespmem:$0x1FF50] =	vst v6  }
0x19: {  	s5 =	rddreg [dreg:$0x3];
	v27 =	vnsel vm0, $0x0, v2;
	v2 =	vadd.s32 $0x1FFE, v24;
	[tilespmem:$0x1FFA0] =	vst v4  }
0x1a: {  	s7 =	rddreg [dreg:$0x4];
	v33 =	vimm.s32 $0x0;
	v6 =	vadd.s32 $0x2FFD, v17;
	[tilespmem:$0x1FFB0] =	vst v2  }
0x1b: {  	s8 =	simm.s32 $0x0;
	vm2 =	vmmov $0x7;
	vm3 =	vmmov $0xf;
	s16 =	simm.s32 $0x4200;
	s17 =	simm.s32 $0x1;
	v2 =	vadd.s32 $0x2FFD, v24;
	[tilespmem:$0x1FF60] =	vst v6  }
0x1c: {  	vm4 =	vmmov $0x1f;
	vm5 =	vmmov $0x3f;
	s19 =	simm.s32 $0x4600;
	s20 =	simm.s32 $0x4000;
	s31 =	sshrl.u32 s1, $0x3;
	v6 =	vadd.s32 $0xFFF, v21;
	[tilespmem:$0x1FFC0] =	vst v2  }
0x1d: {  	vm6 =	vmmov $0x7f;
	vm7 =	vmmov $0xff;
	s21 =	simm.s32 $0x4400;
	s0 =	ssub.s32 $0x2, s0;
	s4 =	smul.u32 $0x300, s31;
	v2 =	vadd.s32 $0xFFF, v27;
	[tilespmem:$0x1FF70] =	vst v6  }
.Ltmp0:
0x1e: {  	vm8 =	vmmov $0x1ff;
	vm9 =	vmmov $0x3ff;
	[smem:$0x7FF] =	sst s8;
	s9 =	sshrl.u32 s0, $0x1;
	v6 =	vadd.s32 $0x1FFE, v21;
	[tilespmem:$0x1FFD0] =	vst v2;
	(pc) =	sbr.rel .LBB2_1-.Ltmp0, $4  }
0x1f: {  	vm10 =	vmmov $0x7ff;
	vm11 =	vmmov $0xfff;
	s6 =	sadd.s32 $0x400, s6;
	s0 =	ssub.s32 s0, s9;
	s3 =	rddreg [dreg:$0x0];
	v2 =	vadd.s32 $0x1FFE, v27;
	[tilespmem:$0x1FF80] =	vst v6  }
0x20: {  	vm12 =	vmmov $0x1fff;
	vm1 =	vmmov $0x7fff;
	s4 =	sadd.s32 s5, s4;
	_ =	strace $0x80000047;
	[dreg:$0x6] =	wrdreg s6;
	[tilespmem:$0x1FFE0] =	vst v2;
	v2 =	vimm.s32 $0x0  }
0x21: {  	vm13 =	vmmov $0x3fff;
	s24 =	simm.s32 $0x0;
	v3 =	vmov s1;
	s0 =	smax.u32 s0, $0x1;
	[dreg:$0x7] =	wrdreg s4;
	v2 =	vsel vm1, $0xFFFFFFFF, v2  }
0x22: {  	vm14 =	vcmask $0xB08;
	s11 =	sadd.s32 $0x100, s3;
	s12 =	sadd.s32 $0x200, s3;
	vm0 =	veq.s32 v3, v0;
	v32 =	vadd.s32 $0x2FFD, v27;
	[dreg:$0x8] =	wrdreg s0;
	[tilespmem:$0x1FFF0] =	vst v2  }
.LBB2_18:
0x23: {  	s0 =	simm.s32 $0x4  }
0x24: {  	_ =	swait.ge [sflag:s0], $0x3000  }
0x25: {  	[sflag:s0] =	ssyncset.done $0x0  }
0x26: {  	s4 =	simm.s32 $0x5;
	[sflag:s0] =	ssyncadd.s32 $0xFFFFD000  }
0x27: {  	_ =	swait.ge [sflag:s4], $0x3000  }
0x28: {  	s24 =	sadd.s32 $0x1, s24;
	s31 =	rddreg [dreg:$0x8]  }
0x29: {  	p0 =	sne.s32 s24, s31  }
.Ltmp1:
0x2a: {  	_ = 	snop;
	(pc) =	sbr.rel @!p0 .LBB2_19-.Ltmp1, $3  }
0x2b: {  	_ =	sdelay $0x1  }
0x2c: {  	[sflag:s4] =	ssyncset.done $0x0  }
0x2d: {  	[sflag:s4] =	ssyncadd.s32 $0xFFFFD000  }
.LBB2_1:
0x2e: {  	s0 =	rddreg [dreg:$0x6];
	s4 =	simm.s32 $0x6  }
0x2f: {  	[tilespmem:s8], [sflag:$0x6] =	stream.linear.gather [hbm4b:s0+s8], $0x4000, $0x38;
	[tilespmem:$0x1C980] =	vst v63  }
0x30: {  	_ =	swait.ge [sflag:s4], $0x4000  }
0x31: {  	[sflag:s4] =	ssyncset.done $0x0  }
0x32: {  	[sflag:s4] =	ssyncadd.s32 $0xFFFFC000  }
0x33: {  	s6 =	simm.s32 $0x4680;
	s13 =	rddreg [dreg:$0x2]  }
0x34: {  	[tilespmem:s6], [sflag:$0x6] =	stream.linear.gather [hbm4b:s13+s8], $0x300, $0x38;
	[tilespmem:$0x1C980] =	vst v63  }
0x35: {  	_ =	swait.ge [sflag:s4], $0x300  }
0x36: {  	[sflag:s4] =	ssyncset.done $0x0  }
0x37: {  	[sflag:s4] =	ssyncadd.s32 $0xFFFFFD00  }
0x38: {  	[tilespmem:$0x4200] =	vst v33  }
0x39: {  	[tilespmem:$0x4210] =	vst v33  }
0x3a: {  	[tilespmem:$0x4220] =	vst v33  }
0x3b: {  	[tilespmem:$0x4230] =	vst v33  }
0x3c: {  	[tilespmem:$0x4240] =	vst v33  }
0x3d: {  	[tilespmem:$0x4250] =	vst v33  }
0x3e: {  	[tilespmem:$0x4260] =	vst v33  }
0x3f: {  	[tilespmem:$0x4270] =	vst v33  }
0x40: {  	[tilespmem:$0x4280] =	vst v33  }
0x41: {  	[tilespmem:$0x4290] =	vst v33  }
0x42: {  	[tilespmem:$0x42A0] =	vst v33  }
0x43: {  	[tilespmem:$0x42B0] =	vst v33  }
0x44: {  	[tilespmem:$0x42C0] =	vst v33  }
0x45: {  	[tilespmem:$0x42D0] =	vst v33  }
0x46: {  	[tilespmem:$0x42E0] =	vst v33  }
0x47: {  	[tilespmem:$0x42F0] =	vst v33  }
0x48: {  	[tilespmem:$0x4300] =	vst v33  }
0x49: {  	[tilespmem:$0x4310] =	vst v33  }
0x4a: {  	[tilespmem:$0x4320] =	vst v33  }
0x4b: {  	[tilespmem:$0x4330] =	vst v33  }
0x4c: {  	[tilespmem:$0x4340] =	vst v33  }
0x4d: {  	[tilespmem:$0x4350] =	vst v33  }
0x4e: {  	[tilespmem:$0x4360] =	vst v33  }
0x4f: {  	[tilespmem:$0x4370] =	vst v33  }
0x50: {  	[tilespmem:$0x4380] =	vst v33  }
0x51: {  	[tilespmem:$0x4390] =	vst v33  }
0x52: {  	[tilespmem:$0x43A0] =	vst v33  }
0x53: {  	[tilespmem:$0x43B0] =	vst v33  }
0x54: {  	[tilespmem:$0x43C0] =	vst v33  }
0x55: {  	[tilespmem:$0x43D0] =	vst v33  }
0x56: {  	[tilespmem:$0x43E0] =	vst v33  }
0x57: {  	[tilespmem:$0x43F0] =	vst v33  }
0x58: {  	v2 =	vld.idx.msk [tilespmem:v1+s8+$0x0], $0xffff;
	_ =	sdelay $0x4  }
0x59: {  	v2 =	vadd.s32 $0x1, v2  }
0x5a: {  	v2 =	vsel vm0, $0x0, v2  }
0x5b: {  	vm1 =	vlt.s32 v2, $0x800  }
0x5c: {  	v3 =	vsel vm1, $0x1, v33  }
0x5d: {  	(xrf0) =	vadd.scan.msk.s32 $0xffff, v3;
	_ =	sdelay $0x5  }
0x5e: {  	v4, _, _ =	vpop (xrf0)  }
0x5f: {  	v3 =	vsub.s32 v4, v3;
	v4 =	vxor.u32 $0x80000000, v4  }
0x60: {  	(xrf0) =	vmax.scan.msk.u32 $0xffff, v4;
	_ =	sdelay $0x3  }
0x61: {  	v4 =	vnsel vm1, $0x0, v2  }
0x62: {  	[tilespmem:v3+s16+$0x0] =	vst.idx.msk vm1, v4  }
0x63: {  	[tilespmem:$0x4000] =	vst v2;
	v2, _, _ =	vpop (xrf0)  }
0x64: {  	(v2sf) =	vpush v2, $0xF;
	v2 =	vld [tilespmem:$0x1FE80];
	_ =	sdelay $0x4  }
0x65: {  	v3 =	vand.u32 $0x3F, v3  }
0x66: {  	v3 =	vnsel vm1, $0x0, v3  }
0x67: {  	[tilespmem:$0x4400] =	vst v3  }
0x68: {  	v2 =	vld.idx.msk [tilespmem:v2+s8+$0x0], $0xffff;
	_ =	sdelay $0x4  }
0x69: {  	v2 =	vadd.s32 $0x1, v2  }
0x6a: {  	v2 =	vsel vm0, $0x0, v2  }
0x6b: {  	vm1 =	vlt.s32 v2, $0x800  }
0x6c: {  	v3 =	vsel vm1, $0x1, v33  }
0x6d: {  	(xrf0) =	vadd.scan.msk.s32 $0xffff, v3;
	_ =	sdelay $0x5  }
0x6e: {  	s14 =	spop (v2sf);
	v3 =	vsel vm1, $0xFFFFFFFF, v33;
	v4, _, _ =	vpop (xrf0)  }
0x6f: {  	s0 =	sxor.u32 $0x80000000, s14;
	v3 =	vadd.s32 v3, v4;
	v4 =	vxor.u32 $0x80000000, v4  }
0x70: {  	v3 =	vadd.s32 s0, v3;
	(xrf0) =	vmax.scan.msk.u32 $0xffff, v4;
	_ =	sdelay $0x2  }
0x71: {  	v4 =	vadd.s32 $0x800, v2  }
0x72: {  	v4 =	vnsel vm1, $0x800, v4  }
0x73: {  	[tilespmem:v3+s16+$0x0] =	vst.idx.msk vm1, v4  }
0x74: {  	[tilespmem:$0x4010] =	vst v2;
	v2, _, _ =	vpop (xrf0)  }
0x75: {  	(v2sf) =	vpush v2, $0xF;
	v2 =	vld [tilespmem:$0x1FE90];
	_ =	sdelay $0x4  }
0x76: {  	v3 =	vand.u32 $0x3F, v3  }
0x77: {  	v3 =	vnsel vm1, $0x0, v3  }
0x78: {  	[tilespmem:$0x4410] =	vst v3  }
0x79: {  	v2 =	vld.idx.msk [tilespmem:v2+s8+$0x0], $0xffff;
	_ =	sdelay $0x4  }
0x7a: {  	v2 =	vadd.s32 $0x1, v2  }
0x7b: {  	v2 =	vsel vm0, $0x0, v2  }
0x7c: {  	vm1 =	vlt.s32 v2, $0x800  }
0x7d: {  	v3 =	vsel vm1, $0x1, v33  }
0x7e: {  	(xrf0) =	vadd.scan.msk.s32 $0xffff, v3;
	_ =	sdelay $0x4  }
0x7f: {  	s15 =	spop (v2sf)  }
0x80: {  	s4 =	sadd.s32 s15, s0;
	v3 =	vsel vm1, $0xFFFFFFFF, v33;
	v4, _, _ =	vpop (xrf0)  }
0x81: {  	s4 =	sadd.s32 $0x80000000, s4;
	v3 =	vadd.s32 v3, v4;
	v4 =	vxor.u32 $0x80000000, v4  }
0x82: {  	v3 =	vadd.s32 s4, v3;
	(xrf0) =	vmax.scan.msk.u32 $0xffff, v4;
	_ =	sdelay $0x2  }
0x83: {  	v4 =	vadd.s32 $0x1000, v2  }
0x84: {  	v4 =	vnsel vm1, $0x1000, v4  }
0x85: {  	[tilespmem:v3+s16+$0x0] =	vst.idx.msk vm1, v4  }
0x86: {  	[tilespmem:$0x4020] =	vst v2;
	v2, _, _ =	vpop (xrf0)  }
0x87: {  	(v2sf) =	vpush v2, $0xF;
	v2 =	vld [tilespmem:$0x1FEA0];
	_ =	sdelay $0x4  }
0x88: {  	v3 =	vand.u32 $0x3F, v3  }
0x89: {  	v3 =	vnsel vm1, $0x0, v3  }
0x8a: {  	[tilespmem:$0x4420] =	vst v3  }
0x8b: {  	v2 =	vld.idx.msk [tilespmem:v2+s8+$0x0], $0xffff;
	_ =	sdelay $0x4  }
0x8c: {  	v2 =	vadd.s32 $0x1, v2  }
0x8d: {  	v2 =	vsel vm0, $0x0, v2  }
0x8e: {  	vm1 =	vlt.s32 v2, $0x800  }
0x8f: {  	v3 =	vsel vm1, $0x1, v33  }
0x90: {  	(xrf0) =	vadd.scan.msk.s32 $0xffff, v3;
	_ =	sdelay $0x5  }
0x91: {  	s18 =	spop (v2sf);
	v3, _, _ =	vpop (xrf0)  }
0x92: {  	s6 =	sadd.s32 s18, s4;
	v4 =	vsel vm1, $0xFFFFFFFF, v33;
	v6 =	vxor.u32 $0x80000000, v3  }
0x93: {  	s6 =	sadd.s32 $0x80000000, s6;
	v3 =	vadd.s32 v4, v3;
	(xrf0) =	vmax.scan.msk.u32 $0xffff, v6  }
0x94: {  	v3 =	vadd.s32 s6, v3  }
0x95: {  	v4 =	vadd.s32 $0x1800, v2  }
0x96: {  	v4 =	vnsel vm1, $0x1800, v4;
	_ =	sdelay $0x2  }
0x97: {  	[tilespmem:v3+s16+$0x0] =	vst.idx.msk vm1, v4;
	v3 =	vand.u32 $0x3F, v3;
	v4, _, _ =	vpop (xrf0)  }
0x98: {  	v3 =	vnsel vm1, $0x0, v3;
	[tilespmem:$0x4030] =	vst v2;
	(v2sf) =	vpush v4, $0xF  }
0x99: {  	[tilespmem:$0x4430] =	vst v3  }
0x9a: {  	v2 =	vld.idx.msk [tilespmem:v5+s8+$0x0], $0xffff;
	_ =	sdelay $0x4  }
0x9b: {  	v2 =	vadd.s32 $0x1, v2  }
0x9c: {  	vm1 =	vlt.s32 v2, $0x800  }
0x9d: {  	v3 =	vsel vm1, $0x1, v33  }
0x9e: {  	(xrf0) =	vadd.scan.msk.s32 $0xffff, v3;
	_ =	sdelay $0x4  }
0x9f: {  	s9 =	spop (v2sf)  }
0xa0: {  	v3 =	vsel vm1, $0xFFFFFFFF, v33;
	v4, _, _ =	vpop (xrf0);
	s9 =	sadd.s32 s9, s6  }
0xa1: {  	v3 =	vadd.s32 v3, v4;
	v4 =	vxor.u32 $0x80000000, v4;
	s9 =	sadd.s32 $0x80000000, s9  }
0xa2: {  	(xrf0) =	vmax.scan.msk.u32 $0xffff, v4;
	v3 =	vadd.s32 s9, v3;
	_ =	sdelay $0x3  }
0xa3: {  	v4 =	vnsel vm1, $0x0, v2  }
0xa4: {  	[tilespmem:v3+s16+$0x0] =	vst.idx.msk vm1, v4  }
0xa5: {  	[tilespmem:$0x4040] =	vst v2;
	v2, _, _ =	vpop (xrf0)  }
0xa6: {  	(v2sf) =	vpush v2, $0xF;
	v2 =	vld [tilespmem:$0x1FEB0];
	_ =	sdelay $0x4  }
0xa7: {  	v3 =	vand.u32 $0x3F, v3  }
0xa8: {  	v3 =	vnsel vm1, $0x0, v3  }
0xa9: {  	[tilespmem:$0x4440] =	vst v3  }
0xaa: {  	v2 =	vld.idx.msk [tilespmem:v2+s8+$0x0], $0xffff;
	_ =	sdelay $0x4  }
0xab: {  	v3 =	vadd.s32 $0x1, v2  }
0xac: {  	vm1 =	vlt.s32 v3, $0x800  }
0xad: {  	v4 =	vsel vm1, $0x1, v33  }
0xae: {  	(xrf0) =	vadd.scan.msk.s32 $0xffff, v4;
	_ =	sdelay $0x4  }
0xaf: {  	s10 =	spop (v2sf)  }
0xb0: {  	v6 =	vsel vm1, $0xFFFFFFFF, v33;
	s10 =	sadd.s32 s10, s9;
	v4, _, _ =	vpop (xrf0)  }
0xb1: {  	s10 =	sadd.s32 $0x80000000, s10;
	v7 =	vxor.u32 $0x80000000, v4;
	v4 =	vadd.s32 v6, v4  }
0xb2: {  	v4 =	vadd.s32 s10, v4;
	_ =	sdelay $0x2  }
0xb3: {  	v2 =	vadd.s32 $0x801, v2  }
0xb4: {  	v2 =	vnsel vm1, $0x800, v2  }
0xb5: {  	[tilespmem:v4+s16+$0x0] =	vst.idx.msk vm1, v2;
	v2 =	vand.u32 $0x3F, v4  }
0xb6: {  	(xrf0) =	vmax.scan.msk.u32 $0xffff, v7;
	v2 =	vnsel vm1, $0x0, v2  }
0xb7: {  	[tilespmem:$0x4450] =	vst v2;
	v2 =	vld [tilespmem:$0x1FEC0];
	_ =	sdelay $0x4  }
0xb8: {  	v4, _, _ =	vpop (xrf0)  }
0xb9: {  	(v2sf) =	vpush v4, $0xF  }
0xba: {  	[tilespmem:$0x4050] =	vst v3  }
0xbb: {  	v2 =	vld.idx.msk [tilespmem:v2+s8+$0x0], $0xffff;
	_ =	sdelay $0x4  }
0xbc: {  	v3 =	vadd.s32 $0x1, v2  }
0xbd: {  	vm1 =	vlt.s32 v3, $0x800  }
0xbe: {  	v4 =	vsel vm1, $0x1, v33  }
0xbf: {  	(xrf0) =	vadd.scan.msk.s32 $0xffff, v4;
	_ =	sdelay $0x4  }
0xc0: {  	s13 =	spop (v2sf)  }
0xc1: {  	s13 =	sadd.s32 s13, s10;
	v4 =	vsel vm1, $0xFFFFFFFF, v33;
	v6, _, _ =	vpop (xrf0)  }
0xc2: {  	s15 =	sadd.s32 $0x80000000, s13;
	v4 =	vadd.s32 v4, v6  }
0xc3: {  	v4 =	vadd.s32 s15, v4;
	_ =	sdelay $0x2  }
0xc4: {  	v2 =	vadd.s32 $0x1001, v2  }
0xc5: {  	v2 =	vnsel vm1, $0x1000, v2  }
0xc6: {  	[tilespmem:v4+s16+$0x0] =	vst.idx.msk vm1, v2;
	v2 =	vand.u32 $0x3F, v4  }
0xc7: {  	v6 =	vxor.u32 $0x80000000, v6;
	v2 =	vnsel vm1, $0x0, v2  }
0xc8: {  	(xrf0) =	vmax.scan.msk.u32 $0xffff, v6;
	[tilespmem:$0x4460] =	vst v2;
	v2 =	vld [tilespmem:$0x1FED0];
	_ =	sdelay $0x5  }
0xc9: {  	[tilespmem:$0x4060] =	vst v3;
	v3, _, _ =	vpop (xrf0)  }
0xca: {  	(v2sf) =	vpush v3, $0xF  }
0xcb: {  	v2 =	vld.idx.msk [tilespmem:v2+s8+$0x0], $0xffff;
	_ =	sdelay $0x4  }
0xcc: {  	v3 =	vadd.s32 $0x1, v2  }
0xcd: {  	vm1 =	vlt.s32 v3, $0x800  }
0xce: {  	v4 =	vsel vm1, $0x1, v33  }
0xcf: {  	(xrf0) =	vadd.scan.msk.s32 $0xffff, v4;
	_ =	sdelay $0x5  }
0xd0: {  	s22 =	spop (v2sf);
	v4, _, _ =	vpop (xrf0)  }
0xd1: {  	v6 =	vsel vm1, $0xFFFFFFFF, v33;
	s13 =	sadd.s32 s22, s15;
	v7 =	vxor.u32 $0x80000000, v4  }
0xd2: {  	s13 =	sadd.s32 $0x80000000, s13;
	v4 =	vadd.s32 v6, v4;
	(xrf0) =	vmax.scan.msk.u32 $0xffff, v7  }
0xd3: {  	v4 =	vadd.s32 s13, v4;
	_ =	sdelay $0x2  }
0xd4: {  	v2 =	vadd.s32 $0x1801, v2  }
0xd5: {  	v2 =	vnsel vm1, $0x1800, v2  }
0xd6: {  	[tilespmem:v4+s16+$0x0] =	vst.idx.msk vm1, v2;
	v2 =	vand.u32 $0x3F, v4;
	v4, _, _ =	vpop (xrf0)  }
0xd7: {  	v2 =	vnsel vm1, $0x0, v2;
	[tilespmem:$0x4070] =	vst v3;
	(v2sf) =	vpush v4, $0xF  }
0xd8: {  	[tilespmem:$0x4470] =	vst v2  }
0xd9: {  	v2 =	vld.idx.msk [tilespmem:v9+s8+$0x0], $0xffff;
	_ =	sdelay $0x4  }
0xda: {  	v2 =	vadd.s32 $0x1, v2  }
0xdb: {  	vm1 =	vlt.s32 v2, $0x800  }
0xdc: {  	v3 =	vsel vm1, $0x1, v33  }
0xdd: {  	(xrf0) =	vadd.scan.msk.s32 $0xffff, v3;
	_ =	sdelay $0x4  }
0xde: {  	s14 =	spop (v2sf)  }
0xdf: {  	v3 =	vsel vm1, $0xFFFFFFFF, v33;
	v4, _, _ =	vpop (xrf0);
	s14 =	sadd.s32 s14, s13  }
0xe0: {  	v3 =	vadd.s32 v3, v4;
	v4 =	vxor.u32 $0x80000000, v4;
	s18 =	sadd.s32 $0x80000000, s14  }
0xe1: {  	(xrf0) =	vmax.scan.msk.u32 $0xffff, v4;
	v3 =	vadd.s32 s18, v3;
	_ =	sdelay $0x3  }
0xe2: {  	v4 =	vnsel vm1, $0x0, v2  }
0xe3: {  	[tilespmem:v3+s16+$0x0] =	vst.idx.msk vm1, v4  }
0xe4: {  	[tilespmem:$0x4080] =	vst v2;
	v2, _, _ =	vpop (xrf0)  }
0xe5: {  	(v2sf) =	vpush v2, $0xF;
	v2 =	vld [tilespmem:$0x1FEE0];
	_ =	sdelay $0x4  }
0xe6: {  	v3 =	vand.u32 $0x3F, v3  }
0xe7: {  	v3 =	vnsel vm1, $0x0, v3  }
0xe8: {  	[tilespmem:$0x4480] =	vst v3  }
0xe9: {  	v2 =	vld.idx.msk [tilespmem:v2+s8+$0x0], $0xffff;
	_ =	sdelay $0x4  }
0xea: {  	v3 =	vadd.s32 $0x1, v2  }
0xeb: {  	vm1 =	vlt.s32 v3, $0x800  }
0xec: {  	v4 =	vsel vm1, $0x1, v33  }
0xed: {  	(xrf0) =	vadd.scan.msk.s32 $0xffff, v4;
	_ =	sdelay $0x4  }
0xee: {  	s23 =	spop (v2sf)  }
0xef: {  	v6 =	vsel vm1, $0xFFFFFFFF, v33;
	s14 =	sadd.s32 s23, s18;
	v4, _, _ =	vpop (xrf0)  }
0xf0: {  	s22 =	sadd.s32 $0x80000000, s14;
	v7 =	vxor.u32 $0x80000000, v4;
	v4 =	vadd.s32 v6, v4  }
0xf1: {  	v4 =	vadd.s32 s22, v4;
	_ =	sdelay $0x2  }
0xf2: {  	v2 =	vadd.s32 $0x801, v2  }
0xf3: {  	v2 =	vnsel vm1, $0x800, v2  }
0xf4: {  	[tilespmem:v4+s16+$0x0] =	vst.idx.msk vm1, v2;
	v2 =	vand.u32 $0x3F, v4  }
0xf5: {  	(xrf0) =	vmax.scan.msk.u32 $0xffff, v7;
	v2 =	vnsel vm1, $0x0, v2  }
0xf6: {  	[tilespmem:$0x4490] =	vst v2;
	v2 =	vld [tilespmem:$0x1FEF0];
	_ =	sdelay $0x4  }
0xf7: {  	v4, _, _ =	vpop (xrf0)  }
0xf8: {  	(v2sf) =	vpush v4, $0xF  }
0xf9: {  	[tilespmem:$0x4090] =	vst v3  }
0xfa: {  	v2 =	vld.idx.msk [tilespmem:v2+s8+$0x0], $0xffff;
	_ =	sdelay $0x4  }
0xfb: {  	v3 =	vadd.s32 $0x1, v2  }
0xfc: {  	vm1 =	vlt.s32 v3, $0x800  }
0xfd: {  	v4 =	vsel vm1, $0x1, v33  }
0xfe: {  	(xrf0) =	vadd.scan.msk.s32 $0xffff, v4;
	_ =	sdelay $0x4  }
0xff: {  	s25 =	spop (v2sf)  }
0x100: {  	s14 =	sadd.s32 s25, s22;
	v4 =	vsel vm1, $0xFFFFFFFF, v33;
	v6, _, _ =	vpop (xrf0)  }
0x101: {  	s23 =	sadd.s32 $0x80000000, s14;
	v4 =	vadd.s32 v4, v6  }
0x102: {  	v4 =	vadd.s32 s23, v4;
	_ =	sdelay $0x2  }
0x103: {  	v2 =	vadd.s32 $0x1001, v2  }
0x104: {  	v2 =	vnsel vm1, $0x1000, v2  }
0x105: {  	[tilespmem:v4+s16+$0x0] =	vst.idx.msk vm1, v2;
	v2 =	vand.u32 $0x3F, v4  }
0x106: {  	v6 =	vxor.u32 $0x80000000, v6;
	v2 =	vnsel vm1, $0x0, v2  }
0x107: {  	(xrf0) =	vmax.scan.msk.u32 $0xffff, v6;
	[tilespmem:$0x44A0] =	vst v2;
	v2 =	vld [tilespmem:$0x1FF00];
	_ =	sdelay $0x5  }
0x108: {  	[tilespmem:$0x40A0] =	vst v3;
	v3, _, _ =	vpop (xrf0)  }
0x109: {  	(v2sf) =	vpush v3, $0xF  }
0x10a: {  	v2 =	vld.idx.msk [tilespmem:v2+s8+$0x0], $0xffff;
	_ =	sdelay $0x4  }
0x10b: {  	v3 =	vadd.s32 $0x1, v2  }
0x10c: {  	vm1 =	vlt.s32 v3, $0x800  }
0x10d: {  	v4 =	vsel vm1, $0x1, v33  }
0x10e: {  	(xrf0) =	vadd.scan.msk.s32 $0xffff, v4;
	_ =	sdelay $0x5  }
0x10f: {  	s26 =	spop (v2sf);
	v4, _, _ =	vpop (xrf0)  }
0x110: {  	v6 =	vsel vm1, $0xFFFFFFFF, v33;
	s14 =	sadd.s32 s26, s23;
	v7 =	vxor.u32 $0x80000000, v4  }
0x111: {  	s25 =	sadd.s32 $0x80000000, s14;
	v4 =	vadd.s32 v6, v4;
	(xrf0) =	vmax.scan.msk.u32 $0xffff, v7  }
0x112: {  	v4 =	vadd.s32 s25, v4;
	_ =	sdelay $0x2  }
0x113: {  	v2 =	vadd.s32 $0x1801, v2  }
0x114: {  	v2 =	vnsel vm1, $0x1800, v2  }
0x115: {  	[tilespmem:v4+s16+$0x0] =	vst.idx.msk vm1, v2;
	v2 =	vand.u32 $0x3F, v4;
	v4, _, _ =	vpop (xrf0)  }
0x116: {  	v2 =	vnsel vm1, $0x0, v2;
	[tilespmem:$0x40B0] =	vst v3;
	(v2sf) =	vpush v4, $0xF  }
0x117: {  	[tilespmem:$0x44B0] =	vst v2  }
0x118: {  	v2 =	vld.idx.msk [tilespmem:v13+s8+$0x0], $0xffff;
	_ =	sdelay $0x4  }
0x119: {  	v2 =	vadd.s32 $0x1, v2  }
0x11a: {  	vm1 =	vlt.s32 v2, $0x800  }
0x11b: {  	v3 =	vsel vm1, $0x1, v33  }
0x11c: {  	(xrf0) =	vadd.scan.msk.s32 $0xffff, v3;
	_ =	sdelay $0x4  }
0x11d: {  	s29 =	spop (v2sf)  }
0x11e: {  	v3 =	vsel vm1, $0xFFFFFFFF, v33;
	v4, _, _ =	vpop (xrf0);
	s14 =	sadd.s32 s29, s25  }
0x11f: {  	v3 =	vadd.s32 v3, v4;
	v4 =	vxor.u32 $0x80000000, v4;
	s26 =	sadd.s32 $0x80000000, s14  }
0x120: {  	(xrf0) =	vmax.scan.msk.u32 $0xffff, v4;
	v3 =	vadd.s32 s26, v3;
	_ =	sdelay $0x3  }
0x121: {  	v4 =	vnsel vm1, $0x0, v2  }
0x122: {  	[tilespmem:v3+s16+$0x0] =	vst.idx.msk vm1, v4  }
0x123: {  	[tilespmem:$0x40C0] =	vst v2;
	v2, _, _ =	vpop (xrf0)  }
0x124: {  	(v2sf) =	vpush v2, $0xF;
	v2 =	vld [tilespmem:$0x1FF10];
	_ =	sdelay $0x4  }
0x125: {  	v3 =	vand.u32 $0x3F, v3  }
0x126: {  	v3 =	vnsel vm1, $0x0, v3  }
0x127: {  	[tilespmem:$0x44C0] =	vst v3  }
0x128: {  	v2 =	vld.idx.msk [tilespmem:v2+s8+$0x0], $0xffff;
	_ =	sdelay $0x4  }
0x129: {  	v3 =	vadd.s32 $0x1, v2  }
0x12a: {  	vm1 =	vlt.s32 v3, $0x800  }
0x12b: {  	v4 =	vsel vm1, $0x1, v33  }
0x12c: {  	(xrf0) =	vadd.scan.msk.s32 $0xffff, v4;
	_ =	sdelay $0x4  }
0x12d: {  	s30 =	spop (v2sf)  }
0x12e: {  	v6 =	vsel vm1, $0xFFFFFFFF, v33;
	s14 =	sadd.s32 s30, s26;
	v4, _, _ =	vpop (xrf0)  }
0x12f: {  	s28 =	sadd.s32 $0x80000000, s14;
	v7 =	vxor.u32 $0x80000000, v4;
	v4 =	vadd.s32 v6, v4  }
0x130: {  	v4 =	vadd.s32 s28, v4;
	_ =	sdelay $0x2  }
0x131: {  	v2 =	vadd.s32 $0x801, v2  }
0x132: {  	v2 =	vnsel vm1, $0x800, v2  }
0x133: {  	[tilespmem:v4+s16+$0x0] =	vst.idx.msk vm1, v2;
	v2 =	vand.u32 $0x3F, v4  }
0x134: {  	(xrf0) =	vmax.scan.msk.u32 $0xffff, v7;
	v2 =	vnsel vm1, $0x0, v2  }
0x135: {  	[tilespmem:$0x44D0] =	vst v2;
	v2 =	vld [tilespmem:$0x1FF20];
	_ =	sdelay $0x4  }
0x136: {  	v4, _, _ =	vpop (xrf0)  }
0x137: {  	(v2sf) =	vpush v4, $0xF  }
0x138: {  	[tilespmem:$0x40D0] =	vst v3  }
0x139: {  	v2 =	vld.idx.msk [tilespmem:v2+s8+$0x0], $0xffff;
	_ =	sdelay $0x4  }
0x13a: {  	v3 =	vadd.s32 $0x1, v2  }
0x13b: {  	vm1 =	vlt.s32 v3, $0x800  }
0x13c: {  	v4 =	vsel vm1, $0x1, v33  }
0x13d: {  	(xrf0) =	vadd.scan.msk.s32 $0xffff, v4;
	_ =	sdelay $0x4  }
0x13e: {  	s31 =	spop (v2sf)  }
0x13f: {  	s14 =	sadd.s32 s31, s28;
	v4 =	vsel vm1, $0xFFFFFFFF, v33;
	v6, _, _ =	vpop (xrf0)  }
0x140: {  	s14 =	sadd.s32 $0x80000000, s14;
	v4 =	vadd.s32 v4, v6  }
0x141: {  	v4 =	vadd.s32 s14, v4;
	_ =	sdelay $0x2  }
0x142: {  	v2 =	vadd.s32 $0x1001, v2  }
0x143: {  	v2 =	vnsel vm1, $0x1000, v2  }
0x144: {  	[tilespmem:v4+s16+$0x0] =	vst.idx.msk vm1, v2;
	v2 =	vand.u32 $0x3F, v4  }
0x145: {  	v2 =	vnsel vm1, $0x0, v2  }
0x146: {  	[tilespmem:$0x44E0] =	vst v2;
	v2 =	vld [tilespmem:$0x1FF30];
	_ =	sdelay $0x6  }
0x147: {  	[tilespmem:$0x40E0] =	vst v3  }
0x148: {  	v2 =	vld.idx.msk [tilespmem:v2+s8+$0x0], $0xffff;
	_ =	sdelay $0x3  }
0x149: {  	v4 =	vxor.u32 $0x80000000, v6  }
0x14a: {  	(xrf0) =	vmax.scan.msk.u32 $0xffff, v4;
	v3 =	vadd.s32 $0x1, v2  }
0x14b: {  	vm1 =	vlt.s32 v3, $0x800  }
0x14c: {  	v4 =	vsel vm1, $0x1, v33  }
0x14d: {  	(xrf0) =	vadd.scan.msk.s32 $0xffff, v4;
	_ =	sdelay $0x2  }
0x14e: {  	v4, _, _ =	vpop (xrf0)  }
0x14f: {  	(v2sf) =	vpush v4, $0xF;
	_ =	sdelay $0x1  }
0x150: {  	v6, _, _ =	vpop (xrf0)  }
0x151: {  	v7 =	vxor.u32 $0x80000000, v6  }
0x152: {  	(xrf0) =	vmax.scan.msk.u32 $0xffff, v7;
	_ =	sdelay $0x5  }
0x153: {  	v4, _, _ =	vpop (xrf0)  }
0x154: {  	vm15 =	veq.s32 v0, $0x0;
	(v2sf) =	vpush v4, $0xF;
	v4 =	vmov s4  }
0x155: {  	v4 =	vsel vm15, s0, v4  }
0x156: {  	v4 =	vsel vm14, s6, v4  }
0x157: {  	v4 =	vnsel vm2, s9, v4  }
0x158: {  	v4 =	vnsel vm3, s10, v4;
	s10 =	spop (v2sf)  }
0x159: {  	v7 =	vsel vm1, $0xFFFFFFFF, v33;
	s0 =	sadd.s32 s10, s14  }
0x15a: {  	v6 =	vadd.s32 v7, v6;
	s0 =	sadd.s32 $0x80000000, s0  }
0x15b: {  	v6 =	vadd.s32 s0, v6;
	_ =	sdelay $0x2  }
0x15c: {  	v2 =	vadd.s32 $0x1801, v2;
	v4 =	vnsel vm4, s15, v4  }
0x15d: {  	v2 =	vnsel vm1, $0x1800, v2;
	v4 =	vnsel vm5, s13, v4  }
0x15e: {  	v4 =	vnsel vm6, s18, v4;
	[tilespmem:v6+s16+$0x0] =	vst.idx.msk vm1, v2;
	v2 =	vand.u32 $0x3F, v6  }
0x15f: {  	v4 =	vnsel vm7, s22, v4;
	v2 =	vnsel vm1, $0x0, v2  }
0x160: {  	v4 =	vnsel vm8, s23, v4;
	[tilespmem:$0x44F0] =	vst v2;
	v2 =	vld [tilespmem:$0x1FFF0]  }
0x161: {  	v4 =	vnsel vm9, s25, v4  }
0x162: {  	v4 =	vnsel vm10, s26, v4  }
0x163: {  	v4 =	vnsel vm11, s28, v4;
	s13 =	spop (v2sf)  }
0x164: {  	v4 =	vnsel vm12, s14, v4;
	s4 =	sadd.s32 s13, s0  }
0x165: {  	v4 =	vnsel vm13, s0, v4;
	s15 =	sadd.s32 $0x80000000, s4;
	vm1 =	vnez.u8 v2  }
0x166: {  	[tilespmem:$0x40F0] =	vst v3;
	v2 =	vnsel vm1, s15, v4  }
0x167: {  	[tilespmem:$0x4600] =	vst v2  }
0x168: {  	v2 =	vld.idx.msk [tilespmem:v17+s8+$0x0], $0xffff;
	_ =	sdelay $0x4  }
0x169: {  	v2 =	vadd.s32 $0x1, v2  }
0x16a: {  	vm1 =	vlt.s32 v2, $0x800  }
0x16b: {  	v3 =	vsel vm1, $0x1, v33  }
0x16c: {  	(xrf0) =	vadd.scan.msk.s32 $0xffff, v3;
	_ =	sdelay $0x5  }
0x16d: {  	v4 =	vsel vm1, $0xFFFFFFFF, v33;
	v3, _, _ =	vpop (xrf0)  }
0x16e: {  	v6 =	vxor.u32 $0x80000000, v3;
	v3 =	vadd.s32 v4, v3  }
0x16f: {  	v3 =	vadd.s32 s15, v3;
	_ =	sdelay $0x3  }
0x170: {  	v4 =	vnsel vm1, $0x0, v2  }
0x171: {  	(xrf0) =	vmax.scan.msk.u32 $0xffff, v6;
	[tilespmem:v3+s16+$0x0] =	vst.idx.msk vm1, v4  }
0x172: {  	[tilespmem:$0x4100] =	vst v2;
	v2 =	vld [tilespmem:$0x1FF40];
	_ =	sdelay $0x4  }
0x173: {  	v3 =	vand.u32 $0x3F, v3;
	v4, _, _ =	vpop (xrf0)  }
0x174: {  	v3 =	vnsel vm1, $0x0, v3;
	(v2sf) =	vpush v4, $0xF  }
0x175: {  	[tilespmem:$0x4500] =	vst v3  }
0x176: {  	v2 =	vld.idx.msk [tilespmem:v2+s8+$0x0], $0xffff;
	_ =	sdelay $0x4  }
0x177: {  	v3 =	vadd.s32 $0x1, v2  }
0x178: {  	vm1 =	vlt.s32 v3, $0x800  }
0x179: {  	v4 =	vsel vm1, $0x1, v33  }
0x17a: {  	(xrf0) =	vadd.scan.msk.s32 $0xffff, v4;
	_ =	sdelay $0x4  }
0x17b: {  	s18 =	spop (v2sf)  }
0x17c: {  	v4 =	vsel vm1, $0xFFFFFFFF, v33;
	s0 =	sadd.s32 s18, s15;
	v6, _, _ =	vpop (xrf0)  }
0x17d: {  	s0 =	sadd.s32 $0x80000000, s0;
	v4 =	vadd.s32 v4, v6  }
0x17e: {  	v4 =	vadd.s32 s0, v4;
	_ =	sdelay $0x2  }
0x17f: {  	v2 =	vadd.s32 $0x801, v2  }
0x180: {  	v2 =	vnsel vm1, $0x800, v2  }
0x181: {  	v6 =	vxor.u32 $0x80000000, v6;
	[tilespmem:v4+s16+$0x0] =	vst.idx.msk vm1, v2;
	v2 =	vand.u32 $0x3F, v4  }
0x182: {  	(xrf0) =	vmax.scan.msk.u32 $0xffff, v6;
	v2 =	vnsel vm1, $0x0, v2  }
0x183: {  	[tilespmem:$0x4510] =	vst v2;
	v2 =	vld [tilespmem:$0x1FF50];
	_ =	sdelay $0x4  }
0x184: {  	[tilespmem:$0x4110] =	vst v3;
	v3, _, _ =	vpop (xrf0)  }
0x185: {  	(v2sf) =	vpush v3, $0xF;
	_ =	sdelay $0x1  }
0x186: {  	v2 =	vld.idx.msk [tilespmem:v2+s8+$0x0], $0xffff;
	_ =	sdelay $0x4  }
0x187: {  	v3 =	vadd.s32 $0x1, v2  }
0x188: {  	vm1 =	vlt.s32 v3, $0x800  }
0x189: {  	v4 =	vsel vm1, $0x1, v33  }
0x18a: {  	(xrf0) =	vadd.scan.msk.s32 $0xffff, v4;
	_ =	sdelay $0x4  }
0x18b: {  	s22 =	spop (v2sf)  }
0x18c: {  	v6 =	vsel vm1, $0xFFFFFFFF, v33;
	s4 =	sadd.s32 s22, s0;
	v4, _, _ =	vpop (xrf0)  }
0x18d: {  	s4 =	sadd.s32 $0x80000000, s4;
	v7 =	vxor.u32 $0x80000000, v4;
	v4 =	vadd.s32 v6, v4  }
0x18e: {  	v4 =	vadd.s32 s4, v4;
	_ =	sdelay $0x2  }
0x18f: {  	v2 =	vadd.s32 $0x1001, v2  }
0x190: {  	v2 =	vnsel vm1, $0x1000, v2  }
0x191: {  	[tilespmem:v4+s16+$0x0] =	vst.idx.msk vm1, v2;
	v2 =	vand.u32 $0x3F, v4  }
0x192: {  	(xrf0) =	vmax.scan.msk.u32 $0xffff, v7;
	v2 =	vnsel vm1, $0x0, v2  }
0x193: {  	[tilespmem:$0x4520] =	vst v2;
	v2 =	vld [tilespmem:$0x1FF60];
	_ =	sdelay $0x4  }
0x194: {  	v4, _, _ =	vpop (xrf0)  }
0x195: {  	(v2sf) =	vpush v4, $0xF  }
0x196: {  	[tilespmem:$0x4120] =	vst v3  }
0x197: {  	v2 =	vld.idx.msk [tilespmem:v2+s8+$0x0], $0xffff;
	_ =	sdelay $0x4  }
0x198: {  	v3 =	vadd.s32 $0x1, v2  }
0x199: {  	vm1 =	vlt.s32 v3, $0x800  }
0x19a: {  	v4 =	vsel vm1, $0x1, v33  }
0x19b: {  	(xrf0) =	vadd.scan.msk.s32 $0xffff, v4;
	_ =	sdelay $0x4  }
0x19c: {  	s23 =	spop (v2sf)  }
0x19d: {  	s6 =	sadd.s32 s23, s4;
	v4 =	vsel vm1, $0xFFFFFFFF, v33;
	v6, _, _ =	vpop (xrf0)  }
0x19e: {  	s6 =	sadd.s32 $0x80000000, s6;
	v4 =	vadd.s32 v4, v6;
	v6 =	vxor.u32 $0x80000000, v6  }
0x19f: {  	v4 =	vadd.s32 s6, v4;
	(xrf0) =	vmax.scan.msk.u32 $0xffff, v6;
	_ =	sdelay $0x2  }
0x1a0: {  	v2 =	vadd.s32 $0x1801, v2  }
0x1a1: {  	v2 =	vnsel vm1, $0x1800, v2  }
0x1a2: {  	[tilespmem:v4+s16+$0x0] =	vst.idx.msk vm1, v2  }
0x1a3: {  	v2 =	vand.u32 $0x3F, v4;
	[tilespmem:$0x4130] =	vst v3;
	v3, _, _ =	vpop (xrf0)  }
0x1a4: {  	v2 =	vnsel vm1, $0x0, v2;
	(v2sf) =	vpush v3, $0xF  }
0x1a5: {  	[tilespmem:$0x4530] =	vst v2  }
0x1a6: {  	v2 =	vld.idx.msk [tilespmem:v21+s8+$0x0], $0xffff;
	_ =	sdelay $0x4  }
0x1a7: {  	v2 =	vadd.s32 $0x1, v2  }
0x1a8: {  	vm1 =	vlt.s32 v2, $0x800  }
0x1a9: {  	v3 =	vsel vm1, $0x1, v33  }
0x1aa: {  	(xrf0) =	vadd.scan.msk.s32 $0xffff, v3;
	_ =	sdelay $0x4  }
0x1ab: {  	s25 =	spop (v2sf)  }
0x1ac: {  	v4 =	vsel vm1, $0xFFFFFFFF, v33;
	v3, _, _ =	vpop (xrf0);
	s9 =	sadd.s32 s25, s6  }
0x1ad: {  	v6 =	vxor.u32 $0x80000000, v3;
	v3 =	vadd.s32 v4, v3;
	s9 =	sadd.s32 $0x80000000, s9  }
0x1ae: {  	v3 =	vadd.s32 s9, v3;
	_ =	sdelay $0x3  }
0x1af: {  	v4 =	vnsel vm1, $0x0, v2  }
0x1b0: {  	(xrf0) =	vmax.scan.msk.u32 $0xffff, v6;
	[tilespmem:v3+s16+$0x0] =	vst.idx.msk vm1, v4  }
0x1b1: {  	[tilespmem:$0x4140] =	vst v2;
	v2 =	vld [tilespmem:$0x1FF70];
	_ =	sdelay $0x4  }
0x1b2: {  	v3 =	vand.u32 $0x3F, v3;
	v4, _, _ =	vpop (xrf0)  }
0x1b3: {  	v3 =	vnsel vm1, $0x0, v3;
	(v2sf) =	vpush v4, $0xF  }
0x1b4: {  	[tilespmem:$0x4540] =	vst v3  }
0x1b5: {  	v2 =	vld.idx.msk [tilespmem:v2+s8+$0x0], $0xffff;
	_ =	sdelay $0x4  }
0x1b6: {  	v3 =	vadd.s32 $0x1, v2  }
0x1b7: {  	vm1 =	vlt.s32 v3, $0x800  }
0x1b8: {  	v4 =	vsel vm1, $0x1, v33  }
0x1b9: {  	(xrf0) =	vadd.scan.msk.s32 $0xffff, v4;
	_ =	sdelay $0x4  }
0x1ba: {  	s26 =	spop (v2sf)  }
0x1bb: {  	s10 =	sadd.s32 s26, s9;
	v4 =	vsel vm1, $0xFFFFFFFF, v33;
	v6, _, _ =	vpop (xrf0)  }
0x1bc: {  	s10 =	sadd.s32 $0x80000000, s10;
	v4 =	vadd.s32 v4, v6  }
0x1bd: {  	v4 =	vadd.s32 s10, v4;
	_ =	sdelay $0x2  }
0x1be: {  	v2 =	vadd.s32 $0x801, v2  }
0x1bf: {  	v2 =	vnsel vm1, $0x800, v2  }
0x1c0: {  	v6 =	vxor.u32 $0x80000000, v6;
	[tilespmem:v4+s16+$0x0] =	vst.idx.msk vm1, v2;
	v2 =	vand.u32 $0x3F, v4  }
0x1c1: {  	(xrf0) =	vmax.scan.msk.u32 $0xffff, v6;
	v2 =	vnsel vm1, $0x0, v2  }
0x1c2: {  	[tilespmem:$0x4550] =	vst v2;
	v2 =	vld [tilespmem:$0x1FF80];
	_ =	sdelay $0x4  }
0x1c3: {  	[tilespmem:$0x4150] =	vst v3;
	v3, _, _ =	vpop (xrf0)  }
0x1c4: {  	(v2sf) =	vpush v3, $0xF;
	_ =	sdelay $0x1  }
0x1c5: {  	v2 =	vld.idx.msk [tilespmem:v2+s8+$0x0], $0xffff;
	_ =	sdelay $0x4  }
0x1c6: {  	v3 =	vadd.s32 $0x1, v2  }
0x1c7: {  	vm1 =	vlt.s32 v3, $0x800  }
0x1c8: {  	v4 =	vsel vm1, $0x1, v33  }
0x1c9: {  	(xrf0) =	vadd.scan.msk.s32 $0xffff, v4;
	_ =	sdelay $0x4  }
0x1ca: {  	s29 =	spop (v2sf)  }
0x1cb: {  	v6 =	vsel vm1, $0xFFFFFFFF, v33;
	s13 =	sadd.s32 s29, s10;
	v4, _, _ =	vpop (xrf0)  }
0x1cc: {  	s15 =	sadd.s32 $0x80000000, s13;
	v7 =	vxor.u32 $0x80000000, v4;
	v4 =	vadd.s32 v6, v4  }
0x1cd: {  	v4 =	vadd.s32 s15, v4;
	_ =	sdelay $0x2  }
0x1ce: {  	v2 =	vadd.s32 $0x1001, v2  }
0x1cf: {  	v2 =	vnsel vm1, $0x1000, v2  }
0x1d0: {  	[tilespmem:v4+s16+$0x0] =	vst.idx.msk vm1, v2;
	v2 =	vand.u32 $0x3F, v4  }
0x1d1: {  	(xrf0) =	vmax.scan.msk.u32 $0xffff, v7;
	v2 =	vnsel vm1, $0x0, v2  }
0x1d2: {  	[tilespmem:$0x4560] =	vst v2;
	v2 =	vld [tilespmem:$0x1FF90];
	_ =	sdelay $0x4  }
0x1d3: {  	v4, _, _ =	vpop (xrf0)  }
0x1d4: {  	(v2sf) =	vpush v4, $0xF  }
0x1d5: {  	[tilespmem:$0x4160] =	vst v3  }
0x1d6: {  	v2 =	vld.idx.msk [tilespmem:v2+s8+$0x0], $0xffff;
	_ =	sdelay $0x4  }
0x1d7: {  	v3 =	vadd.s32 $0x1, v2  }
0x1d8: {  	vm1 =	vlt.s32 v3, $0x800  }
0x1d9: {  	v4 =	vsel vm1, $0x1, v33  }
0x1da: {  	(xrf0) =	vadd.scan.msk.s32 $0xffff, v4;
	_ =	sdelay $0x4  }
0x1db: {  	s30 =	spop (v2sf)  }
0x1dc: {  	s13 =	sadd.s32 s30, s15;
	v4 =	vsel vm1, $0xFFFFFFFF, v33;
	v6, _, _ =	vpop (xrf0)  }
0x1dd: {  	s18 =	sadd.s32 $0x80000000, s13;
	v4 =	vadd.s32 v4, v6;
	v6 =	vxor.u32 $0x80000000, v6  }
0x1de: {  	v4 =	vadd.s32 s18, v4;
	(xrf0) =	vmax.scan.msk.u32 $0xffff, v6;
	_ =	sdelay $0x2  }
0x1df: {  	v2 =	vadd.s32 $0x1801, v2  }
0x1e0: {  	v2 =	vnsel vm1, $0x1800, v2  }
0x1e1: {  	[tilespmem:v4+s16+$0x0] =	vst.idx.msk vm1, v2  }
0x1e2: {  	v2 =	vand.u32 $0x3F, v4;
	[tilespmem:$0x4170] =	vst v3;
	v3, _, _ =	vpop (xrf0)  }
0x1e3: {  	v2 =	vnsel vm1, $0x0, v2;
	(v2sf) =	vpush v3, $0xF  }
0x1e4: {  	[tilespmem:$0x4570] =	vst v2  }
0x1e5: {  	v2 =	vld.idx.msk [tilespmem:v24+s8+$0x0], $0xffff;
	_ =	sdelay $0x4  }
0x1e6: {  	v2 =	vadd.s32 $0x1, v2  }
0x1e7: {  	vm1 =	vlt.s32 v2, $0x800  }
0x1e8: {  	v3 =	vsel vm1, $0x1, v33  }
0x1e9: {  	(xrf0) =	vadd.scan.msk.s32 $0xffff, v3;
	_ =	sdelay $0x4  }
0x1ea: {  	s31 =	spop (v2sf)  }
0x1eb: {  	v4 =	vsel vm1, $0xFFFFFFFF, v33;
	v3, _, _ =	vpop (xrf0);
	s13 =	sadd.s32 s31, s18  }
0x1ec: {  	v6 =	vxor.u32 $0x80000000, v3;
	v3 =	vadd.s32 v4, v3;
	s25 =	sadd.s32 $0x80000000, s13  }
0x1ed: {  	v3 =	vadd.s32 s25, v3;
	_ =	sdelay $0x3  }
0x1ee: {  	v4 =	vnsel vm1, $0x0, v2  }
0x1ef: {  	(xrf0) =	vmax.scan.msk.u32 $0xffff, v6;
	[tilespmem:v3+s16+$0x0] =	vst.idx.msk vm1, v4  }
0x1f0: {  	[tilespmem:$0x4180] =	vst v2;
	v2 =	vld [tilespmem:$0x1FFA0];
	_ =	sdelay $0x4  }
0x1f1: {  	v3 =	vand.u32 $0x3F, v3;
	v4, _, _ =	vpop (xrf0)  }
0x1f2: {  	v3 =	vnsel vm1, $0x0, v3;
	(v2sf) =	vpush v4, $0xF  }
0x1f3: {  	[tilespmem:$0x4580] =	vst v3  }
0x1f4: {  	v2 =	vld.idx.msk [tilespmem:v2+s8+$0x0], $0xffff;
	_ =	sdelay $0x4  }
0x1f5: {  	v3 =	vadd.s32 $0x1, v2  }
0x1f6: {  	vm1 =	vlt.s32 v3, $0x800  }
0x1f7: {  	v4 =	vsel vm1, $0x1, v33  }
0x1f8: {  	(xrf0) =	vadd.scan.msk.s32 $0xffff, v4;
	_ =	sdelay $0x4  }
0x1f9: {  	s14 =	spop (v2sf)  }
0x1fa: {  	s13 =	sadd.s32 s14, s25;
	v4 =	vsel vm1, $0xFFFFFFFF, v33;
	v6, _, _ =	vpop (xrf0)  }
0x1fb: {  	s13 =	sadd.s32 $0x80000000, s13;
	v4 =	vadd.s32 v4, v6  }
0x1fc: {  	v4 =	vadd.s32 s13, v4;
	_ =	sdelay $0x2  }
0x1fd: {  	v2 =	vadd.s32 $0x801, v2  }
0x1fe: {  	v2 =	vnsel vm1, $0x800, v2  }
0x1ff: {  	v6 =	vxor.u32 $0x80000000, v6;
	[tilespmem:v4+s16+$0x0] =	vst.idx.msk vm1, v2;
	v2 =	vand.u32 $0x3F, v4  }
0x200: {  	(xrf0) =	vmax.scan.msk.u32 $0xffff, v6;
	v2 =	vnsel vm1, $0x0, v2  }
0x201: {  	[tilespmem:$0x4590] =	vst v2;
	v2 =	vld [tilespmem:$0x1FFB0];
	_ =	sdelay $0x4  }
0x202: {  	[tilespmem:$0x4190] =	vst v3;
	v3, _, _ =	vpop (xrf0)  }
0x203: {  	(v2sf) =	vpush v3, $0xF;
	_ =	sdelay $0x1  }
0x204: {  	v2 =	vld.idx.msk [tilespmem:v2+s8+$0x0], $0xffff;
	_ =	sdelay $0x4  }
0x205: {  	v3 =	vadd.s32 $0x1, v2  }
0x206: {  	vm1 =	vlt.s32 v3, $0x800  }
0x207: {  	v4 =	vsel vm1, $0x1, v33  }
0x208: {  	(xrf0) =	vadd.scan.msk.s32 $0xffff, v4;
	_ =	sdelay $0x4  }
0x209: {  	s22 =	spop (v2sf)  }
0x20a: {  	v6 =	vsel vm1, $0xFFFFFFFF, v33;
	s14 =	sadd.s32 s22, s13;
	v4, _, _ =	vpop (xrf0)  }
0x20b: {  	s22 =	sadd.s32 $0x80000000, s14;
	v7 =	vxor.u32 $0x80000000, v4;
	v4 =	vadd.s32 v6, v4  }
0x20c: {  	v4 =	vadd.s32 s22, v4;
	_ =	sdelay $0x2  }
0x20d: {  	v2 =	vadd.s32 $0x1001, v2  }
0x20e: {  	v2 =	vnsel vm1, $0x1000, v2  }
0x20f: {  	[tilespmem:v4+s16+$0x0] =	vst.idx.msk vm1, v2;
	v2 =	vand.u32 $0x3F, v4  }
0x210: {  	(xrf0) =	vmax.scan.msk.u32 $0xffff, v7;
	v2 =	vnsel vm1, $0x0, v2  }
0x211: {  	[tilespmem:$0x45A0] =	vst v2;
	v2 =	vld [tilespmem:$0x1FFC0];
	_ =	sdelay $0x4  }
0x212: {  	v4, _, _ =	vpop (xrf0)  }
0x213: {  	(v2sf) =	vpush v4, $0xF  }
0x214: {  	[tilespmem:$0x41A0] =	vst v3  }
0x215: {  	v2 =	vld.idx.msk [tilespmem:v2+s8+$0x0], $0xffff;
	_ =	sdelay $0x4  }
0x216: {  	v3 =	vadd.s32 $0x1, v2  }
0x217: {  	vm1 =	vlt.s32 v3, $0x800  }
0x218: {  	v4 =	vsel vm1, $0x1, v33  }
0x219: {  	(xrf0) =	vadd.scan.msk.s32 $0xffff, v4;
	_ =	sdelay $0x4  }
0x21a: {  	s23 =	spop (v2sf)  }
0x21b: {  	s14 =	sadd.s32 s23, s22;
	v4 =	vsel vm1, $0xFFFFFFFF, v33;
	v6, _, _ =	vpop (xrf0)  }
0x21c: {  	s23 =	sadd.s32 $0x80000000, s14;
	v4 =	vadd.s32 v4, v6;
	v6 =	vxor.u32 $0x80000000, v6  }
0x21d: {  	v4 =	vadd.s32 s23, v4;
	(xrf0) =	vmax.scan.msk.u32 $0xffff, v6;
	_ =	sdelay $0x2  }
0x21e: {  	v2 =	vadd.s32 $0x1801, v2  }
0x21f: {  	v2 =	vnsel vm1, $0x1800, v2  }
0x220: {  	[tilespmem:v4+s16+$0x0] =	vst.idx.msk vm1, v2  }
0x221: {  	v2 =	vand.u32 $0x3F, v4;
	[tilespmem:$0x41B0] =	vst v3;
	v3, _, _ =	vpop (xrf0)  }
0x222: {  	v2 =	vnsel vm1, $0x0, v2;
	(v2sf) =	vpush v3, $0xF  }
0x223: {  	[tilespmem:$0x45B0] =	vst v2  }
0x224: {  	v2 =	vld.idx.msk [tilespmem:v27+s8+$0x0], $0xffff;
	_ =	sdelay $0x4  }
0x225: {  	v2 =	vadd.s32 $0x1, v2  }
0x226: {  	vm1 =	vlt.s32 v2, $0x800  }
0x227: {  	v3 =	vsel vm1, $0x1, v33  }
0x228: {  	(xrf0) =	vadd.scan.msk.s32 $0xffff, v3;
	_ =	sdelay $0x4  }
0x229: {  	s26 =	spop (v2sf)  }
0x22a: {  	v4 =	vsel vm1, $0xFFFFFFFF, v33;
	v3, _, _ =	vpop (xrf0);
	s14 =	sadd.s32 s26, s23  }
0x22b: {  	v6 =	vxor.u32 $0x80000000, v3;
	v3 =	vadd.s32 v4, v3;
	s26 =	sadd.s32 $0x80000000, s14  }
0x22c: {  	v3 =	vadd.s32 s26, v3;
	_ =	sdelay $0x3  }
0x22d: {  	v4 =	vnsel vm1, $0x0, v2  }
0x22e: {  	(xrf0) =	vmax.scan.msk.u32 $0xffff, v6;
	[tilespmem:v3+s16+$0x0] =	vst.idx.msk vm1, v4  }
0x22f: {  	[tilespmem:$0x41C0] =	vst v2;
	v2 =	vld [tilespmem:$0x1FFD0];
	_ =	sdelay $0x4  }
0x230: {  	v3 =	vand.u32 $0x3F, v3;
	v4, _, _ =	vpop (xrf0)  }
0x231: {  	v3 =	vnsel vm1, $0x0, v3;
	(v2sf) =	vpush v4, $0xF  }
0x232: {  	[tilespmem:$0x45C0] =	vst v3  }
0x233: {  	v2 =	vld.idx.msk [tilespmem:v2+s8+$0x0], $0xffff;
	_ =	sdelay $0x4  }
0x234: {  	v3 =	vadd.s32 $0x1, v2  }
0x235: {  	vm1 =	vlt.s32 v3, $0x800  }
0x236: {  	v4 =	vsel vm1, $0x1, v33  }
0x237: {  	(xrf0) =	vadd.scan.msk.s32 $0xffff, v4;
	_ =	sdelay $0x4  }
0x238: {  	s29 =	spop (v2sf)  }
0x239: {  	s14 =	sadd.s32 s29, s26;
	v4 =	vsel vm1, $0xFFFFFFFF, v33;
	v6, _, _ =	vpop (xrf0)  }
0x23a: {  	s28 =	sadd.s32 $0x80000000, s14;
	v4 =	vadd.s32 v4, v6  }
0x23b: {  	v4 =	vadd.s32 s28, v4;
	_ =	sdelay $0x2  }
0x23c: {  	v2 =	vadd.s32 $0x801, v2  }
0x23d: {  	v2 =	vnsel vm1, $0x800, v2  }
0x23e: {  	[tilespmem:v4+s16+$0x0] =	vst.idx.msk vm1, v2;
	v2 =	vand.u32 $0x3F, v4  }
0x23f: {  	v6 =	vxor.u32 $0x80000000, v6;
	v2 =	vnsel vm1, $0x0, v2  }
0x240: {  	(xrf0) =	vmax.scan.msk.u32 $0xffff, v6;
	[tilespmem:$0x45D0] =	vst v2;
	v2 =	vld [tilespmem:$0x1FFE0];
	_ =	sdelay $0x5  }
0x241: {  	[tilespmem:$0x41D0] =	vst v3;
	v3, _, _ =	vpop (xrf0)  }
0x242: {  	(v2sf) =	vpush v3, $0xF  }
0x243: {  	v2 =	vld.idx.msk [tilespmem:v2+s8+$0x0], $0xffff;
	_ =	sdelay $0x4  }
0x244: {  	v3 =	vadd.s32 $0x1, v2  }
0x245: {  	vm1 =	vlt.s32 v3, $0x800  }
0x246: {  	v4 =	vsel vm1, $0x1, v33  }
0x247: {  	(xrf0) =	vadd.scan.msk.s32 $0xffff, v4;
	_ =	sdelay $0x5  }
0x248: {  	s30 =	spop (v2sf);
	v4, _, _ =	vpop (xrf0)  }
0x249: {  	v6 =	vsel vm1, $0xFFFFFFFF, v33;
	s14 =	sadd.s32 s30, s28;
	v7 =	vxor.u32 $0x80000000, v4  }
0x24a: {  	s29 =	sadd.s32 $0x80000000, s14;
	v4 =	vadd.s32 v6, v4;
	(xrf0) =	vmax.scan.msk.u32 $0xffff, v7  }
0x24b: {  	v4 =	vadd.s32 s29, v4;
	_ =	sdelay $0x2  }
0x24c: {  	v2 =	vadd.s32 $0x1001, v2  }
0x24d: {  	v2 =	vnsel vm1, $0x1000, v2  }
0x24e: {  	[tilespmem:v4+s16+$0x0] =	vst.idx.msk vm1, v2;
	v2 =	vand.u32 $0x3F, v4;
	v4, _, _ =	vpop (xrf0)  }
0x24f: {  	v2 =	vnsel vm1, $0x0, v2;
	[tilespmem:$0x41E0] =	vst v3;
	(v2sf) =	vpush v4, $0xF  }
0x250: {  	[tilespmem:$0x45E0] =	vst v2  }
0x251: {  	v2 =	vld.idx.msk [tilespmem:v32+s8+$0x0], $0xffff;
	_ =	sdelay $0x4  }
0x252: {  	v22 =	vadd.s32 $0x1, v2  }
0x253: {  	vm1 =	vlt.s32 v22, $0x800  }
0x254: {  	v3 =	vsel vm1, $0x1, v33  }
0x255: {  	(xrf0) =	vadd.scan.msk.s32 $0xffff, v3;
	_ =	sdelay $0x4  }
0x256: {  	s31 =	spop (v2sf)  }
0x257: {  	v3 =	vsel vm1, $0xFFFFFFFF, v33;
	v4, _, _ =	vpop (xrf0);
	s14 =	sadd.s32 s31, s29  }
0x258: {  	v3 =	vadd.s32 v3, v4;
	s30 =	sadd.s32 $0x80000000, s14  }
0x259: {  	v20 =	vadd.s32 s30, v3;
	_ =	sdelay $0x2  }
0x25a: {  	v2 =	vadd.s32 $0x1801, v2  }
0x25b: {  	v2 =	vnsel vm1, $0x1800, v2  }
0x25c: {  	[tilespmem:v20+s16+$0x0] =	vst.idx.msk vm1, v2  }
0x25d: {  	v34 =	vld [tilespmem:$0x4680]  }
0x25e: {  	v35 =	vld [tilespmem:$0x4690]  }
0x25f: {  	v36 =	vld [tilespmem:$0x46A0]  }
0x260: {  	v37 =	vld [tilespmem:$0x46B0]  }
0x261: {  	v38 =	vld [tilespmem:$0x46C0]  }
0x262: {  	v39 =	vld [tilespmem:$0x46D0]  }
0x263: {  	v40 =	vld [tilespmem:$0x46E0]  }
0x264: {  	v41 =	vld [tilespmem:$0x46F0]  }
0x265: {  	v42 =	vld [tilespmem:$0x4700]  }
0x266: {  	v43 =	vld [tilespmem:$0x4710]  }
0x267: {  	v44 =	vld [tilespmem:$0x4720]  }
0x268: {  	v45 =	vld [tilespmem:$0x4730]  }
0x269: {  	v46 =	vld [tilespmem:$0x4740]  }
0x26a: {  	v47 =	vld [tilespmem:$0x4750]  }
0x26b: {  	v48 =	vld [tilespmem:$0x4760]  }
0x26c: {  	v49 =	vld [tilespmem:$0x4770]  }
0x26d: {  	v50 =	vld [tilespmem:$0x4780]  }
0x26e: {  	v51 =	vld [tilespmem:$0x4790]  }
0x26f: {  	v2 =	vxor.u32 $0x80000000, v4;
	v52 =	vld [tilespmem:$0x47A0]  }
0x270: {  	(xrf0) =	vmax.scan.msk.u32 $0xffff, v2;
	v53 =	vld [tilespmem:$0x47B0]  }
0x271: {  	v54 =	vld [tilespmem:$0x47C0]  }
0x272: {  	v55 =	vld [tilespmem:$0x47D0]  }
0x273: {  	v56 =	vld [tilespmem:$0x47E0]  }
0x274: {  	v57 =	vld [tilespmem:$0x47F0]  }
0x275: {  	v58 =	vld [tilespmem:$0x4800]  }
0x276: {  	v59 =	vld [tilespmem:$0x4810];
	v2, _, _ =	vpop (xrf0)  }
0x277: {  	v60 =	vld [tilespmem:$0x4820];
	(v2sf) =	vpush v2, $0xF  }
0x278: {  	v61 =	vld [tilespmem:$0x4830]  }
0x279: {  	v62 =	vld [tilespmem:$0x4840]  }
0x27a: {  	v63 =	vld [tilespmem:$0x4850]  }
0x27b: {  	v4 =	vmov s4;
	v3 =	vld [tilespmem:$0x4870]  }
0x27c: {  	v6 =	vsel vm15, s0, v4;
	v4 =	vld [tilespmem:$0x4880]  }
0x27d: {  	v25 =	vand.u32 $0x3F, v20;
	v20 =	vld [tilespmem:$0x4940];
	v7 =	vsel vm14, s6, v6  }
0x27e: {  	v25 =	vnsel vm1, $0x0, v25;
	[tilespmem:$0x41F0] =	vst v22;
	v22 =	vld [tilespmem:$0x4950];
	v8 =	vnsel vm2, s9, v7  }
0x27f: {  	[tilespmem:$0x45F0] =	vst v25;
	v25 =	vld [tilespmem:$0x4970];
	v10 =	vnsel vm3, s10, v8  }
0x280: {  	v6 =	vld [tilespmem:$0x4890];
	v11 =	vnsel vm4, s15, v10  }
0x281: {  	v7 =	vld [tilespmem:$0x48A0];
	v12 =	vnsel vm5, s18, v11  }
0x282: {  	v8 =	vld [tilespmem:$0x48B0];
	v14 =	vnsel vm6, s25, v12  }
0x283: {  	v10 =	vld [tilespmem:$0x48C0];
	v15 =	vnsel vm7, s13, v14  }
0x284: {  	v11 =	vld [tilespmem:$0x48D0];
	v16 =	vnsel vm8, s22, v15  }
0x285: {  	v12 =	vld [tilespmem:$0x48E0];
	v18 =	vnsel vm9, s23, v16  }
0x286: {  	v2 =	vld [tilespmem:$0x4860];
	v19 =	vnsel vm10, s26, v18;
	s18 =	spop (v2sf)  }
0x287: {  	s31 =	simm.s32 $0x16980;
	v14 =	vld [tilespmem:$0x48F0];
	v23 =	vnsel vm11, s28, v19;
	s0 =	sadd.s32 s18, s30  }
0x288: {  	s4 =	simm.s32 $0x1;
	s9 =	simm.s32 $0x0;
	v15 =	vld [tilespmem:$0x4900];
	v23 =	vnsel vm12, s29, v23;
	s22 =	sadd.s32 $0x8000000F, s0  }
0x289: {  	vm1 =	veq.s32 v0, $0xF;
	v16 =	vld [tilespmem:$0x4910];
	v23 =	vnsel vm13, s30, v23;
	s30 =	rddreg [dreg:$0x7];
	s0 =	sadd.s32 $0x80000000, s0;
	s23 =	sand.u32 $0xF, s22  }
0x28a: {  	v18 =	vld [tilespmem:$0x4920];
	s25 =	sshra.s32 s22, $0x1F;
	p0 =	slt.s32 s22, $0x1;
	v26 =	vsel vm1, s0, v23;
	p1 =	sne.s32 s23, $0x0  }
.Ltmp2:
0x28b: {  	v19 =	vld [tilespmem:$0x4930];
	s26 =	sshrl.u32 s25, $0x1C;
	[tilespmem:$0x4610] =	vst v26;
	p0 =	por !p0, !p1;
	(pc) =	sbr.rel .LBB2_2-.Ltmp2, $4  }
0x28c: {  	v23 =	vld [tilespmem:$0x4960];
	[tilespmem:s31], [sflag:$0x2] =	stream.linear.gather [hbm4b:s30+s8], $0x3000, $0x38  }
0x28d: {  	s10 =	simm.s32 $0x0;
	s29 =	sadd.s32 s26, s22;
	p0 =	por !p0, !p0  }
0x28e: {  	s28 =	simm.s32 $0x0;
	s0 =	sshra.s32 s29, $0x4;
	s4 =	simm.s32 @!p0 $0x0  }
0x28f: {  	s26 =	simm.s32 $0x0;
	s6 =	ssub.s32 s0, s4;
	s0 =	simm.s32 $0x0  }
.LBB2_17:
0x290: {  	s9 =	sshll.u32 s30, $0xC;
	s10 =	sshll.u32 s31, $0x4  }
0x291: {  	s9 =	sadd.s32 s10, s9  }
0x292: {  	s9 =	sadd.s32 s1, s9  }
0x293: {  	s28 =	sadd.s32 $0x1, s28;
	s9 =	sshrl.u32 s9, $0x3  }
0x294: {  	p0 =	sne.s32 s28, $0x20;
	s9 =	smul.u32 $0x300, s9  }
.Ltmp3:
0x295: {  	_ = 	snop;
	(pc) =	sbr.rel @!p0 .LBB2_18-.Ltmp3, $4  }
0x296: {  	_ = 	snop  }
0x297: {  	s31 =	sor.u32 $0x4, s29;
	s9 =	sadd.s32 s7, s9  }
0x298: {  	[hbm4b:s9+s8] =	stream.linear.scatter [tilespmem:s15], [sflag:s31], $0x3000, $0x38;
	[tilespmem:$0x1C980] =	vst v63  }
0x299: {  	s26 =	sadd.s32 $0x10, s26;
	s10 =	smov.u32 s25;
	s9 =	smov.u32 s4  }
.LBB2_2:
0x29a: {  	s30 =	sand.u32 $0x3, s28;
	p0 =	sgt.u32 s28, $0x1B  }
0x29b: {  	p1 =	sne.s32 @!p0 s30, $0x0  }
0x29c: {  	s31 =	sshrl.u32 s28, $0x2;
	s29 =	sand.u32 $0x1, s28;
	p0 =	por p1, p0  }
0x29d: {  	s15 =	sand.u32 $0x1, s31;
	p1 =	slt.u32 s28, $0x2;
	s4 =	sshll.u32 @!p0 s31, $0x4  }
0x29e: {  	s13 =	sxor.u32 @!p0 $0x1, s15;
	s14 =	sor.u32 @!p1 $0x4, s29;
	s4 =	sadd.s32 @!p0 s4, s2  }
0x29f: {  	v26 =	vmov s28;
	s18 =	smul.u32 @!p0 $0xC000, s13;
	_ =	swait.ge @!p1 [sflag:s14], $0x3000;
	s4 =	sshrl.u32 @!p0 s4, $0x3  }
0x2a0: {  	[sflag:s14] =	ssyncset.done @!p1 $0x0;
	s4 =	smul.u32 @!p0 $0x300, s4  }
0x2a1: {  	s13 =	sor.u32 @!p0 $0x2, s13;
	s18 =	sshrl.u32 @!p0 s18, $0x2;
	[sflag:s14] =	ssyncadd.s32 @!p1 $0xFFFFD000  }
0x2a2: {  	s14 =	sadd.s32 @!p0 $0x16980, s18;
	s18 =	simm.s32 @!p0 $0x0;
	s4 =	sadd.s32 @!p0 s5, s4  }
0x2a3: {  	[tilespmem:s14], [sflag:s13] =	stream.linear.gather @!p0 [hbm4b:s4+s18], $0x3000, $0x38;
	[tilespmem:$0x1C980] =	vst v63  }
0x2a4: {  	v26 =	vld.idx.msk [tilespmem:v26+s19+$0x0], $0xffff;
	_ =	sdelay $0x4  }
0x2a5: {  	v26 =	vxor.u32 $0x80000000, v26  }
0x2a6: {  	(xrf0) =	vmax.scan.msk.u32 $0xffff, v26;
	_ =	sdelay $0x5  }
0x2a7: {  	v26, _, _ =	vpop (xrf0)  }
0x2a8: {  	(v2sf) =	vpush v26, $0xF  }
0x2a9: {  	s18 =	sand.u32 $0xF, s0  }
0x2aa: {  	s22 =	sshra.s32 s0, $0x1F;
	p5 =	slt.s32 s0, $0x1;
	p6 =	sne.s32 s18, $0x0  }
0x2ab: {  	s23 =	sshrl.u32 s22, $0x1C;
	p0 =	por !p5, !p6  }
0x2ac: {  	s25 =	sadd.s32 s23, s0;
	s4 =	simm.s32 $0x1;
	p0 =	por !p0, !p0  }
0x2ad: {  	s0 =	sshra.s32 s25, $0x4;
	s4 =	simm.s32 @!p0 $0x0  }
0x2ae: {  	s0 =	ssub.s32 s0, s4  }
0x2af: {  	s0 =	sadd.s32 $0x4, s0  }
0x2b0: {  	s25 =	smov.u32 s6;
	p0 =	slt.s32 s0, s6  }
0x2b1: {  	s25 =	smov.u32 @p0 s0  }
0x2b2: {  	p0 =	sge.s32 s10, s25  }
.Ltmp4:
0x2b3: {  	_ = 	snop;
	(pc) =	sbr.rel @p0 .LBB2_6-.Ltmp4, $2  }
0x2b4: {  	_ =	sdelay $0x2  }
0x2b5: {  	s0 =	spop (v2sf)  }
0x2b6: {  	s4 =	sshll.u32 s10, $0x6  }
0x2b7: {  	s4 =	sshra.s32 s4, $0x2  }
0x2b8: {  	s13 =	sadd.s32 $0x4200, s4  }
0x2b9: {  	v26 =	vld [tilespmem:s13+$0x0];
	_ =	sdelay $0x4  }
0x2ba: {  	v28 =	vshrl.u32 v26, $0x3  }
0x2bb: {  	v28 =	vmul.u32 $0x30, v28  }
0x2bc: {  	s14 =	sshra.s32 s10, $0x1F;
	v26 =	vand.u32 $0x7, v26  }
0x2bd: {  	s4 =	sshrl.u32 s14, $0x1E;
	v30 =	vor.u32 v26, v28;
	v26 =	vand.u32 $0x7, v0;
	v28 =	vshrl.u32 v0, $0x3  }
0x2be: {  	s4 =	sadd.s32 s4, s10;
	v29 =	vperm.xlane v30, v26;
	v28 =	vmul.u32 $0x8, v28  }
0x2bf: {  	s4 =	sand.u32 $0x3FFFC, s4  }
0x2c0: {  	s4 =	ssub.s32 s10, s4;
	v31 =	vadd.s32 v28, v29  }
0x2c1: {  	s4 =	smul.u32 $0xC000, s4;
	_ =	sdelay $0x1  }
0x2c2: {  	s14 =	sshra.s32 s4, $0x2;
	v29 =	vor.u32 $0x8, v0  }
0x2c3: {  	vm1 =	vmmov $0xffff;
	s4 =	sadd.s32 $0x4980, s14;
	v30 =	vperm.xlane v30, v29  }
0x2c4: {  	[tilespmem:s4], [sflag:$0x1] =	stream.indirect_vreg.gather [hbm4b:s3+s8], $0x80, v31, vm1, $0xb8;
	[tilespmem:$0x1C980] =	vst v63  }
0x2c5: {  	s18 =	sadd.s32 $0x5180, s14;
	v30 =	vadd.s32 v28, v30;
	s4 =	sadd.s32 $0x1, s10  }
0x2c6: {  	[tilespmem:s18], [sflag:$0x1] =	stream.indirect_vreg.gather [hbm4b:s11+s8], $0x80, v31, vm1, $0xb8;
	[tilespmem:$0x1C980] =	vst v63  }
0x2c7: {  	s22 =	sadd.s32 $0x5980, s14;
	p0 =	sne.s32 s25, s4  }
0x2c8: {  	[tilespmem:s22], [sflag:$0x1] =	stream.indirect_vreg.gather [hbm4b:s12+s8], $0x80, v31, vm1, $0xb8;
	[tilespmem:$0x1C980] =	vst v63  }
.Ltmp5:
0x2c9: {  	s23 =	sadd.s32 $0x6180, s14;
	(pc) =	sbr.rel @!p0 .LBB2_5-.Ltmp5, $4  }
0x2ca: {  	[tilespmem:s23], [sflag:$0x1] =	stream.indirect_vreg.gather [hbm4b:s3+s8], $0x80, v30, vm1, $0xb8;
	[tilespmem:$0x1C980] =	vst v63  }
0x2cb: {  	s18 =	sadd.s32 $0x6980, s14  }
0x2cc: {  	[tilespmem:s18], [sflag:$0x1] =	stream.indirect_vreg.gather [hbm4b:s11+s8], $0x80, v30, vm1, $0xb8;
	[tilespmem:$0x1C980] =	vst v63  }
0x2cd: {  	s13 =	sadd.s32 $0x10, s13;
	s18 =	sadd.s32 $0x7180, s14  }
.LBB2_4:
0x2ce: {  	[tilespmem:s18], [sflag:$0x1] =	stream.indirect_vreg.gather [hbm4b:s12+s8], $0x80, v30, vm1, $0xb8;
	[tilespmem:$0x1C980] =	vst v63  }
0x2cf: {  	s14 =	smov.u32 s4;
	s4 =	sadd.s32 $0x1, s4;
	v30 =	vld [tilespmem:s13+$0x0]  }
0x2d0: {  	p0 =	sne.s32 s25, s4;
	_ =	sdelay $0x3  }
0x2d1: {  	v31 =	vshrl.u32 v30, $0x3  }
0x2d2: {  	v31 =	vmul.u32 $0x30, v31  }
0x2d3: {  	s18 =	sshra.s32 s14, $0x1F;
	v30 =	vand.u32 $0x7, v30  }
0x2d4: {  	s18 =	sshrl.u32 s18, $0x1E;
	v30 =	vor.u32 v30, v31  }
0x2d5: {  	s18 =	sadd.s32 s18, s14;
	v31 =	vperm.xlane v30, v26;
	v30 =	vperm.xlane v30, v29  }
0x2d6: {  	s18 =	sand.u32 $0x3FFFC, s18  }
0x2d7: {  	s14 =	ssub.s32 s14, s18;
	v31 =	vadd.s32 v28, v31  }
0x2d8: {  	s14 =	smul.u32 $0xC000, s14;
	_ =	sdelay $0x1  }
0x2d9: {  	s14 =	sshra.s32 s14, $0x2  }
0x2da: {  	s18 =	sadd.s32 $0x4980, s14  }
0x2db: {  	[tilespmem:s18], [sflag:$0x1] =	stream.indirect_vreg.gather [hbm4b:s3+s8], $0x80, v31, vm1, $0xb8;
	[tilespmem:$0x1C980] =	vst v63  }
0x2dc: {  	v30 =	vadd.s32 v28, v30;
	s18 =	sadd.s32 $0x5180, s14  }
0x2dd: {  	[tilespmem:s18], [sflag:$0x1] =	stream.indirect_vreg.gather [hbm4b:s11+s8], $0x80, v31, vm1, $0xb8;
	[tilespmem:$0x1C980] =	vst v63  }
0x2de: {  	s18 =	sadd.s32 $0x5980, s14  }
0x2df: {  	[tilespmem:s18], [sflag:$0x1] =	stream.indirect_vreg.gather [hbm4b:s12+s8], $0x80, v31, vm1, $0xb8;
	[tilespmem:$0x1C980] =	vst v63  }
.Ltmp6:
0x2e0: {  	s18 =	sadd.s32 $0x6180, s14;
	(pc) =	sbr.rel @p0 .LBB2_4-.Ltmp6, $4  }
0x2e1: {  	[tilespmem:s18], [sflag:$0x1] =	stream.indirect_vreg.gather [hbm4b:s3+s8], $0x80, v30, vm1, $0xb8;
	[tilespmem:$0x1C980] =	vst v63  }
0x2e2: {  	s18 =	sadd.s32 $0x6980, s14  }
0x2e3: {  	[tilespmem:s18], [sflag:$0x1] =	stream.indirect_vreg.gather [hbm4b:s11+s8], $0x80, v30, vm1, $0xb8;
	[tilespmem:$0x1C980] =	vst v63  }
0x2e4: {  	s13 =	sadd.s32 $0x10, s13;
	s18 =	sadd.s32 $0x7180, s14  }
.LBB2_5:
0x2e5: {  	_ =	sdelay $0x3  }
0x2e6: {  	[tilespmem:s18], [sflag:$0x1] =	stream.indirect_vreg.gather [hbm4b:s12+s8], $0x80, v30, vm1, $0xb8;
	[tilespmem:$0x1C980] =	vst v63  }
.LBB2_6:
0x2e7: {  	s4 =	sadd.s32 $0x8000000F, s0  }
0x2e8: {  	s13 =	sand.u32 $0xF, s4  }
0x2e9: {  	s14 =	sshra.s32 s4, $0x1F;
	p0 =	slt.s32 s4, $0x1;
	p1 =	sne.s32 s13, $0x0  }
0x2ea: {  	s23 =	sshrl.u32 s14, $0x1C;
	p0 =	por !p0, !p1  }
0x2eb: {  	s14 =	simm.s32 $0x1;
	s4 =	sadd.s32 s23, s4;
	p0 =	por !p0, !p0  }
0x2ec: {  	s13 =	sshra.s32 s4, $0x4;
	s14 =	simm.s32 @!p0 $0x0  }
0x2ed: {  	s4 =	ssub.s32 s13, s14  }
0x2ee: {  	p1 =	sge.s32 s9, s4  }
.Ltmp7:
0x2ef: {  	_ = 	snop;
	(pc) =	sbr.rel @p1 .LBB2_10-.Ltmp7, $1  }
0x2f0: {  	_ =	sdelay $0x3  }
0x2f1: {  	s14 =	simm.s32 $0xFFFFFFFF  }
0x2f2: {  	s14 =	simm.s32 @!p0 $0x0  }
0x2f3: {  	s13 =	sadd.s32 s14, s13  }
0x2f4: {  	s13 =	ssub.s32 s13, s9  }
0x2f5: {  	p0 =	sne.s32 s13, $0x1  }
.Ltmp8:
0x2f6: {  	_ = 	snop;
	(pc) =	sbr.rel @!p0 .LBB2_9-.Ltmp8, $3  }
0x2f7: {  	_ =	sdelay $0x1  }
0x2f8: {  	_ =	swait.ge [sflag:s17], $0x3000  }
0x2f9: {  	[sflag:s17] =	ssyncset.done $0x0;
	s13 =	sadd.s32 $0xFFFFFFFF, s13  }
.LBB2_8:
0x2fa: {  	p0 =	sne.s32 s13, $0x1;
	s13 =	sadd.s32 $0xFFFFFFFF, s13;
	[sflag:s17] =	ssyncadd.s32 $0xFFFFD000  }
.Ltmp9:
0x2fb: {  	(pc) =	sbr.rel @p0 .LBB2_8-.Ltmp9, $3  }
0x2fc: {  	_ =	sdelay $0x1  }
0x2fd: {  	_ =	swait.ge [sflag:s17], $0x3000  }
0x2fe: {  	[sflag:s17] =	ssyncset.done $0x0  }
.LBB2_9:
0x2ff: {  	[sflag:s17] =	ssyncadd.s32 $0xFFFFD000  }
.LBB2_10:
0x300: {  	s13 =	smul.u32 $0xC000, s15  }
0x301: {  	p0 =	sgt.s32 s10, s25;
	p1 =	sgt.s32 s9, s4;
	s23 =	smul.u32 $0xC000, s29  }
.Ltmp10:
0x302: {  	s25 =	smov.u32 @p0 s10;
	p0 =	sne.s32 s30, $0x0;
	(pc) =	sbr.rel .LBB2_11-.Ltmp10, $4  }
0x303: {  	s0 =	sxor.u32 $0x80000000, s0;
	s4 =	smov.u32 @p1 s9;
	s10 =	sor.u32 @!p0 $0x2, s15  }
0x304: {  	s13 =	sshrl.u32 s13, $0x2;
	s9 =	sshrl.u32 s23, $0x2;
	_ =	swait.ge @!p0 [sflag:s10], $0x3000  }
0x305: {  	s18 =	sadd.s32 $0x16980, s13;
	s15 =	sor.u32 $0x10980, s9;
	[sflag:s10] =	ssyncset.done @!p0 $0x0  }
0x306: {  	s9 =	simm.s32 $0x0;
	[sflag:s10] =	ssyncadd.s32 @!p0 $0xFFFFD000;
	s10 =	simm.s32 $0x0  }
.LBB2_14:
0x307: {  	s13 =	sshrl.u32 s10, $0x3  }
0x308: {  	s14 =	smul.u32 $0x1800, s13;
	_ =	sdelay $0x1  }
0x309: {  	s22 =	sand.u32 $0x380, s9;
	s13 =	sadd.s32 s14, s18  }
0x30a: {  	s13 =	sadd.s32 s22, s13  }
0x30b: {  	v26 =	vld [tilespmem:s13+$0x0];
	_ =	sdelay $0x4  }
0x30c: {  	s14 =	sadd.s32 s14, s15;
	v26 =	vadd.f32 v26, v34  }
0x30d: {  	s22 =	sadd.s32 s22, s14  }
0x30e: {  	[tilespmem:s22+$0x0] =	vst v26  }
0x30f: {  	v26 =	vld [tilespmem:s13+$0x10];
	_ =	sdelay $0x4  }
0x310: {  	v26 =	vadd.f32 v26, v35;
	_ =	sdelay $0x1  }
0x311: {  	[tilespmem:s22+$0x10] =	vst v26  }
0x312: {  	v26 =	vld [tilespmem:s13+$0x20];
	_ =	sdelay $0x4  }
0x313: {  	v26 =	vadd.f32 v26, v36;
	_ =	sdelay $0x1  }
0x314: {  	[tilespmem:s22+$0x20] =	vst v26  }
0x315: {  	v26 =	vld [tilespmem:s13+$0x30];
	_ =	sdelay $0x4  }
0x316: {  	v26 =	vadd.f32 v26, v37;
	_ =	sdelay $0x1  }
0x317: {  	[tilespmem:s22+$0x30] =	vst v26  }
0x318: {  	v26 =	vld [tilespmem:s13+$0x40];
	_ =	sdelay $0x4  }
0x319: {  	v26 =	vadd.f32 v26, v38;
	_ =	sdelay $0x1  }
0x31a: {  	[tilespmem:s22+$0x40] =	vst v26  }
0x31b: {  	v26 =	vld [tilespmem:s13+$0x50];
	_ =	sdelay $0x4  }
0x31c: {  	v26 =	vadd.f32 v26, v39;
	_ =	sdelay $0x1  }
0x31d: {  	[tilespmem:s22+$0x50] =	vst v26  }
0x31e: {  	v26 =	vld [tilespmem:s13+$0x60];
	_ =	sdelay $0x4  }
0x31f: {  	v26 =	vadd.f32 v26, v40;
	_ =	sdelay $0x1  }
0x320: {  	[tilespmem:s22+$0x60] =	vst v26  }
0x321: {  	v26 =	vld [tilespmem:s13+$0x70];
	_ =	sdelay $0x4  }
0x322: {  	v26 =	vadd.f32 v26, v41;
	_ =	sdelay $0x1  }
0x323: {  	[tilespmem:s22+$0x70] =	vst v26  }
0x324: {  	v26 =	vld [tilespmem:s13+$0x400];
	_ =	sdelay $0x4  }
0x325: {  	v26 =	vadd.f32 v26, v42;
	_ =	sdelay $0x1  }
0x326: {  	[tilespmem:s22+$0x400] =	vst v26  }
0x327: {  	v26 =	vld [tilespmem:s13+$0x410];
	_ =	sdelay $0x4  }
0x328: {  	v26 =	vadd.f32 v26, v43;
	_ =	sdelay $0x1  }
0x329: {  	[tilespmem:s22+$0x410] =	vst v26  }
0x32a: {  	v26 =	vld [tilespmem:s13+$0x420];
	_ =	sdelay $0x4  }
0x32b: {  	v26 =	vadd.f32 v26, v44;
	_ =	sdelay $0x1  }
0x32c: {  	[tilespmem:s22+$0x420] =	vst v26  }
0x32d: {  	v26 =	vld [tilespmem:s13+$0x430];
	_ =	sdelay $0x4  }
0x32e: {  	v26 =	vadd.f32 v26, v45;
	_ =	sdelay $0x1  }
0x32f: {  	[tilespmem:s22+$0x430] =	vst v26  }
0x330: {  	v26 =	vld [tilespmem:s13+$0x440];
	_ =	sdelay $0x4  }
0x331: {  	v26 =	vadd.f32 v26, v46;
	_ =	sdelay $0x1  }
0x332: {  	[tilespmem:s22+$0x440] =	vst v26  }
0x333: {  	v26 =	vld [tilespmem:s13+$0x450];
	_ =	sdelay $0x4  }
0x334: {  	v26 =	vadd.f32 v26, v47;
	_ =	sdelay $0x1  }
0x335: {  	[tilespmem:s22+$0x450] =	vst v26  }
0x336: {  	v26 =	vld [tilespmem:s13+$0x460];
	_ =	sdelay $0x4  }
0x337: {  	v26 =	vadd.f32 v26, v48;
	_ =	sdelay $0x1  }
0x338: {  	[tilespmem:s22+$0x460] =	vst v26  }
0x339: {  	v26 =	vld [tilespmem:s13+$0x470];
	_ =	sdelay $0x4  }
0x33a: {  	v26 =	vadd.f32 v26, v49;
	_ =	sdelay $0x1  }
0x33b: {  	[tilespmem:s22+$0x470] =	vst v26  }
0x33c: {  	v26 =	vld [tilespmem:s13+$0x800];
	_ =	sdelay $0x4  }
0x33d: {  	v26 =	vadd.f32 v26, v50;
	_ =	sdelay $0x1  }
0x33e: {  	[tilespmem:s22+$0x800] =	vst v26  }
0x33f: {  	v26 =	vld [tilespmem:s13+$0x810];
	_ =	sdelay $0x4  }
0x340: {  	v26 =	vadd.f32 v26, v51;
	_ =	sdelay $0x1  }
0x341: {  	[tilespmem:s22+$0x810] =	vst v26  }
0x342: {  	v26 =	vld [tilespmem:s13+$0x820];
	_ =	sdelay $0x4  }
0x343: {  	v26 =	vadd.f32 v26, v52;
	_ =	sdelay $0x1  }
0x344: {  	[tilespmem:s22+$0x820] =	vst v26  }
0x345: {  	v26 =	vld [tilespmem:s13+$0x830];
	_ =	sdelay $0x4  }
0x346: {  	v26 =	vadd.f32 v26, v53;
	_ =	sdelay $0x1  }
0x347: {  	[tilespmem:s22+$0x830] =	vst v26  }
0x348: {  	v26 =	vld [tilespmem:s13+$0x840];
	_ =	sdelay $0x4  }
0x349: {  	v26 =	vadd.f32 v26, v54;
	_ =	sdelay $0x1  }
0x34a: {  	[tilespmem:s22+$0x840] =	vst v26  }
0x34b: {  	v26 =	vld [tilespmem:s13+$0x850];
	_ =	sdelay $0x4  }
0x34c: {  	v26 =	vadd.f32 v26, v55;
	_ =	sdelay $0x1  }
0x34d: {  	[tilespmem:s22+$0x850] =	vst v26  }
0x34e: {  	v26 =	vld [tilespmem:s13+$0x860];
	_ =	sdelay $0x4  }
0x34f: {  	v26 =	vadd.f32 v26, v56;
	_ =	sdelay $0x1  }
0x350: {  	[tilespmem:s22+$0x860] =	vst v26  }
0x351: {  	v26 =	vld [tilespmem:s13+$0x870];
	_ =	sdelay $0x4  }
0x352: {  	v26 =	vadd.f32 v26, v57;
	_ =	sdelay $0x1  }
0x353: {  	[tilespmem:s22+$0x870] =	vst v26  }
0x354: {  	v26 =	vld [tilespmem:s13+$0xC00];
	_ =	sdelay $0x4  }
0x355: {  	v26 =	vadd.f32 v26, v58;
	_ =	sdelay $0x1  }
0x356: {  	[tilespmem:s22+$0xC00] =	vst v26  }
0x357: {  	v26 =	vld [tilespmem:s13+$0xC10];
	_ =	sdelay $0x4  }
0x358: {  	v26 =	vadd.f32 v26, v59;
	_ =	sdelay $0x1  }
0x359: {  	[tilespmem:s22+$0xC10] =	vst v26  }
0x35a: {  	v26 =	vld [tilespmem:s13+$0xC20];
	_ =	sdelay $0x4  }
0x35b: {  	v26 =	vadd.f32 v26, v60;
	_ =	sdelay $0x1  }
0x35c: {  	[tilespmem:s22+$0xC20] =	vst v26  }
0x35d: {  	v26 =	vld [tilespmem:s13+$0xC30];
	_ =	sdelay $0x4  }
0x35e: {  	v26 =	vadd.f32 v26, v61;
	_ =	sdelay $0x1  }
0x35f: {  	[tilespmem:s22+$0xC30] =	vst v26  }
0x360: {  	v26 =	vld [tilespmem:s13+$0xC40];
	_ =	sdelay $0x4  }
0x361: {  	v26 =	vadd.f32 v26, v62;
	_ =	sdelay $0x1  }
0x362: {  	[tilespmem:s22+$0xC40] =	vst v26  }
0x363: {  	v26 =	vld [tilespmem:s13+$0xC50];
	_ =	sdelay $0x4  }
0x364: {  	v26 =	vadd.f32 v26, v63;
	_ =	sdelay $0x1  }
0x365: {  	[tilespmem:s22+$0xC50] =	vst v26  }
0x366: {  	v26 =	vld [tilespmem:s13+$0xC60];
	_ =	sdelay $0x4  }
0x367: {  	v26 =	vadd.f32 v26, v2;
	_ =	sdelay $0x1  }
0x368: {  	[tilespmem:s22+$0xC60] =	vst v26  }
0x369: {  	v26 =	vld [tilespmem:s13+$0xC70];
	_ =	sdelay $0x4  }
0x36a: {  	v26 =	vadd.f32 v26, v3;
	_ =	sdelay $0x1  }
0x36b: {  	[tilespmem:s22+$0xC70] =	vst v26  }
0x36c: {  	v26 =	vld [tilespmem:s13+$0x1000];
	_ =	sdelay $0x4  }
0x36d: {  	v26 =	vadd.f32 v26, v4;
	_ =	sdelay $0x1  }
0x36e: {  	[tilespmem:s22+$0x1000] =	vst v26  }
0x36f: {  	v26 =	vld [tilespmem:s13+$0x1010];
	_ =	sdelay $0x4  }
0x370: {  	v26 =	vadd.f32 v26, v6;
	_ =	sdelay $0x1  }
0x371: {  	[tilespmem:s22+$0x1010] =	vst v26  }
0x372: {  	v26 =	vld [tilespmem:s13+$0x1020];
	_ =	sdelay $0x4  }
0x373: {  	v26 =	vadd.f32 v26, v7;
	_ =	sdelay $0x1  }
0x374: {  	[tilespmem:s22+$0x1020] =	vst v26  }
0x375: {  	v26 =	vld [tilespmem:s13+$0x1030];
	_ =	sdelay $0x4  }
0x376: {  	v26 =	vadd.f32 v26, v8;
	_ =	sdelay $0x1  }
0x377: {  	[tilespmem:s22+$0x1030] =	vst v26  }
0x378: {  	v26 =	vld [tilespmem:s13+$0x1040];
	_ =	sdelay $0x4  }
0x379: {  	v26 =	vadd.f32 v26, v10;
	_ =	sdelay $0x1  }
0x37a: {  	[tilespmem:s22+$0x1040] =	vst v26  }
0x37b: {  	v26 =	vld [tilespmem:s13+$0x1050];
	_ =	sdelay $0x4  }
0x37c: {  	v26 =	vadd.f32 v26, v11;
	_ =	sdelay $0x1  }
0x37d: {  	[tilespmem:s22+$0x1050] =	vst v26  }
0x37e: {  	v26 =	vld [tilespmem:s13+$0x1060];
	_ =	sdelay $0x4  }
0x37f: {  	v26 =	vadd.f32 v26, v12;
	_ =	sdelay $0x1  }
0x380: {  	[tilespmem:s22+$0x1060] =	vst v26  }
0x381: {  	v26 =	vld [tilespmem:s13+$0x1070];
	_ =	sdelay $0x4  }
0x382: {  	v26 =	vadd.f32 v26, v14;
	_ =	sdelay $0x1  }
0x383: {  	[tilespmem:s22+$0x1070] =	vst v26  }
0x384: {  	v26 =	vld [tilespmem:s13+$0x1400];
	_ =	sdelay $0x4  }
0x385: {  	v26 =	vadd.f32 v26, v15;
	_ =	sdelay $0x1  }
0x386: {  	[tilespmem:s22+$0x1400] =	vst v26  }
0x387: {  	v26 =	vld [tilespmem:s13+$0x1410];
	_ =	sdelay $0x4  }
0x388: {  	v26 =	vadd.f32 v26, v16;
	_ =	sdelay $0x1  }
0x389: {  	[tilespmem:s22+$0x1410] =	vst v26  }
0x38a: {  	v26 =	vld [tilespmem:s13+$0x1420];
	_ =	sdelay $0x4  }
0x38b: {  	v26 =	vadd.f32 v26, v18;
	_ =	sdelay $0x1  }
0x38c: {  	[tilespmem:s22+$0x1420] =	vst v26  }
0x38d: {  	v26 =	vld [tilespmem:s13+$0x1430];
	_ =	sdelay $0x4  }
0x38e: {  	v26 =	vadd.f32 v26, v19;
	_ =	sdelay $0x1  }
0x38f: {  	[tilespmem:s22+$0x1430] =	vst v26  }
0x390: {  	v26 =	vld [tilespmem:s13+$0x1440];
	_ =	sdelay $0x4  }
0x391: {  	v26 =	vadd.f32 v26, v20;
	_ =	sdelay $0x1  }
0x392: {  	[tilespmem:s22+$0x1440] =	vst v26  }
0x393: {  	v26 =	vld [tilespmem:s13+$0x1450];
	_ =	sdelay $0x4  }
0x394: {  	v26 =	vadd.f32 v26, v22;
	_ =	sdelay $0x1  }
0x395: {  	[tilespmem:s22+$0x1450] =	vst v26  }
0x396: {  	v26 =	vld [tilespmem:s13+$0x1460];
	_ =	sdelay $0x4  }
0x397: {  	v26 =	vadd.f32 v26, v23;
	_ =	sdelay $0x3  }
0x398: {  	s14 =	sadd.s32 $0x1400, s13;
	s23 =	sadd.s32 $0x1400, s22;
	[tilespmem:s22+$0x1460] =	vst v26;
	v26 =	vmov v25  }
.LBB2_15:
0x399: {  	v28 =	vld [tilespmem:s14+$0x70];
	_ =	sdelay $0x4  }
0x39a: {  	v26 =	vadd.f32 v28, v26;
	_ =	sdelay $0x1  }
0x39b: {  	[tilespmem:s23+$0x70] =	vst v26  }
.LBB2_16:
0x39c: {  	s10 =	sadd.s32 $0x1, s10  }
0x39d: {  	p0 =	sne.s32 s10, $0x10  }
.Ltmp11:
0x39e: {  	_ = 	snop;
	(pc) =	sbr.rel @!p0 .LBB2_17-.Ltmp11, $2  }
0x39f: {  	_ =	sdelay $0x2  }
0x3a0: {  	s9 =	sadd.s32 $0x80, s9  }
.LBB2_11:
0x3a1: {  	s13 =	sadd.s32 s10, s26  }
0x3a2: {  	v26 =	vmov s13;
	_ =	sdelay $0x4  }
0x3a3: {  	v28 =	vld.idx.msk [tilespmem:v26+s20+$0x0], $0xffff;
	_ =	sdelay $0x4  }
0x3a4: {  	vm1 =	vlt.s32 v28, $0x800  }
0x3a5: {  	v28 =	vsel vm1, $0x1, v33  }
0x3a6: {  	v28 =	vor.u32 $0x80000000, v28  }
0x3a7: {  	(xrf0) =	vmax.scan.msk.u32 $0xffff, v28;
	_ =	sdelay $0x5  }
0x3a8: {  	v28, _, _ =	vpop (xrf0)  }
0x3a9: {  	(v2sf) =	vpush v28, $0xF;
	_ =	sdelay $0xe  }
0x3aa: {  	s23 =	spop (v2sf)  }
0x3ab: {  	s13 =	sxor.u32 $0x80000000, s23  }
0x3ac: {  	p0 =	seq.s32 s13, $0x0  }
.Ltmp12:
0x3ad: {  	_ = 	snop;
	(pc) =	sbr.rel @p0 .LBB2_14-.Ltmp12, $1  }
0x3ae: {  	_ =	sdelay $0x3  }
0x3af: {  	p0 =	sne.s32 s13, $0x1  }
.Ltmp13:
0x3b0: {  	_ = 	snop;
	(pc) =	sbr.rel @p0 .LBB2_16-.Ltmp13, $1  }
0x3b1: {  	_ =	sdelay $0x3  }
0x3b2: {  	_ =	sdelay $0x3  }
0x3b3: {  	v26 =	vld.idx.msk [tilespmem:v26+s21+$0x0], $0xffff;
	_ =	sdelay $0x4  }
0x3b4: {  	v26 =	vxor.u32 $0x80000000, v26  }
0x3b5: {  	(xrf0) =	vmax.scan.msk.u32 $0xffff, v26;
	_ =	sdelay $0x5  }
0x3b6: {  	v26, _, _ =	vpop (xrf0)  }
0x3b7: {  	(v2sf) =	vpush v26, $0xF;
	_ =	sdelay $0xe  }
0x3b8: {  	s13 =	spop (v2sf)  }
0x3b9: {  	s14 =	sshrl.u32 s13, $0x3  }
0x3ba: {  	s22 =	sshrl.u32 s10, $0x3;
	s14 =	smul.u32 $0x6000, s14  }
0x3bb: {  	s23 =	smul.u32 $0x1800, s22;
	s13 =	sshll.u32 s13, $0x7  }
0x3bc: {  	s13 =	sand.u32 $0x380, s13;
	s14 =	sshra.s32 s14, $0x2  }
0x3bd: {  	s22 =	sadd.s32 s23, s18;
	s13 =	sor.u32 s13, s14;
	s14 =	sand.u32 $0x380, s9  }
0x3be: {  	v26 =	vld [tilespmem:s13+$0x4980];
	s22 =	sadd.s32 s14, s22  }
0x3bf: {  	v28 =	vld [tilespmem:s22+$0x0];
	_ =	sdelay $0x4  }
0x3c0: {  	s23 =	sadd.s32 s23, s15;
	v26 =	vadd.f32 v28, v26  }
0x3c1: {  	s23 =	sadd.s32 s14, s23  }
0x3c2: {  	[tilespmem:s23+$0x0] =	vst v26  }
0x3c3: {  	v26 =	vld [tilespmem:s13+$0x4990]  }
0x3c4: {  	v28 =	vld [tilespmem:s22+$0x10];
	_ =	sdelay $0x4  }
0x3c5: {  	v26 =	vadd.f32 v28, v26;
	_ =	sdelay $0x1  }
0x3c6: {  	[tilespmem:s23+$0x10] =	vst v26  }
0x3c7: {  	v26 =	vld [tilespmem:s13+$0x49A0]  }
0x3c8: {  	v28 =	vld [tilespmem:s22+$0x20];
	_ =	sdelay $0x4  }
0x3c9: {  	v26 =	vadd.f32 v28, v26;
	_ =	sdelay $0x1  }
0x3ca: {  	[tilespmem:s23+$0x20] =	vst v26  }
0x3cb: {  	v26 =	vld [tilespmem:s13+$0x49B0]  }
0x3cc: {  	v28 =	vld [tilespmem:s22+$0x30];
	_ =	sdelay $0x4  }
0x3cd: {  	v26 =	vadd.f32 v28, v26;
	_ =	sdelay $0x1  }
0x3ce: {  	[tilespmem:s23+$0x30] =	vst v26  }
0x3cf: {  	v26 =	vld [tilespmem:s13+$0x49C0]  }
0x3d0: {  	v28 =	vld [tilespmem:s22+$0x40];
	_ =	sdelay $0x4  }
0x3d1: {  	v26 =	vadd.f32 v28, v26;
	_ =	sdelay $0x1  }
0x3d2: {  	[tilespmem:s23+$0x40] =	vst v26  }
0x3d3: {  	v26 =	vld [tilespmem:s13+$0x49D0]  }
0x3d4: {  	v28 =	vld [tilespmem:s22+$0x50];
	_ =	sdelay $0x4  }
0x3d5: {  	v26 =	vadd.f32 v28, v26;
	_ =	sdelay $0x1  }
0x3d6: {  	[tilespmem:s23+$0x50] =	vst v26  }
0x3d7: {  	v26 =	vld [tilespmem:s13+$0x49E0]  }
0x3d8: {  	v28 =	vld [tilespmem:s22+$0x60];
	_ =	sdelay $0x4  }
0x3d9: {  	v26 =	vadd.f32 v28, v26;
	_ =	sdelay $0x1  }
0x3da: {  	[tilespmem:s23+$0x60] =	vst v26  }
0x3db: {  	v26 =	vld [tilespmem:s13+$0x49F0]  }
0x3dc: {  	v28 =	vld [tilespmem:s22+$0x70];
	_ =	sdelay $0x4  }
0x3dd: {  	v26 =	vadd.f32 v28, v26;
	_ =	sdelay $0x1  }
0x3de: {  	[tilespmem:s23+$0x70] =	vst v26  }
0x3df: {  	v26 =	vld [tilespmem:s13+$0x4D80]  }
0x3e0: {  	v28 =	vld [tilespmem:s22+$0x400];
	_ =	sdelay $0x4  }
0x3e1: {  	v26 =	vadd.f32 v28, v26;
	_ =	sdelay $0x1  }
0x3e2: {  	[tilespmem:s23+$0x400] =	vst v26  }
0x3e3: {  	v26 =	vld [tilespmem:s13+$0x4D90]  }
0x3e4: {  	v28 =	vld [tilespmem:s22+$0x410];
	_ =	sdelay $0x4  }
0x3e5: {  	v26 =	vadd.f32 v28, v26;
	_ =	sdelay $0x1  }
0x3e6: {  	[tilespmem:s23+$0x410] =	vst v26  }
0x3e7: {  	v26 =	vld [tilespmem:s13+$0x4DA0]  }
0x3e8: {  	v28 =	vld [tilespmem:s22+$0x420];
	_ =	sdelay $0x4  }
0x3e9: {  	v26 =	vadd.f32 v28, v26;
	_ =	sdelay $0x1  }
0x3ea: {  	[tilespmem:s23+$0x420] =	vst v26  }
0x3eb: {  	v26 =	vld [tilespmem:s13+$0x4DB0]  }
0x3ec: {  	v28 =	vld [tilespmem:s22+$0x430];
	_ =	sdelay $0x4  }
0x3ed: {  	v26 =	vadd.f32 v28, v26;
	_ =	sdelay $0x1  }
0x3ee: {  	[tilespmem:s23+$0x430] =	vst v26  }
0x3ef: {  	v26 =	vld [tilespmem:s13+$0x4DC0]  }
0x3f0: {  	v28 =	vld [tilespmem:s22+$0x440];
	_ =	sdelay $0x4  }
0x3f1: {  	v26 =	vadd.f32 v28, v26;
	_ =	sdelay $0x1  }
0x3f2: {  	[tilespmem:s23+$0x440] =	vst v26  }
0x3f3: {  	v26 =	vld [tilespmem:s13+$0x4DD0]  }
0x3f4: {  	v28 =	vld [tilespmem:s22+$0x450];
	_ =	sdelay $0x4  }
0x3f5: {  	v26 =	vadd.f32 v28, v26;
	_ =	sdelay $0x1  }
0x3f6: {  	[tilespmem:s23+$0x450] =	vst v26  }
0x3f7: {  	v26 =	vld [tilespmem:s13+$0x4DE0]  }
0x3f8: {  	v28 =	vld [tilespmem:s22+$0x460];
	_ =	sdelay $0x4  }
0x3f9: {  	v26 =	vadd.f32 v28, v26;
	_ =	sdelay $0x1  }
0x3fa: {  	[tilespmem:s23+$0x460] =	vst v26  }
0x3fb: {  	v26 =	vld [tilespmem:s13+$0x4DF0]  }
0x3fc: {  	v28 =	vld [tilespmem:s22+$0x470];
	_ =	sdelay $0x4  }
0x3fd: {  	v26 =	vadd.f32 v28, v26;
	_ =	sdelay $0x1  }
0x3fe: {  	[tilespmem:s23+$0x470] =	vst v26  }
0x3ff: {  	v26 =	vld [tilespmem:s13+$0x5180]  }
0x400: {  	v28 =	vld [tilespmem:s22+$0x800];
	_ =	sdelay $0x4  }
0x401: {  	v26 =	vadd.f32 v28, v26;
	_ =	sdelay $0x1  }
0x402: {  	[tilespmem:s23+$0x800] =	vst v26  }
0x403: {  	v26 =	vld [tilespmem:s13+$0x5190]  }
0x404: {  	v28 =	vld [tilespmem:s22+$0x810];
	_ =	sdelay $0x4  }
0x405: {  	v26 =	vadd.f32 v28, v26;
	_ =	sdelay $0x1  }
0x406: {  	[tilespmem:s23+$0x810] =	vst v26  }
0x407: {  	v26 =	vld [tilespmem:s13+$0x51A0]  }
0x408: {  	v28 =	vld [tilespmem:s22+$0x820];
	_ =	sdelay $0x4  }
0x409: {  	v26 =	vadd.f32 v28, v26;
	_ =	sdelay $0x1  }
0x40a: {  	[tilespmem:s23+$0x820] =	vst v26  }
0x40b: {  	v26 =	vld [tilespmem:s13+$0x51B0]  }
0x40c: {  	v28 =	vld [tilespmem:s22+$0x830];
	_ =	sdelay $0x4  }
0x40d: {  	v26 =	vadd.f32 v28, v26;
	_ =	sdelay $0x1  }
0x40e: {  	[tilespmem:s23+$0x830] =	vst v26  }
0x40f: {  	v26 =	vld [tilespmem:s13+$0x51C0]  }
0x410: {  	v28 =	vld [tilespmem:s22+$0x840];
	_ =	sdelay $0x4  }
0x411: {  	v26 =	vadd.f32 v28, v26;
	_ =	sdelay $0x1  }
0x412: {  	[tilespmem:s23+$0x840] =	vst v26  }
0x413: {  	v26 =	vld [tilespmem:s13+$0x51D0]  }
0x414: {  	v28 =	vld [tilespmem:s22+$0x850];
	_ =	sdelay $0x4  }
0x415: {  	v26 =	vadd.f32 v28, v26;
	_ =	sdelay $0x1  }
0x416: {  	[tilespmem:s23+$0x850] =	vst v26  }
0x417: {  	v26 =	vld [tilespmem:s13+$0x51E0]  }
0x418: {  	v28 =	vld [tilespmem:s22+$0x860];
	_ =	sdelay $0x4  }
0x419: {  	v26 =	vadd.f32 v28, v26;
	_ =	sdelay $0x1  }
0x41a: {  	[tilespmem:s23+$0x860] =	vst v26  }
0x41b: {  	v26 =	vld [tilespmem:s13+$0x51F0]  }
0x41c: {  	v28 =	vld [tilespmem:s22+$0x870];
	_ =	sdelay $0x4  }
0x41d: {  	v26 =	vadd.f32 v28, v26;
	_ =	sdelay $0x1  }
0x41e: {  	[tilespmem:s23+$0x870] =	vst v26  }
0x41f: {  	v26 =	vld [tilespmem:s13+$0x5580]  }
0x420: {  	v28 =	vld [tilespmem:s22+$0xC00];
	_ =	sdelay $0x4  }
0x421: {  	v26 =	vadd.f32 v28, v26;
	_ =	sdelay $0x1  }
0x422: {  	[tilespmem:s23+$0xC00] =	vst v26  }
0x423: {  	v26 =	vld [tilespmem:s13+$0x5590]  }
0x424: {  	v28 =	vld [tilespmem:s22+$0xC10];
	_ =	sdelay $0x4  }
0x425: {  	v26 =	vadd.f32 v28, v26;
	_ =	sdelay $0x1  }
0x426: {  	[tilespmem:s23+$0xC10] =	vst v26  }
0x427: {  	v26 =	vld [tilespmem:s13+$0x55A0]  }
0x428: {  	v28 =	vld [tilespmem:s22+$0xC20];
	_ =	sdelay $0x4  }
0x429: {  	v26 =	vadd.f32 v28, v26;
	_ =	sdelay $0x1  }
0x42a: {  	[tilespmem:s23+$0xC20] =	vst v26  }
0x42b: {  	v26 =	vld [tilespmem:s13+$0x55B0]  }
0x42c: {  	v28 =	vld [tilespmem:s22+$0xC30];
	_ =	sdelay $0x4  }
0x42d: {  	v26 =	vadd.f32 v28, v26;
	_ =	sdelay $0x1  }
0x42e: {  	[tilespmem:s23+$0xC30] =	vst v26  }
0x42f: {  	v26 =	vld [tilespmem:s13+$0x55C0]  }
0x430: {  	v28 =	vld [tilespmem:s22+$0xC40];
	_ =	sdelay $0x4  }
0x431: {  	v26 =	vadd.f32 v28, v26;
	_ =	sdelay $0x1  }
0x432: {  	[tilespmem:s23+$0xC40] =	vst v26  }
0x433: {  	v26 =	vld [tilespmem:s13+$0x55D0]  }
0x434: {  	v28 =	vld [tilespmem:s22+$0xC50];
	_ =	sdelay $0x4  }
0x435: {  	v26 =	vadd.f32 v28, v26;
	_ =	sdelay $0x1  }
0x436: {  	[tilespmem:s23+$0xC50] =	vst v26  }
0x437: {  	v26 =	vld [tilespmem:s13+$0x55E0]  }
0x438: {  	v28 =	vld [tilespmem:s22+$0xC60];
	_ =	sdelay $0x4  }
0x439: {  	v26 =	vadd.f32 v28, v26;
	_ =	sdelay $0x1  }
0x43a: {  	[tilespmem:s23+$0xC60] =	vst v26  }
0x43b: {  	v26 =	vld [tilespmem:s13+$0x55F0]  }
0x43c: {  	v28 =	vld [tilespmem:s22+$0xC70];
	_ =	sdelay $0x4  }
0x43d: {  	v26 =	vadd.f32 v28, v26;
	_ =	sdelay $0x1  }
0x43e: {  	[tilespmem:s23+$0xC70] =	vst v26  }
0x43f: {  	v26 =	vld [tilespmem:s13+$0x5980]  }
0x440: {  	v28 =	vld [tilespmem:s22+$0x1000];
	_ =	sdelay $0x4  }
0x441: {  	v26 =	vadd.f32 v28, v26;
	_ =	sdelay $0x1  }
0x442: {  	[tilespmem:s23+$0x1000] =	vst v26  }
0x443: {  	v26 =	vld [tilespmem:s13+$0x5990]  }
0x444: {  	v28 =	vld [tilespmem:s22+$0x1010];
	_ =	sdelay $0x4  }
0x445: {  	v26 =	vadd.f32 v28, v26;
	_ =	sdelay $0x1  }
0x446: {  	[tilespmem:s23+$0x1010] =	vst v26  }
0x447: {  	v26 =	vld [tilespmem:s13+$0x59A0]  }
0x448: {  	v28 =	vld [tilespmem:s22+$0x1020];
	_ =	sdelay $0x4  }
0x449: {  	v26 =	vadd.f32 v28, v26;
	_ =	sdelay $0x1  }
0x44a: {  	[tilespmem:s23+$0x1020] =	vst v26  }
0x44b: {  	v26 =	vld [tilespmem:s13+$0x59B0]  }
0x44c: {  	v28 =	vld [tilespmem:s22+$0x1030];
	_ =	sdelay $0x4  }
0x44d: {  	v26 =	vadd.f32 v28, v26;
	_ =	sdelay $0x1  }
0x44e: {  	[tilespmem:s23+$0x1030] =	vst v26  }
0x44f: {  	v26 =	vld [tilespmem:s13+$0x59C0]  }
0x450: {  	v28 =	vld [tilespmem:s22+$0x1040];
	_ =	sdelay $0x4  }
0x451: {  	v26 =	vadd.f32 v28, v26;
	_ =	sdelay $0x1  }
0x452: {  	[tilespmem:s23+$0x1040] =	vst v26  }
0x453: {  	v26 =	vld [tilespmem:s13+$0x59D0]  }
0x454: {  	v28 =	vld [tilespmem:s22+$0x1050];
	_ =	sdelay $0x4  }
0x455: {  	v26 =	vadd.f32 v28, v26;
	_ =	sdelay $0x1  }
0x456: {  	[tilespmem:s23+$0x1050] =	vst v26  }
0x457: {  	v26 =	vld [tilespmem:s13+$0x59E0]  }
0x458: {  	v28 =	vld [tilespmem:s22+$0x1060];
	_ =	sdelay $0x4  }
0x459: {  	v26 =	vadd.f32 v28, v26;
	_ =	sdelay $0x1  }
0x45a: {  	[tilespmem:s23+$0x1060] =	vst v26  }
0x45b: {  	v26 =	vld [tilespmem:s13+$0x59F0]  }
0x45c: {  	v28 =	vld [tilespmem:s22+$0x1070];
	_ =	sdelay $0x4  }
0x45d: {  	v26 =	vadd.f32 v28, v26;
	_ =	sdelay $0x1  }
0x45e: {  	[tilespmem:s23+$0x1070] =	vst v26  }
0x45f: {  	v26 =	vld [tilespmem:s13+$0x5D80]  }
0x460: {  	v28 =	vld [tilespmem:s22+$0x1400];
	_ =	sdelay $0x4  }
0x461: {  	v26 =	vadd.f32 v28, v26;
	_ =	sdelay $0x1  }
0x462: {  	[tilespmem:s23+$0x1400] =	vst v26  }
0x463: {  	v26 =	vld [tilespmem:s13+$0x5D90]  }
0x464: {  	v28 =	vld [tilespmem:s22+$0x1410];
	_ =	sdelay $0x4  }
0x465: {  	v26 =	vadd.f32 v28, v26;
	_ =	sdelay $0x1  }
0x466: {  	[tilespmem:s23+$0x1410] =	vst v26  }
0x467: {  	v26 =	vld [tilespmem:s13+$0x5DA0]  }
0x468: {  	v28 =	vld [tilespmem:s22+$0x1420];
	_ =	sdelay $0x4  }
0x469: {  	v26 =	vadd.f32 v28, v26;
	_ =	sdelay $0x1  }
0x46a: {  	[tilespmem:s23+$0x1420] =	vst v26  }
0x46b: {  	v26 =	vld [tilespmem:s13+$0x5DB0]  }
0x46c: {  	v28 =	vld [tilespmem:s22+$0x1430];
	_ =	sdelay $0x4  }
0x46d: {  	v26 =	vadd.f32 v28, v26;
	_ =	sdelay $0x1  }
0x46e: {  	[tilespmem:s23+$0x1430] =	vst v26  }
0x46f: {  	v26 =	vld [tilespmem:s13+$0x5DC0]  }
0x470: {  	v28 =	vld [tilespmem:s22+$0x1440];
	_ =	sdelay $0x4  }
0x471: {  	v26 =	vadd.f32 v28, v26;
	_ =	sdelay $0x1  }
0x472: {  	[tilespmem:s23+$0x1440] =	vst v26  }
0x473: {  	v26 =	vld [tilespmem:s13+$0x5DD0]  }
0x474: {  	v28 =	vld [tilespmem:s22+$0x1450];
	_ =	sdelay $0x4  }
0x475: {  	v26 =	vadd.f32 v28, v26;
	_ =	sdelay $0x1  }
0x476: {  	[tilespmem:s23+$0x1450] =	vst v26  }
0x477: {  	v26 =	vld [tilespmem:s13+$0x5DE0]  }
0x478: {  	v28 =	vld [tilespmem:s22+$0x1460];
	_ =	sdelay $0x3  }
.Ltmp14:
0x479: {  	_ = 	snop;
	(pc) =	sbr.rel .LBB2_15-.Ltmp14, $3  }
0x47a: {  	v26 =	vadd.f32 v28, v26;
	_ =	sdelay $0x1  }
0x47b: {  	[tilespmem:s23+$0x1460] =	vst v26  }
0x47c: {  	s14 =	sadd.s32 $0x1400, s22;
	s23 =	sadd.s32 $0x1400, s23;
	v26 =	vld [tilespmem:s13+$0x5DF0]  }
.LBB2_19:
0x47d: {  	_ =	sfence.sel $0x180000  }
0x47e: {  	[bflag:$0x0] =	sbarrier.arrive $0xFFFF  }
0x47f: {  	_ =	strace $0x90000047  }
0x480: {  	s0 =	stileid.u32;
	[bflag:$0x2] =	sbarrier.arrive $0xFFFF  }
0x481: {  	p0 =	sne.s32 s0, $0x0;
	s0 =	rddreg [dreg:$0x5]  }
0x482: {  	s0 =	sadd.s32 @!p0 $0x100000, s0  }
0x483: {  	[sflag:s0] =	ssyncadd.tile.s32 @!p0 $0x1;
	_ =	shalt  }
.Lfunc_end2:
_tile_overlayer_lowered:
.L_overlay_start_2:
0x484: {  	(tag) =	ssettag $0x2  }
0x485: {  	s0 =	rddreg [dreg:$0x0];
	s2 =	stileid.u32  }
0x486: {  	s1 =	rddreg [dreg:$0x1];
	p0 =	sne.s32 s2, $0x0  }
0x487: {  	s3 =	rddreg [dreg:$0x2];
	[bflag:$0x3] =	sbarrier.arrive $0xFFFF;
	s2 =	simm.s32 @!p0 $0x1C06  }
0x488: {  	[timem:s3], [sflag:s2] =	dma.local @!p0 [hbm:s0], s1  }
0x489: {  	s0 =	simm.s32 @!p0 $0x6  }
0x48a: {  	_ =	swait.ge @!p0 [sflag:s0], s1  }
0x48b: {  	s1 =	ssub.s32 @!p0 $0x0, s1;
	[sflag:s0] =	ssyncset.done @!p0 $0x0  }
0x48c: {  	[sflag:s0] =	ssyncadd.s32 @!p0 s1  }
0x48d: {  	[bflag:$0x3] =	sbarrier.arrive $0xFFFF  }
0x48e: {  	_ =	shalt  }

</sc_bundles>
